<compile_context>
chip_gen: v7x
topology: tpu7x:2x2x1
jax: 0.10.2.dev20260603
libtpu: 0.0.44.dev20260713+nightly
codegen_flags: <defaults>
</compile_context>

<pallas_src>
import functools

import jax
import jax.numpy as jnp
from jax import lax
from jax.experimental import pallas as pl
from jax.experimental.pallas import tpu as pltpu
from jax.experimental.pallas import tpu_sc as plsc

_EMB = 1024
_NC = 2
_NS = 16
_NW = _NC * _NS
_LANES = 16
_CH = 32


def _sc_body(cpw, tpb, inp_hbm, w_hbm, out_hbm,
             inp_v, pre_v, pos_v, rows0, rows1, rows2,
             gsem0, gsem1, gsem2, wsem0, wsem1, wsem2):
    pre = (tpb - 1) * cpw
    nvec = cpw // _LANES
    nch = cpw // _CH

    c = lax.axis_index("c")
    s = lax.axis_index("s")
    wid = c * _NS + s
    base = wid * cpw
    k = wid % tpb
    row_start = base - k * cpw

    icp = pltpu.async_copy(inp_hbm.at[pl.ds(base, cpw)], inp_v, gsem0)
    pcp = pltpu.async_copy(inp_hbm.at[pl.ds(row_start, pre)], pre_v, wsem0)
    pcp.wait()
    icp.wait()

    def pre_body(j, acc):
        for u in range(4):
            x = pre_v[pl.ds((j * 4 + u) * _LANES, _LANES)]
            acc = acc + lax.shift_right_logical(x | (-x), 31)
        return acc

    acc0 = jnp.zeros((_LANES,), jnp.int32)
    offset = jnp.sum(lax.fori_loop(0, k * (nvec // 4), pre_body, acc0))

    vpc = _CH // _LANES
    bufs = (rows0, rows1, rows2)
    gsems = (gsem0, gsem1, gsem2)
    wsems = (wsem0, wsem1, wsem2)
    cps = [None, None, None]
    wps = [None, None, None]
    carry = offset
    for ci in range(nch):
        for u in range(vpc):
            i = ci * vpc + u
            x = inp_v[pl.ds(i * _LANES, _LANES)]
            m = lax.shift_right_logical(x | (-x), 31)
            cs = plsc.cumsum(m) + carry
            pos_v[pl.ds(i * _LANES, _LANES)] = cs * m
            carry = cs[15]
        b = ci % 3
        if wps[b] is not None:
            wps[b].wait()
        cps[b] = pltpu.async_copy(
            w_hbm.at[pos_v.at[pl.ds(ci * _CH, _CH)]], bufs[b], gsems[b])
        if ci > 0:
            pb = (ci - 1) % 3
            cps[pb].wait()
            wps[pb] = pltpu.async_copy(
                bufs[pb], out_hbm.at[pl.ds(base + (ci - 1) * _CH, _CH)],
                wsems[pb])
    lb = (nch - 1) % 3
    cps[lb].wait()
    wps[lb] = pltpu.async_copy(
        bufs[lb], out_hbm.at[pl.ds(base + (nch - 1) * _CH, _CH)], wsems[lb])
    for b in range(3):
        wps[b].wait()


def kernel(input, weights):
    b, seq_len = input.shape
    n = b * seq_len
    cpw = n // _NW
    tpb = seq_len // cpw
    pre = (tpb - 1) * cpw

    flat = input.reshape(n).astype(jnp.int32)
    mesh = plsc.VectorSubcoreMesh(core_axis_name="c", subcore_axis_name="s")

    body = functools.partial(_sc_body, cpw, tpb)
    out = pl.kernel(
        body,
        out_type=jax.ShapeDtypeStruct((n, _EMB), jnp.float32),
        mesh=mesh,
        compiler_params=pltpu.CompilerParams(needs_layout_passes=False),
        scratch_types=[
            pltpu.VMEM((cpw,), jnp.int32),
            pltpu.VMEM((pre,), jnp.int32),
            pltpu.VMEM((cpw,), jnp.int32),
            pltpu.VMEM((_CH, _EMB), jnp.float32),
            pltpu.VMEM((_CH, _EMB), jnp.float32),
            pltpu.VMEM((_CH, _EMB), jnp.float32),
            pltpu.SemaphoreType.DMA,
            pltpu.SemaphoreType.DMA,
            pltpu.SemaphoreType.DMA,
            pltpu.SemaphoreType.DMA,
            pltpu.SemaphoreType.DMA,
            pltpu.SemaphoreType.DMA,
        ],
    )(flat, weights)
    return out.reshape(b, seq_len, _EMB)

# --- scband reference (transcript-rebuilt; emitter-appended) ---
"""Pipeline reference for scband-sinusoidal-positional-embedding-120259084917 (READ-ONLY COPY).

The authoritative reference and input builder live on the scoring server;
editing this copy changes nothing except your own understanding.
"""

import jax, jax.numpy as jnp
import numpy as np

EMB_DIM = 1024
PAD_IDX = 0
INIT_SIZE = 8194
BATCH = 4
SEQ_LEN = 8192


def get_embedding(num_embeddings, embedding_dim, padding_idx=None, div_half_dim=False):
    assert embedding_dim % 2 == 0
    half_dim = embedding_dim // 2
    if not div_half_dim:
        emb = np.log(10000) / (half_dim - 1)
    else:
        emb = np.log(10000.0) / half_dim
    emb = jnp.exp(jnp.arange(half_dim, dtype=jnp.float32) * (-emb))
    emb = jnp.arange(num_embeddings, dtype=jnp.float32)[:, None] * emb[None, :]
    emb = jnp.concatenate([jnp.sin(emb), jnp.cos(emb)], axis=1).reshape(num_embeddings, -1)
    if padding_idx is not None:
        emb = emb.at[padding_idx, :].set(0.0)
    return emb


def setup_inputs(seed: int = 0) -> dict:
    key = jax.random.key(seed)
    inp = jax.random.randint(key, (BATCH, SEQ_LEN), 0, 1000, dtype=jnp.int32)
    weights = get_embedding(INIT_SIZE, EMB_DIM, PAD_IDX, div_half_dim=False)
    return {"input": inp, "weights": weights}


def make_positions(input, padding_idx):
    mask = (input != padding_idx).astype(jnp.int32)
    return (jnp.cumsum(mask, axis=1) * mask).astype(jnp.int32) + padding_idx


def reference(input, weights):
    # input: int[b, seq_len]; weights: float32[INIT_SIZE, EMB_DIM] sinusoidal table
    b, seq_len = input.shape
    positions = make_positions(input, PAD_IDX)
    out = jnp.take(weights, positions.reshape(-1), axis=0).reshape(b, seq_len, EMB_DIM)
    return out

if __name__ == "__main__":
    import jax
    _d = setup_inputs()
    print(jax.jit(kernel)(*tuple(_d.values())))

</pallas_src>

<mosaic_0001>
#map = affine_map<(d0, d1) -> (0)>
#map1 = affine_map<(d0, d1) -> (0, 0)>
module attributes {stable_mosaic.version = 14 : i64} {
  func.func @_sc_body(%arg0: i32, %arg1: i32, %arg2: memref<32768xi32, #tpu.memory_space<hbm>>, %arg3: memref<8194x1024xf32, #tpu.memory_space<hbm>>, %arg4: memref<32768x1024xf32, #tpu.memory_space<hbm>>, %arg5: memref<1024xi32, #tpu.memory_space<vmem>>, %arg6: memref<7168xi32, #tpu.memory_space<vmem>>, %arg7: memref<1024xi32, #tpu.memory_space<vmem>>, %arg8: memref<32x1024xf32, #tpu.memory_space<vmem>>, %arg9: memref<32x1024xf32, #tpu.memory_space<vmem>>, %arg10: memref<32x1024xf32, #tpu.memory_space<vmem>>, %arg11: memref<!tpu.dma_semaphore, #tpu.memory_space<semaphore_mem>>, %arg12: memref<!tpu.dma_semaphore, #tpu.memory_space<semaphore_mem>>, %arg13: memref<!tpu.dma_semaphore, #tpu.memory_space<semaphore_mem>>, %arg14: memref<!tpu.dma_semaphore, #tpu.memory_space<semaphore_mem>>, %arg15: memref<!tpu.dma_semaphore, #tpu.memory_space<semaphore_mem>>, %arg16: memref<!tpu.dma_semaphore, #tpu.memory_space<semaphore_mem>>) attributes {dimension_semantics = [#tpu.dimension_semantics<core_parallel>, #tpu.dimension_semantics<subcore_parallel>], iteration_bounds = array<i64: 2, 16>, scalar_prefetch = 0 : i64, scratch_operands = 12 : i64, tpu.core_type = #tpu.core_type<sc_vector_subcore>, window_params = [{transform_indices = #map}, {transform_indices = #map1}, {transform_indices = #map1}]} {
    %mul3A = arith.constant 16 : i32
    %mul3A_0 = arith.muli %arg0, %mul3A : i32
    %add3A = arith.addi %mul3A_0, %arg1 : i32
    %mul3A_1 = arith.constant 1024 : i32
    %mul3A_2 = arith.muli %add3A, %mul3A_1 : i32
    %jit3A = arith.constant 8 : i32
    %eq3A = arith.constant 0 : i32
    %eq3A_3 = arith.cmpi eq, %jit3A, %eq3A : i32
    %jit3A_4 = arith.constant 1 : i32
    %select_n3A = arith.select %eq3A_3, %jit3A_4, %jit3A : i32
    %rem3A = arith.remsi %add3A, %select_n3A : i32
    %ne3A = arith.constant 0 : i32
    %ne3A_5 = arith.cmpi ne, %rem3A, %ne3A : i32
    %lt3A = arith.constant 0 : i32
    %lt3A_6 = arith.cmpi slt, %rem3A, %lt3A : i32
    %lt3A_7 = arith.constant 0 : i32
    %lt3A_8 = arith.cmpi slt, %select_n3A, %lt3A_7 : i32
    %ne3A_9 = arith.xori %lt3A_6, %lt3A_8 : i1
    %and3A = arith.andi %ne3A_9, %ne3A_5 : i1
    %add3A_10 = arith.addi %rem3A, %select_n3A : i32
    %select_n3A_11 = arith.select %and3A, %add3A_10, %rem3A : i32
    %mul3A_12 = arith.constant 1024 : i32
    %mul3A_13 = arith.muli %select_n3A_11, %mul3A_12 : i32
    %sub3A = arith.subi %mul3A_2, %mul3A_13 : i32
    %dma_start3A = tpu.memref_slice %arg2[%mul3A_2] : memref<32768xi32, #tpu.memory_space<hbm>> -> memref<1024xi32, #tpu.memory_space<hbm>>
    %dma_start3A_14 = tpu.memref_slice %arg2[%mul3A_2] : memref<32768xi32, #tpu.memory_space<hbm>> -> memref<1024xi32, #tpu.memory_space<hbm>>
    tpu.enqueue_dma source(%dma_start3A_14 : memref<1024xi32, #tpu.memory_space<hbm>>) target(%arg5 : memref<1024xi32, #tpu.memory_space<vmem>>) target_semaphore(%arg11 : memref<!tpu.dma_semaphore, #tpu.memory_space<semaphore_mem>>)
    %dma_start3A_15 = tpu.memref_slice %arg2[%sub3A] : memref<32768xi32, #tpu.memory_space<hbm>> -> memref<7168xi32, #tpu.memory_space<hbm>>
    %dma_start3A_16 = tpu.memref_slice %arg2[%sub3A] : memref<32768xi32, #tpu.memory_space<hbm>> -> memref<7168xi32, #tpu.memory_space<hbm>>
    tpu.enqueue_dma source(%dma_start3A_16 : memref<7168xi32, #tpu.memory_space<hbm>>) target(%arg6 : memref<7168xi32, #tpu.memory_space<vmem>>) target_semaphore(%arg14 : memref<!tpu.dma_semaphore, #tpu.memory_space<semaphore_mem>>)
    %dma_wait3A = tpu.memref_slice %arg2[%sub3A] : memref<32768xi32, #tpu.memory_space<hbm>> -> memref<7168xi32, #tpu.memory_space<hbm>>
    %dma_wait3A_17 = tpu.memref_slice %arg2[%sub3A] : memref<32768xi32, #tpu.memory_space<hbm>> -> memref<7168xi32, #tpu.memory_space<hbm>>
    tpu.wait_dma2 semaphore(%arg14 : memref<!tpu.dma_semaphore, #tpu.memory_space<semaphore_mem>>) src(%dma_wait3A_17 : memref<7168xi32, #tpu.memory_space<hbm>>) dst(%arg6 : memref<7168xi32, #tpu.memory_space<vmem>>)
    %dma_wait3A_18 = tpu.memref_slice %arg2[%mul3A_2] : memref<32768xi32, #tpu.memory_space<hbm>> -> memref<1024xi32, #tpu.memory_space<hbm>>
    %dma_wait3A_19 = tpu.memref_slice %arg2[%mul3A_2] : memref<32768xi32, #tpu.memory_space<hbm>> -> memref<1024xi32, #tpu.memory_space<hbm>>
    tpu.wait_dma2 semaphore(%arg11 : memref<!tpu.dma_semaphore, #tpu.memory_space<semaphore_mem>>) src(%dma_wait3A_19 : memref<1024xi32, #tpu.memory_space<hbm>>) dst(%arg5 : memref<1024xi32, #tpu.memory_space<vmem>>)
    %broadcast_in_dim3A = arith.constant 0 : i32
    %broadcast_in_dim3A_20 = vector.broadcast %broadcast_in_dim3A : i32 to vector<16xi32>
    %mul3A_21 = arith.constant 16 : i32
    %mul3A_22 = arith.muli %select_n3A_11, %mul3A_21 : i32
    %while3A = arith.constant 0 : i32
    %while3A_23 = arith.subi %mul3A_22, %while3A : i32
    %while3A_24 = arith.addi %while3A, %while3A_23 : i32
    %while3A_25 = arith.constant 1 : i32
    %while3A_26 = arith.divsi %while3A_23, %while3A_25 : i32
    %while3A_27 = arith.muli %while3A_26, %while3A_25 : i32
    %while3A_28 = arith.addi %while3A, %while3A_27 : i32
    %while3A_29 = arith.constant 1 : i32
    %while3A_30 = scf.for %while3A_1884 = %while3A to %while3A_28 step %while3A_29 iter_args(%while3A_1885 = %broadcast_in_dim3A_20) -> (vector<16xi32>)  : i32 {
      %mul3A_1886 = arith.constant 4 : i32
      %mul3A_1887 = arith.muli %while3A_1884, %mul3A_1886 : i32
      %add3A_1888 = arith.constant 0 : i32
      %add3A_1889 = arith.addi %mul3A_1887, %add3A_1888 : i32
      %mul3A_1890 = arith.constant 16 : i32
      %mul3A_1891 = arith.muli %add3A_1889, %mul3A_1890 : i32
      %get3A_1892 = arith.index_cast %mul3A_1891 : i32 to index
      %get3A_1893 = tpu.vector_load %arg6[%get3A_1892] {strides = array<i32>} : memref<7168xi32, #tpu.memory_space<vmem>>, vector<16xi32>,
      %neg3A_1894 = arith.constant 0 : i32
      %neg3A_1895 = vector.broadcast %neg3A_1894 : i32 to vector<16xi32>
      %neg3A_1896 = arith.subi %neg3A_1895, %get3A_1893 : vector<16xi32>
      %or3A_1897 = arith.ori %get3A_1893, %neg3A_1896 : vector<16xi32>
      %shift_right_logical3A_1898 = arith.constant 31 : i32
      %shift_right_logical3A_1899 = vector.broadcast %shift_right_logical3A_1898 : i32 to vector<16xi32>
      %shift_right_logical3A_1900 = arith.shrui %or3A_1897, %shift_right_logical3A_1899 : vector<16xi32>
      %add3A_1901 = arith.addi %while3A_1885, %shift_right_logical3A_1900 : vector<16xi32>
      %mul3A_1902 = arith.constant 4 : i32
      %mul3A_1903 = arith.muli %while3A_1884, %mul3A_1902 : i32
      %add3A_1904 = arith.constant 1 : i32
      %add3A_1905 = arith.addi %mul3A_1903, %add3A_1904 : i32
      %mul3A_1906 = arith.constant 16 : i32
      %mul3A_1907 = arith.muli %add3A_1905, %mul3A_1906 : i32
      %get3A_1908 = arith.index_cast %mul3A_1907 : i32 to index
      %get3A_1909 = tpu.vector_load %arg6[%get3A_1908] {strides = array<i32>} : memref<7168xi32, #tpu.memory_space<vmem>>, vector<16xi32>,
      %neg3A_1910 = arith.constant 0 : i32
      %neg3A_1911 = vector.broadcast %neg3A_1910 : i32 to vector<16xi32>
      %neg3A_1912 = arith.subi %neg3A_1911, %get3A_1909 : vector<16xi32>
      %or3A_1913 = arith.ori %get3A_1909, %neg3A_1912 : vector<16xi32>
      %shift_right_logical3A_1914 = arith.constant 31 : i32
      %shift_right_logical3A_1915 = vector.broadcast %shift_right_logical3A_1914 : i32 to vector<16xi32>
      %shift_right_logical3A_1916 = arith.shrui %or3A_1913, %shift_right_logical3A_1915 : vector<16xi32>
      %add3A_1917 = arith.addi %add3A_1901, %shift_right_logical3A_1916 : vector<16xi32>
      %mul3A_1918 = arith.constant 4 : i32
      %mul3A_1919 = arith.muli %while3A_1884, %mul3A_1918 : i32
      %add3A_1920 = arith.constant 2 : i32
      %add3A_1921 = arith.addi %mul3A_1919, %add3A_1920 : i32
      %mul3A_1922 = arith.constant 16 : i32
      %mul3A_1923 = arith.muli %add3A_1921, %mul3A_1922 : i32
      %get3A_1924 = arith.index_cast %mul3A_1923 : i32 to index
      %get3A_1925 = tpu.vector_load %arg6[%get3A_1924] {strides = array<i32>} : memref<7168xi32, #tpu.memory_space<vmem>>, vector<16xi32>,
      %neg3A_1926 = arith.constant 0 : i32
      %neg3A_1927 = vector.broadcast %neg3A_1926 : i32 to vector<16xi32>
      %neg3A_1928 = arith.subi %neg3A_1927, %get3A_1925 : vector<16xi32>
      %or3A_1929 = arith.ori %get3A_1925, %neg3A_1928 : vector<16xi32>
      %shift_right_logical3A_1930 = arith.constant 31 : i32
      %shift_right_logical3A_1931 = vector.broadcast %shift_right_logical3A_1930 : i32 to vector<16xi32>
      %shift_right_logical3A_1932 = arith.shrui %or3A_1929, %shift_right_logical3A_1931 : vector<16xi32>
      %add3A_1933 = arith.addi %add3A_1917, %shift_right_logical3A_1932 : vector<16xi32>
      %mul3A_1934 = arith.constant 4 : i32
      %mul3A_1935 = arith.muli %while3A_1884, %mul3A_1934 : i32
      %add3A_1936 = arith.constant 3 : i32
      %add3A_1937 = arith.addi %mul3A_1935, %add3A_1936 : i32
      %mul3A_1938 = arith.constant 16 : i32
      %mul3A_1939 = arith.muli %add3A_1937, %mul3A_1938 : i32
      %get3A_1940 = arith.index_cast %mul3A_1939 : i32 to index
      %get3A_1941 = tpu.vector_load %arg6[%get3A_1940] {strides = array<i32>} : memref<7168xi32, #tpu.memory_space<vmem>>, vector<16xi32>,
      %neg3A_1942 = arith.constant 0 : i32
      %neg3A_1943 = vector.broadcast %neg3A_1942 : i32 to vector<16xi32>
      %neg3A_1944 = arith.subi %neg3A_1943, %get3A_1941 : vector<16xi32>
      %or3A_1945 = arith.ori %get3A_1941, %neg3A_1944 : vector<16xi32>
      %shift_right_logical3A_1946 = arith.constant 31 : i32
      %shift_right_logical3A_1947 = vector.broadcast %shift_right_logical3A_1946 : i32 to vector<16xi32>
      %shift_right_logical3A_1948 = arith.shrui %or3A_1945, %shift_right_logical3A_1947 : vector<16xi32>
      %add3A_1949 = arith.addi %add3A_1933, %shift_right_logical3A_1948 : vector<16xi32>
      scf.yield %add3A_1949 : vector<16xi32>
    }
    %while3A_31 = arith.constant 1 : i32
    %while3A_32 = scf.for %while3A_1884 = %while3A_28 to %while3A_24 step %while3A_31 iter_args(%while3A_1885 = %while3A_30) -> (vector<16xi32>)  : i32 {
      %mul3A_1886 = arith.constant 4 : i32
      %mul3A_1887 = arith.muli %while3A_1884, %mul3A_1886 : i32
      %add3A_1888 = arith.constant 0 : i32
      %add3A_1889 = arith.addi %mul3A_1887, %add3A_1888 : i32
      %mul3A_1890 = arith.constant 16 : i32
      %mul3A_1891 = arith.muli %add3A_1889, %mul3A_1890 : i32
      %get3A_1892 = arith.index_cast %mul3A_1891 : i32 to index
      %get3A_1893 = tpu.vector_load %arg6[%get3A_1892] {strides = array<i32>} : memref<7168xi32, #tpu.memory_space<vmem>>, vector<16xi32>,
      %neg3A_1894 = arith.constant 0 : i32
      %neg3A_1895 = vector.broadcast %neg3A_1894 : i32 to vector<16xi32>
      %neg3A_1896 = arith.subi %neg3A_1895, %get3A_1893 : vector<16xi32>
      %or3A_1897 = arith.ori %get3A_1893, %neg3A_1896 : vector<16xi32>
      %shift_right_logical3A_1898 = arith.constant 31 : i32
      %shift_right_logical3A_1899 = vector.broadcast %shift_right_logical3A_1898 : i32 to vector<16xi32>
      %shift_right_logical3A_1900 = arith.shrui %or3A_1897, %shift_right_logical3A_1899 : vector<16xi32>
      %add3A_1901 = arith.addi %while3A_1885, %shift_right_logical3A_1900 : vector<16xi32>
      %mul3A_1902 = arith.constant 4 : i32
      %mul3A_1903 = arith.muli %while3A_1884, %mul3A_1902 : i32
      %add3A_1904 = arith.constant 1 : i32
      %add3A_1905 = arith.addi %mul3A_1903, %add3A_1904 : i32
      %mul3A_1906 = arith.constant 16 : i32
      %mul3A_1907 = arith.muli %add3A_1905, %mul3A_1906 : i32
      %get3A_1908 = arith.index_cast %mul3A_1907 : i32 to index
      %get3A_1909 = tpu.vector_load %arg6[%get3A_1908] {strides = array<i32>} : memref<7168xi32, #tpu.memory_space<vmem>>, vector<16xi32>,
      %neg3A_1910 = arith.constant 0 : i32
      %neg3A_1911 = vector.broadcast %neg3A_1910 : i32 to vector<16xi32>
      %neg3A_1912 = arith.subi %neg3A_1911, %get3A_1909 : vector<16xi32>
      %or3A_1913 = arith.ori %get3A_1909, %neg3A_1912 : vector<16xi32>
      %shift_right_logical3A_1914 = arith.constant 31 : i32
      %shift_right_logical3A_1915 = vector.broadcast %shift_right_logical3A_1914 : i32 to vector<16xi32>
      %shift_right_logical3A_1916 = arith.shrui %or3A_1913, %shift_right_logical3A_1915 : vector<16xi32>
      %add3A_1917 = arith.addi %add3A_1901, %shift_right_logical3A_1916 : vector<16xi32>
      %mul3A_1918 = arith.constant 4 : i32
      %mul3A_1919 = arith.muli %while3A_1884, %mul3A_1918 : i32
      %add3A_1920 = arith.constant 2 : i32
      %add3A_1921 = arith.addi %mul3A_1919, %add3A_1920 : i32
      %mul3A_1922 = arith.constant 16 : i32
      %mul3A_1923 = arith.muli %add3A_1921, %mul3A_1922 : i32
      %get3A_1924 = arith.index_cast %mul3A_1923 : i32 to index
      %get3A_1925 = tpu.vector_load %arg6[%get3A_1924] {strides = array<i32>} : memref<7168xi32, #tpu.memory_space<vmem>>, vector<16xi32>,
      %neg3A_1926 = arith.constant 0 : i32
      %neg3A_1927 = vector.broadcast %neg3A_1926 : i32 to vector<16xi32>
      %neg3A_1928 = arith.subi %neg3A_1927, %get3A_1925 : vector<16xi32>
      %or3A_1929 = arith.ori %get3A_1925, %neg3A_1928 : vector<16xi32>
      %shift_right_logical3A_1930 = arith.constant 31 : i32
      %shift_right_logical3A_1931 = vector.broadcast %shift_right_logical3A_1930 : i32 to vector<16xi32>
      %shift_right_logical3A_1932 = arith.shrui %or3A_1929, %shift_right_logical3A_1931 : vector<16xi32>
      %add3A_1933 = arith.addi %add3A_1917, %shift_right_logical3A_1932 : vector<16xi32>
      %mul3A_1934 = arith.constant 4 : i32
      %mul3A_1935 = arith.muli %while3A_1884, %mul3A_1934 : i32
      %add3A_1936 = arith.constant 3 : i32
      %add3A_1937 = arith.addi %mul3A_1935, %add3A_1936 : i32
      %mul3A_1938 = arith.constant 16 : i32
      %mul3A_1939 = arith.muli %add3A_1937, %mul3A_1938 : i32
      %get3A_1940 = arith.index_cast %mul3A_1939 : i32 to index
      %get3A_1941 = tpu.vector_load %arg6[%get3A_1940] {strides = array<i32>} : memref<7168xi32, #tpu.memory_space<vmem>>, vector<16xi32>,
      %neg3A_1942 = arith.constant 0 : i32
      %neg3A_1943 = vector.broadcast %neg3A_1942 : i32 to vector<16xi32>
      %neg3A_1944 = arith.subi %neg3A_1943, %get3A_1941 : vector<16xi32>
      %or3A_1945 = arith.ori %get3A_1941, %neg3A_1944 : vector<16xi32>
      %shift_right_logical3A_1946 = arith.constant 31 : i32
      %shift_right_logical3A_1947 = vector.broadcast %shift_right_logical3A_1946 : i32 to vector<16xi32>
      %shift_right_logical3A_1948 = arith.shrui %or3A_1945, %shift_right_logical3A_1947 : vector<16xi32>
      %add3A_1949 = arith.addi %add3A_1933, %shift_right_logical3A_1948 : vector<16xi32>
      scf.yield %add3A_1949 : vector<16xi32>
    }
    %reduce_sum3A = arith.constant true
    %reduce_sum3A_33 = vector.broadcast %reduce_sum3A : i1 to vector<16xi1>
    %reduce_sum3A_34 = tpu.scan <sum>, %while3A_32 masked %reduce_sum3A_33 : vector<16xi32>, vector<16xi1> -> vector<16xi32>
    %reduce_sum3A_35 = vector.extract %reduce_sum3A_34[15] : i32 from vector<16xi32>
    %get3A = arith.constant 0 : index
    %get3A_36 = tpu.vector_load %arg5[%get3A] {strides = array<i32>} : memref<1024xi32, #tpu.memory_space<vmem>>, vector<16xi32>,
    %neg3A = arith.constant 0 : i32
    %neg3A_37 = vector.broadcast %neg3A : i32 to vector<16xi32>
    %neg3A_38 = arith.subi %neg3A_37, %get3A_36 : vector<16xi32>
    %or3A = arith.ori %get3A_36, %neg3A_38 : vector<16xi32>
    %shift_right_logical3A = arith.constant 31 : i32
    %shift_right_logical3A_39 = vector.broadcast %shift_right_logical3A : i32 to vector<16xi32>
    %shift_right_logical3A_40 = arith.shrui %or3A, %shift_right_logical3A_39 : vector<16xi32>
    %broadcast_in_dim3A_41 = arith.constant true
    %broadcast_in_dim3A_42 = vector.broadcast %broadcast_in_dim3A_41 : i1 to vector<16xi1>
    %masked_cumsum3A = tpu.scan <sum>, %shift_right_logical3A_40 masked %broadcast_in_dim3A_42 : vector<16xi32>, vector<16xi1> -> vector<16xi32>
    %add3A_43 = vector.broadcast %reduce_sum3A_35 : i32 to vector<16xi32>
    %add3A_44 = arith.addi %masked_cumsum3A, %add3A_43 : vector<16xi32>
    %mul3A_45 = arith.muli %add3A_44, %shift_right_logical3A_40 : vector<16xi32>
    %swap3A = arith.constant 0 : index
    %swap3A_46 = tpu.vector_load %arg7[%swap3A] {strides = array<i32>} : memref<1024xi32, #tpu.memory_space<vmem>>, vector<16xi32>,
    tpu.vector_store %arg7[%swap3A], %mul3A_45 {strides = array<i32>} : memref<1024xi32, #tpu.memory_space<vmem>>, vector<16xi32>,
    %slice3A = vector.extract_strided_slice %add3A_44 {offsets = [15], sizes = [1], strides = [1]} : vector<16xi32> to vector<1xi32>
    %squeeze3A = vector.extract %slice3A[0] : i32 from vector<1xi32>
    %get3A_47 = arith.constant 16 : index
    %get3A_48 = tpu.vector_load %arg5[%get3A_47] {strides = array<i32>} : memref<1024xi32, #tpu.memory_space<vmem>>, vector<16xi32>,
    %neg3A_49 = arith.constant 0 : i32
    %neg3A_50 = vector.broadcast %neg3A_49 : i32 to vector<16xi32>
    %neg3A_51 = arith.subi %neg3A_50, %get3A_48 : vector<16xi32>
    %or3A_52 = arith.ori %get3A_48, %neg3A_51 : vector<16xi32>
    %shift_right_logical3A_53 = arith.constant 31 : i32
    %shift_right_logical3A_54 = vector.broadcast %shift_right_logical3A_53 : i32 to vector<16xi32>
    %shift_right_logical3A_55 = arith.shrui %or3A_52, %shift_right_logical3A_54 : vector<16xi32>
    %broadcast_in_dim3A_56 = arith.constant true
    %broadcast_in_dim3A_57 = vector.broadcast %broadcast_in_dim3A_56 : i1 to vector<16xi1>
    %masked_cumsum3A_58 = tpu.scan <sum>, %shift_right_logical3A_55 masked %broadcast_in_dim3A_57 : vector<16xi32>, vector<16xi1> -> vector<16xi32>
    %add3A_59 = vector.broadcast %squeeze3A : i32 to vector<16xi32>
    %add3A_60 = arith.addi %masked_cumsum3A_58, %add3A_59 : vector<16xi32>
    %mul3A_61 = arith.muli %add3A_60, %shift_right_logical3A_55 : vector<16xi32>
    %swap3A_62 = arith.constant 16 : index
    %swap3A_63 = tpu.vector_load %arg7[%swap3A_62] {strides = array<i32>} : memref<1024xi32, #tpu.memory_space<vmem>>, vector<16xi32>,
    tpu.vector_store %arg7[%swap3A_62], %mul3A_61 {strides = array<i32>} : memref<1024xi32, #tpu.memory_space<vmem>>, vector<16xi32>,
    %slice3A_64 = vector.extract_strided_slice %add3A_60 {offsets = [15], sizes = [1], strides = [1]} : vector<16xi32> to vector<1xi32>
    %squeeze3A_65 = vector.extract %slice3A_64[0] : i32 from vector<1xi32>
    %dma_start3A_66 = arith.constant 0 : i32
    %dma_start3A_67 = tpu.memref_slice %arg7[%dma_start3A_66] : memref<1024xi32, #tpu.memory_space<vmem>> -> memref<32xi32, #tpu.memory_space<vmem>>
    %dma_start3A_68 = arith.constant 0 : i32
    %dma_start3A_69 = arith.constant 0 : i32
    %dma_start3A_70 = tpu.memref_slice %arg3[%dma_start3A_68, %dma_start3A_69] : memref<8194x1024xf32, #tpu.memory_space<hbm>> -> memref<8194x1024xf32, #tpu.memory_space<hbm>>
    tpu.enqueue_indirect_dma source(%dma_start3A_70 : memref<8194x1024xf32, #tpu.memory_space<hbm>>) target(%arg8 : memref<32x1024xf32, #tpu.memory_space<vmem>>) offsets(%dma_start3A_67 : memref<32xi32, #tpu.memory_space<vmem>>) semaphore(%arg11 : memref<!tpu.dma_semaphore, #tpu.memory_space<semaphore_mem>>)
    %get3A_71 = arith.constant 32 : index
    %get3A_72 = tpu.vector_load %arg5[%get3A_71] {strides = array<i32>} : memref<1024xi32, #tpu.memory_space<vmem>>, vector<16xi32>,
    %neg3A_73 = arith.constant 0 : i32
    %neg3A_74 = vector.broadcast %neg3A_73 : i32 to vector<16xi32>
    %neg3A_75 = arith.subi %neg3A_74, %get3A_72 : vector<16xi32>
    %or3A_76 = arith.ori %get3A_72, %neg3A_75 : vector<16xi32>
    %shift_right_logical3A_77 = arith.constant 31 : i32
    %shift_right_logical3A_78 = vector.broadcast %shift_right_logical3A_77 : i32 to vector<16xi32>
    %shift_right_logical3A_79 = arith.shrui %or3A_76, %shift_right_logical3A_78 : vector<16xi32>
    %broadcast_in_dim3A_80 = arith.constant true
    %broadcast_in_dim3A_81 = vector.broadcast %broadcast_in_dim3A_80 : i1 to vector<16xi1>
    %masked_cumsum3A_82 = tpu.scan <sum>, %shift_right_logical3A_79 masked %broadcast_in_dim3A_81 : vector<16xi32>, vector<16xi1> -> vector<16xi32>
    %add3A_83 = vector.broadcast %squeeze3A_65 : i32 to vector<16xi32>
    %add3A_84 = arith.addi %masked_cumsum3A_82, %add3A_83 : vector<16xi32>
    %mul3A_85 = arith.muli %add3A_84, %shift_right_logical3A_79 : vector<16xi32>
    %swap3A_86 = arith.constant 32 : index
    %swap3A_87 = tpu.vector_load %arg7[%swap3A_86] {strides = array<i32>} : memref<1024xi32, #tpu.memory_space<vmem>>, vector<16xi32>,
    tpu.vector_store %arg7[%swap3A_86], %mul3A_85 {strides = array<i32>} : memref<1024xi32, #tpu.memory_space<vmem>>, vector<16xi32>,
    %slice3A_88 = vector.extract_strided_slice %add3A_84 {offsets = [15], sizes = [1], strides = [1]} : vector<16xi32> to vector<1xi32>
    %squeeze3A_89 = vector.extract %slice3A_88[0] : i32 from vector<1xi32>
    %get3A_90 = arith.constant 48 : index
    %get3A_91 = tpu.vector_load %arg5[%get3A_90] {strides = array<i32>} : memref<1024xi32, #tpu.memory_space<vmem>>, vector<16xi32>,
    %neg3A_92 = arith.constant 0 : i32
    %neg3A_93 = vector.broadcast %neg3A_92 : i32 to vector<16xi32>
    %neg3A_94 = arith.subi %neg3A_93, %get3A_91 : vector<16xi32>
    %or3A_95 = arith.ori %get3A_91, %neg3A_94 : vector<16xi32>
    %shift_right_logical3A_96 = arith.constant 31 : i32
    %shift_right_logical3A_97 = vector.broadcast %shift_right_logical3A_96 : i32 to vector<16xi32>
    %shift_right_logical3A_98 = arith.shrui %or3A_95, %shift_right_logical3A_97 : vector<16xi32>
    %broadcast_in_dim3A_99 = arith.constant true
    %broadcast_in_dim3A_100 = vector.broadcast %broadcast_in_dim3A_99 : i1 to vector<16xi1>
    %masked_cumsum3A_101 = tpu.scan <sum>, %shift_right_logical3A_98 masked %broadcast_in_dim3A_100 : vector<16xi32>, vector<16xi1> -> vector<16xi32>
    %add3A_102 = vector.broadcast %squeeze3A_89 : i32 to vector<16xi32>
    %add3A_103 = arith.addi %masked_cumsum3A_101, %add3A_102 : vector<16xi32>
    %mul3A_104 = arith.muli %add3A_103, %shift_right_logical3A_98 : vector<16xi32>
    %swap3A_105 = arith.constant 48 : index
    %swap3A_106 = tpu.vector_load %arg7[%swap3A_105] {strides = array<i32>} : memref<1024xi32, #tpu.memory_space<vmem>>, vector<16xi32>,
    tpu.vector_store %arg7[%swap3A_105], %mul3A_104 {strides = array<i32>} : memref<1024xi32, #tpu.memory_space<vmem>>, vector<16xi32>,
    %slice3A_107 = vector.extract_strided_slice %add3A_103 {offsets = [15], sizes = [1], strides = [1]} : vector<16xi32> to vector<1xi32>
    %squeeze3A_108 = vector.extract %slice3A_107[0] : i32 from vector<1xi32>
    %dma_start3A_109 = arith.constant 32 : i32
    %dma_start3A_110 = tpu.memref_slice %arg7[%dma_start3A_109] : memref<1024xi32, #tpu.memory_space<vmem>> -> memref<32xi32, #tpu.memory_space<vmem>>
    %dma_start3A_111 = arith.constant 0 : i32
    %dma_start3A_112 = arith.constant 0 : i32
    %dma_start3A_113 = tpu.memref_slice %arg3[%dma_start3A_111, %dma_start3A_112] : memref<8194x1024xf32, #tpu.memory_space<hbm>> -> memref<8194x1024xf32, #tpu.memory_space<hbm>>
    tpu.enqueue_indirect_dma source(%dma_start3A_113 : memref<8194x1024xf32, #tpu.memory_space<hbm>>) target(%arg9 : memref<32x1024xf32, #tpu.memory_space<vmem>>) offsets(%dma_start3A_110 : memref<32xi32, #tpu.memory_space<vmem>>) semaphore(%arg12 : memref<!tpu.dma_semaphore, #tpu.memory_space<semaphore_mem>>)
    %dma_wait3A_114 = arith.constant 0 : i32
    %dma_wait3A_115 = tpu.memref_slice %arg7[%dma_wait3A_114] : memref<1024xi32, #tpu.memory_space<vmem>> -> memref<32xi32, #tpu.memory_space<vmem>>
    %dma_wait3A_116 = arith.constant 0 : i32
    %dma_wait3A_117 = arith.constant 0 : i32
    %dma_wait3A_118 = tpu.memref_slice %arg3[%dma_wait3A_116, %dma_wait3A_117] : memref<8194x1024xf32, #tpu.memory_space<hbm>> -> memref<8194x1024xf32, #tpu.memory_space<hbm>>
    tpu.wait_indirect_dma semaphore(%arg11 : memref<!tpu.dma_semaphore, #tpu.memory_space<semaphore_mem>>) src(%dma_wait3A_118 : memref<8194x1024xf32, #tpu.memory_space<hbm>>) dst(%arg8 : memref<32x1024xf32, #tpu.memory_space<vmem>>)
    %add3A_119 = arith.constant 0 : i32
    %add3A_120 = arith.addi %mul3A_2, %add3A_119 : i32
    %dma_start3A_121 = arith.constant 0 : i32
    %dma_start3A_122 = tpu.memref_slice %arg4[%add3A_120, %dma_start3A_121] : memref<32768x1024xf32, #tpu.memory_space<hbm>> -> memref<32x1024xf32, #tpu.memory_space<hbm>>
    %dma_start3A_123 = arith.constant 0 : i32
    %dma_start3A_124 = tpu.memref_slice %arg4[%add3A_120, %dma_start3A_123] : memref<32768x1024xf32, #tpu.memory_space<hbm>> -> memref<32x1024xf32, #tpu.memory_space<hbm>>
    tpu.enqueue_dma source(%arg8 : memref<32x1024xf32, #tpu.memory_space<vmem>>) target(%dma_start3A_124 : memref<32x1024xf32, #tpu.memory_space<hbm>>) target_semaphore(%arg14 : memref<!tpu.dma_semaphore, #tpu.memory_space<semaphore_mem>>)
    %get3A_125 = arith.constant 64 : index
    %get3A_126 = tpu.vector_load %arg5[%get3A_125] {strides = array<i32>} : memref<1024xi32, #tpu.memory_space<vmem>>, vector<16xi32>,
    %neg3A_127 = arith.constant 0 : i32
    %neg3A_128 = vector.broadcast %neg3A_127 : i32 to vector<16xi32>
    %neg3A_129 = arith.subi %neg3A_128, %get3A_126 : vector<16xi32>
    %or3A_130 = arith.ori %get3A_126, %neg3A_129 : vector<16xi32>
    %shift_right_logical3A_131 = arith.constant 31 : i32
    %shift_right_logical3A_132 = vector.broadcast %shift_right_logical3A_131 : i32 to vector<16xi32>
    %shift_right_logical3A_133 = arith.shrui %or3A_130, %shift_right_logical3A_132 : vector<16xi32>
    %broadcast_in_dim3A_134 = arith.constant true
    %broadcast_in_dim3A_135 = vector.broadcast %broadcast_in_dim3A_134 : i1 to vector<16xi1>
    %masked_cumsum3A_136 = tpu.scan <sum>, %shift_right_logical3A_133 masked %broadcast_in_dim3A_135 : vector<16xi32>, vector<16xi1> -> vector<16xi32>
    %add3A_137 = vector.broadcast %squeeze3A_108 : i32 to vector<16xi32>
    %add3A_138 = arith.addi %masked_cumsum3A_136, %add3A_137 : vector<16xi32>
    %mul3A_139 = arith.muli %add3A_138, %shift_right_logical3A_133 : vector<16xi32>
    %swap3A_140 = arith.constant 64 : index
    %swap3A_141 = tpu.vector_load %arg7[%swap3A_140] {strides = array<i32>} : memref<1024xi32, #tpu.memory_space<vmem>>, vector<16xi32>,
    tpu.vector_store %arg7[%swap3A_140], %mul3A_139 {strides = array<i32>} : memref<1024xi32, #tpu.memory_space<vmem>>, vector<16xi32>,
    %slice3A_142 = vector.extract_strided_slice %add3A_138 {offsets = [15], sizes = [1], strides = [1]} : vector<16xi32> to vector<1xi32>
    %squeeze3A_143 = vector.extract %slice3A_142[0] : i32 from vector<1xi32>
    %get3A_144 = arith.constant 80 : index
    %get3A_145 = tpu.vector_load %arg5[%get3A_144] {strides = array<i32>} : memref<1024xi32, #tpu.memory_space<vmem>>, vector<16xi32>,
    %neg3A_146 = arith.constant 0 : i32
    %neg3A_147 = vector.broadcast %neg3A_146 : i32 to vector<16xi32>
    %neg3A_148 = arith.subi %neg3A_147, %get3A_145 : vector<16xi32>
    %or3A_149 = arith.ori %get3A_145, %neg3A_148 : vector<16xi32>
    %shift_right_logical3A_150 = arith.constant 31 : i32
    %shift_right_logical3A_151 = vector.broadcast %shift_right_logical3A_150 : i32 to vector<16xi32>
    %shift_right_logical3A_152 = arith.shrui %or3A_149, %shift_right_logical3A_151 : vector<16xi32>
    %broadcast_in_dim3A_153 = arith.constant true
    %broadcast_in_dim3A_154 = vector.broadcast %broadcast_in_dim3A_153 : i1 to vector<16xi1>
    %masked_cumsum3A_155 = tpu.scan <sum>, %shift_right_logical3A_152 masked %broadcast_in_dim3A_154 : vector<16xi32>, vector<16xi1> -> vector<16xi32>
    %add3A_156 = vector.broadcast %squeeze3A_143 : i32 to vector<16xi32>
    %add3A_157 = arith.addi %masked_cumsum3A_155, %add3A_156 : vector<16xi32>
    %mul3A_158 = arith.muli %add3A_157, %shift_right_logical3A_152 : vector<16xi32>
    %swap3A_159 = arith.constant 80 : index
    %swap3A_160 = tpu.vector_load %arg7[%swap3A_159] {strides = array<i32>} : memref<1024xi32, #tpu.memory_space<vmem>>, vector<16xi32>,
    tpu.vector_store %arg7[%swap3A_159], %mul3A_158 {strides = array<i32>} : memref<1024xi32, #tpu.memory_space<vmem>>, vector<16xi32>,
    %slice3A_161 = vector.extract_strided_slice %add3A_157 {offsets = [15], sizes = [1], strides = [1]} : vector<16xi32> to vector<1xi32>
    %squeeze3A_162 = vector.extract %slice3A_161[0] : i32 from vector<1xi32>
    %dma_start3A_163 = arith.constant 64 : i32
    %dma_start3A_164 = tpu.memref_slice %arg7[%dma_start3A_163] : memref<1024xi32, #tpu.memory_space<vmem>> -> memref<32xi32, #tpu.memory_space<vmem>>
    %dma_start3A_165 = arith.constant 0 : i32
    %dma_start3A_166 = arith.constant 0 : i32
    %dma_start3A_167 = tpu.memref_slice %arg3[%dma_start3A_165, %dma_start3A_166] : memref<8194x1024xf32, #tpu.memory_space<hbm>> -> memref<8194x1024xf32, #tpu.memory_space<hbm>>
    tpu.enqueue_indirect_dma source(%dma_start3A_167 : memref<8194x1024xf32, #tpu.memory_space<hbm>>) target(%arg10 : memref<32x1024xf32, #tpu.memory_space<vmem>>) offsets(%dma_start3A_164 : memref<32xi32, #tpu.memory_space<vmem>>) semaphore(%arg13 : memref<!tpu.dma_semaphore, #tpu.memory_space<semaphore_mem>>)
    %dma_wait3A_168 = arith.constant 32 : i32
    %dma_wait3A_169 = tpu.memref_slice %arg7[%dma_wait3A_168] : memref<1024xi32, #tpu.memory_space<vmem>> -> memref<32xi32, #tpu.memory_space<vmem>>
    %dma_wait3A_170 = arith.constant 0 : i32
    %dma_wait3A_171 = arith.constant 0 : i32
    %dma_wait3A_172 = tpu.memref_slice %arg3[%dma_wait3A_170, %dma_wait3A_171] : memref<8194x1024xf32, #tpu.memory_space<hbm>> -> memref<8194x1024xf32, #tpu.memory_space<hbm>>
    tpu.wait_indirect_dma semaphore(%arg12 : memref<!tpu.dma_semaphore, #tpu.memory_space<semaphore_mem>>) src(%dma_wait3A_172 : memref<8194x1024xf32, #tpu.memory_space<hbm>>) dst(%arg9 : memref<32x1024xf32, #tpu.memory_space<vmem>>)
    %add3A_173 = arith.constant 32 : i32
    %add3A_174 = arith.addi %mul3A_2, %add3A_173 : i32
    %dma_start3A_175 = arith.constant 0 : i32
    %dma_start3A_176 = tpu.memref_slice %arg4[%add3A_174, %dma_start3A_175] : memref<32768x1024xf32, #tpu.memory_space<hbm>> -> memref<32x1024xf32, #tpu.memory_space<hbm>>
    %dma_start3A_177 = arith.constant 0 : i32
    %dma_start3A_178 = tpu.memref_slice %arg4[%add3A_174, %dma_start3A_177] : memref<32768x1024xf32, #tpu.memory_space<hbm>> -> memref<32x1024xf32, #tpu.memory_space<hbm>>
    tpu.enqueue_dma source(%arg9 : memref<32x1024xf32, #tpu.memory_space<vmem>>) target(%dma_start3A_178 : memref<32x1024xf32, #tpu.memory_space<hbm>>) target_semaphore(%arg15 : memref<!tpu.dma_semaphore, #tpu.memory_space<semaphore_mem>>)
    %get3A_179 = arith.constant 96 : index
    %get3A_180 = tpu.vector_load %arg5[%get3A_179] {strides = array<i32>} : memref<1024xi32, #tpu.memory_space<vmem>>, vector<16xi32>,
    %neg3A_181 = arith.constant 0 : i32
    %neg3A_182 = vector.broadcast %neg3A_181 : i32 to vector<16xi32>
    %neg3A_183 = arith.subi %neg3A_182, %get3A_180 : vector<16xi32>
    %or3A_184 = arith.ori %get3A_180, %neg3A_183 : vector<16xi32>
    %shift_right_logical3A_185 = arith.constant 31 : i32
    %shift_right_logical3A_186 = vector.broadcast %shift_right_logical3A_185 : i32 to vector<16xi32>
    %shift_right_logical3A_187 = arith.shrui %or3A_184, %shift_right_logical3A_186 : vector<16xi32>
    %broadcast_in_dim3A_188 = arith.constant true
    %broadcast_in_dim3A_189 = vector.broadcast %broadcast_in_dim3A_188 : i1 to vector<16xi1>
    %masked_cumsum3A_190 = tpu.scan <sum>, %shift_right_logical3A_187 masked %broadcast_in_dim3A_189 : vector<16xi32>, vector<16xi1> -> vector<16xi32>
    %add3A_191 = vector.broadcast %squeeze3A_162 : i32 to vector<16xi32>
    %add3A_192 = arith.addi %masked_cumsum3A_190, %add3A_191 : vector<16xi32>
    %mul3A_193 = arith.muli %add3A_192, %shift_right_logical3A_187 : vector<16xi32>
    %swap3A_194 = arith.constant 96 : index
    %swap3A_195 = tpu.vector_load %arg7[%swap3A_194] {strides = array<i32>} : memref<1024xi32, #tpu.memory_space<vmem>>, vector<16xi32>,
    tpu.vector_store %arg7[%swap3A_194], %mul3A_193 {strides = array<i32>} : memref<1024xi32, #tpu.memory_space<vmem>>, vector<16xi32>,
    %slice3A_196 = vector.extract_strided_slice %add3A_192 {offsets = [15], sizes = [1], strides = [1]} : vector<16xi32> to vector<1xi32>
    %squeeze3A_197 = vector.extract %slice3A_196[0] : i32 from vector<1xi32>
    %get3A_198 = arith.constant 112 : index
    %get3A_199 = tpu.vector_load %arg5[%get3A_198] {strides = array<i32>} : memref<1024xi32, #tpu.memory_space<vmem>>, vector<16xi32>,
    %neg3A_200 = arith.constant 0 : i32
    %neg3A_201 = vector.broadcast %neg3A_200 : i32 to vector<16xi32>
    %neg3A_202 = arith.subi %neg3A_201, %get3A_199 : vector<16xi32>
    %or3A_203 = arith.ori %get3A_199, %neg3A_202 : vector<16xi32>
    %shift_right_logical3A_204 = arith.constant 31 : i32
    %shift_right_logical3A_205 = vector.broadcast %shift_right_logical3A_204 : i32 to vector<16xi32>
    %shift_right_logical3A_206 = arith.shrui %or3A_203, %shift_right_logical3A_205 : vector<16xi32>
    %broadcast_in_dim3A_207 = arith.constant true
    %broadcast_in_dim3A_208 = vector.broadcast %broadcast_in_dim3A_207 : i1 to vector<16xi1>
    %masked_cumsum3A_209 = tpu.scan <sum>, %shift_right_logical3A_206 masked %broadcast_in_dim3A_208 : vector<16xi32>, vector<16xi1> -> vector<16xi32>
    %add3A_210 = vector.broadcast %squeeze3A_197 : i32 to vector<16xi32>
    %add3A_211 = arith.addi %masked_cumsum3A_209, %add3A_210 : vector<16xi32>
    %mul3A_212 = arith.muli %add3A_211, %shift_right_logical3A_206 : vector<16xi32>
    %swap3A_213 = arith.constant 112 : index
    %swap3A_214 = tpu.vector_load %arg7[%swap3A_213] {strides = array<i32>} : memref<1024xi32, #tpu.memory_space<vmem>>, vector<16xi32>,
    tpu.vector_store %arg7[%swap3A_213], %mul3A_212 {strides = array<i32>} : memref<1024xi32, #tpu.memory_space<vmem>>, vector<16xi32>,
    %slice3A_215 = vector.extract_strided_slice %add3A_211 {offsets = [15], sizes = [1], strides = [1]} : vector<16xi32> to vector<1xi32>
    %squeeze3A_216 = vector.extract %slice3A_215[0] : i32 from vector<1xi32>
    %dma_wait3A_217 = arith.constant 0 : i32
    %dma_wait3A_218 = tpu.memref_slice %arg4[%add3A_120, %dma_wait3A_217] : memref<32768x1024xf32, #tpu.memory_space<hbm>> -> memref<32x1024xf32, #tpu.memory_space<hbm>>
    %dma_wait3A_219 = arith.constant 0 : i32
    %dma_wait3A_220 = tpu.memref_slice %arg4[%add3A_120, %dma_wait3A_219] : memref<32768x1024xf32, #tpu.memory_space<hbm>> -> memref<32x1024xf32, #tpu.memory_space<hbm>>
    tpu.wait_dma2 semaphore(%arg14 : memref<!tpu.dma_semaphore, #tpu.memory_space<semaphore_mem>>) src(%arg8 : memref<32x1024xf32, #tpu.memory_space<vmem>>) dst(%dma_wait3A_220 : memref<32x1024xf32, #tpu.memory_space<hbm>>)
    %dma_start3A_221 = arith.constant 96 : i32
    %dma_start3A_222 = tpu.memref_slice %arg7[%dma_start3A_221] : memref<1024xi32, #tpu.memory_space<vmem>> -> memref<32xi32, #tpu.memory_space<vmem>>
    %dma_start3A_223 = arith.constant 0 : i32
    %dma_start3A_224 = arith.constant 0 : i32
    %dma_start3A_225 = tpu.memref_slice %arg3[%dma_start3A_223, %dma_start3A_224] : memref<8194x1024xf32, #tpu.memory_space<hbm>> -> memref<8194x1024xf32, #tpu.memory_space<hbm>>
    tpu.enqueue_indirect_dma source(%dma_start3A_225 : memref<8194x1024xf32, #tpu.memory_space<hbm>>) target(%arg8 : memref<32x1024xf32, #tpu.memory_space<vmem>>) offsets(%dma_start3A_222 : memref<32xi32, #tpu.memory_space<vmem>>) semaphore(%arg11 : memref<!tpu.dma_semaphore, #tpu.memory_space<semaphore_mem>>)
    %dma_wait3A_226 = arith.constant 64 : i32
    %dma_wait3A_227 = tpu.memref_slice %arg7[%dma_wait3A_226] : memref<1024xi32, #tpu.memory_space<vmem>> -> memref<32xi32, #tpu.memory_space<vmem>>
    %dma_wait3A_228 = arith.constant 0 : i32
    %dma_wait3A_229 = arith.constant 0 : i32
    %dma_wait3A_230 = tpu.memref_slice %arg3[%dma_wait3A_228, %dma_wait3A_229] : memref<8194x1024xf32, #tpu.memory_space<hbm>> -> memref<8194x1024xf32, #tpu.memory_space<hbm>>
    tpu.wait_indirect_dma semaphore(%arg13 : memref<!tpu.dma_semaphore, #tpu.memory_space<semaphore_mem>>) src(%dma_wait3A_230 : memref<8194x1024xf32, #tpu.memory_space<hbm>>) dst(%arg10 : memref<32x1024xf32, #tpu.memory_space<vmem>>)
    %add3A_231 = arith.constant 64 : i32
    %add3A_232 = arith.addi %mul3A_2, %add3A_231 : i32
    %dma_start3A_233 = arith.constant 0 : i32
    %dma_start3A_234 = tpu.memref_slice %arg4[%add3A_232, %dma_start3A_233] : memref<32768x1024xf32, #tpu.memory_space<hbm>> -> memref<32x1024xf32, #tpu.memory_space<hbm>>
    %dma_start3A_235 = arith.constant 0 : i32
    %dma_start3A_236 = tpu.memref_slice %arg4[%add3A_232, %dma_start3A_235] : memref<32768x1024xf32, #tpu.memory_space<hbm>> -> memref<32x1024xf32, #tpu.memory_space<hbm>>
    tpu.enqueue_dma source(%arg10 : memref<32x1024xf32, #tpu.memory_space<vmem>>) target(%dma_start3A_236 : memref<32x1024xf32, #tpu.memory_space<hbm>>) target_semaphore(%arg16 : memref<!tpu.dma_semaphore, #tpu.memory_space<semaphore_mem>>)
    %get3A_237 = arith.constant 128 : index
    %get3A_238 = tpu.vector_load %arg5[%get3A_237] {strides = array<i32>} : memref<1024xi32, #tpu.memory_space<vmem>>, vector<16xi32>,
    %neg3A_239 = arith.constant 0 : i32
    %neg3A_240 = vector.broadcast %neg3A_239 : i32 to vector<16xi32>
    %neg3A_241 = arith.subi %neg3A_240, %get3A_238 : vector<16xi32>
    %or3A_242 = arith.ori %get3A_238, %neg3A_241 : vector<16xi32>
    %shift_right_logical3A_243 = arith.constant 31 : i32
    %shift_right_logical3A_244 = vector.broadcast %shift_right_logical3A_243 : i32 to vector<16xi32>
    %shift_right_logical3A_245 = arith.shrui %or3A_242, %shift_right_logical3A_244 : vector<16xi32>
    %broadcast_in_dim3A_246 = arith.constant true
    %broadcast_in_dim3A_247 = vector.broadcast %broadcast_in_dim3A_246 : i1 to vector<16xi1>
    %masked_cumsum3A_248 = tpu.scan <sum>, %shift_right_logical3A_245 masked %broadcast_in_dim3A_247 : vector<16xi32>, vector<16xi1> -> vector<16xi32>
    %add3A_249 = vector.broadcast %squeeze3A_216 : i32 to vector<16xi32>
    %add3A_250 = arith.addi %masked_cumsum3A_248, %add3A_249 : vector<16xi32>
    %mul3A_251 = arith.muli %add3A_250, %shift_right_logical3A_245 : vector<16xi32>
    %swap3A_252 = arith.constant 128 : index
    %swap3A_253 = tpu.vector_load %arg7[%swap3A_252] {strides = array<i32>} : memref<1024xi32, #tpu.memory_space<vmem>>, vector<16xi32>,
    tpu.vector_store %arg7[%swap3A_252], %mul3A_251 {strides = array<i32>} : memref<1024xi32, #tpu.memory_space<vmem>>, vector<16xi32>,
    %slice3A_254 = vector.extract_strided_slice %add3A_250 {offsets = [15], sizes = [1], strides = [1]} : vector<16xi32> to vector<1xi32>
    %squeeze3A_255 = vector.extract %slice3A_254[0] : i32 from vector<1xi32>
    %get3A_256 = arith.constant 144 : index
    %get3A_257 = tpu.vector_load %arg5[%get3A_256] {strides = array<i32>} : memref<1024xi32, #tpu.memory_space<vmem>>, vector<16xi32>,
    %neg3A_258 = arith.constant 0 : i32
    %neg3A_259 = vector.broadcast %neg3A_258 : i32 to vector<16xi32>
    %neg3A_260 = arith.subi %neg3A_259, %get3A_257 : vector<16xi32>
    %or3A_261 = arith.ori %get3A_257, %neg3A_260 : vector<16xi32>
    %shift_right_logical3A_262 = arith.constant 31 : i32
    %shift_right_logical3A_263 = vector.broadcast %shift_right_logical3A_262 : i32 to vector<16xi32>
    %shift_right_logical3A_264 = arith.shrui %or3A_261, %shift_right_logical3A_263 : vector<16xi32>
    %broadcast_in_dim3A_265 = arith.constant true
    %broadcast_in_dim3A_266 = vector.broadcast %broadcast_in_dim3A_265 : i1 to vector<16xi1>
    %masked_cumsum3A_267 = tpu.scan <sum>, %shift_right_logical3A_264 masked %broadcast_in_dim3A_266 : vector<16xi32>, vector<16xi1> -> vector<16xi32>
    %add3A_268 = vector.broadcast %squeeze3A_255 : i32 to vector<16xi32>
    %add3A_269 = arith.addi %masked_cumsum3A_267, %add3A_268 : vector<16xi32>
    %mul3A_270 = arith.muli %add3A_269, %shift_right_logical3A_264 : vector<16xi32>
    %swap3A_271 = arith.constant 144 : index
    %swap3A_272 = tpu.vector_load %arg7[%swap3A_271] {strides = array<i32>} : memref<1024xi32, #tpu.memory_space<vmem>>, vector<16xi32>,
    tpu.vector_store %arg7[%swap3A_271], %mul3A_270 {strides = array<i32>} : memref<1024xi32, #tpu.memory_space<vmem>>, vector<16xi32>,
    %slice3A_273 = vector.extract_strided_slice %add3A_269 {offsets = [15], sizes = [1], strides = [1]} : vector<16xi32> to vector<1xi32>
    %squeeze3A_274 = vector.extract %slice3A_273[0] : i32 from vector<1xi32>
    %dma_wait3A_275 = arith.constant 0 : i32
    %dma_wait3A_276 = tpu.memref_slice %arg4[%add3A_174, %dma_wait3A_275] : memref<32768x1024xf32, #tpu.memory_space<hbm>> -> memref<32x1024xf32, #tpu.memory_space<hbm>>
    %dma_wait3A_277 = arith.constant 0 : i32
    %dma_wait3A_278 = tpu.memref_slice %arg4[%add3A_174, %dma_wait3A_277] : memref<32768x1024xf32, #tpu.memory_space<hbm>> -> memref<32x1024xf32, #tpu.memory_space<hbm>>
    tpu.wait_dma2 semaphore(%arg15 : memref<!tpu.dma_semaphore, #tpu.memory_space<semaphore_mem>>) src(%arg9 : memref<32x1024xf32, #tpu.memory_space<vmem>>) dst(%dma_wait3A_278 : memref<32x1024xf32, #tpu.memory_space<hbm>>)
    %dma_start3A_279 = arith.constant 128 : i32
    %dma_start3A_280 = tpu.memref_slice %arg7[%dma_start3A_279] : memref<1024xi32, #tpu.memory_space<vmem>> -> memref<32xi32, #tpu.memory_space<vmem>>
    %dma_start3A_281 = arith.constant 0 : i32
    %dma_start3A_282 = arith.constant 0 : i32
    %dma_start3A_283 = tpu.memref_slice %arg3[%dma_start3A_281, %dma_start3A_282] : memref<8194x1024xf32, #tpu.memory_space<hbm>> -> memref<8194x1024xf32, #tpu.memory_space<hbm>>
    tpu.enqueue_indirect_dma source(%dma_start3A_283 : memref<8194x1024xf32, #tpu.memory_space<hbm>>) target(%arg9 : memref<32x1024xf32, #tpu.memory_space<vmem>>) offsets(%dma_start3A_280 : memref<32xi32, #tpu.memory_space<vmem>>) semaphore(%arg12 : memref<!tpu.dma_semaphore, #tpu.memory_space<semaphore_mem>>)
    %dma_wait3A_284 = arith.constant 96 : i32
    %dma_wait3A_285 = tpu.memref_slice %arg7[%dma_wait3A_284] : memref<1024xi32, #tpu.memory_space<vmem>> -> memref<32xi32, #tpu.memory_space<vmem>>
    %dma_wait3A_286 = arith.constant 0 : i32
    %dma_wait3A_287 = arith.constant 0 : i32
    %dma_wait3A_288 = tpu.memref_slice %arg3[%dma_wait3A_286, %dma_wait3A_287] : memref<8194x1024xf32, #tpu.memory_space<hbm>> -> memref<8194x1024xf32, #tpu.memory_space<hbm>>
    tpu.wait_indirect_dma semaphore(%arg11 : memref<!tpu.dma_semaphore, #tpu.memory_space<semaphore_mem>>) src(%dma_wait3A_288 : memref<8194x1024xf32, #tpu.memory_space<hbm>>) dst(%arg8 : memref<32x1024xf32, #tpu.memory_space<vmem>>)
    %add3A_289 = arith.constant 96 : i32
    %add3A_290 = arith.addi %mul3A_2, %add3A_289 : i32
    %dma_start3A_291 = arith.constant 0 : i32
    %dma_start3A_292 = tpu.memref_slice %arg4[%add3A_290, %dma_start3A_291] : memref<32768x1024xf32, #tpu.memory_space<hbm>> -> memref<32x1024xf32, #tpu.memory_space<hbm>>
    %dma_start3A_293 = arith.constant 0 : i32
    %dma_start3A_294 = tpu.memref_slice %arg4[%add3A_290, %dma_start3A_293] : memref<32768x1024xf32, #tpu.memory_space<hbm>> -> memref<32x1024xf32, #tpu.memory_space<hbm>>
    tpu.enqueue_dma source(%arg8 : memref<32x1024xf32, #tpu.memory_space<vmem>>) target(%dma_start3A_294 : memref<32x1024xf32, #tpu.memory_space<hbm>>) target_semaphore(%arg14 : memref<!tpu.dma_semaphore, #tpu.memory_space<semaphore_mem>>)
    %get3A_295 = arith.constant 160 : index
    %get3A_296 = tpu.vector_load %arg5[%get3A_295] {strides = array<i32>} : memref<1024xi32, #tpu.memory_space<vmem>>, vector<16xi32>,
    %neg3A_297 = arith.constant 0 : i32
    %neg3A_298 = vector.broadcast %neg3A_297 : i32 to vector<16xi32>
    %neg3A_299 = arith.subi %neg3A_298, %get3A_296 : vector<16xi32>
    %or3A_300 = arith.ori %get3A_296, %neg3A_299 : vector<16xi32>
    %shift_right_logical3A_301 = arith.constant 31 : i32
    %shift_right_logical3A_302 = vector.broadcast %shift_right_logical3A_301 : i32 to vector<16xi32>
    %shift_right_logical3A_303 = arith.shrui %or3A_300, %shift_right_logical3A_302 : vector<16xi32>
    %broadcast_in_dim3A_304 = arith.constant true
    %broadcast_in_dim3A_305 = vector.broadcast %broadcast_in_dim3A_304 : i1 to vector<16xi1>
    %masked_cumsum3A_306 = tpu.scan <sum>, %shift_right_logical3A_303 masked %broadcast_in_dim3A_305 : vector<16xi32>, vector<16xi1> -> vector<16xi32>
    %add3A_307 = vector.broadcast %squeeze3A_274 : i32 to vector<16xi32>
    %add3A_308 = arith.addi %masked_cumsum3A_306, %add3A_307 : vector<16xi32>
    %mul3A_309 = arith.muli %add3A_308, %shift_right_logical3A_303 : vector<16xi32>
    %swap3A_310 = arith.constant 160 : index
    %swap3A_311 = tpu.vector_load %arg7[%swap3A_310] {strides = array<i32>} : memref<1024xi32, #tpu.memory_space<vmem>>, vector<16xi32>,
    tpu.vector_store %arg7[%swap3A_310], %mul3A_309 {strides = array<i32>} : memref<1024xi32, #tpu.memory_space<vmem>>, vector<16xi32>,
    %slice3A_312 = vector.extract_strided_slice %add3A_308 {offsets = [15], sizes = [1], strides = [1]} : vector<16xi32> to vector<1xi32>
    %squeeze3A_313 = vector.extract %slice3A_312[0] : i32 from vector<1xi32>
    %get3A_314 = arith.constant 176 : index
    %get3A_315 = tpu.vector_load %arg5[%get3A_314] {strides = array<i32>} : memref<1024xi32, #tpu.memory_space<vmem>>, vector<16xi32>,
    %neg3A_316 = arith.constant 0 : i32
    %neg3A_317 = vector.broadcast %neg3A_316 : i32 to vector<16xi32>
    %neg3A_318 = arith.subi %neg3A_317, %get3A_315 : vector<16xi32>
    %or3A_319 = arith.ori %get3A_315, %neg3A_318 : vector<16xi32>
    %shift_right_logical3A_320 = arith.constant 31 : i32
    %shift_right_logical3A_321 = vector.broadcast %shift_right_logical3A_320 : i32 to vector<16xi32>
    %shift_right_logical3A_322 = arith.shrui %or3A_319, %shift_right_logical3A_321 : vector<16xi32>
    %broadcast_in_dim3A_323 = arith.constant true
    %broadcast_in_dim3A_324 = vector.broadcast %broadcast_in_dim3A_323 : i1 to vector<16xi1>
    %masked_cumsum3A_325 = tpu.scan <sum>, %shift_right_logical3A_322 masked %broadcast_in_dim3A_324 : vector<16xi32>, vector<16xi1> -> vector<16xi32>
    %add3A_326 = vector.broadcast %squeeze3A_313 : i32 to vector<16xi32>
    %add3A_327 = arith.addi %masked_cumsum3A_325, %add3A_326 : vector<16xi32>
    %mul3A_328 = arith.muli %add3A_327, %shift_right_logical3A_322 : vector<16xi32>
    %swap3A_329 = arith.constant 176 : index
    %swap3A_330 = tpu.vector_load %arg7[%swap3A_329] {strides = array<i32>} : memref<1024xi32, #tpu.memory_space<vmem>>, vector<16xi32>,
    tpu.vector_store %arg7[%swap3A_329], %mul3A_328 {strides = array<i32>} : memref<1024xi32, #tpu.memory_space<vmem>>, vector<16xi32>,
    %slice3A_331 = vector.extract_strided_slice %add3A_327 {offsets = [15], sizes = [1], strides = [1]} : vector<16xi32> to vector<1xi32>
    %squeeze3A_332 = vector.extract %slice3A_331[0] : i32 from vector<1xi32>
    %dma_wait3A_333 = arith.constant 0 : i32
    %dma_wait3A_334 = tpu.memref_slice %arg4[%add3A_232, %dma_wait3A_333] : memref<32768x1024xf32, #tpu.memory_space<hbm>> -> memref<32x1024xf32, #tpu.memory_space<hbm>>
    %dma_wait3A_335 = arith.constant 0 : i32
    %dma_wait3A_336 = tpu.memref_slice %arg4[%add3A_232, %dma_wait3A_335] : memref<32768x1024xf32, #tpu.memory_space<hbm>> -> memref<32x1024xf32, #tpu.memory_space<hbm>>
    tpu.wait_dma2 semaphore(%arg16 : memref<!tpu.dma_semaphore, #tpu.memory_space<semaphore_mem>>) src(%arg10 : memref<32x1024xf32, #tpu.memory_space<vmem>>) dst(%dma_wait3A_336 : memref<32x1024xf32, #tpu.memory_space<hbm>>)
    %dma_start3A_337 = arith.constant 160 : i32
    %dma_start3A_338 = tpu.memref_slice %arg7[%dma_start3A_337] : memref<1024xi32, #tpu.memory_space<vmem>> -> memref<32xi32, #tpu.memory_space<vmem>>
    %dma_start3A_339 = arith.constant 0 : i32
    %dma_start3A_340 = arith.constant 0 : i32
    %dma_start3A_341 = tpu.memref_slice %arg3[%dma_start3A_339, %dma_start3A_340] : memref<8194x1024xf32, #tpu.memory_space<hbm>> -> memref<8194x1024xf32, #tpu.memory_space<hbm>>
    tpu.enqueue_indirect_dma source(%dma_start3A_341 : memref<8194x1024xf32, #tpu.memory_space<hbm>>) target(%arg10 : memref<32x1024xf32, #tpu.memory_space<vmem>>) offsets(%dma_start3A_338 : memref<32xi32, #tpu.memory_space<vmem>>) semaphore(%arg13 : memref<!tpu.dma_semaphore, #tpu.memory_space<semaphore_mem>>)
    %dma_wait3A_342 = arith.constant 128 : i32
    %dma_wait3A_343 = tpu.memref_slice %arg7[%dma_wait3A_342] : memref<1024xi32, #tpu.memory_space<vmem>> -> memref<32xi32, #tpu.memory_space<vmem>>
    %dma_wait3A_344 = arith.constant 0 : i32
    %dma_wait3A_345 = arith.constant 0 : i32
    %dma_wait3A_346 = tpu.memref_slice %arg3[%dma_wait3A_344, %dma_wait3A_345] : memref<8194x1024xf32, #tpu.memory_space<hbm>> -> memref<8194x1024xf32, #tpu.memory_space<hbm>>
    tpu.wait_indirect_dma semaphore(%arg12 : memref<!tpu.dma_semaphore, #tpu.memory_space<semaphore_mem>>) src(%dma_wait3A_346 : memref<8194x1024xf32, #tpu.memory_space<hbm>>) dst(%arg9 : memref<32x1024xf32, #tpu.memory_space<vmem>>)
    %add3A_347 = arith.constant 128 : i32
    %add3A_348 = arith.addi %mul3A_2, %add3A_347 : i32
    %dma_start3A_349 = arith.constant 0 : i32
    %dma_start3A_350 = tpu.memref_slice %arg4[%add3A_348, %dma_start3A_349] : memref<32768x1024xf32, #tpu.memory_space<hbm>> -> memref<32x1024xf32, #tpu.memory_space<hbm>>
    %dma_start3A_351 = arith.constant 0 : i32
    %dma_start3A_352 = tpu.memref_slice %arg4[%add3A_348, %dma_start3A_351] : memref<32768x1024xf32, #tpu.memory_space<hbm>> -> memref<32x1024xf32, #tpu.memory_space<hbm>>
    tpu.enqueue_dma source(%arg9 : memref<32x1024xf32, #tpu.memory_space<vmem>>) target(%dma_start3A_352 : memref<32x1024xf32, #tpu.memory_space<hbm>>) target_semaphore(%arg15 : memref<!tpu.dma_semaphore, #tpu.memory_space<semaphore_mem>>)
    %get3A_353 = arith.constant 192 : index
    %get3A_354 = tpu.vector_load %arg5[%get3A_353] {strides = array<i32>} : memref<1024xi32, #tpu.memory_space<vmem>>, vector<16xi32>,
    %neg3A_355 = arith.constant 0 : i32
    %neg3A_356 = vector.broadcast %neg3A_355 : i32 to vector<16xi32>
    %neg3A_357 = arith.subi %neg3A_356, %get3A_354 : vector<16xi32>
    %or3A_358 = arith.ori %get3A_354, %neg3A_357 : vector<16xi32>
    %shift_right_logical3A_359 = arith.constant 31 : i32
    %shift_right_logical3A_360 = vector.broadcast %shift_right_logical3A_359 : i32 to vector<16xi32>
    %shift_right_logical3A_361 = arith.shrui %or3A_358, %shift_right_logical3A_360 : vector<16xi32>
    %broadcast_in_dim3A_362 = arith.constant true
    %broadcast_in_dim3A_363 = vector.broadcast %broadcast_in_dim3A_362 : i1 to vector<16xi1>
    %masked_cumsum3A_364 = tpu.scan <sum>, %shift_right_logical3A_361 masked %broadcast_in_dim3A_363 : vector<16xi32>, vector<16xi1> -> vector<16xi32>
    %add3A_365 = vector.broadcast %squeeze3A_332 : i32 to vector<16xi32>
    %add3A_366 = arith.addi %masked_cumsum3A_364, %add3A_365 : vector<16xi32>
    %mul3A_367 = arith.muli %add3A_366, %shift_right_logical3A_361 : vector<16xi32>
    %swap3A_368 = arith.constant 192 : index
    %swap3A_369 = tpu.vector_load %arg7[%swap3A_368] {strides = array<i32>} : memref<1024xi32, #tpu.memory_space<vmem>>, vector<16xi32>,
    tpu.vector_store %arg7[%swap3A_368], %mul3A_367 {strides = array<i32>} : memref<1024xi32, #tpu.memory_space<vmem>>, vector<16xi32>,
    %slice3A_370 = vector.extract_strided_slice %add3A_366 {offsets = [15], sizes = [1], strides = [1]} : vector<16xi32> to vector<1xi32>
    %squeeze3A_371 = vector.extract %slice3A_370[0] : i32 from vector<1xi32>
    %get3A_372 = arith.constant 208 : index
    %get3A_373 = tpu.vector_load %arg5[%get3A_372] {strides = array<i32>} : memref<1024xi32, #tpu.memory_space<vmem>>, vector<16xi32>,
    %neg3A_374 = arith.constant 0 : i32
    %neg3A_375 = vector.broadcast %neg3A_374 : i32 to vector<16xi32>
    %neg3A_376 = arith.subi %neg3A_375, %get3A_373 : vector<16xi32>
    %or3A_377 = arith.ori %get3A_373, %neg3A_376 : vector<16xi32>
    %shift_right_logical3A_378 = arith.constant 31 : i32
    %shift_right_logical3A_379 = vector.broadcast %shift_right_logical3A_378 : i32 to vector<16xi32>
    %shift_right_logical3A_380 = arith.shrui %or3A_377, %shift_right_logical3A_379 : vector<16xi32>
    %broadcast_in_dim3A_381 = arith.constant true
    %broadcast_in_dim3A_382 = vector.broadcast %broadcast_in_dim3A_381 : i1 to vector<16xi1>
    %masked_cumsum3A_383 = tpu.scan <sum>, %shift_right_logical3A_380 masked %broadcast_in_dim3A_382 : vector<16xi32>, vector<16xi1> -> vector<16xi32>
    %add3A_384 = vector.broadcast %squeeze3A_371 : i32 to vector<16xi32>
    %add3A_385 = arith.addi %masked_cumsum3A_383, %add3A_384 : vector<16xi32>
    %mul3A_386 = arith.muli %add3A_385, %shift_right_logical3A_380 : vector<16xi32>
    %swap3A_387 = arith.constant 208 : index
    %swap3A_388 = tpu.vector_load %arg7[%swap3A_387] {strides = array<i32>} : memref<1024xi32, #tpu.memory_space<vmem>>, vector<16xi32>,
    tpu.vector_store %arg7[%swap3A_387], %mul3A_386 {strides = array<i32>} : memref<1024xi32, #tpu.memory_space<vmem>>, vector<16xi32>,
    %slice3A_389 = vector.extract_strided_slice %add3A_385 {offsets = [15], sizes = [1], strides = [1]} : vector<16xi32> to vector<1xi32>
    %squeeze3A_390 = vector.extract %slice3A_389[0] : i32 from vector<1xi32>
    %dma_wait3A_391 = arith.constant 0 : i32
    %dma_wait3A_392 = tpu.memref_slice %arg4[%add3A_290, %dma_wait3A_391] : memref<32768x1024xf32, #tpu.memory_space<hbm>> -> memref<32x1024xf32, #tpu.memory_space<hbm>>
    %dma_wait3A_393 = arith.constant 0 : i32
    %dma_wait3A_394 = tpu.memref_slice %arg4[%add3A_290, %dma_wait3A_393] : memref<32768x1024xf32, #tpu.memory_space<hbm>> -> memref<32x1024xf32, #tpu.memory_space<hbm>>
    tpu.wait_dma2 semaphore(%arg14 : memref<!tpu.dma_semaphore, #tpu.memory_space<semaphore_mem>>) src(%arg8 : memref<32x1024xf32, #tpu.memory_space<vmem>>) dst(%dma_wait3A_394 : memref<32x1024xf32, #tpu.memory_space<hbm>>)
    %dma_start3A_395 = arith.constant 192 : i32
    %dma_start3A_396 = tpu.memref_slice %arg7[%dma_start3A_395] : memref<1024xi32, #tpu.memory_space<vmem>> -> memref<32xi32, #tpu.memory_space<vmem>>
    %dma_start3A_397 = arith.constant 0 : i32
    %dma_start3A_398 = arith.constant 0 : i32
    %dma_start3A_399 = tpu.memref_slice %arg3[%dma_start3A_397, %dma_start3A_398] : memref<8194x1024xf32, #tpu.memory_space<hbm>> -> memref<8194x1024xf32, #tpu.memory_space<hbm>>
    tpu.enqueue_indirect_dma source(%dma_start3A_399 : memref<8194x1024xf32, #tpu.memory_space<hbm>>) target(%arg8 : memref<32x1024xf32, #tpu.memory_space<vmem>>) offsets(%dma_start3A_396 : memref<32xi32, #tpu.memory_space<vmem>>) semaphore(%arg11 : memref<!tpu.dma_semaphore, #tpu.memory_space<semaphore_mem>>)
    %dma_wait3A_400 = arith.constant 160 : i32
    %dma_wait3A_401 = tpu.memref_slice %arg7[%dma_wait3A_400] : memref<1024xi32, #tpu.memory_space<vmem>> -> memref<32xi32, #tpu.memory_space<vmem>>
    %dma_wait3A_402 = arith.constant 0 : i32
    %dma_wait3A_403 = arith.constant 0 : i32
    %dma_wait3A_404 = tpu.memref_slice %arg3[%dma_wait3A_402, %dma_wait3A_403] : memref<8194x1024xf32, #tpu.memory_space<hbm>> -> memref<8194x1024xf32, #tpu.memory_space<hbm>>
    tpu.wait_indirect_dma semaphore(%arg13 : memref<!tpu.dma_semaphore, #tpu.memory_space<semaphore_mem>>) src(%dma_wait3A_404 : memref<8194x1024xf32, #tpu.memory_space<hbm>>) dst(%arg10 : memref<32x1024xf32, #tpu.memory_space<vmem>>)
    %add3A_405 = arith.constant 160 : i32
    %add3A_406 = arith.addi %mul3A_2, %add3A_405 : i32
    %dma_start3A_407 = arith.constant 0 : i32
    %dma_start3A_408 = tpu.memref_slice %arg4[%add3A_406, %dma_start3A_407] : memref<32768x1024xf32, #tpu.memory_space<hbm>> -> memref<32x1024xf32, #tpu.memory_space<hbm>>
    %dma_start3A_409 = arith.constant 0 : i32
    %dma_start3A_410 = tpu.memref_slice %arg4[%add3A_406, %dma_start3A_409] : memref<32768x1024xf32, #tpu.memory_space<hbm>> -> memref<32x1024xf32, #tpu.memory_space<hbm>>
    tpu.enqueue_dma source(%arg10 : memref<32x1024xf32, #tpu.memory_space<vmem>>) target(%dma_start3A_410 : memref<32x1024xf32, #tpu.memory_space<hbm>>) target_semaphore(%arg16 : memref<!tpu.dma_semaphore, #tpu.memory_space<semaphore_mem>>)
    %get3A_411 = arith.constant 224 : index
    %get3A_412 = tpu.vector_load %arg5[%get3A_411] {strides = array<i32>} : memref<1024xi32, #tpu.memory_space<vmem>>, vector<16xi32>,
    %neg3A_413 = arith.constant 0 : i32
    %neg3A_414 = vector.broadcast %neg3A_413 : i32 to vector<16xi32>
    %neg3A_415 = arith.subi %neg3A_414, %get3A_412 : vector<16xi32>
    %or3A_416 = arith.ori %get3A_412, %neg3A_415 : vector<16xi32>
    %shift_right_logical3A_417 = arith.constant 31 : i32
    %shift_right_logical3A_418 = vector.broadcast %shift_right_logical3A_417 : i32 to vector<16xi32>
    %shift_right_logical3A_419 = arith.shrui %or3A_416, %shift_right_logical3A_418 : vector<16xi32>
    %broadcast_in_dim3A_420 = arith.constant true
    %broadcast_in_dim3A_421 = vector.broadcast %broadcast_in_dim3A_420 : i1 to vector<16xi1>
    %masked_cumsum3A_422 = tpu.scan <sum>, %shift_right_logical3A_419 masked %broadcast_in_dim3A_421 : vector<16xi32>, vector<16xi1> -> vector<16xi32>
    %add3A_423 = vector.broadcast %squeeze3A_390 : i32 to vector<16xi32>
    %add3A_424 = arith.addi %masked_cumsum3A_422, %add3A_423 : vector<16xi32>
    %mul3A_425 = arith.muli %add3A_424, %shift_right_logical3A_419 : vector<16xi32>
    %swap3A_426 = arith.constant 224 : index
    %swap3A_427 = tpu.vector_load %arg7[%swap3A_426] {strides = array<i32>} : memref<1024xi32, #tpu.memory_space<vmem>>, vector<16xi32>,
    tpu.vector_store %arg7[%swap3A_426], %mul3A_425 {strides = array<i32>} : memref<1024xi32, #tpu.memory_space<vmem>>, vector<16xi32>,
    %slice3A_428 = vector.extract_strided_slice %add3A_424 {offsets = [15], sizes = [1], strides = [1]} : vector<16xi32> to vector<1xi32>
    %squeeze3A_429 = vector.extract %slice3A_428[0] : i32 from vector<1xi32>
    %get3A_430 = arith.constant 240 : index
    %get3A_431 = tpu.vector_load %arg5[%get3A_430] {strides = array<i32>} : memref<1024xi32, #tpu.memory_space<vmem>>, vector<16xi32>,
    %neg3A_432 = arith.constant 0 : i32
    %neg3A_433 = vector.broadcast %neg3A_432 : i32 to vector<16xi32>
    %neg3A_434 = arith.subi %neg3A_433, %get3A_431 : vector<16xi32>
    %or3A_435 = arith.ori %get3A_431, %neg3A_434 : vector<16xi32>
    %shift_right_logical3A_436 = arith.constant 31 : i32
    %shift_right_logical3A_437 = vector.broadcast %shift_right_logical3A_436 : i32 to vector<16xi32>
    %shift_right_logical3A_438 = arith.shrui %or3A_435, %shift_right_logical3A_437 : vector<16xi32>
    %broadcast_in_dim3A_439 = arith.constant true
    %broadcast_in_dim3A_440 = vector.broadcast %broadcast_in_dim3A_439 : i1 to vector<16xi1>
    %masked_cumsum3A_441 = tpu.scan <sum>, %shift_right_logical3A_438 masked %broadcast_in_dim3A_440 : vector<16xi32>, vector<16xi1> -> vector<16xi32>
    %add3A_442 = vector.broadcast %squeeze3A_429 : i32 to vector<16xi32>
    %add3A_443 = arith.addi %masked_cumsum3A_441, %add3A_442 : vector<16xi32>
    %mul3A_444 = arith.muli %add3A_443, %shift_right_logical3A_438 : vector<16xi32>
    %swap3A_445 = arith.constant 240 : index
    %swap3A_446 = tpu.vector_load %arg7[%swap3A_445] {strides = array<i32>} : memref<1024xi32, #tpu.memory_space<vmem>>, vector<16xi32>,
    tpu.vector_store %arg7[%swap3A_445], %mul3A_444 {strides = array<i32>} : memref<1024xi32, #tpu.memory_space<vmem>>, vector<16xi32>,
    %slice3A_447 = vector.extract_strided_slice %add3A_443 {offsets = [15], sizes = [1], strides = [1]} : vector<16xi32> to vector<1xi32>
    %squeeze3A_448 = vector.extract %slice3A_447[0] : i32 from vector<1xi32>
    %dma_wait3A_449 = arith.constant 0 : i32
    %dma_wait3A_450 = tpu.memref_slice %arg4[%add3A_348, %dma_wait3A_449] : memref<32768x1024xf32, #tpu.memory_space<hbm>> -> memref<32x1024xf32, #tpu.memory_space<hbm>>
    %dma_wait3A_451 = arith.constant 0 : i32
    %dma_wait3A_452 = tpu.memref_slice %arg4[%add3A_348, %dma_wait3A_451] : memref<32768x1024xf32, #tpu.memory_space<hbm>> -> memref<32x1024xf32, #tpu.memory_space<hbm>>
    tpu.wait_dma2 semaphore(%arg15 : memref<!tpu.dma_semaphore, #tpu.memory_space<semaphore_mem>>) src(%arg9 : memref<32x1024xf32, #tpu.memory_space<vmem>>) dst(%dma_wait3A_452 : memref<32x1024xf32, #tpu.memory_space<hbm>>)
    %dma_start3A_453 = arith.constant 224 : i32
    %dma_start3A_454 = tpu.memref_slice %arg7[%dma_start3A_453] : memref<1024xi32, #tpu.memory_space<vmem>> -> memref<32xi32, #tpu.memory_space<vmem>>
    %dma_start3A_455 = arith.constant 0 : i32
    %dma_start3A_456 = arith.constant 0 : i32
    %dma_start3A_457 = tpu.memref_slice %arg3[%dma_start3A_455, %dma_start3A_456] : memref<8194x1024xf32, #tpu.memory_space<hbm>> -> memref<8194x1024xf32, #tpu.memory_space<hbm>>
    tpu.enqueue_indirect_dma source(%dma_start3A_457 : memref<8194x1024xf32, #tpu.memory_space<hbm>>) target(%arg9 : memref<32x1024xf32, #tpu.memory_space<vmem>>) offsets(%dma_start3A_454 : memref<32xi32, #tpu.memory_space<vmem>>) semaphore(%arg12 : memref<!tpu.dma_semaphore, #tpu.memory_space<semaphore_mem>>)
    %dma_wait3A_458 = arith.constant 192 : i32
    %dma_wait3A_459 = tpu.memref_slice %arg7[%dma_wait3A_458] : memref<1024xi32, #tpu.memory_space<vmem>> -> memref<32xi32, #tpu.memory_space<vmem>>
    %dma_wait3A_460 = arith.constant 0 : i32
    %dma_wait3A_461 = arith.constant 0 : i32
    %dma_wait3A_462 = tpu.memref_slice %arg3[%dma_wait3A_460, %dma_wait3A_461] : memref<8194x1024xf32, #tpu.memory_space<hbm>> -> memref<8194x1024xf32, #tpu.memory_space<hbm>>
    tpu.wait_indirect_dma semaphore(%arg11 : memref<!tpu.dma_semaphore, #tpu.memory_space<semaphore_mem>>) src(%dma_wait3A_462 : memref<8194x1024xf32, #tpu.memory_space<hbm>>) dst(%arg8 : memref<32x1024xf32, #tpu.memory_space<vmem>>)
    %add3A_463 = arith.constant 192 : i32
    %add3A_464 = arith.addi %mul3A_2, %add3A_463 : i32
    %dma_start3A_465 = arith.constant 0 : i32
    %dma_start3A_466 = tpu.memref_slice %arg4[%add3A_464, %dma_start3A_465] : memref<32768x1024xf32, #tpu.memory_space<hbm>> -> memref<32x1024xf32, #tpu.memory_space<hbm>>
    %dma_start3A_467 = arith.constant 0 : i32
    %dma_start3A_468 = tpu.memref_slice %arg4[%add3A_464, %dma_start3A_467] : memref<32768x1024xf32, #tpu.memory_space<hbm>> -> memref<32x1024xf32, #tpu.memory_space<hbm>>
    tpu.enqueue_dma source(%arg8 : memref<32x1024xf32, #tpu.memory_space<vmem>>) target(%dma_start3A_468 : memref<32x1024xf32, #tpu.memory_space<hbm>>) target_semaphore(%arg14 : memref<!tpu.dma_semaphore, #tpu.memory_space<semaphore_mem>>)
    %get3A_469 = arith.constant 256 : index
    %get3A_470 = tpu.vector_load %arg5[%get3A_469] {strides = array<i32>} : memref<1024xi32, #tpu.memory_space<vmem>>, vector<16xi32>,
    %neg3A_471 = arith.constant 0 : i32
    %neg3A_472 = vector.broadcast %neg3A_471 : i32 to vector<16xi32>
    %neg3A_473 = arith.subi %neg3A_472, %get3A_470 : vector<16xi32>
    %or3A_474 = arith.ori %get3A_470, %neg3A_473 : vector<16xi32>
    %shift_right_logical3A_475 = arith.constant 31 : i32
    %shift_right_logical3A_476 = vector.broadcast %shift_right_logical3A_475 : i32 to vector<16xi32>
    %shift_right_logical3A_477 = arith.shrui %or3A_474, %shift_right_logical3A_476 : vector<16xi32>
    %broadcast_in_dim3A_478 = arith.constant true
    %broadcast_in_dim3A_479 = vector.broadcast %broadcast_in_dim3A_478 : i1 to vector<16xi1>
    %masked_cumsum3A_480 = tpu.scan <sum>, %shift_right_logical3A_477 masked %broadcast_in_dim3A_479 : vector<16xi32>, vector<16xi1> -> vector<16xi32>
    %add3A_481 = vector.broadcast %squeeze3A_448 : i32 to vector<16xi32>
    %add3A_482 = arith.addi %masked_cumsum3A_480, %add3A_481 : vector<16xi32>
    %mul3A_483 = arith.muli %add3A_482, %shift_right_logical3A_477 : vector<16xi32>
    %swap3A_484 = arith.constant 256 : index
    %swap3A_485 = tpu.vector_load %arg7[%swap3A_484] {strides = array<i32>} : memref<1024xi32, #tpu.memory_space<vmem>>, vector<16xi32>,
    tpu.vector_store %arg7[%swap3A_484], %mul3A_483 {strides = array<i32>} : memref<1024xi32, #tpu.memory_space<vmem>>, vector<16xi32>,
    %slice3A_486 = vector.extract_strided_slice %add3A_482 {offsets = [15], sizes = [1], strides = [1]} : vector<16xi32> to vector<1xi32>
    %squeeze3A_487 = vector.extract %slice3A_486[0] : i32 from vector<1xi32>
    %get3A_488 = arith.constant 272 : index
    %get3A_489 = tpu.vector_load %arg5[%get3A_488] {strides = array<i32>} : memref<1024xi32, #tpu.memory_space<vmem>>, vector<16xi32>,
    %neg3A_490 = arith.constant 0 : i32
    %neg3A_491 = vector.broadcast %neg3A_490 : i32 to vector<16xi32>
    %neg3A_492 = arith.subi %neg3A_491, %get3A_489 : vector<16xi32>
    %or3A_493 = arith.ori %get3A_489, %neg3A_492 : vector<16xi32>
    %shift_right_logical3A_494 = arith.constant 31 : i32
    %shift_right_logical3A_495 = vector.broadcast %shift_right_logical3A_494 : i32 to vector<16xi32>
    %shift_right_logical3A_496 = arith.shrui %or3A_493, %shift_right_logical3A_495 : vector<16xi32>
    %broadcast_in_dim3A_497 = arith.constant true
    %broadcast_in_dim3A_498 = vector.broadcast %broadcast_in_dim3A_497 : i1 to vector<16xi1>
    %masked_cumsum3A_499 = tpu.scan <sum>, %shift_right_logical3A_496 masked %broadcast_in_dim3A_498 : vector<16xi32>, vector<16xi1> -> vector<16xi32>
    %add3A_500 = vector.broadcast %squeeze3A_487 : i32 to vector<16xi32>
    %add3A_501 = arith.addi %masked_cumsum3A_499, %add3A_500 : vector<16xi32>
    %mul3A_502 = arith.muli %add3A_501, %shift_right_logical3A_496 : vector<16xi32>
    %swap3A_503 = arith.constant 272 : index
    %swap3A_504 = tpu.vector_load %arg7[%swap3A_503] {strides = array<i32>} : memref<1024xi32, #tpu.memory_space<vmem>>, vector<16xi32>,
    tpu.vector_store %arg7[%swap3A_503], %mul3A_502 {strides = array<i32>} : memref<1024xi32, #tpu.memory_space<vmem>>, vector<16xi32>,
    %slice3A_505 = vector.extract_strided_slice %add3A_501 {offsets = [15], sizes = [1], strides = [1]} : vector<16xi32> to vector<1xi32>
    %squeeze3A_506 = vector.extract %slice3A_505[0] : i32 from vector<1xi32>
    %dma_wait3A_507 = arith.constant 0 : i32
    %dma_wait3A_508 = tpu.memref_slice %arg4[%add3A_406, %dma_wait3A_507] : memref<32768x1024xf32, #tpu.memory_space<hbm>> -> memref<32x1024xf32, #tpu.memory_space<hbm>>
    %dma_wait3A_509 = arith.constant 0 : i32
    %dma_wait3A_510 = tpu.memref_slice %arg4[%add3A_406, %dma_wait3A_509] : memref<32768x1024xf32, #tpu.memory_space<hbm>> -> memref<32x1024xf32, #tpu.memory_space<hbm>>
    tpu.wait_dma2 semaphore(%arg16 : memref<!tpu.dma_semaphore, #tpu.memory_space<semaphore_mem>>) src(%arg10 : memref<32x1024xf32, #tpu.memory_space<vmem>>) dst(%dma_wait3A_510 : memref<32x1024xf32, #tpu.memory_space<hbm>>)
    %dma_start3A_511 = arith.constant 256 : i32
    %dma_start3A_512 = tpu.memref_slice %arg7[%dma_start3A_511] : memref<1024xi32, #tpu.memory_space<vmem>> -> memref<32xi32, #tpu.memory_space<vmem>>
    %dma_start3A_513 = arith.constant 0 : i32
    %dma_start3A_514 = arith.constant 0 : i32
    %dma_start3A_515 = tpu.memref_slice %arg3[%dma_start3A_513, %dma_start3A_514] : memref<8194x1024xf32, #tpu.memory_space<hbm>> -> memref<8194x1024xf32, #tpu.memory_space<hbm>>
    tpu.enqueue_indirect_dma source(%dma_start3A_515 : memref<8194x1024xf32, #tpu.memory_space<hbm>>) target(%arg10 : memref<32x1024xf32, #tpu.memory_space<vmem>>) offsets(%dma_start3A_512 : memref<32xi32, #tpu.memory_space<vmem>>) semaphore(%arg13 : memref<!tpu.dma_semaphore, #tpu.memory_space<semaphore_mem>>)
    %dma_wait3A_516 = arith.constant 224 : i32
    %dma_wait3A_517 = tpu.memref_slice %arg7[%dma_wait3A_516] : memref<1024xi32, #tpu.memory_space<vmem>> -> memref<32xi32, #tpu.memory_space<vmem>>
    %dma_wait3A_518 = arith.constant 0 : i32
    %dma_wait3A_519 = arith.constant 0 : i32
    %dma_wait3A_520 = tpu.memref_slice %arg3[%dma_wait3A_518, %dma_wait3A_519] : memref<8194x1024xf32, #tpu.memory_space<hbm>> -> memref<8194x1024xf32, #tpu.memory_space<hbm>>
    tpu.wait_indirect_dma semaphore(%arg12 : memref<!tpu.dma_semaphore, #tpu.memory_space<semaphore_mem>>) src(%dma_wait3A_520 : memref<8194x1024xf32, #tpu.memory_space<hbm>>) dst(%arg9 : memref<32x1024xf32, #tpu.memory_space<vmem>>)
    %add3A_521 = arith.constant 224 : i32
    %add3A_522 = arith.addi %mul3A_2, %add3A_521 : i32
    %dma_start3A_523 = arith.constant 0 : i32
    %dma_start3A_524 = tpu.memref_slice %arg4[%add3A_522, %dma_start3A_523] : memref<32768x1024xf32, #tpu.memory_space<hbm>> -> memref<32x1024xf32, #tpu.memory_space<hbm>>
    %dma_start3A_525 = arith.constant 0 : i32
    %dma_start3A_526 = tpu.memref_slice %arg4[%add3A_522, %dma_start3A_525] : memref<32768x1024xf32, #tpu.memory_space<hbm>> -> memref<32x1024xf32, #tpu.memory_space<hbm>>
    tpu.enqueue_dma source(%arg9 : memref<32x1024xf32, #tpu.memory_space<vmem>>) target(%dma_start3A_526 : memref<32x1024xf32, #tpu.memory_space<hbm>>) target_semaphore(%arg15 : memref<!tpu.dma_semaphore, #tpu.memory_space<semaphore_mem>>)
    %get3A_527 = arith.constant 288 : index
    %get3A_528 = tpu.vector_load %arg5[%get3A_527] {strides = array<i32>} : memref<1024xi32, #tpu.memory_space<vmem>>, vector<16xi32>,
    %neg3A_529 = arith.constant 0 : i32
    %neg3A_530 = vector.broadcast %neg3A_529 : i32 to vector<16xi32>
    %neg3A_531 = arith.subi %neg3A_530, %get3A_528 : vector<16xi32>
    %or3A_532 = arith.ori %get3A_528, %neg3A_531 : vector<16xi32>
    %shift_right_logical3A_533 = arith.constant 31 : i32
    %shift_right_logical3A_534 = vector.broadcast %shift_right_logical3A_533 : i32 to vector<16xi32>
    %shift_right_logical3A_535 = arith.shrui %or3A_532, %shift_right_logical3A_534 : vector<16xi32>
    %broadcast_in_dim3A_536 = arith.constant true
    %broadcast_in_dim3A_537 = vector.broadcast %broadcast_in_dim3A_536 : i1 to vector<16xi1>
    %masked_cumsum3A_538 = tpu.scan <sum>, %shift_right_logical3A_535 masked %broadcast_in_dim3A_537 : vector<16xi32>, vector<16xi1> -> vector<16xi32>
    %add3A_539 = vector.broadcast %squeeze3A_506 : i32 to vector<16xi32>
    %add3A_540 = arith.addi %masked_cumsum3A_538, %add3A_539 : vector<16xi32>
    %mul3A_541 = arith.muli %add3A_540, %shift_right_logical3A_535 : vector<16xi32>
    %swap3A_542 = arith.constant 288 : index
    %swap3A_543 = tpu.vector_load %arg7[%swap3A_542] {strides = array<i32>} : memref<1024xi32, #tpu.memory_space<vmem>>, vector<16xi32>,
    tpu.vector_store %arg7[%swap3A_542], %mul3A_541 {strides = array<i32>} : memref<1024xi32, #tpu.memory_space<vmem>>, vector<16xi32>,
    %slice3A_544 = vector.extract_strided_slice %add3A_540 {offsets = [15], sizes = [1], strides = [1]} : vector<16xi32> to vector<1xi32>
    %squeeze3A_545 = vector.extract %slice3A_544[0] : i32 from vector<1xi32>
    %get3A_546 = arith.constant 304 : index
    %get3A_547 = tpu.vector_load %arg5[%get3A_546] {strides = array<i32>} : memref<1024xi32, #tpu.memory_space<vmem>>, vector<16xi32>,
    %neg3A_548 = arith.constant 0 : i32
    %neg3A_549 = vector.broadcast %neg3A_548 : i32 to vector<16xi32>
    %neg3A_550 = arith.subi %neg3A_549, %get3A_547 : vector<16xi32>
    %or3A_551 = arith.ori %get3A_547, %neg3A_550 : vector<16xi32>
    %shift_right_logical3A_552 = arith.constant 31 : i32
    %shift_right_logical3A_553 = vector.broadcast %shift_right_logical3A_552 : i32 to vector<16xi32>
    %shift_right_logical3A_554 = arith.shrui %or3A_551, %shift_right_logical3A_553 : vector<16xi32>
    %broadcast_in_dim3A_555 = arith.constant true
    %broadcast_in_dim3A_556 = vector.broadcast %broadcast_in_dim3A_555 : i1 to vector<16xi1>
    %masked_cumsum3A_557 = tpu.scan <sum>, %shift_right_logical3A_554 masked %broadcast_in_dim3A_556 : vector<16xi32>, vector<16xi1> -> vector<16xi32>
    %add3A_558 = vector.broadcast %squeeze3A_545 : i32 to vector<16xi32>
    %add3A_559 = arith.addi %masked_cumsum3A_557, %add3A_558 : vector<16xi32>
    %mul3A_560 = arith.muli %add3A_559, %shift_right_logical3A_554 : vector<16xi32>
    %swap3A_561 = arith.constant 304 : index
    %swap3A_562 = tpu.vector_load %arg7[%swap3A_561] {strides = array<i32>} : memref<1024xi32, #tpu.memory_space<vmem>>, vector<16xi32>,
    tpu.vector_store %arg7[%swap3A_561], %mul3A_560 {strides = array<i32>} : memref<1024xi32, #tpu.memory_space<vmem>>, vector<16xi32>,
    %slice3A_563 = vector.extract_strided_slice %add3A_559 {offsets = [15], sizes = [1], strides = [1]} : vector<16xi32> to vector<1xi32>
    %squeeze3A_564 = vector.extract %slice3A_563[0] : i32 from vector<1xi32>
    %dma_wait3A_565 = arith.constant 0 : i32
    %dma_wait3A_566 = tpu.memref_slice %arg4[%add3A_464, %dma_wait3A_565] : memref<32768x1024xf32, #tpu.memory_space<hbm>> -> memref<32x1024xf32, #tpu.memory_space<hbm>>
    %dma_wait3A_567 = arith.constant 0 : i32
    %dma_wait3A_568 = tpu.memref_slice %arg4[%add3A_464, %dma_wait3A_567] : memref<32768x1024xf32, #tpu.memory_space<hbm>> -> memref<32x1024xf32, #tpu.memory_space<hbm>>
    tpu.wait_dma2 semaphore(%arg14 : memref<!tpu.dma_semaphore, #tpu.memory_space<semaphore_mem>>) src(%arg8 : memref<32x1024xf32, #tpu.memory_space<vmem>>) dst(%dma_wait3A_568 : memref<32x1024xf32, #tpu.memory_space<hbm>>)
    %dma_start3A_569 = arith.constant 288 : i32
    %dma_start3A_570 = tpu.memref_slice %arg7[%dma_start3A_569] : memref<1024xi32, #tpu.memory_space<vmem>> -> memref<32xi32, #tpu.memory_space<vmem>>
    %dma_start3A_571 = arith.constant 0 : i32
    %dma_start3A_572 = arith.constant 0 : i32
    %dma_start3A_573 = tpu.memref_slice %arg3[%dma_start3A_571, %dma_start3A_572] : memref<8194x1024xf32, #tpu.memory_space<hbm>> -> memref<8194x1024xf32, #tpu.memory_space<hbm>>
    tpu.enqueue_indirect_dma source(%dma_start3A_573 : memref<8194x1024xf32, #tpu.memory_space<hbm>>) target(%arg8 : memref<32x1024xf32, #tpu.memory_space<vmem>>) offsets(%dma_start3A_570 : memref<32xi32, #tpu.memory_space<vmem>>) semaphore(%arg11 : memref<!tpu.dma_semaphore, #tpu.memory_space<semaphore_mem>>)
    %dma_wait3A_574 = arith.constant 256 : i32
    %dma_wait3A_575 = tpu.memref_slice %arg7[%dma_wait3A_574] : memref<1024xi32, #tpu.memory_space<vmem>> -> memref<32xi32, #tpu.memory_space<vmem>>
    %dma_wait3A_576 = arith.constant 0 : i32
    %dma_wait3A_577 = arith.constant 0 : i32
    %dma_wait3A_578 = tpu.memref_slice %arg3[%dma_wait3A_576, %dma_wait3A_577] : memref<8194x1024xf32, #tpu.memory_space<hbm>> -> memref<8194x1024xf32, #tpu.memory_space<hbm>>
    tpu.wait_indirect_dma semaphore(%arg13 : memref<!tpu.dma_semaphore, #tpu.memory_space<semaphore_mem>>) src(%dma_wait3A_578 : memref<8194x1024xf32, #tpu.memory_space<hbm>>) dst(%arg10 : memref<32x1024xf32, #tpu.memory_space<vmem>>)
    %add3A_579 = arith.constant 256 : i32
    %add3A_580 = arith.addi %mul3A_2, %add3A_579 : i32
    %dma_start3A_581 = arith.constant 0 : i32
    %dma_start3A_582 = tpu.memref_slice %arg4[%add3A_580, %dma_start3A_581] : memref<32768x1024xf32, #tpu.memory_space<hbm>> -> memref<32x1024xf32, #tpu.memory_space<hbm>>
    %dma_start3A_583 = arith.constant 0 : i32
    %dma_start3A_584 = tpu.memref_slice %arg4[%add3A_580, %dma_start3A_583] : memref<32768x1024xf32, #tpu.memory_space<hbm>> -> memref<32x1024xf32, #tpu.memory_space<hbm>>
    tpu.enqueue_dma source(%arg10 : memref<32x1024xf32, #tpu.memory_space<vmem>>) target(%dma_start3A_584 : memref<32x1024xf32, #tpu.memory_space<hbm>>) target_semaphore(%arg16 : memref<!tpu.dma_semaphore, #tpu.memory_space<semaphore_mem>>)
    %get3A_585 = arith.constant 320 : index
    %get3A_586 = tpu.vector_load %arg5[%get3A_585] {strides = array<i32>} : memref<1024xi32, #tpu.memory_space<vmem>>, vector<16xi32>,
    %neg3A_587 = arith.constant 0 : i32
    %neg3A_588 = vector.broadcast %neg3A_587 : i32 to vector<16xi32>
    %neg3A_589 = arith.subi %neg3A_588, %get3A_586 : vector<16xi32>
    %or3A_590 = arith.ori %get3A_586, %neg3A_589 : vector<16xi32>
    %shift_right_logical3A_591 = arith.constant 31 : i32
    %shift_right_logical3A_592 = vector.broadcast %shift_right_logical3A_591 : i32 to vector<16xi32>
    %shift_right_logical3A_593 = arith.shrui %or3A_590, %shift_right_logical3A_592 : vector<16xi32>
    %broadcast_in_dim3A_594 = arith.constant true
    %broadcast_in_dim3A_595 = vector.broadcast %broadcast_in_dim3A_594 : i1 to vector<16xi1>
    %masked_cumsum3A_596 = tpu.scan <sum>, %shift_right_logical3A_593 masked %broadcast_in_dim3A_595 : vector<16xi32>, vector<16xi1> -> vector<16xi32>
    %add3A_597 = vector.broadcast %squeeze3A_564 : i32 to vector<16xi32>
    %add3A_598 = arith.addi %masked_cumsum3A_596, %add3A_597 : vector<16xi32>
    %mul3A_599 = arith.muli %add3A_598, %shift_right_logical3A_593 : vector<16xi32>
    %swap3A_600 = arith.constant 320 : index
    %swap3A_601 = tpu.vector_load %arg7[%swap3A_600] {strides = array<i32>} : memref<1024xi32, #tpu.memory_space<vmem>>, vector<16xi32>,
    tpu.vector_store %arg7[%swap3A_600], %mul3A_599 {strides = array<i32>} : memref<1024xi32, #tpu.memory_space<vmem>>, vector<16xi32>,
    %slice3A_602 = vector.extract_strided_slice %add3A_598 {offsets = [15], sizes = [1], strides = [1]} : vector<16xi32> to vector<1xi32>
    %squeeze3A_603 = vector.extract %slice3A_602[0] : i32 from vector<1xi32>
    %get3A_604 = arith.constant 336 : index
    %get3A_605 = tpu.vector_load %arg5[%get3A_604] {strides = array<i32>} : memref<1024xi32, #tpu.memory_space<vmem>>, vector<16xi32>,
    %neg3A_606 = arith.constant 0 : i32
    %neg3A_607 = vector.broadcast %neg3A_606 : i32 to vector<16xi32>
    %neg3A_608 = arith.subi %neg3A_607, %get3A_605 : vector<16xi32>
    %or3A_609 = arith.ori %get3A_605, %neg3A_608 : vector<16xi32>
    %shift_right_logical3A_610 = arith.constant 31 : i32
    %shift_right_logical3A_611 = vector.broadcast %shift_right_logical3A_610 : i32 to vector<16xi32>
    %shift_right_logical3A_612 = arith.shrui %or3A_609, %shift_right_logical3A_611 : vector<16xi32>
    %broadcast_in_dim3A_613 = arith.constant true
    %broadcast_in_dim3A_614 = vector.broadcast %broadcast_in_dim3A_613 : i1 to vector<16xi1>
    %masked_cumsum3A_615 = tpu.scan <sum>, %shift_right_logical3A_612 masked %broadcast_in_dim3A_614 : vector<16xi32>, vector<16xi1> -> vector<16xi32>
    %add3A_616 = vector.broadcast %squeeze3A_603 : i32 to vector<16xi32>
    %add3A_617 = arith.addi %masked_cumsum3A_615, %add3A_616 : vector<16xi32>
    %mul3A_618 = arith.muli %add3A_617, %shift_right_logical3A_612 : vector<16xi32>
    %swap3A_619 = arith.constant 336 : index
    %swap3A_620 = tpu.vector_load %arg7[%swap3A_619] {strides = array<i32>} : memref<1024xi32, #tpu.memory_space<vmem>>, vector<16xi32>,
    tpu.vector_store %arg7[%swap3A_619], %mul3A_618 {strides = array<i32>} : memref<1024xi32, #tpu.memory_space<vmem>>, vector<16xi32>,
    %slice3A_621 = vector.extract_strided_slice %add3A_617 {offsets = [15], sizes = [1], strides = [1]} : vector<16xi32> to vector<1xi32>
    %squeeze3A_622 = vector.extract %slice3A_621[0] : i32 from vector<1xi32>
    %dma_wait3A_623 = arith.constant 0 : i32
    %dma_wait3A_624 = tpu.memref_slice %arg4[%add3A_522, %dma_wait3A_623] : memref<32768x1024xf32, #tpu.memory_space<hbm>> -> memref<32x1024xf32, #tpu.memory_space<hbm>>
    %dma_wait3A_625 = arith.constant 0 : i32
    %dma_wait3A_626 = tpu.memref_slice %arg4[%add3A_522, %dma_wait3A_625] : memref<32768x1024xf32, #tpu.memory_space<hbm>> -> memref<32x1024xf32, #tpu.memory_space<hbm>>
    tpu.wait_dma2 semaphore(%arg15 : memref<!tpu.dma_semaphore, #tpu.memory_space<semaphore_mem>>) src(%arg9 : memref<32x1024xf32, #tpu.memory_space<vmem>>) dst(%dma_wait3A_626 : memref<32x1024xf32, #tpu.memory_space<hbm>>)
    %dma_start3A_627 = arith.constant 320 : i32
    %dma_start3A_628 = tpu.memref_slice %arg7[%dma_start3A_627] : memref<1024xi32, #tpu.memory_space<vmem>> -> memref<32xi32, #tpu.memory_space<vmem>>
    %dma_start3A_629 = arith.constant 0 : i32
    %dma_start3A_630 = arith.constant 0 : i32
    %dma_start3A_631 = tpu.memref_slice %arg3[%dma_start3A_629, %dma_start3A_630] : memref<8194x1024xf32, #tpu.memory_space<hbm>> -> memref<8194x1024xf32, #tpu.memory_space<hbm>>
    tpu.enqueue_indirect_dma source(%dma_start3A_631 : memref<8194x1024xf32, #tpu.memory_space<hbm>>) target(%arg9 : memref<32x1024xf32, #tpu.memory_space<vmem>>) offsets(%dma_start3A_628 : memref<32xi32, #tpu.memory_space<vmem>>) semaphore(%arg12 : memref<!tpu.dma_semaphore, #tpu.memory_space<semaphore_mem>>)
    %dma_wait3A_632 = arith.constant 288 : i32
    %dma_wait3A_633 = tpu.memref_slice %arg7[%dma_wait3A_632] : memref<1024xi32, #tpu.memory_space<vmem>> -> memref<32xi32, #tpu.memory_space<vmem>>
    %dma_wait3A_634 = arith.constant 0 : i32
    %dma_wait3A_635 = arith.constant 0 : i32
    %dma_wait3A_636 = tpu.memref_slice %arg3[%dma_wait3A_634, %dma_wait3A_635] : memref<8194x1024xf32, #tpu.memory_space<hbm>> -> memref<8194x1024xf32, #tpu.memory_space<hbm>>
    tpu.wait_indirect_dma semaphore(%arg11 : memref<!tpu.dma_semaphore, #tpu.memory_space<semaphore_mem>>) src(%dma_wait3A_636 : memref<8194x1024xf32, #tpu.memory_space<hbm>>) dst(%arg8 : memref<32x1024xf32, #tpu.memory_space<vmem>>)
    %add3A_637 = arith.constant 288 : i32
    %add3A_638 = arith.addi %mul3A_2, %add3A_637 : i32
    %dma_start3A_639 = arith.constant 0 : i32
    %dma_start3A_640 = tpu.memref_slice %arg4[%add3A_638, %dma_start3A_639] : memref<32768x1024xf32, #tpu.memory_space<hbm>> -> memref<32x1024xf32, #tpu.memory_space<hbm>>
    %dma_start3A_641 = arith.constant 0 : i32
    %dma_start3A_642 = tpu.memref_slice %arg4[%add3A_638, %dma_start3A_641] : memref<32768x1024xf32, #tpu.memory_space<hbm>> -> memref<32x1024xf32, #tpu.memory_space<hbm>>
    tpu.enqueue_dma source(%arg8 : memref<32x1024xf32, #tpu.memory_space<vmem>>) target(%dma_start3A_642 : memref<32x1024xf32, #tpu.memory_space<hbm>>) target_semaphore(%arg14 : memref<!tpu.dma_semaphore, #tpu.memory_space<semaphore_mem>>)
    %get3A_643 = arith.constant 352 : index
    %get3A_644 = tpu.vector_load %arg5[%get3A_643] {strides = array<i32>} : memref<1024xi32, #tpu.memory_space<vmem>>, vector<16xi32>,
    %neg3A_645 = arith.constant 0 : i32
    %neg3A_646 = vector.broadcast %neg3A_645 : i32 to vector<16xi32>
    %neg3A_647 = arith.subi %neg3A_646, %get3A_644 : vector<16xi32>
    %or3A_648 = arith.ori %get3A_644, %neg3A_647 : vector<16xi32>
    %shift_right_logical3A_649 = arith.constant 31 : i32
    %shift_right_logical3A_650 = vector.broadcast %shift_right_logical3A_649 : i32 to vector<16xi32>
    %shift_right_logical3A_651 = arith.shrui %or3A_648, %shift_right_logical3A_650 : vector<16xi32>
    %broadcast_in_dim3A_652 = arith.constant true
    %broadcast_in_dim3A_653 = vector.broadcast %broadcast_in_dim3A_652 : i1 to vector<16xi1>
    %masked_cumsum3A_654 = tpu.scan <sum>, %shift_right_logical3A_651 masked %broadcast_in_dim3A_653 : vector<16xi32>, vector<16xi1> -> vector<16xi32>
    %add3A_655 = vector.broadcast %squeeze3A_622 : i32 to vector<16xi32>
    %add3A_656 = arith.addi %masked_cumsum3A_654, %add3A_655 : vector<16xi32>
    %mul3A_657 = arith.muli %add3A_656, %shift_right_logical3A_651 : vector<16xi32>
    %swap3A_658 = arith.constant 352 : index
    %swap3A_659 = tpu.vector_load %arg7[%swap3A_658] {strides = array<i32>} : memref<1024xi32, #tpu.memory_space<vmem>>, vector<16xi32>,
    tpu.vector_store %arg7[%swap3A_658], %mul3A_657 {strides = array<i32>} : memref<1024xi32, #tpu.memory_space<vmem>>, vector<16xi32>,
    %slice3A_660 = vector.extract_strided_slice %add3A_656 {offsets = [15], sizes = [1], strides = [1]} : vector<16xi32> to vector<1xi32>
    %squeeze3A_661 = vector.extract %slice3A_660[0] : i32 from vector<1xi32>
    %get3A_662 = arith.constant 368 : index
    %get3A_663 = tpu.vector_load %arg5[%get3A_662] {strides = array<i32>} : memref<1024xi32, #tpu.memory_space<vmem>>, vector<16xi32>,
    %neg3A_664 = arith.constant 0 : i32
    %neg3A_665 = vector.broadcast %neg3A_664 : i32 to vector<16xi32>
    %neg3A_666 = arith.subi %neg3A_665, %get3A_663 : vector<16xi32>
    %or3A_667 = arith.ori %get3A_663, %neg3A_666 : vector<16xi32>
    %shift_right_logical3A_668 = arith.constant 31 : i32
    %shift_right_logical3A_669 = vector.broadcast %shift_right_logical3A_668 : i32 to vector<16xi32>
    %shift_right_logical3A_670 = arith.shrui %or3A_667, %shift_right_logical3A_669 : vector<16xi32>
    %broadcast_in_dim3A_671 = arith.constant true
    %broadcast_in_dim3A_672 = vector.broadcast %broadcast_in_dim3A_671 : i1 to vector<16xi1>
    %masked_cumsum3A_673 = tpu.scan <sum>, %shift_right_logical3A_670 masked %broadcast_in_dim3A_672 : vector<16xi32>, vector<16xi1> -> vector<16xi32>
    %add3A_674 = vector.broadcast %squeeze3A_661 : i32 to vector<16xi32>
    %add3A_675 = arith.addi %masked_cumsum3A_673, %add3A_674 : vector<16xi32>
    %mul3A_676 = arith.muli %add3A_675, %shift_right_logical3A_670 : vector<16xi32>
    %swap3A_677 = arith.constant 368 : index
    %swap3A_678 = tpu.vector_load %arg7[%swap3A_677] {strides = array<i32>} : memref<1024xi32, #tpu.memory_space<vmem>>, vector<16xi32>,
    tpu.vector_store %arg7[%swap3A_677], %mul3A_676 {strides = array<i32>} : memref<1024xi32, #tpu.memory_space<vmem>>, vector<16xi32>,
    %slice3A_679 = vector.extract_strided_slice %add3A_675 {offsets = [15], sizes = [1], strides = [1]} : vector<16xi32> to vector<1xi32>
    %squeeze3A_680 = vector.extract %slice3A_679[0] : i32 from vector<1xi32>
    %dma_wait3A_681 = arith.constant 0 : i32
    %dma_wait3A_682 = tpu.memref_slice %arg4[%add3A_580, %dma_wait3A_681] : memref<32768x1024xf32, #tpu.memory_space<hbm>> -> memref<32x1024xf32, #tpu.memory_space<hbm>>
    %dma_wait3A_683 = arith.constant 0 : i32
    %dma_wait3A_684 = tpu.memref_slice %arg4[%add3A_580, %dma_wait3A_683] : memref<32768x1024xf32, #tpu.memory_space<hbm>> -> memref<32x1024xf32, #tpu.memory_space<hbm>>
    tpu.wait_dma2 semaphore(%arg16 : memref<!tpu.dma_semaphore, #tpu.memory_space<semaphore_mem>>) src(%arg10 : memref<32x1024xf32, #tpu.memory_space<vmem>>) dst(%dma_wait3A_684 : memref<32x1024xf32, #tpu.memory_space<hbm>>)
    %dma_start3A_685 = arith.constant 352 : i32
    %dma_start3A_686 = tpu.memref_slice %arg7[%dma_start3A_685] : memref<1024xi32, #tpu.memory_space<vmem>> -> memref<32xi32, #tpu.memory_space<vmem>>
    %dma_start3A_687 = arith.constant 0 : i32
    %dma_start3A_688 = arith.constant 0 : i32
    %dma_start3A_689 = tpu.memref_slice %arg3[%dma_start3A_687, %dma_start3A_688] : memref<8194x1024xf32, #tpu.memory_space<hbm>> -> memref<8194x1024xf32, #tpu.memory_space<hbm>>
    tpu.enqueue_indirect_dma source(%dma_start3A_689 : memref<8194x1024xf32, #tpu.memory_space<hbm>>) target(%arg10 : memref<32x1024xf32, #tpu.memory_space<vmem>>) offsets(%dma_start3A_686 : memref<32xi32, #tpu.memory_space<vmem>>) semaphore(%arg13 : memref<!tpu.dma_semaphore, #tpu.memory_space<semaphore_mem>>)
    %dma_wait3A_690 = arith.constant 320 : i32
    %dma_wait3A_691 = tpu.memref_slice %arg7[%dma_wait3A_690] : memref<1024xi32, #tpu.memory_space<vmem>> -> memref<32xi32, #tpu.memory_space<vmem>>
    %dma_wait3A_692 = arith.constant 0 : i32
    %dma_wait3A_693 = arith.constant 0 : i32
    %dma_wait3A_694 = tpu.memref_slice %arg3[%dma_wait3A_692, %dma_wait3A_693] : memref<8194x1024xf32, #tpu.memory_space<hbm>> -> memref<8194x1024xf32, #tpu.memory_space<hbm>>
    tpu.wait_indirect_dma semaphore(%arg12 : memref<!tpu.dma_semaphore, #tpu.memory_space<semaphore_mem>>) src(%dma_wait3A_694 : memref<8194x1024xf32, #tpu.memory_space<hbm>>) dst(%arg9 : memref<32x1024xf32, #tpu.memory_space<vmem>>)
    %add3A_695 = arith.constant 320 : i32
    %add3A_696 = arith.addi %mul3A_2, %add3A_695 : i32
    %dma_start3A_697 = arith.constant 0 : i32
    %dma_start3A_698 = tpu.memref_slice %arg4[%add3A_696, %dma_start3A_697] : memref<32768x1024xf32, #tpu.memory_space<hbm>> -> memref<32x1024xf32, #tpu.memory_space<hbm>>
    %dma_start3A_699 = arith.constant 0 : i32
    %dma_start3A_700 = tpu.memref_slice %arg4[%add3A_696, %dma_start3A_699] : memref<32768x1024xf32, #tpu.memory_space<hbm>> -> memref<32x1024xf32, #tpu.memory_space<hbm>>
    tpu.enqueue_dma source(%arg9 : memref<32x1024xf32, #tpu.memory_space<vmem>>) target(%dma_start3A_700 : memref<32x1024xf32, #tpu.memory_space<hbm>>) target_semaphore(%arg15 : memref<!tpu.dma_semaphore, #tpu.memory_space<semaphore_mem>>)
    %get3A_701 = arith.constant 384 : index
    %get3A_702 = tpu.vector_load %arg5[%get3A_701] {strides = array<i32>} : memref<1024xi32, #tpu.memory_space<vmem>>, vector<16xi32>,
    %neg3A_703 = arith.constant 0 : i32
    %neg3A_704 = vector.broadcast %neg3A_703 : i32 to vector<16xi32>
    %neg3A_705 = arith.subi %neg3A_704, %get3A_702 : vector<16xi32>
    %or3A_706 = arith.ori %get3A_702, %neg3A_705 : vector<16xi32>
    %shift_right_logical3A_707 = arith.constant 31 : i32
    %shift_right_logical3A_708 = vector.broadcast %shift_right_logical3A_707 : i32 to vector<16xi32>
    %shift_right_logical3A_709 = arith.shrui %or3A_706, %shift_right_logical3A_708 : vector<16xi32>
    %broadcast_in_dim3A_710 = arith.constant true
    %broadcast_in_dim3A_711 = vector.broadcast %broadcast_in_dim3A_710 : i1 to vector<16xi1>
    %masked_cumsum3A_712 = tpu.scan <sum>, %shift_right_logical3A_709 masked %broadcast_in_dim3A_711 : vector<16xi32>, vector<16xi1> -> vector<16xi32>
    %add3A_713 = vector.broadcast %squeeze3A_680 : i32 to vector<16xi32>
    %add3A_714 = arith.addi %masked_cumsum3A_712, %add3A_713 : vector<16xi32>
    %mul3A_715 = arith.muli %add3A_714, %shift_right_logical3A_709 : vector<16xi32>
    %swap3A_716 = arith.constant 384 : index
    %swap3A_717 = tpu.vector_load %arg7[%swap3A_716] {strides = array<i32>} : memref<1024xi32, #tpu.memory_space<vmem>>, vector<16xi32>,
    tpu.vector_store %arg7[%swap3A_716], %mul3A_715 {strides = array<i32>} : memref<1024xi32, #tpu.memory_space<vmem>>, vector<16xi32>,
    %slice3A_718 = vector.extract_strided_slice %add3A_714 {offsets = [15], sizes = [1], strides = [1]} : vector<16xi32> to vector<1xi32>
    %squeeze3A_719 = vector.extract %slice3A_718[0] : i32 from vector<1xi32>
    %get3A_720 = arith.constant 400 : index
    %get3A_721 = tpu.vector_load %arg5[%get3A_720] {strides = array<i32>} : memref<1024xi32, #tpu.memory_space<vmem>>, vector<16xi32>,
    %neg3A_722 = arith.constant 0 : i32
    %neg3A_723 = vector.broadcast %neg3A_722 : i32 to vector<16xi32>
    %neg3A_724 = arith.subi %neg3A_723, %get3A_721 : vector<16xi32>
    %or3A_725 = arith.ori %get3A_721, %neg3A_724 : vector<16xi32>
    %shift_right_logical3A_726 = arith.constant 31 : i32
    %shift_right_logical3A_727 = vector.broadcast %shift_right_logical3A_726 : i32 to vector<16xi32>
    %shift_right_logical3A_728 = arith.shrui %or3A_725, %shift_right_logical3A_727 : vector<16xi32>
    %broadcast_in_dim3A_729 = arith.constant true
    %broadcast_in_dim3A_730 = vector.broadcast %broadcast_in_dim3A_729 : i1 to vector<16xi1>
    %masked_cumsum3A_731 = tpu.scan <sum>, %shift_right_logical3A_728 masked %broadcast_in_dim3A_730 : vector<16xi32>, vector<16xi1> -> vector<16xi32>
    %add3A_732 = vector.broadcast %squeeze3A_719 : i32 to vector<16xi32>
    %add3A_733 = arith.addi %masked_cumsum3A_731, %add3A_732 : vector<16xi32>
    %mul3A_734 = arith.muli %add3A_733, %shift_right_logical3A_728 : vector<16xi32>
    %swap3A_735 = arith.constant 400 : index
    %swap3A_736 = tpu.vector_load %arg7[%swap3A_735] {strides = array<i32>} : memref<1024xi32, #tpu.memory_space<vmem>>, vector<16xi32>,
    tpu.vector_store %arg7[%swap3A_735], %mul3A_734 {strides = array<i32>} : memref<1024xi32, #tpu.memory_space<vmem>>, vector<16xi32>,
    %slice3A_737 = vector.extract_strided_slice %add3A_733 {offsets = [15], sizes = [1], strides = [1]} : vector<16xi32> to vector<1xi32>
    %squeeze3A_738 = vector.extract %slice3A_737[0] : i32 from vector<1xi32>
    %dma_wait3A_739 = arith.constant 0 : i32
    %dma_wait3A_740 = tpu.memref_slice %arg4[%add3A_638, %dma_wait3A_739] : memref<32768x1024xf32, #tpu.memory_space<hbm>> -> memref<32x1024xf32, #tpu.memory_space<hbm>>
    %dma_wait3A_741 = arith.constant 0 : i32
    %dma_wait3A_742 = tpu.memref_slice %arg4[%add3A_638, %dma_wait3A_741] : memref<32768x1024xf32, #tpu.memory_space<hbm>> -> memref<32x1024xf32, #tpu.memory_space<hbm>>
    tpu.wait_dma2 semaphore(%arg14 : memref<!tpu.dma_semaphore, #tpu.memory_space<semaphore_mem>>) src(%arg8 : memref<32x1024xf32, #tpu.memory_space<vmem>>) dst(%dma_wait3A_742 : memref<32x1024xf32, #tpu.memory_space<hbm>>)
    %dma_start3A_743 = arith.constant 384 : i32
    %dma_start3A_744 = tpu.memref_slice %arg7[%dma_start3A_743] : memref<1024xi32, #tpu.memory_space<vmem>> -> memref<32xi32, #tpu.memory_space<vmem>>
    %dma_start3A_745 = arith.constant 0 : i32
    %dma_start3A_746 = arith.constant 0 : i32
    %dma_start3A_747 = tpu.memref_slice %arg3[%dma_start3A_745, %dma_start3A_746] : memref<8194x1024xf32, #tpu.memory_space<hbm>> -> memref<8194x1024xf32, #tpu.memory_space<hbm>>
    tpu.enqueue_indirect_dma source(%dma_start3A_747 : memref<8194x1024xf32, #tpu.memory_space<hbm>>) target(%arg8 : memref<32x1024xf32, #tpu.memory_space<vmem>>) offsets(%dma_start3A_744 : memref<32xi32, #tpu.memory_space<vmem>>) semaphore(%arg11 : memref<!tpu.dma_semaphore, #tpu.memory_space<semaphore_mem>>)
    %dma_wait3A_748 = arith.constant 352 : i32
    %dma_wait3A_749 = tpu.memref_slice %arg7[%dma_wait3A_748] : memref<1024xi32, #tpu.memory_space<vmem>> -> memref<32xi32, #tpu.memory_space<vmem>>
    %dma_wait3A_750 = arith.constant 0 : i32
    %dma_wait3A_751 = arith.constant 0 : i32
    %dma_wait3A_752 = tpu.memref_slice %arg3[%dma_wait3A_750, %dma_wait3A_751] : memref<8194x1024xf32, #tpu.memory_space<hbm>> -> memref<8194x1024xf32, #tpu.memory_space<hbm>>
    tpu.wait_indirect_dma semaphore(%arg13 : memref<!tpu.dma_semaphore, #tpu.memory_space<semaphore_mem>>) src(%dma_wait3A_752 : memref<8194x1024xf32, #tpu.memory_space<hbm>>) dst(%arg10 : memref<32x1024xf32, #tpu.memory_space<vmem>>)
    %add3A_753 = arith.constant 352 : i32
    %add3A_754 = arith.addi %mul3A_2, %add3A_753 : i32
    %dma_start3A_755 = arith.constant 0 : i32
    %dma_start3A_756 = tpu.memref_slice %arg4[%add3A_754, %dma_start3A_755] : memref<32768x1024xf32, #tpu.memory_space<hbm>> -> memref<32x1024xf32, #tpu.memory_space<hbm>>
    %dma_start3A_757 = arith.constant 0 : i32
    %dma_start3A_758 = tpu.memref_slice %arg4[%add3A_754, %dma_start3A_757] : memref<32768x1024xf32, #tpu.memory_space<hbm>> -> memref<32x1024xf32, #tpu.memory_space<hbm>>
    tpu.enqueue_dma source(%arg10 : memref<32x1024xf32, #tpu.memory_space<vmem>>) target(%dma_start3A_758 : memref<32x1024xf32, #tpu.memory_space<hbm>>) target_semaphore(%arg16 : memref<!tpu.dma_semaphore, #tpu.memory_space<semaphore_mem>>)
    %get3A_759 = arith.constant 416 : index
    %get3A_760 = tpu.vector_load %arg5[%get3A_759] {strides = array<i32>} : memref<1024xi32, #tpu.memory_space<vmem>>, vector<16xi32>,
    %neg3A_761 = arith.constant 0 : i32
    %neg3A_762 = vector.broadcast %neg3A_761 : i32 to vector<16xi32>
    %neg3A_763 = arith.subi %neg3A_762, %get3A_760 : vector<16xi32>
    %or3A_764 = arith.ori %get3A_760, %neg3A_763 : vector<16xi32>
    %shift_right_logical3A_765 = arith.constant 31 : i32
    %shift_right_logical3A_766 = vector.broadcast %shift_right_logical3A_765 : i32 to vector<16xi32>
    %shift_right_logical3A_767 = arith.shrui %or3A_764, %shift_right_logical3A_766 : vector<16xi32>
    %broadcast_in_dim3A_768 = arith.constant true
    %broadcast_in_dim3A_769 = vector.broadcast %broadcast_in_dim3A_768 : i1 to vector<16xi1>
    %masked_cumsum3A_770 = tpu.scan <sum>, %shift_right_logical3A_767 masked %broadcast_in_dim3A_769 : vector<16xi32>, vector<16xi1> -> vector<16xi32>
    %add3A_771 = vector.broadcast %squeeze3A_738 : i32 to vector<16xi32>
    %add3A_772 = arith.addi %masked_cumsum3A_770, %add3A_771 : vector<16xi32>
    %mul3A_773 = arith.muli %add3A_772, %shift_right_logical3A_767 : vector<16xi32>
    %swap3A_774 = arith.constant 416 : index
    %swap3A_775 = tpu.vector_load %arg7[%swap3A_774] {strides = array<i32>} : memref<1024xi32, #tpu.memory_space<vmem>>, vector<16xi32>,
    tpu.vector_store %arg7[%swap3A_774], %mul3A_773 {strides = array<i32>} : memref<1024xi32, #tpu.memory_space<vmem>>, vector<16xi32>,
    %slice3A_776 = vector.extract_strided_slice %add3A_772 {offsets = [15], sizes = [1], strides = [1]} : vector<16xi32> to vector<1xi32>
    %squeeze3A_777 = vector.extract %slice3A_776[0] : i32 from vector<1xi32>
    %get3A_778 = arith.constant 432 : index
    %get3A_779 = tpu.vector_load %arg5[%get3A_778] {strides = array<i32>} : memref<1024xi32, #tpu.memory_space<vmem>>, vector<16xi32>,
    %neg3A_780 = arith.constant 0 : i32
    %neg3A_781 = vector.broadcast %neg3A_780 : i32 to vector<16xi32>
    %neg3A_782 = arith.subi %neg3A_781, %get3A_779 : vector<16xi32>
    %or3A_783 = arith.ori %get3A_779, %neg3A_782 : vector<16xi32>
    %shift_right_logical3A_784 = arith.constant 31 : i32
    %shift_right_logical3A_785 = vector.broadcast %shift_right_logical3A_784 : i32 to vector<16xi32>
    %shift_right_logical3A_786 = arith.shrui %or3A_783, %shift_right_logical3A_785 : vector<16xi32>
    %broadcast_in_dim3A_787 = arith.constant true
    %broadcast_in_dim3A_788 = vector.broadcast %broadcast_in_dim3A_787 : i1 to vector<16xi1>
    %masked_cumsum3A_789 = tpu.scan <sum>, %shift_right_logical3A_786 masked %broadcast_in_dim3A_788 : vector<16xi32>, vector<16xi1> -> vector<16xi32>
    %add3A_790 = vector.broadcast %squeeze3A_777 : i32 to vector<16xi32>
    %add3A_791 = arith.addi %masked_cumsum3A_789, %add3A_790 : vector<16xi32>
    %mul3A_792 = arith.muli %add3A_791, %shift_right_logical3A_786 : vector<16xi32>
    %swap3A_793 = arith.constant 432 : index
    %swap3A_794 = tpu.vector_load %arg7[%swap3A_793] {strides = array<i32>} : memref<1024xi32, #tpu.memory_space<vmem>>, vector<16xi32>,
    tpu.vector_store %arg7[%swap3A_793], %mul3A_792 {strides = array<i32>} : memref<1024xi32, #tpu.memory_space<vmem>>, vector<16xi32>,
    %slice3A_795 = vector.extract_strided_slice %add3A_791 {offsets = [15], sizes = [1], strides = [1]} : vector<16xi32> to vector<1xi32>
    %squeeze3A_796 = vector.extract %slice3A_795[0] : i32 from vector<1xi32>
    %dma_wait3A_797 = arith.constant 0 : i32
    %dma_wait3A_798 = tpu.memref_slice %arg4[%add3A_696, %dma_wait3A_797] : memref<32768x1024xf32, #tpu.memory_space<hbm>> -> memref<32x1024xf32, #tpu.memory_space<hbm>>
    %dma_wait3A_799 = arith.constant 0 : i32
    %dma_wait3A_800 = tpu.memref_slice %arg4[%add3A_696, %dma_wait3A_799] : memref<32768x1024xf32, #tpu.memory_space<hbm>> -> memref<32x1024xf32, #tpu.memory_space<hbm>>
    tpu.wait_dma2 semaphore(%arg15 : memref<!tpu.dma_semaphore, #tpu.memory_space<semaphore_mem>>) src(%arg9 : memref<32x1024xf32, #tpu.memory_space<vmem>>) dst(%dma_wait3A_800 : memref<32x1024xf32, #tpu.memory_space<hbm>>)
    %dma_start3A_801 = arith.constant 416 : i32
    %dma_start3A_802 = tpu.memref_slice %arg7[%dma_start3A_801] : memref<1024xi32, #tpu.memory_space<vmem>> -> memref<32xi32, #tpu.memory_space<vmem>>
    %dma_start3A_803 = arith.constant 0 : i32
    %dma_start3A_804 = arith.constant 0 : i32
    %dma_start3A_805 = tpu.memref_slice %arg3[%dma_start3A_803, %dma_start3A_804] : memref<8194x1024xf32, #tpu.memory_space<hbm>> -> memref<8194x1024xf32, #tpu.memory_space<hbm>>
    tpu.enqueue_indirect_dma source(%dma_start3A_805 : memref<8194x1024xf32, #tpu.memory_space<hbm>>) target(%arg9 : memref<32x1024xf32, #tpu.memory_space<vmem>>) offsets(%dma_start3A_802 : memref<32xi32, #tpu.memory_space<vmem>>) semaphore(%arg12 : memref<!tpu.dma_semaphore, #tpu.memory_space<semaphore_mem>>)
    %dma_wait3A_806 = arith.constant 384 : i32
    %dma_wait3A_807 = tpu.memref_slice %arg7[%dma_wait3A_806] : memref<1024xi32, #tpu.memory_space<vmem>> -> memref<32xi32, #tpu.memory_space<vmem>>
    %dma_wait3A_808 = arith.constant 0 : i32
    %dma_wait3A_809 = arith.constant 0 : i32
    %dma_wait3A_810 = tpu.memref_slice %arg3[%dma_wait3A_808, %dma_wait3A_809] : memref<8194x1024xf32, #tpu.memory_space<hbm>> -> memref<8194x1024xf32, #tpu.memory_space<hbm>>
    tpu.wait_indirect_dma semaphore(%arg11 : memref<!tpu.dma_semaphore, #tpu.memory_space<semaphore_mem>>) src(%dma_wait3A_810 : memref<8194x1024xf32, #tpu.memory_space<hbm>>) dst(%arg8 : memref<32x1024xf32, #tpu.memory_space<vmem>>)
    %add3A_811 = arith.constant 384 : i32
    %add3A_812 = arith.addi %mul3A_2, %add3A_811 : i32
    %dma_start3A_813 = arith.constant 0 : i32
    %dma_start3A_814 = tpu.memref_slice %arg4[%add3A_812, %dma_start3A_813] : memref<32768x1024xf32, #tpu.memory_space<hbm>> -> memref<32x1024xf32, #tpu.memory_space<hbm>>
    %dma_start3A_815 = arith.constant 0 : i32
    %dma_start3A_816 = tpu.memref_slice %arg4[%add3A_812, %dma_start3A_815] : memref<32768x1024xf32, #tpu.memory_space<hbm>> -> memref<32x1024xf32, #tpu.memory_space<hbm>>
    tpu.enqueue_dma source(%arg8 : memref<32x1024xf32, #tpu.memory_space<vmem>>) target(%dma_start3A_816 : memref<32x1024xf32, #tpu.memory_space<hbm>>) target_semaphore(%arg14 : memref<!tpu.dma_semaphore, #tpu.memory_space<semaphore_mem>>)
    %get3A_817 = arith.constant 448 : index
    %get3A_818 = tpu.vector_load %arg5[%get3A_817] {strides = array<i32>} : memref<1024xi32, #tpu.memory_space<vmem>>, vector<16xi32>,
    %neg3A_819 = arith.constant 0 : i32
    %neg3A_820 = vector.broadcast %neg3A_819 : i32 to vector<16xi32>
    %neg3A_821 = arith.subi %neg3A_820, %get3A_818 : vector<16xi32>
    %or3A_822 = arith.ori %get3A_818, %neg3A_821 : vector<16xi32>
    %shift_right_logical3A_823 = arith.constant 31 : i32
    %shift_right_logical3A_824 = vector.broadcast %shift_right_logical3A_823 : i32 to vector<16xi32>
    %shift_right_logical3A_825 = arith.shrui %or3A_822, %shift_right_logical3A_824 : vector<16xi32>
    %broadcast_in_dim3A_826 = arith.constant true
    %broadcast_in_dim3A_827 = vector.broadcast %broadcast_in_dim3A_826 : i1 to vector<16xi1>
    %masked_cumsum3A_828 = tpu.scan <sum>, %shift_right_logical3A_825 masked %broadcast_in_dim3A_827 : vector<16xi32>, vector<16xi1> -> vector<16xi32>
    %add3A_829 = vector.broadcast %squeeze3A_796 : i32 to vector<16xi32>
    %add3A_830 = arith.addi %masked_cumsum3A_828, %add3A_829 : vector<16xi32>
    %mul3A_831 = arith.muli %add3A_830, %shift_right_logical3A_825 : vector<16xi32>
    %swap3A_832 = arith.constant 448 : index
    %swap3A_833 = tpu.vector_load %arg7[%swap3A_832] {strides = array<i32>} : memref<1024xi32, #tpu.memory_space<vmem>>, vector<16xi32>,
    tpu.vector_store %arg7[%swap3A_832], %mul3A_831 {strides = array<i32>} : memref<1024xi32, #tpu.memory_space<vmem>>, vector<16xi32>,
    %slice3A_834 = vector.extract_strided_slice %add3A_830 {offsets = [15], sizes = [1], strides = [1]} : vector<16xi32> to vector<1xi32>
    %squeeze3A_835 = vector.extract %slice3A_834[0] : i32 from vector<1xi32>
    %get3A_836 = arith.constant 464 : index
    %get3A_837 = tpu.vector_load %arg5[%get3A_836] {strides = array<i32>} : memref<1024xi32, #tpu.memory_space<vmem>>, vector<16xi32>,
    %neg3A_838 = arith.constant 0 : i32
    %neg3A_839 = vector.broadcast %neg3A_838 : i32 to vector<16xi32>
    %neg3A_840 = arith.subi %neg3A_839, %get3A_837 : vector<16xi32>
    %or3A_841 = arith.ori %get3A_837, %neg3A_840 : vector<16xi32>
    %shift_right_logical3A_842 = arith.constant 31 : i32
    %shift_right_logical3A_843 = vector.broadcast %shift_right_logical3A_842 : i32 to vector<16xi32>
    %shift_right_logical3A_844 = arith.shrui %or3A_841, %shift_right_logical3A_843 : vector<16xi32>
    %broadcast_in_dim3A_845 = arith.constant true
    %broadcast_in_dim3A_846 = vector.broadcast %broadcast_in_dim3A_845 : i1 to vector<16xi1>
    %masked_cumsum3A_847 = tpu.scan <sum>, %shift_right_logical3A_844 masked %broadcast_in_dim3A_846 : vector<16xi32>, vector<16xi1> -> vector<16xi32>
    %add3A_848 = vector.broadcast %squeeze3A_835 : i32 to vector<16xi32>
    %add3A_849 = arith.addi %masked_cumsum3A_847, %add3A_848 : vector<16xi32>
    %mul3A_850 = arith.muli %add3A_849, %shift_right_logical3A_844 : vector<16xi32>
    %swap3A_851 = arith.constant 464 : index
    %swap3A_852 = tpu.vector_load %arg7[%swap3A_851] {strides = array<i32>} : memref<1024xi32, #tpu.memory_space<vmem>>, vector<16xi32>,
    tpu.vector_store %arg7[%swap3A_851], %mul3A_850 {strides = array<i32>} : memref<1024xi32, #tpu.memory_space<vmem>>, vector<16xi32>,
    %slice3A_853 = vector.extract_strided_slice %add3A_849 {offsets = [15], sizes = [1], strides = [1]} : vector<16xi32> to vector<1xi32>
    %squeeze3A_854 = vector.extract %slice3A_853[0] : i32 from vector<1xi32>
    %dma_wait3A_855 = arith.constant 0 : i32
    %dma_wait3A_856 = tpu.memref_slice %arg4[%add3A_754, %dma_wait3A_855] : memref<32768x1024xf32, #tpu.memory_space<hbm>> -> memref<32x1024xf32, #tpu.memory_space<hbm>>
    %dma_wait3A_857 = arith.constant 0 : i32
    %dma_wait3A_858 = tpu.memref_slice %arg4[%add3A_754, %dma_wait3A_857] : memref<32768x1024xf32, #tpu.memory_space<hbm>> -> memref<32x1024xf32, #tpu.memory_space<hbm>>
    tpu.wait_dma2 semaphore(%arg16 : memref<!tpu.dma_semaphore, #tpu.memory_space<semaphore_mem>>) src(%arg10 : memref<32x1024xf32, #tpu.memory_space<vmem>>) dst(%dma_wait3A_858 : memref<32x1024xf32, #tpu.memory_space<hbm>>)
    %dma_start3A_859 = arith.constant 448 : i32
    %dma_start3A_860 = tpu.memref_slice %arg7[%dma_start3A_859] : memref<1024xi32, #tpu.memory_space<vmem>> -> memref<32xi32, #tpu.memory_space<vmem>>
    %dma_start3A_861 = arith.constant 0 : i32
    %dma_start3A_862 = arith.constant 0 : i32
    %dma_start3A_863 = tpu.memref_slice %arg3[%dma_start3A_861, %dma_start3A_862] : memref<8194x1024xf32, #tpu.memory_space<hbm>> -> memref<8194x1024xf32, #tpu.memory_space<hbm>>
    tpu.enqueue_indirect_dma source(%dma_start3A_863 : memref<8194x1024xf32, #tpu.memory_space<hbm>>) target(%arg10 : memref<32x1024xf32, #tpu.memory_space<vmem>>) offsets(%dma_start3A_860 : memref<32xi32, #tpu.memory_space<vmem>>) semaphore(%arg13 : memref<!tpu.dma_semaphore, #tpu.memory_space<semaphore_mem>>)
    %dma_wait3A_864 = arith.constant 416 : i32
    %dma_wait3A_865 = tpu.memref_slice %arg7[%dma_wait3A_864] : memref<1024xi32, #tpu.memory_space<vmem>> -> memref<32xi32, #tpu.memory_space<vmem>>
    %dma_wait3A_866 = arith.constant 0 : i32
    %dma_wait3A_867 = arith.constant 0 : i32
    %dma_wait3A_868 = tpu.memref_slice %arg3[%dma_wait3A_866, %dma_wait3A_867] : memref<8194x1024xf32, #tpu.memory_space<hbm>> -> memref<8194x1024xf32, #tpu.memory_space<hbm>>
    tpu.wait_indirect_dma semaphore(%arg12 : memref<!tpu.dma_semaphore, #tpu.memory_space<semaphore_mem>>) src(%dma_wait3A_868 : memref<8194x1024xf32, #tpu.memory_space<hbm>>) dst(%arg9 : memref<32x1024xf32, #tpu.memory_space<vmem>>)
    %add3A_869 = arith.constant 416 : i32
    %add3A_870 = arith.addi %mul3A_2, %add3A_869 : i32
    %dma_start3A_871 = arith.constant 0 : i32
    %dma_start3A_872 = tpu.memref_slice %arg4[%add3A_870, %dma_start3A_871] : memref<32768x1024xf32, #tpu.memory_space<hbm>> -> memref<32x1024xf32, #tpu.memory_space<hbm>>
    %dma_start3A_873 = arith.constant 0 : i32
    %dma_start3A_874 = tpu.memref_slice %arg4[%add3A_870, %dma_start3A_873] : memref<32768x1024xf32, #tpu.memory_space<hbm>> -> memref<32x1024xf32, #tpu.memory_space<hbm>>
    tpu.enqueue_dma source(%arg9 : memref<32x1024xf32, #tpu.memory_space<vmem>>) target(%dma_start3A_874 : memref<32x1024xf32, #tpu.memory_space<hbm>>) target_semaphore(%arg15 : memref<!tpu.dma_semaphore, #tpu.memory_space<semaphore_mem>>)
    %get3A_875 = arith.constant 480 : index
    %get3A_876 = tpu.vector_load %arg5[%get3A_875] {strides = array<i32>} : memref<1024xi32, #tpu.memory_space<vmem>>, vector<16xi32>,
    %neg3A_877 = arith.constant 0 : i32
    %neg3A_878 = vector.broadcast %neg3A_877 : i32 to vector<16xi32>
    %neg3A_879 = arith.subi %neg3A_878, %get3A_876 : vector<16xi32>
    %or3A_880 = arith.ori %get3A_876, %neg3A_879 : vector<16xi32>
    %shift_right_logical3A_881 = arith.constant 31 : i32
    %shift_right_logical3A_882 = vector.broadcast %shift_right_logical3A_881 : i32 to vector<16xi32>
    %shift_right_logical3A_883 = arith.shrui %or3A_880, %shift_right_logical3A_882 : vector<16xi32>
    %broadcast_in_dim3A_884 = arith.constant true
    %broadcast_in_dim3A_885 = vector.broadcast %broadcast_in_dim3A_884 : i1 to vector<16xi1>
    %masked_cumsum3A_886 = tpu.scan <sum>, %shift_right_logical3A_883 masked %broadcast_in_dim3A_885 : vector<16xi32>, vector<16xi1> -> vector<16xi32>
    %add3A_887 = vector.broadcast %squeeze3A_854 : i32 to vector<16xi32>
    %add3A_888 = arith.addi %masked_cumsum3A_886, %add3A_887 : vector<16xi32>
    %mul3A_889 = arith.muli %add3A_888, %shift_right_logical3A_883 : vector<16xi32>
    %swap3A_890 = arith.constant 480 : index
    %swap3A_891 = tpu.vector_load %arg7[%swap3A_890] {strides = array<i32>} : memref<1024xi32, #tpu.memory_space<vmem>>, vector<16xi32>,
    tpu.vector_store %arg7[%swap3A_890], %mul3A_889 {strides = array<i32>} : memref<1024xi32, #tpu.memory_space<vmem>>, vector<16xi32>,
    %slice3A_892 = vector.extract_strided_slice %add3A_888 {offsets = [15], sizes = [1], strides = [1]} : vector<16xi32> to vector<1xi32>
    %squeeze3A_893 = vector.extract %slice3A_892[0] : i32 from vector<1xi32>
    %get3A_894 = arith.constant 496 : index
    %get3A_895 = tpu.vector_load %arg5[%get3A_894] {strides = array<i32>} : memref<1024xi32, #tpu.memory_space<vmem>>, vector<16xi32>,
    %neg3A_896 = arith.constant 0 : i32
    %neg3A_897 = vector.broadcast %neg3A_896 : i32 to vector<16xi32>
    %neg3A_898 = arith.subi %neg3A_897, %get3A_895 : vector<16xi32>
    %or3A_899 = arith.ori %get3A_895, %neg3A_898 : vector<16xi32>
    %shift_right_logical3A_900 = arith.constant 31 : i32
    %shift_right_logical3A_901 = vector.broadcast %shift_right_logical3A_900 : i32 to vector<16xi32>
    %shift_right_logical3A_902 = arith.shrui %or3A_899, %shift_right_logical3A_901 : vector<16xi32>
    %broadcast_in_dim3A_903 = arith.constant true
    %broadcast_in_dim3A_904 = vector.broadcast %broadcast_in_dim3A_903 : i1 to vector<16xi1>
    %masked_cumsum3A_905 = tpu.scan <sum>, %shift_right_logical3A_902 masked %broadcast_in_dim3A_904 : vector<16xi32>, vector<16xi1> -> vector<16xi32>
    %add3A_906 = vector.broadcast %squeeze3A_893 : i32 to vector<16xi32>
    %add3A_907 = arith.addi %masked_cumsum3A_905, %add3A_906 : vector<16xi32>
    %mul3A_908 = arith.muli %add3A_907, %shift_right_logical3A_902 : vector<16xi32>
    %swap3A_909 = arith.constant 496 : index
    %swap3A_910 = tpu.vector_load %arg7[%swap3A_909] {strides = array<i32>} : memref<1024xi32, #tpu.memory_space<vmem>>, vector<16xi32>,
    tpu.vector_store %arg7[%swap3A_909], %mul3A_908 {strides = array<i32>} : memref<1024xi32, #tpu.memory_space<vmem>>, vector<16xi32>,
    %slice3A_911 = vector.extract_strided_slice %add3A_907 {offsets = [15], sizes = [1], strides = [1]} : vector<16xi32> to vector<1xi32>
    %squeeze3A_912 = vector.extract %slice3A_911[0] : i32 from vector<1xi32>
    %dma_wait3A_913 = arith.constant 0 : i32
    %dma_wait3A_914 = tpu.memref_slice %arg4[%add3A_812, %dma_wait3A_913] : memref<32768x1024xf32, #tpu.memory_space<hbm>> -> memref<32x1024xf32, #tpu.memory_space<hbm>>
    %dma_wait3A_915 = arith.constant 0 : i32
    %dma_wait3A_916 = tpu.memref_slice %arg4[%add3A_812, %dma_wait3A_915] : memref<32768x1024xf32, #tpu.memory_space<hbm>> -> memref<32x1024xf32, #tpu.memory_space<hbm>>
    tpu.wait_dma2 semaphore(%arg14 : memref<!tpu.dma_semaphore, #tpu.memory_space<semaphore_mem>>) src(%arg8 : memref<32x1024xf32, #tpu.memory_space<vmem>>) dst(%dma_wait3A_916 : memref<32x1024xf32, #tpu.memory_space<hbm>>)
    %dma_start3A_917 = arith.constant 480 : i32
    %dma_start3A_918 = tpu.memref_slice %arg7[%dma_start3A_917] : memref<1024xi32, #tpu.memory_space<vmem>> -> memref<32xi32, #tpu.memory_space<vmem>>
    %dma_start3A_919 = arith.constant 0 : i32
    %dma_start3A_920 = arith.constant 0 : i32
    %dma_start3A_921 = tpu.memref_slice %arg3[%dma_start3A_919, %dma_start3A_920] : memref<8194x1024xf32, #tpu.memory_space<hbm>> -> memref<8194x1024xf32, #tpu.memory_space<hbm>>
    tpu.enqueue_indirect_dma source(%dma_start3A_921 : memref<8194x1024xf32, #tpu.memory_space<hbm>>) target(%arg8 : memref<32x1024xf32, #tpu.memory_space<vmem>>) offsets(%dma_start3A_918 : memref<32xi32, #tpu.memory_space<vmem>>) semaphore(%arg11 : memref<!tpu.dma_semaphore, #tpu.memory_space<semaphore_mem>>)
    %dma_wait3A_922 = arith.constant 448 : i32
    %dma_wait3A_923 = tpu.memref_slice %arg7[%dma_wait3A_922] : memref<1024xi32, #tpu.memory_space<vmem>> -> memref<32xi32, #tpu.memory_space<vmem>>
    %dma_wait3A_924 = arith.constant 0 : i32
    %dma_wait3A_925 = arith.constant 0 : i32
    %dma_wait3A_926 = tpu.memref_slice %arg3[%dma_wait3A_924, %dma_wait3A_925] : memref<8194x1024xf32, #tpu.memory_space<hbm>> -> memref<8194x1024xf32, #tpu.memory_space<hbm>>
    tpu.wait_indirect_dma semaphore(%arg13 : memref<!tpu.dma_semaphore, #tpu.memory_space<semaphore_mem>>) src(%dma_wait3A_926 : memref<8194x1024xf32, #tpu.memory_space<hbm>>) dst(%arg10 : memref<32x1024xf32, #tpu.memory_space<vmem>>)
    %add3A_927 = arith.constant 448 : i32
    %add3A_928 = arith.addi %mul3A_2, %add3A_927 : i32
    %dma_start3A_929 = arith.constant 0 : i32
    %dma_start3A_930 = tpu.memref_slice %arg4[%add3A_928, %dma_start3A_929] : memref<32768x1024xf32, #tpu.memory_space<hbm>> -> memref<32x1024xf32, #tpu.memory_space<hbm>>
    %dma_start3A_931 = arith.constant 0 : i32
    %dma_start3A_932 = tpu.memref_slice %arg4[%add3A_928, %dma_start3A_931] : memref<32768x1024xf32, #tpu.memory_space<hbm>> -> memref<32x1024xf32, #tpu.memory_space<hbm>>
    tpu.enqueue_dma source(%arg10 : memref<32x1024xf32, #tpu.memory_space<vmem>>) target(%dma_start3A_932 : memref<32x1024xf32, #tpu.memory_space<hbm>>) target_semaphore(%arg16 : memref<!tpu.dma_semaphore, #tpu.memory_space<semaphore_mem>>)
    %get3A_933 = arith.constant 512 : index
    %get3A_934 = tpu.vector_load %arg5[%get3A_933] {strides = array<i32>} : memref<1024xi32, #tpu.memory_space<vmem>>, vector<16xi32>,
    %neg3A_935 = arith.constant 0 : i32
    %neg3A_936 = vector.broadcast %neg3A_935 : i32 to vector<16xi32>
    %neg3A_937 = arith.subi %neg3A_936, %get3A_934 : vector<16xi32>
    %or3A_938 = arith.ori %get3A_934, %neg3A_937 : vector<16xi32>
    %shift_right_logical3A_939 = arith.constant 31 : i32
    %shift_right_logical3A_940 = vector.broadcast %shift_right_logical3A_939 : i32 to vector<16xi32>
    %shift_right_logical3A_941 = arith.shrui %or3A_938, %shift_right_logical3A_940 : vector<16xi32>
    %broadcast_in_dim3A_942 = arith.constant true
    %broadcast_in_dim3A_943 = vector.broadcast %broadcast_in_dim3A_942 : i1 to vector<16xi1>
    %masked_cumsum3A_944 = tpu.scan <sum>, %shift_right_logical3A_941 masked %broadcast_in_dim3A_943 : vector<16xi32>, vector<16xi1> -> vector<16xi32>
    %add3A_945 = vector.broadcast %squeeze3A_912 : i32 to vector<16xi32>
    %add3A_946 = arith.addi %masked_cumsum3A_944, %add3A_945 : vector<16xi32>
    %mul3A_947 = arith.muli %add3A_946, %shift_right_logical3A_941 : vector<16xi32>
    %swap3A_948 = arith.constant 512 : index
    %swap3A_949 = tpu.vector_load %arg7[%swap3A_948] {strides = array<i32>} : memref<1024xi32, #tpu.memory_space<vmem>>, vector<16xi32>,
    tpu.vector_store %arg7[%swap3A_948], %mul3A_947 {strides = array<i32>} : memref<1024xi32, #tpu.memory_space<vmem>>, vector<16xi32>,
    %slice3A_950 = vector.extract_strided_slice %add3A_946 {offsets = [15], sizes = [1], strides = [1]} : vector<16xi32> to vector<1xi32>
    %squeeze3A_951 = vector.extract %slice3A_950[0] : i32 from vector<1xi32>
    %get3A_952 = arith.constant 528 : index
    %get3A_953 = tpu.vector_load %arg5[%get3A_952] {strides = array<i32>} : memref<1024xi32, #tpu.memory_space<vmem>>, vector<16xi32>,
    %neg3A_954 = arith.constant 0 : i32
    %neg3A_955 = vector.broadcast %neg3A_954 : i32 to vector<16xi32>
    %neg3A_956 = arith.subi %neg3A_955, %get3A_953 : vector<16xi32>
    %or3A_957 = arith.ori %get3A_953, %neg3A_956 : vector<16xi32>
    %shift_right_logical3A_958 = arith.constant 31 : i32
    %shift_right_logical3A_959 = vector.broadcast %shift_right_logical3A_958 : i32 to vector<16xi32>
    %shift_right_logical3A_960 = arith.shrui %or3A_957, %shift_right_logical3A_959 : vector<16xi32>
    %broadcast_in_dim3A_961 = arith.constant true
    %broadcast_in_dim3A_962 = vector.broadcast %broadcast_in_dim3A_961 : i1 to vector<16xi1>
    %masked_cumsum3A_963 = tpu.scan <sum>, %shift_right_logical3A_960 masked %broadcast_in_dim3A_962 : vector<16xi32>, vector<16xi1> -> vector<16xi32>
    %add3A_964 = vector.broadcast %squeeze3A_951 : i32 to vector<16xi32>
    %add3A_965 = arith.addi %masked_cumsum3A_963, %add3A_964 : vector<16xi32>
    %mul3A_966 = arith.muli %add3A_965, %shift_right_logical3A_960 : vector<16xi32>
    %swap3A_967 = arith.constant 528 : index
    %swap3A_968 = tpu.vector_load %arg7[%swap3A_967] {strides = array<i32>} : memref<1024xi32, #tpu.memory_space<vmem>>, vector<16xi32>,
    tpu.vector_store %arg7[%swap3A_967], %mul3A_966 {strides = array<i32>} : memref<1024xi32, #tpu.memory_space<vmem>>, vector<16xi32>,
    %slice3A_969 = vector.extract_strided_slice %add3A_965 {offsets = [15], sizes = [1], strides = [1]} : vector<16xi32> to vector<1xi32>
    %squeeze3A_970 = vector.extract %slice3A_969[0] : i32 from vector<1xi32>
    %dma_wait3A_971 = arith.constant 0 : i32
    %dma_wait3A_972 = tpu.memref_slice %arg4[%add3A_870, %dma_wait3A_971] : memref<32768x1024xf32, #tpu.memory_space<hbm>> -> memref<32x1024xf32, #tpu.memory_space<hbm>>
    %dma_wait3A_973 = arith.constant 0 : i32
    %dma_wait3A_974 = tpu.memref_slice %arg4[%add3A_870, %dma_wait3A_973] : memref<32768x1024xf32, #tpu.memory_space<hbm>> -> memref<32x1024xf32, #tpu.memory_space<hbm>>
    tpu.wait_dma2 semaphore(%arg15 : memref<!tpu.dma_semaphore, #tpu.memory_space<semaphore_mem>>) src(%arg9 : memref<32x1024xf32, #tpu.memory_space<vmem>>) dst(%dma_wait3A_974 : memref<32x1024xf32, #tpu.memory_space<hbm>>)
    %dma_start3A_975 = arith.constant 512 : i32
    %dma_start3A_976 = tpu.memref_slice %arg7[%dma_start3A_975] : memref<1024xi32, #tpu.memory_space<vmem>> -> memref<32xi32, #tpu.memory_space<vmem>>
    %dma_start3A_977 = arith.constant 0 : i32
    %dma_start3A_978 = arith.constant 0 : i32
    %dma_start3A_979 = tpu.memref_slice %arg3[%dma_start3A_977, %dma_start3A_978] : memref<8194x1024xf32, #tpu.memory_space<hbm>> -> memref<8194x1024xf32, #tpu.memory_space<hbm>>
    tpu.enqueue_indirect_dma source(%dma_start3A_979 : memref<8194x1024xf32, #tpu.memory_space<hbm>>) target(%arg9 : memref<32x1024xf32, #tpu.memory_space<vmem>>) offsets(%dma_start3A_976 : memref<32xi32, #tpu.memory_space<vmem>>) semaphore(%arg12 : memref<!tpu.dma_semaphore, #tpu.memory_space<semaphore_mem>>)
    %dma_wait3A_980 = arith.constant 480 : i32
    %dma_wait3A_981 = tpu.memref_slice %arg7[%dma_wait3A_980] : memref<1024xi32, #tpu.memory_space<vmem>> -> memref<32xi32, #tpu.memory_space<vmem>>
    %dma_wait3A_982 = arith.constant 0 : i32
    %dma_wait3A_983 = arith.constant 0 : i32
    %dma_wait3A_984 = tpu.memref_slice %arg3[%dma_wait3A_982, %dma_wait3A_983] : memref<8194x1024xf32, #tpu.memory_space<hbm>> -> memref<8194x1024xf32, #tpu.memory_space<hbm>>
    tpu.wait_indirect_dma semaphore(%arg11 : memref<!tpu.dma_semaphore, #tpu.memory_space<semaphore_mem>>) src(%dma_wait3A_984 : memref<8194x1024xf32, #tpu.memory_space<hbm>>) dst(%arg8 : memref<32x1024xf32, #tpu.memory_space<vmem>>)
    %add3A_985 = arith.constant 480 : i32
    %add3A_986 = arith.addi %mul3A_2, %add3A_985 : i32
    %dma_start3A_987 = arith.constant 0 : i32
    %dma_start3A_988 = tpu.memref_slice %arg4[%add3A_986, %dma_start3A_987] : memref<32768x1024xf32, #tpu.memory_space<hbm>> -> memref<32x1024xf32, #tpu.memory_space<hbm>>
    %dma_start3A_989 = arith.constant 0 : i32
    %dma_start3A_990 = tpu.memref_slice %arg4[%add3A_986, %dma_start3A_989] : memref<32768x1024xf32, #tpu.memory_space<hbm>> -> memref<32x1024xf32, #tpu.memory_space<hbm>>
    tpu.enqueue_dma source(%arg8 : memref<32x1024xf32, #tpu.memory_space<vmem>>) target(%dma_start3A_990 : memref<32x1024xf32, #tpu.memory_space<hbm>>) target_semaphore(%arg14 : memref<!tpu.dma_semaphore, #tpu.memory_space<semaphore_mem>>)
    %get3A_991 = arith.constant 544 : index
    %get3A_992 = tpu.vector_load %arg5[%get3A_991] {strides = array<i32>} : memref<1024xi32, #tpu.memory_space<vmem>>, vector<16xi32>,
    %neg3A_993 = arith.constant 0 : i32
    %neg3A_994 = vector.broadcast %neg3A_993 : i32 to vector<16xi32>
    %neg3A_995 = arith.subi %neg3A_994, %get3A_992 : vector<16xi32>
    %or3A_996 = arith.ori %get3A_992, %neg3A_995 : vector<16xi32>
    %shift_right_logical3A_997 = arith.constant 31 : i32
    %shift_right_logical3A_998 = vector.broadcast %shift_right_logical3A_997 : i32 to vector<16xi32>
    %shift_right_logical3A_999 = arith.shrui %or3A_996, %shift_right_logical3A_998 : vector<16xi32>
    %broadcast_in_dim3A_1000 = arith.constant true
    %broadcast_in_dim3A_1001 = vector.broadcast %broadcast_in_dim3A_1000 : i1 to vector<16xi1>
    %masked_cumsum3A_1002 = tpu.scan <sum>, %shift_right_logical3A_999 masked %broadcast_in_dim3A_1001 : vector<16xi32>, vector<16xi1> -> vector<16xi32>
    %add3A_1003 = vector.broadcast %squeeze3A_970 : i32 to vector<16xi32>
    %add3A_1004 = arith.addi %masked_cumsum3A_1002, %add3A_1003 : vector<16xi32>
    %mul3A_1005 = arith.muli %add3A_1004, %shift_right_logical3A_999 : vector<16xi32>
    %swap3A_1006 = arith.constant 544 : index
    %swap3A_1007 = tpu.vector_load %arg7[%swap3A_1006] {strides = array<i32>} : memref<1024xi32, #tpu.memory_space<vmem>>, vector<16xi32>,
    tpu.vector_store %arg7[%swap3A_1006], %mul3A_1005 {strides = array<i32>} : memref<1024xi32, #tpu.memory_space<vmem>>, vector<16xi32>,
    %slice3A_1008 = vector.extract_strided_slice %add3A_1004 {offsets = [15], sizes = [1], strides = [1]} : vector<16xi32> to vector<1xi32>
    %squeeze3A_1009 = vector.extract %slice3A_1008[0] : i32 from vector<1xi32>
    %get3A_1010 = arith.constant 560 : index
    %get3A_1011 = tpu.vector_load %arg5[%get3A_1010] {strides = array<i32>} : memref<1024xi32, #tpu.memory_space<vmem>>, vector<16xi32>,
    %neg3A_1012 = arith.constant 0 : i32
    %neg3A_1013 = vector.broadcast %neg3A_1012 : i32 to vector<16xi32>
    %neg3A_1014 = arith.subi %neg3A_1013, %get3A_1011 : vector<16xi32>
    %or3A_1015 = arith.ori %get3A_1011, %neg3A_1014 : vector<16xi32>
    %shift_right_logical3A_1016 = arith.constant 31 : i32
    %shift_right_logical3A_1017 = vector.broadcast %shift_right_logical3A_1016 : i32 to vector<16xi32>
    %shift_right_logical3A_1018 = arith.shrui %or3A_1015, %shift_right_logical3A_1017 : vector<16xi32>
    %broadcast_in_dim3A_1019 = arith.constant true
    %broadcast_in_dim3A_1020 = vector.broadcast %broadcast_in_dim3A_1019 : i1 to vector<16xi1>
    %masked_cumsum3A_1021 = tpu.scan <sum>, %shift_right_logical3A_1018 masked %broadcast_in_dim3A_1020 : vector<16xi32>, vector<16xi1> -> vector<16xi32>
    %add3A_1022 = vector.broadcast %squeeze3A_1009 : i32 to vector<16xi32>
    %add3A_1023 = arith.addi %masked_cumsum3A_1021, %add3A_1022 : vector<16xi32>
    %mul3A_1024 = arith.muli %add3A_1023, %shift_right_logical3A_1018 : vector<16xi32>
    %swap3A_1025 = arith.constant 560 : index
    %swap3A_1026 = tpu.vector_load %arg7[%swap3A_1025] {strides = array<i32>} : memref<1024xi32, #tpu.memory_space<vmem>>, vector<16xi32>,
    tpu.vector_store %arg7[%swap3A_1025], %mul3A_1024 {strides = array<i32>} : memref<1024xi32, #tpu.memory_space<vmem>>, vector<16xi32>,
    %slice3A_1027 = vector.extract_strided_slice %add3A_1023 {offsets = [15], sizes = [1], strides = [1]} : vector<16xi32> to vector<1xi32>
    %squeeze3A_1028 = vector.extract %slice3A_1027[0] : i32 from vector<1xi32>
    %dma_wait3A_1029 = arith.constant 0 : i32
    %dma_wait3A_1030 = tpu.memref_slice %arg4[%add3A_928, %dma_wait3A_1029] : memref<32768x1024xf32, #tpu.memory_space<hbm>> -> memref<32x1024xf32, #tpu.memory_space<hbm>>
    %dma_wait3A_1031 = arith.constant 0 : i32
    %dma_wait3A_1032 = tpu.memref_slice %arg4[%add3A_928, %dma_wait3A_1031] : memref<32768x1024xf32, #tpu.memory_space<hbm>> -> memref<32x1024xf32, #tpu.memory_space<hbm>>
    tpu.wait_dma2 semaphore(%arg16 : memref<!tpu.dma_semaphore, #tpu.memory_space<semaphore_mem>>) src(%arg10 : memref<32x1024xf32, #tpu.memory_space<vmem>>) dst(%dma_wait3A_1032 : memref<32x1024xf32, #tpu.memory_space<hbm>>)
    %dma_start3A_1033 = arith.constant 544 : i32
    %dma_start3A_1034 = tpu.memref_slice %arg7[%dma_start3A_1033] : memref<1024xi32, #tpu.memory_space<vmem>> -> memref<32xi32, #tpu.memory_space<vmem>>
    %dma_start3A_1035 = arith.constant 0 : i32
    %dma_start3A_1036 = arith.constant 0 : i32
    %dma_start3A_1037 = tpu.memref_slice %arg3[%dma_start3A_1035, %dma_start3A_1036] : memref<8194x1024xf32, #tpu.memory_space<hbm>> -> memref<8194x1024xf32, #tpu.memory_space<hbm>>
    tpu.enqueue_indirect_dma source(%dma_start3A_1037 : memref<8194x1024xf32, #tpu.memory_space<hbm>>) target(%arg10 : memref<32x1024xf32, #tpu.memory_space<vmem>>) offsets(%dma_start3A_1034 : memref<32xi32, #tpu.memory_space<vmem>>) semaphore(%arg13 : memref<!tpu.dma_semaphore, #tpu.memory_space<semaphore_mem>>)
    %dma_wait3A_1038 = arith.constant 512 : i32
    %dma_wait3A_1039 = tpu.memref_slice %arg7[%dma_wait3A_1038] : memref<1024xi32, #tpu.memory_space<vmem>> -> memref<32xi32, #tpu.memory_space<vmem>>
    %dma_wait3A_1040 = arith.constant 0 : i32
    %dma_wait3A_1041 = arith.constant 0 : i32
    %dma_wait3A_1042 = tpu.memref_slice %arg3[%dma_wait3A_1040, %dma_wait3A_1041] : memref<8194x1024xf32, #tpu.memory_space<hbm>> -> memref<8194x1024xf32, #tpu.memory_space<hbm>>
    tpu.wait_indirect_dma semaphore(%arg12 : memref<!tpu.dma_semaphore, #tpu.memory_space<semaphore_mem>>) src(%dma_wait3A_1042 : memref<8194x1024xf32, #tpu.memory_space<hbm>>) dst(%arg9 : memref<32x1024xf32, #tpu.memory_space<vmem>>)
    %add3A_1043 = arith.constant 512 : i32
    %add3A_1044 = arith.addi %mul3A_2, %add3A_1043 : i32
    %dma_start3A_1045 = arith.constant 0 : i32
    %dma_start3A_1046 = tpu.memref_slice %arg4[%add3A_1044, %dma_start3A_1045] : memref<32768x1024xf32, #tpu.memory_space<hbm>> -> memref<32x1024xf32, #tpu.memory_space<hbm>>
    %dma_start3A_1047 = arith.constant 0 : i32
    %dma_start3A_1048 = tpu.memref_slice %arg4[%add3A_1044, %dma_start3A_1047] : memref<32768x1024xf32, #tpu.memory_space<hbm>> -> memref<32x1024xf32, #tpu.memory_space<hbm>>
    tpu.enqueue_dma source(%arg9 : memref<32x1024xf32, #tpu.memory_space<vmem>>) target(%dma_start3A_1048 : memref<32x1024xf32, #tpu.memory_space<hbm>>) target_semaphore(%arg15 : memref<!tpu.dma_semaphore, #tpu.memory_space<semaphore_mem>>)
    %get3A_1049 = arith.constant 576 : index
    %get3A_1050 = tpu.vector_load %arg5[%get3A_1049] {strides = array<i32>} : memref<1024xi32, #tpu.memory_space<vmem>>, vector<16xi32>,
    %neg3A_1051 = arith.constant 0 : i32
    %neg3A_1052 = vector.broadcast %neg3A_1051 : i32 to vector<16xi32>
    %neg3A_1053 = arith.subi %neg3A_1052, %get3A_1050 : vector<16xi32>
    %or3A_1054 = arith.ori %get3A_1050, %neg3A_1053 : vector<16xi32>
    %shift_right_logical3A_1055 = arith.constant 31 : i32
    %shift_right_logical3A_1056 = vector.broadcast %shift_right_logical3A_1055 : i32 to vector<16xi32>
    %shift_right_logical3A_1057 = arith.shrui %or3A_1054, %shift_right_logical3A_1056 : vector<16xi32>
    %broadcast_in_dim3A_1058 = arith.constant true
    %broadcast_in_dim3A_1059 = vector.broadcast %broadcast_in_dim3A_1058 : i1 to vector<16xi1>
    %masked_cumsum3A_1060 = tpu.scan <sum>, %shift_right_logical3A_1057 masked %broadcast_in_dim3A_1059 : vector<16xi32>, vector<16xi1> -> vector<16xi32>
    %add3A_1061 = vector.broadcast %squeeze3A_1028 : i32 to vector<16xi32>
    %add3A_1062 = arith.addi %masked_cumsum3A_1060, %add3A_1061 : vector<16xi32>
    %mul3A_1063 = arith.muli %add3A_1062, %shift_right_logical3A_1057 : vector<16xi32>
    %swap3A_1064 = arith.constant 576 : index
    %swap3A_1065 = tpu.vector_load %arg7[%swap3A_1064] {strides = array<i32>} : memref<1024xi32, #tpu.memory_space<vmem>>, vector<16xi32>,
    tpu.vector_store %arg7[%swap3A_1064], %mul3A_1063 {strides = array<i32>} : memref<1024xi32, #tpu.memory_space<vmem>>, vector<16xi32>,
    %slice3A_1066 = vector.extract_strided_slice %add3A_1062 {offsets = [15], sizes = [1], strides = [1]} : vector<16xi32> to vector<1xi32>
    %squeeze3A_1067 = vector.extract %slice3A_1066[0] : i32 from vector<1xi32>
    %get3A_1068 = arith.constant 592 : index
    %get3A_1069 = tpu.vector_load %arg5[%get3A_1068] {strides = array<i32>} : memref<1024xi32, #tpu.memory_space<vmem>>, vector<16xi32>,
    %neg3A_1070 = arith.constant 0 : i32
    %neg3A_1071 = vector.broadcast %neg3A_1070 : i32 to vector<16xi32>
    %neg3A_1072 = arith.subi %neg3A_1071, %get3A_1069 : vector<16xi32>
    %or3A_1073 = arith.ori %get3A_1069, %neg3A_1072 : vector<16xi32>
    %shift_right_logical3A_1074 = arith.constant 31 : i32
    %shift_right_logical3A_1075 = vector.broadcast %shift_right_logical3A_1074 : i32 to vector<16xi32>
    %shift_right_logical3A_1076 = arith.shrui %or3A_1073, %shift_right_logical3A_1075 : vector<16xi32>
    %broadcast_in_dim3A_1077 = arith.constant true
    %broadcast_in_dim3A_1078 = vector.broadcast %broadcast_in_dim3A_1077 : i1 to vector<16xi1>
    %masked_cumsum3A_1079 = tpu.scan <sum>, %shift_right_logical3A_1076 masked %broadcast_in_dim3A_1078 : vector<16xi32>, vector<16xi1> -> vector<16xi32>
    %add3A_1080 = vector.broadcast %squeeze3A_1067 : i32 to vector<16xi32>
    %add3A_1081 = arith.addi %masked_cumsum3A_1079, %add3A_1080 : vector<16xi32>
    %mul3A_1082 = arith.muli %add3A_1081, %shift_right_logical3A_1076 : vector<16xi32>
    %swap3A_1083 = arith.constant 592 : index
    %swap3A_1084 = tpu.vector_load %arg7[%swap3A_1083] {strides = array<i32>} : memref<1024xi32, #tpu.memory_space<vmem>>, vector<16xi32>,
    tpu.vector_store %arg7[%swap3A_1083], %mul3A_1082 {strides = array<i32>} : memref<1024xi32, #tpu.memory_space<vmem>>, vector<16xi32>,
    %slice3A_1085 = vector.extract_strided_slice %add3A_1081 {offsets = [15], sizes = [1], strides = [1]} : vector<16xi32> to vector<1xi32>
    %squeeze3A_1086 = vector.extract %slice3A_1085[0] : i32 from vector<1xi32>
    %dma_wait3A_1087 = arith.constant 0 : i32
    %dma_wait3A_1088 = tpu.memref_slice %arg4[%add3A_986, %dma_wait3A_1087] : memref<32768x1024xf32, #tpu.memory_space<hbm>> -> memref<32x1024xf32, #tpu.memory_space<hbm>>
    %dma_wait3A_1089 = arith.constant 0 : i32
    %dma_wait3A_1090 = tpu.memref_slice %arg4[%add3A_986, %dma_wait3A_1089] : memref<32768x1024xf32, #tpu.memory_space<hbm>> -> memref<32x1024xf32, #tpu.memory_space<hbm>>
    tpu.wait_dma2 semaphore(%arg14 : memref<!tpu.dma_semaphore, #tpu.memory_space<semaphore_mem>>) src(%arg8 : memref<32x1024xf32, #tpu.memory_space<vmem>>) dst(%dma_wait3A_1090 : memref<32x1024xf32, #tpu.memory_space<hbm>>)
    %dma_start3A_1091 = arith.constant 576 : i32
    %dma_start3A_1092 = tpu.memref_slice %arg7[%dma_start3A_1091] : memref<1024xi32, #tpu.memory_space<vmem>> -> memref<32xi32, #tpu.memory_space<vmem>>
    %dma_start3A_1093 = arith.constant 0 : i32
    %dma_start3A_1094 = arith.constant 0 : i32
    %dma_start3A_1095 = tpu.memref_slice %arg3[%dma_start3A_1093, %dma_start3A_1094] : memref<8194x1024xf32, #tpu.memory_space<hbm>> -> memref<8194x1024xf32, #tpu.memory_space<hbm>>
    tpu.enqueue_indirect_dma source(%dma_start3A_1095 : memref<8194x1024xf32, #tpu.memory_space<hbm>>) target(%arg8 : memref<32x1024xf32, #tpu.memory_space<vmem>>) offsets(%dma_start3A_1092 : memref<32xi32, #tpu.memory_space<vmem>>) semaphore(%arg11 : memref<!tpu.dma_semaphore, #tpu.memory_space<semaphore_mem>>)
    %dma_wait3A_1096 = arith.constant 544 : i32
    %dma_wait3A_1097 = tpu.memref_slice %arg7[%dma_wait3A_1096] : memref<1024xi32, #tpu.memory_space<vmem>> -> memref<32xi32, #tpu.memory_space<vmem>>
    %dma_wait3A_1098 = arith.constant 0 : i32
    %dma_wait3A_1099 = arith.constant 0 : i32
    %dma_wait3A_1100 = tpu.memref_slice %arg3[%dma_wait3A_1098, %dma_wait3A_1099] : memref<8194x1024xf32, #tpu.memory_space<hbm>> -> memref<8194x1024xf32, #tpu.memory_space<hbm>>
    tpu.wait_indirect_dma semaphore(%arg13 : memref<!tpu.dma_semaphore, #tpu.memory_space<semaphore_mem>>) src(%dma_wait3A_1100 : memref<8194x1024xf32, #tpu.memory_space<hbm>>) dst(%arg10 : memref<32x1024xf32, #tpu.memory_space<vmem>>)
    %add3A_1101 = arith.constant 544 : i32
    %add3A_1102 = arith.addi %mul3A_2, %add3A_1101 : i32
    %dma_start3A_1103 = arith.constant 0 : i32
    %dma_start3A_1104 = tpu.memref_slice %arg4[%add3A_1102, %dma_start3A_1103] : memref<32768x1024xf32, #tpu.memory_space<hbm>> -> memref<32x1024xf32, #tpu.memory_space<hbm>>
    %dma_start3A_1105 = arith.constant 0 : i32
    %dma_start3A_1106 = tpu.memref_slice %arg4[%add3A_1102, %dma_start3A_1105] : memref<32768x1024xf32, #tpu.memory_space<hbm>> -> memref<32x1024xf32, #tpu.memory_space<hbm>>
    tpu.enqueue_dma source(%arg10 : memref<32x1024xf32, #tpu.memory_space<vmem>>) target(%dma_start3A_1106 : memref<32x1024xf32, #tpu.memory_space<hbm>>) target_semaphore(%arg16 : memref<!tpu.dma_semaphore, #tpu.memory_space<semaphore_mem>>)
    %get3A_1107 = arith.constant 608 : index
    %get3A_1108 = tpu.vector_load %arg5[%get3A_1107] {strides = array<i32>} : memref<1024xi32, #tpu.memory_space<vmem>>, vector<16xi32>,
    %neg3A_1109 = arith.constant 0 : i32
    %neg3A_1110 = vector.broadcast %neg3A_1109 : i32 to vector<16xi32>
    %neg3A_1111 = arith.subi %neg3A_1110, %get3A_1108 : vector<16xi32>
    %or3A_1112 = arith.ori %get3A_1108, %neg3A_1111 : vector<16xi32>
    %shift_right_logical3A_1113 = arith.constant 31 : i32
    %shift_right_logical3A_1114 = vector.broadcast %shift_right_logical3A_1113 : i32 to vector<16xi32>
    %shift_right_logical3A_1115 = arith.shrui %or3A_1112, %shift_right_logical3A_1114 : vector<16xi32>
    %broadcast_in_dim3A_1116 = arith.constant true
    %broadcast_in_dim3A_1117 = vector.broadcast %broadcast_in_dim3A_1116 : i1 to vector<16xi1>
    %masked_cumsum3A_1118 = tpu.scan <sum>, %shift_right_logical3A_1115 masked %broadcast_in_dim3A_1117 : vector<16xi32>, vector<16xi1> -> vector<16xi32>
    %add3A_1119 = vector.broadcast %squeeze3A_1086 : i32 to vector<16xi32>
    %add3A_1120 = arith.addi %masked_cumsum3A_1118, %add3A_1119 : vector<16xi32>
    %mul3A_1121 = arith.muli %add3A_1120, %shift_right_logical3A_1115 : vector<16xi32>
    %swap3A_1122 = arith.constant 608 : index
    %swap3A_1123 = tpu.vector_load %arg7[%swap3A_1122] {strides = array<i32>} : memref<1024xi32, #tpu.memory_space<vmem>>, vector<16xi32>,
    tpu.vector_store %arg7[%swap3A_1122], %mul3A_1121 {strides = array<i32>} : memref<1024xi32, #tpu.memory_space<vmem>>, vector<16xi32>,
    %slice3A_1124 = vector.extract_strided_slice %add3A_1120 {offsets = [15], sizes = [1], strides = [1]} : vector<16xi32> to vector<1xi32>
    %squeeze3A_1125 = vector.extract %slice3A_1124[0] : i32 from vector<1xi32>
    %get3A_1126 = arith.constant 624 : index
    %get3A_1127 = tpu.vector_load %arg5[%get3A_1126] {strides = array<i32>} : memref<1024xi32, #tpu.memory_space<vmem>>, vector<16xi32>,
    %neg3A_1128 = arith.constant 0 : i32
    %neg3A_1129 = vector.broadcast %neg3A_1128 : i32 to vector<16xi32>
    %neg3A_1130 = arith.subi %neg3A_1129, %get3A_1127 : vector<16xi32>
    %or3A_1131 = arith.ori %get3A_1127, %neg3A_1130 : vector<16xi32>
    %shift_right_logical3A_1132 = arith.constant 31 : i32
    %shift_right_logical3A_1133 = vector.broadcast %shift_right_logical3A_1132 : i32 to vector<16xi32>
    %shift_right_logical3A_1134 = arith.shrui %or3A_1131, %shift_right_logical3A_1133 : vector<16xi32>
    %broadcast_in_dim3A_1135 = arith.constant true
    %broadcast_in_dim3A_1136 = vector.broadcast %broadcast_in_dim3A_1135 : i1 to vector<16xi1>
    %masked_cumsum3A_1137 = tpu.scan <sum>, %shift_right_logical3A_1134 masked %broadcast_in_dim3A_1136 : vector<16xi32>, vector<16xi1> -> vector<16xi32>
    %add3A_1138 = vector.broadcast %squeeze3A_1125 : i32 to vector<16xi32>
    %add3A_1139 = arith.addi %masked_cumsum3A_1137, %add3A_1138 : vector<16xi32>
    %mul3A_1140 = arith.muli %add3A_1139, %shift_right_logical3A_1134 : vector<16xi32>
    %swap3A_1141 = arith.constant 624 : index
    %swap3A_1142 = tpu.vector_load %arg7[%swap3A_1141] {strides = array<i32>} : memref<1024xi32, #tpu.memory_space<vmem>>, vector<16xi32>,
    tpu.vector_store %arg7[%swap3A_1141], %mul3A_1140 {strides = array<i32>} : memref<1024xi32, #tpu.memory_space<vmem>>, vector<16xi32>,
    %slice3A_1143 = vector.extract_strided_slice %add3A_1139 {offsets = [15], sizes = [1], strides = [1]} : vector<16xi32> to vector<1xi32>
    %squeeze3A_1144 = vector.extract %slice3A_1143[0] : i32 from vector<1xi32>
    %dma_wait3A_1145 = arith.constant 0 : i32
    %dma_wait3A_1146 = tpu.memref_slice %arg4[%add3A_1044, %dma_wait3A_1145] : memref<32768x1024xf32, #tpu.memory_space<hbm>> -> memref<32x1024xf32, #tpu.memory_space<hbm>>
    %dma_wait3A_1147 = arith.constant 0 : i32
    %dma_wait3A_1148 = tpu.memref_slice %arg4[%add3A_1044, %dma_wait3A_1147] : memref<32768x1024xf32, #tpu.memory_space<hbm>> -> memref<32x1024xf32, #tpu.memory_space<hbm>>
    tpu.wait_dma2 semaphore(%arg15 : memref<!tpu.dma_semaphore, #tpu.memory_space<semaphore_mem>>) src(%arg9 : memref<32x1024xf32, #tpu.memory_space<vmem>>) dst(%dma_wait3A_1148 : memref<32x1024xf32, #tpu.memory_space<hbm>>)
    %dma_start3A_1149 = arith.constant 608 : i32
    %dma_start3A_1150 = tpu.memref_slice %arg7[%dma_start3A_1149] : memref<1024xi32, #tpu.memory_space<vmem>> -> memref<32xi32, #tpu.memory_space<vmem>>
    %dma_start3A_1151 = arith.constant 0 : i32
    %dma_start3A_1152 = arith.constant 0 : i32
    %dma_start3A_1153 = tpu.memref_slice %arg3[%dma_start3A_1151, %dma_start3A_1152] : memref<8194x1024xf32, #tpu.memory_space<hbm>> -> memref<8194x1024xf32, #tpu.memory_space<hbm>>
    tpu.enqueue_indirect_dma source(%dma_start3A_1153 : memref<8194x1024xf32, #tpu.memory_space<hbm>>) target(%arg9 : memref<32x1024xf32, #tpu.memory_space<vmem>>) offsets(%dma_start3A_1150 : memref<32xi32, #tpu.memory_space<vmem>>) semaphore(%arg12 : memref<!tpu.dma_semaphore, #tpu.memory_space<semaphore_mem>>)
    %dma_wait3A_1154 = arith.constant 576 : i32
    %dma_wait3A_1155 = tpu.memref_slice %arg7[%dma_wait3A_1154] : memref<1024xi32, #tpu.memory_space<vmem>> -> memref<32xi32, #tpu.memory_space<vmem>>
    %dma_wait3A_1156 = arith.constant 0 : i32
    %dma_wait3A_1157 = arith.constant 0 : i32
    %dma_wait3A_1158 = tpu.memref_slice %arg3[%dma_wait3A_1156, %dma_wait3A_1157] : memref<8194x1024xf32, #tpu.memory_space<hbm>> -> memref<8194x1024xf32, #tpu.memory_space<hbm>>
    tpu.wait_indirect_dma semaphore(%arg11 : memref<!tpu.dma_semaphore, #tpu.memory_space<semaphore_mem>>) src(%dma_wait3A_1158 : memref<8194x1024xf32, #tpu.memory_space<hbm>>) dst(%arg8 : memref<32x1024xf32, #tpu.memory_space<vmem>>)
    %add3A_1159 = arith.constant 576 : i32
    %add3A_1160 = arith.addi %mul3A_2, %add3A_1159 : i32
    %dma_start3A_1161 = arith.constant 0 : i32
    %dma_start3A_1162 = tpu.memref_slice %arg4[%add3A_1160, %dma_start3A_1161] : memref<32768x1024xf32, #tpu.memory_space<hbm>> -> memref<32x1024xf32, #tpu.memory_space<hbm>>
    %dma_start3A_1163 = arith.constant 0 : i32
    %dma_start3A_1164 = tpu.memref_slice %arg4[%add3A_1160, %dma_start3A_1163] : memref<32768x1024xf32, #tpu.memory_space<hbm>> -> memref<32x1024xf32, #tpu.memory_space<hbm>>
    tpu.enqueue_dma source(%arg8 : memref<32x1024xf32, #tpu.memory_space<vmem>>) target(%dma_start3A_1164 : memref<32x1024xf32, #tpu.memory_space<hbm>>) target_semaphore(%arg14 : memref<!tpu.dma_semaphore, #tpu.memory_space<semaphore_mem>>)
    %get3A_1165 = arith.constant 640 : index
    %get3A_1166 = tpu.vector_load %arg5[%get3A_1165] {strides = array<i32>} : memref<1024xi32, #tpu.memory_space<vmem>>, vector<16xi32>,
    %neg3A_1167 = arith.constant 0 : i32
    %neg3A_1168 = vector.broadcast %neg3A_1167 : i32 to vector<16xi32>
    %neg3A_1169 = arith.subi %neg3A_1168, %get3A_1166 : vector<16xi32>
    %or3A_1170 = arith.ori %get3A_1166, %neg3A_1169 : vector<16xi32>
    %shift_right_logical3A_1171 = arith.constant 31 : i32
    %shift_right_logical3A_1172 = vector.broadcast %shift_right_logical3A_1171 : i32 to vector<16xi32>
    %shift_right_logical3A_1173 = arith.shrui %or3A_1170, %shift_right_logical3A_1172 : vector<16xi32>
    %broadcast_in_dim3A_1174 = arith.constant true
    %broadcast_in_dim3A_1175 = vector.broadcast %broadcast_in_dim3A_1174 : i1 to vector<16xi1>
    %masked_cumsum3A_1176 = tpu.scan <sum>, %shift_right_logical3A_1173 masked %broadcast_in_dim3A_1175 : vector<16xi32>, vector<16xi1> -> vector<16xi32>
    %add3A_1177 = vector.broadcast %squeeze3A_1144 : i32 to vector<16xi32>
    %add3A_1178 = arith.addi %masked_cumsum3A_1176, %add3A_1177 : vector<16xi32>
    %mul3A_1179 = arith.muli %add3A_1178, %shift_right_logical3A_1173 : vector<16xi32>
    %swap3A_1180 = arith.constant 640 : index
    %swap3A_1181 = tpu.vector_load %arg7[%swap3A_1180] {strides = array<i32>} : memref<1024xi32, #tpu.memory_space<vmem>>, vector<16xi32>,
    tpu.vector_store %arg7[%swap3A_1180], %mul3A_1179 {strides = array<i32>} : memref<1024xi32, #tpu.memory_space<vmem>>, vector<16xi32>,
    %slice3A_1182 = vector.extract_strided_slice %add3A_1178 {offsets = [15], sizes = [1], strides = [1]} : vector<16xi32> to vector<1xi32>
    %squeeze3A_1183 = vector.extract %slice3A_1182[0] : i32 from vector<1xi32>
    %get3A_1184 = arith.constant 656 : index
    %get3A_1185 = tpu.vector_load %arg5[%get3A_1184] {strides = array<i32>} : memref<1024xi32, #tpu.memory_space<vmem>>, vector<16xi32>,
    %neg3A_1186 = arith.constant 0 : i32
    %neg3A_1187 = vector.broadcast %neg3A_1186 : i32 to vector<16xi32>
    %neg3A_1188 = arith.subi %neg3A_1187, %get3A_1185 : vector<16xi32>
    %or3A_1189 = arith.ori %get3A_1185, %neg3A_1188 : vector<16xi32>
    %shift_right_logical3A_1190 = arith.constant 31 : i32
    %shift_right_logical3A_1191 = vector.broadcast %shift_right_logical3A_1190 : i32 to vector<16xi32>
    %shift_right_logical3A_1192 = arith.shrui %or3A_1189, %shift_right_logical3A_1191 : vector<16xi32>
    %broadcast_in_dim3A_1193 = arith.constant true
    %broadcast_in_dim3A_1194 = vector.broadcast %broadcast_in_dim3A_1193 : i1 to vector<16xi1>
    %masked_cumsum3A_1195 = tpu.scan <sum>, %shift_right_logical3A_1192 masked %broadcast_in_dim3A_1194 : vector<16xi32>, vector<16xi1> -> vector<16xi32>
    %add3A_1196 = vector.broadcast %squeeze3A_1183 : i32 to vector<16xi32>
    %add3A_1197 = arith.addi %masked_cumsum3A_1195, %add3A_1196 : vector<16xi32>
    %mul3A_1198 = arith.muli %add3A_1197, %shift_right_logical3A_1192 : vector<16xi32>
    %swap3A_1199 = arith.constant 656 : index
    %swap3A_1200 = tpu.vector_load %arg7[%swap3A_1199] {strides = array<i32>} : memref<1024xi32, #tpu.memory_space<vmem>>, vector<16xi32>,
    tpu.vector_store %arg7[%swap3A_1199], %mul3A_1198 {strides = array<i32>} : memref<1024xi32, #tpu.memory_space<vmem>>, vector<16xi32>,
    %slice3A_1201 = vector.extract_strided_slice %add3A_1197 {offsets = [15], sizes = [1], strides = [1]} : vector<16xi32> to vector<1xi32>
    %squeeze3A_1202 = vector.extract %slice3A_1201[0] : i32 from vector<1xi32>
    %dma_wait3A_1203 = arith.constant 0 : i32
    %dma_wait3A_1204 = tpu.memref_slice %arg4[%add3A_1102, %dma_wait3A_1203] : memref<32768x1024xf32, #tpu.memory_space<hbm>> -> memref<32x1024xf32, #tpu.memory_space<hbm>>
    %dma_wait3A_1205 = arith.constant 0 : i32
    %dma_wait3A_1206 = tpu.memref_slice %arg4[%add3A_1102, %dma_wait3A_1205] : memref<32768x1024xf32, #tpu.memory_space<hbm>> -> memref<32x1024xf32, #tpu.memory_space<hbm>>
    tpu.wait_dma2 semaphore(%arg16 : memref<!tpu.dma_semaphore, #tpu.memory_space<semaphore_mem>>) src(%arg10 : memref<32x1024xf32, #tpu.memory_space<vmem>>) dst(%dma_wait3A_1206 : memref<32x1024xf32, #tpu.memory_space<hbm>>)
    %dma_start3A_1207 = arith.constant 640 : i32
    %dma_start3A_1208 = tpu.memref_slice %arg7[%dma_start3A_1207] : memref<1024xi32, #tpu.memory_space<vmem>> -> memref<32xi32, #tpu.memory_space<vmem>>
    %dma_start3A_1209 = arith.constant 0 : i32
    %dma_start3A_1210 = arith.constant 0 : i32
    %dma_start3A_1211 = tpu.memref_slice %arg3[%dma_start3A_1209, %dma_start3A_1210] : memref<8194x1024xf32, #tpu.memory_space<hbm>> -> memref<8194x1024xf32, #tpu.memory_space<hbm>>
    tpu.enqueue_indirect_dma source(%dma_start3A_1211 : memref<8194x1024xf32, #tpu.memory_space<hbm>>) target(%arg10 : memref<32x1024xf32, #tpu.memory_space<vmem>>) offsets(%dma_start3A_1208 : memref<32xi32, #tpu.memory_space<vmem>>) semaphore(%arg13 : memref<!tpu.dma_semaphore, #tpu.memory_space<semaphore_mem>>)
    %dma_wait3A_1212 = arith.constant 608 : i32
    %dma_wait3A_1213 = tpu.memref_slice %arg7[%dma_wait3A_1212] : memref<1024xi32, #tpu.memory_space<vmem>> -> memref<32xi32, #tpu.memory_space<vmem>>
    %dma_wait3A_1214 = arith.constant 0 : i32
    %dma_wait3A_1215 = arith.constant 0 : i32
    %dma_wait3A_1216 = tpu.memref_slice %arg3[%dma_wait3A_1214, %dma_wait3A_1215] : memref<8194x1024xf32, #tpu.memory_space<hbm>> -> memref<8194x1024xf32, #tpu.memory_space<hbm>>
    tpu.wait_indirect_dma semaphore(%arg12 : memref<!tpu.dma_semaphore, #tpu.memory_space<semaphore_mem>>) src(%dma_wait3A_1216 : memref<8194x1024xf32, #tpu.memory_space<hbm>>) dst(%arg9 : memref<32x1024xf32, #tpu.memory_space<vmem>>)
    %add3A_1217 = arith.constant 608 : i32
    %add3A_1218 = arith.addi %mul3A_2, %add3A_1217 : i32
    %dma_start3A_1219 = arith.constant 0 : i32
    %dma_start3A_1220 = tpu.memref_slice %arg4[%add3A_1218, %dma_start3A_1219] : memref<32768x1024xf32, #tpu.memory_space<hbm>> -> memref<32x1024xf32, #tpu.memory_space<hbm>>
    %dma_start3A_1221 = arith.constant 0 : i32
    %dma_start3A_1222 = tpu.memref_slice %arg4[%add3A_1218, %dma_start3A_1221] : memref<32768x1024xf32, #tpu.memory_space<hbm>> -> memref<32x1024xf32, #tpu.memory_space<hbm>>
    tpu.enqueue_dma source(%arg9 : memref<32x1024xf32, #tpu.memory_space<vmem>>) target(%dma_start3A_1222 : memref<32x1024xf32, #tpu.memory_space<hbm>>) target_semaphore(%arg15 : memref<!tpu.dma_semaphore, #tpu.memory_space<semaphore_mem>>)
    %get3A_1223 = arith.constant 672 : index
    %get3A_1224 = tpu.vector_load %arg5[%get3A_1223] {strides = array<i32>} : memref<1024xi32, #tpu.memory_space<vmem>>, vector<16xi32>,
    %neg3A_1225 = arith.constant 0 : i32
    %neg3A_1226 = vector.broadcast %neg3A_1225 : i32 to vector<16xi32>
    %neg3A_1227 = arith.subi %neg3A_1226, %get3A_1224 : vector<16xi32>
    %or3A_1228 = arith.ori %get3A_1224, %neg3A_1227 : vector<16xi32>
    %shift_right_logical3A_1229 = arith.constant 31 : i32
    %shift_right_logical3A_1230 = vector.broadcast %shift_right_logical3A_1229 : i32 to vector<16xi32>
    %shift_right_logical3A_1231 = arith.shrui %or3A_1228, %shift_right_logical3A_1230 : vector<16xi32>
    %broadcast_in_dim3A_1232 = arith.constant true
    %broadcast_in_dim3A_1233 = vector.broadcast %broadcast_in_dim3A_1232 : i1 to vector<16xi1>
    %masked_cumsum3A_1234 = tpu.scan <sum>, %shift_right_logical3A_1231 masked %broadcast_in_dim3A_1233 : vector<16xi32>, vector<16xi1> -> vector<16xi32>
    %add3A_1235 = vector.broadcast %squeeze3A_1202 : i32 to vector<16xi32>
    %add3A_1236 = arith.addi %masked_cumsum3A_1234, %add3A_1235 : vector<16xi32>
    %mul3A_1237 = arith.muli %add3A_1236, %shift_right_logical3A_1231 : vector<16xi32>
    %swap3A_1238 = arith.constant 672 : index
    %swap3A_1239 = tpu.vector_load %arg7[%swap3A_1238] {strides = array<i32>} : memref<1024xi32, #tpu.memory_space<vmem>>, vector<16xi32>,
    tpu.vector_store %arg7[%swap3A_1238], %mul3A_1237 {strides = array<i32>} : memref<1024xi32, #tpu.memory_space<vmem>>, vector<16xi32>,
    %slice3A_1240 = vector.extract_strided_slice %add3A_1236 {offsets = [15], sizes = [1], strides = [1]} : vector<16xi32> to vector<1xi32>
    %squeeze3A_1241 = vector.extract %slice3A_1240[0] : i32 from vector<1xi32>
    %get3A_1242 = arith.constant 688 : index
    %get3A_1243 = tpu.vector_load %arg5[%get3A_1242] {strides = array<i32>} : memref<1024xi32, #tpu.memory_space<vmem>>, vector<16xi32>,
    %neg3A_1244 = arith.constant 0 : i32
    %neg3A_1245 = vector.broadcast %neg3A_1244 : i32 to vector<16xi32>
    %neg3A_1246 = arith.subi %neg3A_1245, %get3A_1243 : vector<16xi32>
    %or3A_1247 = arith.ori %get3A_1243, %neg3A_1246 : vector<16xi32>
    %shift_right_logical3A_1248 = arith.constant 31 : i32
    %shift_right_logical3A_1249 = vector.broadcast %shift_right_logical3A_1248 : i32 to vector<16xi32>
    %shift_right_logical3A_1250 = arith.shrui %or3A_1247, %shift_right_logical3A_1249 : vector<16xi32>
    %broadcast_in_dim3A_1251 = arith.constant true
    %broadcast_in_dim3A_1252 = vector.broadcast %broadcast_in_dim3A_1251 : i1 to vector<16xi1>
    %masked_cumsum3A_1253 = tpu.scan <sum>, %shift_right_logical3A_1250 masked %broadcast_in_dim3A_1252 : vector<16xi32>, vector<16xi1> -> vector<16xi32>
    %add3A_1254 = vector.broadcast %squeeze3A_1241 : i32 to vector<16xi32>
    %add3A_1255 = arith.addi %masked_cumsum3A_1253, %add3A_1254 : vector<16xi32>
    %mul3A_1256 = arith.muli %add3A_1255, %shift_right_logical3A_1250 : vector<16xi32>
    %swap3A_1257 = arith.constant 688 : index
    %swap3A_1258 = tpu.vector_load %arg7[%swap3A_1257] {strides = array<i32>} : memref<1024xi32, #tpu.memory_space<vmem>>, vector<16xi32>,
    tpu.vector_store %arg7[%swap3A_1257], %mul3A_1256 {strides = array<i32>} : memref<1024xi32, #tpu.memory_space<vmem>>, vector<16xi32>,
    %slice3A_1259 = vector.extract_strided_slice %add3A_1255 {offsets = [15], sizes = [1], strides = [1]} : vector<16xi32> to vector<1xi32>
    %squeeze3A_1260 = vector.extract %slice3A_1259[0] : i32 from vector<1xi32>
    %dma_wait3A_1261 = arith.constant 0 : i32
    %dma_wait3A_1262 = tpu.memref_slice %arg4[%add3A_1160, %dma_wait3A_1261] : memref<32768x1024xf32, #tpu.memory_space<hbm>> -> memref<32x1024xf32, #tpu.memory_space<hbm>>
    %dma_wait3A_1263 = arith.constant 0 : i32
    %dma_wait3A_1264 = tpu.memref_slice %arg4[%add3A_1160, %dma_wait3A_1263] : memref<32768x1024xf32, #tpu.memory_space<hbm>> -> memref<32x1024xf32, #tpu.memory_space<hbm>>
    tpu.wait_dma2 semaphore(%arg14 : memref<!tpu.dma_semaphore, #tpu.memory_space<semaphore_mem>>) src(%arg8 : memref<32x1024xf32, #tpu.memory_space<vmem>>) dst(%dma_wait3A_1264 : memref<32x1024xf32, #tpu.memory_space<hbm>>)
    %dma_start3A_1265 = arith.constant 672 : i32
    %dma_start3A_1266 = tpu.memref_slice %arg7[%dma_start3A_1265] : memref<1024xi32, #tpu.memory_space<vmem>> -> memref<32xi32, #tpu.memory_space<vmem>>
    %dma_start3A_1267 = arith.constant 0 : i32
    %dma_start3A_1268 = arith.constant 0 : i32
    %dma_start3A_1269 = tpu.memref_slice %arg3[%dma_start3A_1267, %dma_start3A_1268] : memref<8194x1024xf32, #tpu.memory_space<hbm>> -> memref<8194x1024xf32, #tpu.memory_space<hbm>>
    tpu.enqueue_indirect_dma source(%dma_start3A_1269 : memref<8194x1024xf32, #tpu.memory_space<hbm>>) target(%arg8 : memref<32x1024xf32, #tpu.memory_space<vmem>>) offsets(%dma_start3A_1266 : memref<32xi32, #tpu.memory_space<vmem>>) semaphore(%arg11 : memref<!tpu.dma_semaphore, #tpu.memory_space<semaphore_mem>>)
    %dma_wait3A_1270 = arith.constant 640 : i32
    %dma_wait3A_1271 = tpu.memref_slice %arg7[%dma_wait3A_1270] : memref<1024xi32, #tpu.memory_space<vmem>> -> memref<32xi32, #tpu.memory_space<vmem>>
    %dma_wait3A_1272 = arith.constant 0 : i32
    %dma_wait3A_1273 = arith.constant 0 : i32
    %dma_wait3A_1274 = tpu.memref_slice %arg3[%dma_wait3A_1272, %dma_wait3A_1273] : memref<8194x1024xf32, #tpu.memory_space<hbm>> -> memref<8194x1024xf32, #tpu.memory_space<hbm>>
    tpu.wait_indirect_dma semaphore(%arg13 : memref<!tpu.dma_semaphore, #tpu.memory_space<semaphore_mem>>) src(%dma_wait3A_1274 : memref<8194x1024xf32, #tpu.memory_space<hbm>>) dst(%arg10 : memref<32x1024xf32, #tpu.memory_space<vmem>>)
    %add3A_1275 = arith.constant 640 : i32
    %add3A_1276 = arith.addi %mul3A_2, %add3A_1275 : i32
    %dma_start3A_1277 = arith.constant 0 : i32
    %dma_start3A_1278 = tpu.memref_slice %arg4[%add3A_1276, %dma_start3A_1277] : memref<32768x1024xf32, #tpu.memory_space<hbm>> -> memref<32x1024xf32, #tpu.memory_space<hbm>>
    %dma_start3A_1279 = arith.constant 0 : i32
    %dma_start3A_1280 = tpu.memref_slice %arg4[%add3A_1276, %dma_start3A_1279] : memref<32768x1024xf32, #tpu.memory_space<hbm>> -> memref<32x1024xf32, #tpu.memory_space<hbm>>
    tpu.enqueue_dma source(%arg10 : memref<32x1024xf32, #tpu.memory_space<vmem>>) target(%dma_start3A_1280 : memref<32x1024xf32, #tpu.memory_space<hbm>>) target_semaphore(%arg16 : memref<!tpu.dma_semaphore, #tpu.memory_space<semaphore_mem>>)
    %get3A_1281 = arith.constant 704 : index
    %get3A_1282 = tpu.vector_load %arg5[%get3A_1281] {strides = array<i32>} : memref<1024xi32, #tpu.memory_space<vmem>>, vector<16xi32>,
    %neg3A_1283 = arith.constant 0 : i32
    %neg3A_1284 = vector.broadcast %neg3A_1283 : i32 to vector<16xi32>
    %neg3A_1285 = arith.subi %neg3A_1284, %get3A_1282 : vector<16xi32>
    %or3A_1286 = arith.ori %get3A_1282, %neg3A_1285 : vector<16xi32>
    %shift_right_logical3A_1287 = arith.constant 31 : i32
    %shift_right_logical3A_1288 = vector.broadcast %shift_right_logical3A_1287 : i32 to vector<16xi32>
    %shift_right_logical3A_1289 = arith.shrui %or3A_1286, %shift_right_logical3A_1288 : vector<16xi32>
    %broadcast_in_dim3A_1290 = arith.constant true
    %broadcast_in_dim3A_1291 = vector.broadcast %broadcast_in_dim3A_1290 : i1 to vector<16xi1>
    %masked_cumsum3A_1292 = tpu.scan <sum>, %shift_right_logical3A_1289 masked %broadcast_in_dim3A_1291 : vector<16xi32>, vector<16xi1> -> vector<16xi32>
    %add3A_1293 = vector.broadcast %squeeze3A_1260 : i32 to vector<16xi32>
    %add3A_1294 = arith.addi %masked_cumsum3A_1292, %add3A_1293 : vector<16xi32>
    %mul3A_1295 = arith.muli %add3A_1294, %shift_right_logical3A_1289 : vector<16xi32>
    %swap3A_1296 = arith.constant 704 : index
    %swap3A_1297 = tpu.vector_load %arg7[%swap3A_1296] {strides = array<i32>} : memref<1024xi32, #tpu.memory_space<vmem>>, vector<16xi32>,
    tpu.vector_store %arg7[%swap3A_1296], %mul3A_1295 {strides = array<i32>} : memref<1024xi32, #tpu.memory_space<vmem>>, vector<16xi32>,
    %slice3A_1298 = vector.extract_strided_slice %add3A_1294 {offsets = [15], sizes = [1], strides = [1]} : vector<16xi32> to vector<1xi32>
    %squeeze3A_1299 = vector.extract %slice3A_1298[0] : i32 from vector<1xi32>
    %get3A_1300 = arith.constant 720 : index
    %get3A_1301 = tpu.vector_load %arg5[%get3A_1300] {strides = array<i32>} : memref<1024xi32, #tpu.memory_space<vmem>>, vector<16xi32>,
    %neg3A_1302 = arith.constant 0 : i32
    %neg3A_1303 = vector.broadcast %neg3A_1302 : i32 to vector<16xi32>
    %neg3A_1304 = arith.subi %neg3A_1303, %get3A_1301 : vector<16xi32>
    %or3A_1305 = arith.ori %get3A_1301, %neg3A_1304 : vector<16xi32>
    %shift_right_logical3A_1306 = arith.constant 31 : i32
    %shift_right_logical3A_1307 = vector.broadcast %shift_right_logical3A_1306 : i32 to vector<16xi32>
    %shift_right_logical3A_1308 = arith.shrui %or3A_1305, %shift_right_logical3A_1307 : vector<16xi32>
    %broadcast_in_dim3A_1309 = arith.constant true
    %broadcast_in_dim3A_1310 = vector.broadcast %broadcast_in_dim3A_1309 : i1 to vector<16xi1>
    %masked_cumsum3A_1311 = tpu.scan <sum>, %shift_right_logical3A_1308 masked %broadcast_in_dim3A_1310 : vector<16xi32>, vector<16xi1> -> vector<16xi32>
    %add3A_1312 = vector.broadcast %squeeze3A_1299 : i32 to vector<16xi32>
    %add3A_1313 = arith.addi %masked_cumsum3A_1311, %add3A_1312 : vector<16xi32>
    %mul3A_1314 = arith.muli %add3A_1313, %shift_right_logical3A_1308 : vector<16xi32>
    %swap3A_1315 = arith.constant 720 : index
    %swap3A_1316 = tpu.vector_load %arg7[%swap3A_1315] {strides = array<i32>} : memref<1024xi32, #tpu.memory_space<vmem>>, vector<16xi32>,
    tpu.vector_store %arg7[%swap3A_1315], %mul3A_1314 {strides = array<i32>} : memref<1024xi32, #tpu.memory_space<vmem>>, vector<16xi32>,
    %slice3A_1317 = vector.extract_strided_slice %add3A_1313 {offsets = [15], sizes = [1], strides = [1]} : vector<16xi32> to vector<1xi32>
    %squeeze3A_1318 = vector.extract %slice3A_1317[0] : i32 from vector<1xi32>
    %dma_wait3A_1319 = arith.constant 0 : i32
    %dma_wait3A_1320 = tpu.memref_slice %arg4[%add3A_1218, %dma_wait3A_1319] : memref<32768x1024xf32, #tpu.memory_space<hbm>> -> memref<32x1024xf32, #tpu.memory_space<hbm>>
    %dma_wait3A_1321 = arith.constant 0 : i32
    %dma_wait3A_1322 = tpu.memref_slice %arg4[%add3A_1218, %dma_wait3A_1321] : memref<32768x1024xf32, #tpu.memory_space<hbm>> -> memref<32x1024xf32, #tpu.memory_space<hbm>>
    tpu.wait_dma2 semaphore(%arg15 : memref<!tpu.dma_semaphore, #tpu.memory_space<semaphore_mem>>) src(%arg9 : memref<32x1024xf32, #tpu.memory_space<vmem>>) dst(%dma_wait3A_1322 : memref<32x1024xf32, #tpu.memory_space<hbm>>)
    %dma_start3A_1323 = arith.constant 704 : i32
    %dma_start3A_1324 = tpu.memref_slice %arg7[%dma_start3A_1323] : memref<1024xi32, #tpu.memory_space<vmem>> -> memref<32xi32, #tpu.memory_space<vmem>>
    %dma_start3A_1325 = arith.constant 0 : i32
    %dma_start3A_1326 = arith.constant 0 : i32
    %dma_start3A_1327 = tpu.memref_slice %arg3[%dma_start3A_1325, %dma_start3A_1326] : memref<8194x1024xf32, #tpu.memory_space<hbm>> -> memref<8194x1024xf32, #tpu.memory_space<hbm>>
    tpu.enqueue_indirect_dma source(%dma_start3A_1327 : memref<8194x1024xf32, #tpu.memory_space<hbm>>) target(%arg9 : memref<32x1024xf32, #tpu.memory_space<vmem>>) offsets(%dma_start3A_1324 : memref<32xi32, #tpu.memory_space<vmem>>) semaphore(%arg12 : memref<!tpu.dma_semaphore, #tpu.memory_space<semaphore_mem>>)
    %dma_wait3A_1328 = arith.constant 672 : i32
    %dma_wait3A_1329 = tpu.memref_slice %arg7[%dma_wait3A_1328] : memref<1024xi32, #tpu.memory_space<vmem>> -> memref<32xi32, #tpu.memory_space<vmem>>
    %dma_wait3A_1330 = arith.constant 0 : i32
    %dma_wait3A_1331 = arith.constant 0 : i32
    %dma_wait3A_1332 = tpu.memref_slice %arg3[%dma_wait3A_1330, %dma_wait3A_1331] : memref<8194x1024xf32, #tpu.memory_space<hbm>> -> memref<8194x1024xf32, #tpu.memory_space<hbm>>
    tpu.wait_indirect_dma semaphore(%arg11 : memref<!tpu.dma_semaphore, #tpu.memory_space<semaphore_mem>>) src(%dma_wait3A_1332 : memref<8194x1024xf32, #tpu.memory_space<hbm>>) dst(%arg8 : memref<32x1024xf32, #tpu.memory_space<vmem>>)
    %add3A_1333 = arith.constant 672 : i32
    %add3A_1334 = arith.addi %mul3A_2, %add3A_1333 : i32
    %dma_start3A_1335 = arith.constant 0 : i32
    %dma_start3A_1336 = tpu.memref_slice %arg4[%add3A_1334, %dma_start3A_1335] : memref<32768x1024xf32, #tpu.memory_space<hbm>> -> memref<32x1024xf32, #tpu.memory_space<hbm>>
    %dma_start3A_1337 = arith.constant 0 : i32
    %dma_start3A_1338 = tpu.memref_slice %arg4[%add3A_1334, %dma_start3A_1337] : memref<32768x1024xf32, #tpu.memory_space<hbm>> -> memref<32x1024xf32, #tpu.memory_space<hbm>>
    tpu.enqueue_dma source(%arg8 : memref<32x1024xf32, #tpu.memory_space<vmem>>) target(%dma_start3A_1338 : memref<32x1024xf32, #tpu.memory_space<hbm>>) target_semaphore(%arg14 : memref<!tpu.dma_semaphore, #tpu.memory_space<semaphore_mem>>)
    %get3A_1339 = arith.constant 736 : index
    %get3A_1340 = tpu.vector_load %arg5[%get3A_1339] {strides = array<i32>} : memref<1024xi32, #tpu.memory_space<vmem>>, vector<16xi32>,
    %neg3A_1341 = arith.constant 0 : i32
    %neg3A_1342 = vector.broadcast %neg3A_1341 : i32 to vector<16xi32>
    %neg3A_1343 = arith.subi %neg3A_1342, %get3A_1340 : vector<16xi32>
    %or3A_1344 = arith.ori %get3A_1340, %neg3A_1343 : vector<16xi32>
    %shift_right_logical3A_1345 = arith.constant 31 : i32
    %shift_right_logical3A_1346 = vector.broadcast %shift_right_logical3A_1345 : i32 to vector<16xi32>
    %shift_right_logical3A_1347 = arith.shrui %or3A_1344, %shift_right_logical3A_1346 : vector<16xi32>
    %broadcast_in_dim3A_1348 = arith.constant true
    %broadcast_in_dim3A_1349 = vector.broadcast %broadcast_in_dim3A_1348 : i1 to vector<16xi1>
    %masked_cumsum3A_1350 = tpu.scan <sum>, %shift_right_logical3A_1347 masked %broadcast_in_dim3A_1349 : vector<16xi32>, vector<16xi1> -> vector<16xi32>
    %add3A_1351 = vector.broadcast %squeeze3A_1318 : i32 to vector<16xi32>
    %add3A_1352 = arith.addi %masked_cumsum3A_1350, %add3A_1351 : vector<16xi32>
    %mul3A_1353 = arith.muli %add3A_1352, %shift_right_logical3A_1347 : vector<16xi32>
    %swap3A_1354 = arith.constant 736 : index
    %swap3A_1355 = tpu.vector_load %arg7[%swap3A_1354] {strides = array<i32>} : memref<1024xi32, #tpu.memory_space<vmem>>, vector<16xi32>,
    tpu.vector_store %arg7[%swap3A_1354], %mul3A_1353 {strides = array<i32>} : memref<1024xi32, #tpu.memory_space<vmem>>, vector<16xi32>,
    %slice3A_1356 = vector.extract_strided_slice %add3A_1352 {offsets = [15], sizes = [1], strides = [1]} : vector<16xi32> to vector<1xi32>
    %squeeze3A_1357 = vector.extract %slice3A_1356[0] : i32 from vector<1xi32>
    %get3A_1358 = arith.constant 752 : index
    %get3A_1359 = tpu.vector_load %arg5[%get3A_1358] {strides = array<i32>} : memref<1024xi32, #tpu.memory_space<vmem>>, vector<16xi32>,
    %neg3A_1360 = arith.constant 0 : i32
    %neg3A_1361 = vector.broadcast %neg3A_1360 : i32 to vector<16xi32>
    %neg3A_1362 = arith.subi %neg3A_1361, %get3A_1359 : vector<16xi32>
    %or3A_1363 = arith.ori %get3A_1359, %neg3A_1362 : vector<16xi32>
    %shift_right_logical3A_1364 = arith.constant 31 : i32
    %shift_right_logical3A_1365 = vector.broadcast %shift_right_logical3A_1364 : i32 to vector<16xi32>
    %shift_right_logical3A_1366 = arith.shrui %or3A_1363, %shift_right_logical3A_1365 : vector<16xi32>
    %broadcast_in_dim3A_1367 = arith.constant true
    %broadcast_in_dim3A_1368 = vector.broadcast %broadcast_in_dim3A_1367 : i1 to vector<16xi1>
    %masked_cumsum3A_1369 = tpu.scan <sum>, %shift_right_logical3A_1366 masked %broadcast_in_dim3A_1368 : vector<16xi32>, vector<16xi1> -> vector<16xi32>
    %add3A_1370 = vector.broadcast %squeeze3A_1357 : i32 to vector<16xi32>
    %add3A_1371 = arith.addi %masked_cumsum3A_1369, %add3A_1370 : vector<16xi32>
    %mul3A_1372 = arith.muli %add3A_1371, %shift_right_logical3A_1366 : vector<16xi32>
    %swap3A_1373 = arith.constant 752 : index
    %swap3A_1374 = tpu.vector_load %arg7[%swap3A_1373] {strides = array<i32>} : memref<1024xi32, #tpu.memory_space<vmem>>, vector<16xi32>,
    tpu.vector_store %arg7[%swap3A_1373], %mul3A_1372 {strides = array<i32>} : memref<1024xi32, #tpu.memory_space<vmem>>, vector<16xi32>,
    %slice3A_1375 = vector.extract_strided_slice %add3A_1371 {offsets = [15], sizes = [1], strides = [1]} : vector<16xi32> to vector<1xi32>
    %squeeze3A_1376 = vector.extract %slice3A_1375[0] : i32 from vector<1xi32>
    %dma_wait3A_1377 = arith.constant 0 : i32
    %dma_wait3A_1378 = tpu.memref_slice %arg4[%add3A_1276, %dma_wait3A_1377] : memref<32768x1024xf32, #tpu.memory_space<hbm>> -> memref<32x1024xf32, #tpu.memory_space<hbm>>
    %dma_wait3A_1379 = arith.constant 0 : i32
    %dma_wait3A_1380 = tpu.memref_slice %arg4[%add3A_1276, %dma_wait3A_1379] : memref<32768x1024xf32, #tpu.memory_space<hbm>> -> memref<32x1024xf32, #tpu.memory_space<hbm>>
    tpu.wait_dma2 semaphore(%arg16 : memref<!tpu.dma_semaphore, #tpu.memory_space<semaphore_mem>>) src(%arg10 : memref<32x1024xf32, #tpu.memory_space<vmem>>) dst(%dma_wait3A_1380 : memref<32x1024xf32, #tpu.memory_space<hbm>>)
    %dma_start3A_1381 = arith.constant 736 : i32
    %dma_start3A_1382 = tpu.memref_slice %arg7[%dma_start3A_1381] : memref<1024xi32, #tpu.memory_space<vmem>> -> memref<32xi32, #tpu.memory_space<vmem>>
    %dma_start3A_1383 = arith.constant 0 : i32
    %dma_start3A_1384 = arith.constant 0 : i32
    %dma_start3A_1385 = tpu.memref_slice %arg3[%dma_start3A_1383, %dma_start3A_1384] : memref<8194x1024xf32, #tpu.memory_space<hbm>> -> memref<8194x1024xf32, #tpu.memory_space<hbm>>
    tpu.enqueue_indirect_dma source(%dma_start3A_1385 : memref<8194x1024xf32, #tpu.memory_space<hbm>>) target(%arg10 : memref<32x1024xf32, #tpu.memory_space<vmem>>) offsets(%dma_start3A_1382 : memref<32xi32, #tpu.memory_space<vmem>>) semaphore(%arg13 : memref<!tpu.dma_semaphore, #tpu.memory_space<semaphore_mem>>)
    %dma_wait3A_1386 = arith.constant 704 : i32
    %dma_wait3A_1387 = tpu.memref_slice %arg7[%dma_wait3A_1386] : memref<1024xi32, #tpu.memory_space<vmem>> -> memref<32xi32, #tpu.memory_space<vmem>>
    %dma_wait3A_1388 = arith.constant 0 : i32
    %dma_wait3A_1389 = arith.constant 0 : i32
    %dma_wait3A_1390 = tpu.memref_slice %arg3[%dma_wait3A_1388, %dma_wait3A_1389] : memref<8194x1024xf32, #tpu.memory_space<hbm>> -> memref<8194x1024xf32, #tpu.memory_space<hbm>>
    tpu.wait_indirect_dma semaphore(%arg12 : memref<!tpu.dma_semaphore, #tpu.memory_space<semaphore_mem>>) src(%dma_wait3A_1390 : memref<8194x1024xf32, #tpu.memory_space<hbm>>) dst(%arg9 : memref<32x1024xf32, #tpu.memory_space<vmem>>)
    %add3A_1391 = arith.constant 704 : i32
    %add3A_1392 = arith.addi %mul3A_2, %add3A_1391 : i32
    %dma_start3A_1393 = arith.constant 0 : i32
    %dma_start3A_1394 = tpu.memref_slice %arg4[%add3A_1392, %dma_start3A_1393] : memref<32768x1024xf32, #tpu.memory_space<hbm>> -> memref<32x1024xf32, #tpu.memory_space<hbm>>
    %dma_start3A_1395 = arith.constant 0 : i32
    %dma_start3A_1396 = tpu.memref_slice %arg4[%add3A_1392, %dma_start3A_1395] : memref<32768x1024xf32, #tpu.memory_space<hbm>> -> memref<32x1024xf32, #tpu.memory_space<hbm>>
    tpu.enqueue_dma source(%arg9 : memref<32x1024xf32, #tpu.memory_space<vmem>>) target(%dma_start3A_1396 : memref<32x1024xf32, #tpu.memory_space<hbm>>) target_semaphore(%arg15 : memref<!tpu.dma_semaphore, #tpu.memory_space<semaphore_mem>>)
    %get3A_1397 = arith.constant 768 : index
    %get3A_1398 = tpu.vector_load %arg5[%get3A_1397] {strides = array<i32>} : memref<1024xi32, #tpu.memory_space<vmem>>, vector<16xi32>,
    %neg3A_1399 = arith.constant 0 : i32
    %neg3A_1400 = vector.broadcast %neg3A_1399 : i32 to vector<16xi32>
    %neg3A_1401 = arith.subi %neg3A_1400, %get3A_1398 : vector<16xi32>
    %or3A_1402 = arith.ori %get3A_1398, %neg3A_1401 : vector<16xi32>
    %shift_right_logical3A_1403 = arith.constant 31 : i32
    %shift_right_logical3A_1404 = vector.broadcast %shift_right_logical3A_1403 : i32 to vector<16xi32>
    %shift_right_logical3A_1405 = arith.shrui %or3A_1402, %shift_right_logical3A_1404 : vector<16xi32>
    %broadcast_in_dim3A_1406 = arith.constant true
    %broadcast_in_dim3A_1407 = vector.broadcast %broadcast_in_dim3A_1406 : i1 to vector<16xi1>
    %masked_cumsum3A_1408 = tpu.scan <sum>, %shift_right_logical3A_1405 masked %broadcast_in_dim3A_1407 : vector<16xi32>, vector<16xi1> -> vector<16xi32>
    %add3A_1409 = vector.broadcast %squeeze3A_1376 : i32 to vector<16xi32>
    %add3A_1410 = arith.addi %masked_cumsum3A_1408, %add3A_1409 : vector<16xi32>
    %mul3A_1411 = arith.muli %add3A_1410, %shift_right_logical3A_1405 : vector<16xi32>
    %swap3A_1412 = arith.constant 768 : index
    %swap3A_1413 = tpu.vector_load %arg7[%swap3A_1412] {strides = array<i32>} : memref<1024xi32, #tpu.memory_space<vmem>>, vector<16xi32>,
    tpu.vector_store %arg7[%swap3A_1412], %mul3A_1411 {strides = array<i32>} : memref<1024xi32, #tpu.memory_space<vmem>>, vector<16xi32>,
    %slice3A_1414 = vector.extract_strided_slice %add3A_1410 {offsets = [15], sizes = [1], strides = [1]} : vector<16xi32> to vector<1xi32>
    %squeeze3A_1415 = vector.extract %slice3A_1414[0] : i32 from vector<1xi32>
    %get3A_1416 = arith.constant 784 : index
    %get3A_1417 = tpu.vector_load %arg5[%get3A_1416] {strides = array<i32>} : memref<1024xi32, #tpu.memory_space<vmem>>, vector<16xi32>,
    %neg3A_1418 = arith.constant 0 : i32
    %neg3A_1419 = vector.broadcast %neg3A_1418 : i32 to vector<16xi32>
    %neg3A_1420 = arith.subi %neg3A_1419, %get3A_1417 : vector<16xi32>
    %or3A_1421 = arith.ori %get3A_1417, %neg3A_1420 : vector<16xi32>
    %shift_right_logical3A_1422 = arith.constant 31 : i32
    %shift_right_logical3A_1423 = vector.broadcast %shift_right_logical3A_1422 : i32 to vector<16xi32>
    %shift_right_logical3A_1424 = arith.shrui %or3A_1421, %shift_right_logical3A_1423 : vector<16xi32>
    %broadcast_in_dim3A_1425 = arith.constant true
    %broadcast_in_dim3A_1426 = vector.broadcast %broadcast_in_dim3A_1425 : i1 to vector<16xi1>
    %masked_cumsum3A_1427 = tpu.scan <sum>, %shift_right_logical3A_1424 masked %broadcast_in_dim3A_1426 : vector<16xi32>, vector<16xi1> -> vector<16xi32>
    %add3A_1428 = vector.broadcast %squeeze3A_1415 : i32 to vector<16xi32>
    %add3A_1429 = arith.addi %masked_cumsum3A_1427, %add3A_1428 : vector<16xi32>
    %mul3A_1430 = arith.muli %add3A_1429, %shift_right_logical3A_1424 : vector<16xi32>
    %swap3A_1431 = arith.constant 784 : index
    %swap3A_1432 = tpu.vector_load %arg7[%swap3A_1431] {strides = array<i32>} : memref<1024xi32, #tpu.memory_space<vmem>>, vector<16xi32>,
    tpu.vector_store %arg7[%swap3A_1431], %mul3A_1430 {strides = array<i32>} : memref<1024xi32, #tpu.memory_space<vmem>>, vector<16xi32>,
    %slice3A_1433 = vector.extract_strided_slice %add3A_1429 {offsets = [15], sizes = [1], strides = [1]} : vector<16xi32> to vector<1xi32>
    %squeeze3A_1434 = vector.extract %slice3A_1433[0] : i32 from vector<1xi32>
    %dma_wait3A_1435 = arith.constant 0 : i32
    %dma_wait3A_1436 = tpu.memref_slice %arg4[%add3A_1334, %dma_wait3A_1435] : memref<32768x1024xf32, #tpu.memory_space<hbm>> -> memref<32x1024xf32, #tpu.memory_space<hbm>>
    %dma_wait3A_1437 = arith.constant 0 : i32
    %dma_wait3A_1438 = tpu.memref_slice %arg4[%add3A_1334, %dma_wait3A_1437] : memref<32768x1024xf32, #tpu.memory_space<hbm>> -> memref<32x1024xf32, #tpu.memory_space<hbm>>
    tpu.wait_dma2 semaphore(%arg14 : memref<!tpu.dma_semaphore, #tpu.memory_space<semaphore_mem>>) src(%arg8 : memref<32x1024xf32, #tpu.memory_space<vmem>>) dst(%dma_wait3A_1438 : memref<32x1024xf32, #tpu.memory_space<hbm>>)
    %dma_start3A_1439 = arith.constant 768 : i32
    %dma_start3A_1440 = tpu.memref_slice %arg7[%dma_start3A_1439] : memref<1024xi32, #tpu.memory_space<vmem>> -> memref<32xi32, #tpu.memory_space<vmem>>
    %dma_start3A_1441 = arith.constant 0 : i32
    %dma_start3A_1442 = arith.constant 0 : i32
    %dma_start3A_1443 = tpu.memref_slice %arg3[%dma_start3A_1441, %dma_start3A_1442] : memref<8194x1024xf32, #tpu.memory_space<hbm>> -> memref<8194x1024xf32, #tpu.memory_space<hbm>>
    tpu.enqueue_indirect_dma source(%dma_start3A_1443 : memref<8194x1024xf32, #tpu.memory_space<hbm>>) target(%arg8 : memref<32x1024xf32, #tpu.memory_space<vmem>>) offsets(%dma_start3A_1440 : memref<32xi32, #tpu.memory_space<vmem>>) semaphore(%arg11 : memref<!tpu.dma_semaphore, #tpu.memory_space<semaphore_mem>>)
    %dma_wait3A_1444 = arith.constant 736 : i32
    %dma_wait3A_1445 = tpu.memref_slice %arg7[%dma_wait3A_1444] : memref<1024xi32, #tpu.memory_space<vmem>> -> memref<32xi32, #tpu.memory_space<vmem>>
    %dma_wait3A_1446 = arith.constant 0 : i32
    %dma_wait3A_1447 = arith.constant 0 : i32
    %dma_wait3A_1448 = tpu.memref_slice %arg3[%dma_wait3A_1446, %dma_wait3A_1447] : memref<8194x1024xf32, #tpu.memory_space<hbm>> -> memref<8194x1024xf32, #tpu.memory_space<hbm>>
    tpu.wait_indirect_dma semaphore(%arg13 : memref<!tpu.dma_semaphore, #tpu.memory_space<semaphore_mem>>) src(%dma_wait3A_1448 : memref<8194x1024xf32, #tpu.memory_space<hbm>>) dst(%arg10 : memref<32x1024xf32, #tpu.memory_space<vmem>>)
    %add3A_1449 = arith.constant 736 : i32
    %add3A_1450 = arith.addi %mul3A_2, %add3A_1449 : i32
    %dma_start3A_1451 = arith.constant 0 : i32
    %dma_start3A_1452 = tpu.memref_slice %arg4[%add3A_1450, %dma_start3A_1451] : memref<32768x1024xf32, #tpu.memory_space<hbm>> -> memref<32x1024xf32, #tpu.memory_space<hbm>>
    %dma_start3A_1453 = arith.constant 0 : i32
    %dma_start3A_1454 = tpu.memref_slice %arg4[%add3A_1450, %dma_start3A_1453] : memref<32768x1024xf32, #tpu.memory_space<hbm>> -> memref<32x1024xf32, #tpu.memory_space<hbm>>
    tpu.enqueue_dma source(%arg10 : memref<32x1024xf32, #tpu.memory_space<vmem>>) target(%dma_start3A_1454 : memref<32x1024xf32, #tpu.memory_space<hbm>>) target_semaphore(%arg16 : memref<!tpu.dma_semaphore, #tpu.memory_space<semaphore_mem>>)
    %get3A_1455 = arith.constant 800 : index
    %get3A_1456 = tpu.vector_load %arg5[%get3A_1455] {strides = array<i32>} : memref<1024xi32, #tpu.memory_space<vmem>>, vector<16xi32>,
    %neg3A_1457 = arith.constant 0 : i32
    %neg3A_1458 = vector.broadcast %neg3A_1457 : i32 to vector<16xi32>
    %neg3A_1459 = arith.subi %neg3A_1458, %get3A_1456 : vector<16xi32>
    %or3A_1460 = arith.ori %get3A_1456, %neg3A_1459 : vector<16xi32>
    %shift_right_logical3A_1461 = arith.constant 31 : i32
    %shift_right_logical3A_1462 = vector.broadcast %shift_right_logical3A_1461 : i32 to vector<16xi32>
    %shift_right_logical3A_1463 = arith.shrui %or3A_1460, %shift_right_logical3A_1462 : vector<16xi32>
    %broadcast_in_dim3A_1464 = arith.constant true
    %broadcast_in_dim3A_1465 = vector.broadcast %broadcast_in_dim3A_1464 : i1 to vector<16xi1>
    %masked_cumsum3A_1466 = tpu.scan <sum>, %shift_right_logical3A_1463 masked %broadcast_in_dim3A_1465 : vector<16xi32>, vector<16xi1> -> vector<16xi32>
    %add3A_1467 = vector.broadcast %squeeze3A_1434 : i32 to vector<16xi32>
    %add3A_1468 = arith.addi %masked_cumsum3A_1466, %add3A_1467 : vector<16xi32>
    %mul3A_1469 = arith.muli %add3A_1468, %shift_right_logical3A_1463 : vector<16xi32>
    %swap3A_1470 = arith.constant 800 : index
    %swap3A_1471 = tpu.vector_load %arg7[%swap3A_1470] {strides = array<i32>} : memref<1024xi32, #tpu.memory_space<vmem>>, vector<16xi32>,
    tpu.vector_store %arg7[%swap3A_1470], %mul3A_1469 {strides = array<i32>} : memref<1024xi32, #tpu.memory_space<vmem>>, vector<16xi32>,
    %slice3A_1472 = vector.extract_strided_slice %add3A_1468 {offsets = [15], sizes = [1], strides = [1]} : vector<16xi32> to vector<1xi32>
    %squeeze3A_1473 = vector.extract %slice3A_1472[0] : i32 from vector<1xi32>
    %get3A_1474 = arith.constant 816 : index
    %get3A_1475 = tpu.vector_load %arg5[%get3A_1474] {strides = array<i32>} : memref<1024xi32, #tpu.memory_space<vmem>>, vector<16xi32>,
    %neg3A_1476 = arith.constant 0 : i32
    %neg3A_1477 = vector.broadcast %neg3A_1476 : i32 to vector<16xi32>
    %neg3A_1478 = arith.subi %neg3A_1477, %get3A_1475 : vector<16xi32>
    %or3A_1479 = arith.ori %get3A_1475, %neg3A_1478 : vector<16xi32>
    %shift_right_logical3A_1480 = arith.constant 31 : i32
    %shift_right_logical3A_1481 = vector.broadcast %shift_right_logical3A_1480 : i32 to vector<16xi32>
    %shift_right_logical3A_1482 = arith.shrui %or3A_1479, %shift_right_logical3A_1481 : vector<16xi32>
    %broadcast_in_dim3A_1483 = arith.constant true
    %broadcast_in_dim3A_1484 = vector.broadcast %broadcast_in_dim3A_1483 : i1 to vector<16xi1>
    %masked_cumsum3A_1485 = tpu.scan <sum>, %shift_right_logical3A_1482 masked %broadcast_in_dim3A_1484 : vector<16xi32>, vector<16xi1> -> vector<16xi32>
    %add3A_1486 = vector.broadcast %squeeze3A_1473 : i32 to vector<16xi32>
    %add3A_1487 = arith.addi %masked_cumsum3A_1485, %add3A_1486 : vector<16xi32>
    %mul3A_1488 = arith.muli %add3A_1487, %shift_right_logical3A_1482 : vector<16xi32>
    %swap3A_1489 = arith.constant 816 : index
    %swap3A_1490 = tpu.vector_load %arg7[%swap3A_1489] {strides = array<i32>} : memref<1024xi32, #tpu.memory_space<vmem>>, vector<16xi32>,
    tpu.vector_store %arg7[%swap3A_1489], %mul3A_1488 {strides = array<i32>} : memref<1024xi32, #tpu.memory_space<vmem>>, vector<16xi32>,
    %slice3A_1491 = vector.extract_strided_slice %add3A_1487 {offsets = [15], sizes = [1], strides = [1]} : vector<16xi32> to vector<1xi32>
    %squeeze3A_1492 = vector.extract %slice3A_1491[0] : i32 from vector<1xi32>
    %dma_wait3A_1493 = arith.constant 0 : i32
    %dma_wait3A_1494 = tpu.memref_slice %arg4[%add3A_1392, %dma_wait3A_1493] : memref<32768x1024xf32, #tpu.memory_space<hbm>> -> memref<32x1024xf32, #tpu.memory_space<hbm>>
    %dma_wait3A_1495 = arith.constant 0 : i32
    %dma_wait3A_1496 = tpu.memref_slice %arg4[%add3A_1392, %dma_wait3A_1495] : memref<32768x1024xf32, #tpu.memory_space<hbm>> -> memref<32x1024xf32, #tpu.memory_space<hbm>>
    tpu.wait_dma2 semaphore(%arg15 : memref<!tpu.dma_semaphore, #tpu.memory_space<semaphore_mem>>) src(%arg9 : memref<32x1024xf32, #tpu.memory_space<vmem>>) dst(%dma_wait3A_1496 : memref<32x1024xf32, #tpu.memory_space<hbm>>)
    %dma_start3A_1497 = arith.constant 800 : i32
    %dma_start3A_1498 = tpu.memref_slice %arg7[%dma_start3A_1497] : memref<1024xi32, #tpu.memory_space<vmem>> -> memref<32xi32, #tpu.memory_space<vmem>>
    %dma_start3A_1499 = arith.constant 0 : i32
    %dma_start3A_1500 = arith.constant 0 : i32
    %dma_start3A_1501 = tpu.memref_slice %arg3[%dma_start3A_1499, %dma_start3A_1500] : memref<8194x1024xf32, #tpu.memory_space<hbm>> -> memref<8194x1024xf32, #tpu.memory_space<hbm>>
    tpu.enqueue_indirect_dma source(%dma_start3A_1501 : memref<8194x1024xf32, #tpu.memory_space<hbm>>) target(%arg9 : memref<32x1024xf32, #tpu.memory_space<vmem>>) offsets(%dma_start3A_1498 : memref<32xi32, #tpu.memory_space<vmem>>) semaphore(%arg12 : memref<!tpu.dma_semaphore, #tpu.memory_space<semaphore_mem>>)
    %dma_wait3A_1502 = arith.constant 768 : i32
    %dma_wait3A_1503 = tpu.memref_slice %arg7[%dma_wait3A_1502] : memref<1024xi32, #tpu.memory_space<vmem>> -> memref<32xi32, #tpu.memory_space<vmem>>
    %dma_wait3A_1504 = arith.constant 0 : i32
    %dma_wait3A_1505 = arith.constant 0 : i32
    %dma_wait3A_1506 = tpu.memref_slice %arg3[%dma_wait3A_1504, %dma_wait3A_1505] : memref<8194x1024xf32, #tpu.memory_space<hbm>> -> memref<8194x1024xf32, #tpu.memory_space<hbm>>
    tpu.wait_indirect_dma semaphore(%arg11 : memref<!tpu.dma_semaphore, #tpu.memory_space<semaphore_mem>>) src(%dma_wait3A_1506 : memref<8194x1024xf32, #tpu.memory_space<hbm>>) dst(%arg8 : memref<32x1024xf32, #tpu.memory_space<vmem>>)
    %add3A_1507 = arith.constant 768 : i32
    %add3A_1508 = arith.addi %mul3A_2, %add3A_1507 : i32
    %dma_start3A_1509 = arith.constant 0 : i32
    %dma_start3A_1510 = tpu.memref_slice %arg4[%add3A_1508, %dma_start3A_1509] : memref<32768x1024xf32, #tpu.memory_space<hbm>> -> memref<32x1024xf32, #tpu.memory_space<hbm>>
    %dma_start3A_1511 = arith.constant 0 : i32
    %dma_start3A_1512 = tpu.memref_slice %arg4[%add3A_1508, %dma_start3A_1511] : memref<32768x1024xf32, #tpu.memory_space<hbm>> -> memref<32x1024xf32, #tpu.memory_space<hbm>>
    tpu.enqueue_dma source(%arg8 : memref<32x1024xf32, #tpu.memory_space<vmem>>) target(%dma_start3A_1512 : memref<32x1024xf32, #tpu.memory_space<hbm>>) target_semaphore(%arg14 : memref<!tpu.dma_semaphore, #tpu.memory_space<semaphore_mem>>)
    %get3A_1513 = arith.constant 832 : index
    %get3A_1514 = tpu.vector_load %arg5[%get3A_1513] {strides = array<i32>} : memref<1024xi32, #tpu.memory_space<vmem>>, vector<16xi32>,
    %neg3A_1515 = arith.constant 0 : i32
    %neg3A_1516 = vector.broadcast %neg3A_1515 : i32 to vector<16xi32>
    %neg3A_1517 = arith.subi %neg3A_1516, %get3A_1514 : vector<16xi32>
    %or3A_1518 = arith.ori %get3A_1514, %neg3A_1517 : vector<16xi32>
    %shift_right_logical3A_1519 = arith.constant 31 : i32
    %shift_right_logical3A_1520 = vector.broadcast %shift_right_logical3A_1519 : i32 to vector<16xi32>
    %shift_right_logical3A_1521 = arith.shrui %or3A_1518, %shift_right_logical3A_1520 : vector<16xi32>
    %broadcast_in_dim3A_1522 = arith.constant true
    %broadcast_in_dim3A_1523 = vector.broadcast %broadcast_in_dim3A_1522 : i1 to vector<16xi1>
    %masked_cumsum3A_1524 = tpu.scan <sum>, %shift_right_logical3A_1521 masked %broadcast_in_dim3A_1523 : vector<16xi32>, vector<16xi1> -> vector<16xi32>
    %add3A_1525 = vector.broadcast %squeeze3A_1492 : i32 to vector<16xi32>
    %add3A_1526 = arith.addi %masked_cumsum3A_1524, %add3A_1525 : vector<16xi32>
    %mul3A_1527 = arith.muli %add3A_1526, %shift_right_logical3A_1521 : vector<16xi32>
    %swap3A_1528 = arith.constant 832 : index
    %swap3A_1529 = tpu.vector_load %arg7[%swap3A_1528] {strides = array<i32>} : memref<1024xi32, #tpu.memory_space<vmem>>, vector<16xi32>,
    tpu.vector_store %arg7[%swap3A_1528], %mul3A_1527 {strides = array<i32>} : memref<1024xi32, #tpu.memory_space<vmem>>, vector<16xi32>,
    %slice3A_1530 = vector.extract_strided_slice %add3A_1526 {offsets = [15], sizes = [1], strides = [1]} : vector<16xi32> to vector<1xi32>
    %squeeze3A_1531 = vector.extract %slice3A_1530[0] : i32 from vector<1xi32>
    %get3A_1532 = arith.constant 848 : index
    %get3A_1533 = tpu.vector_load %arg5[%get3A_1532] {strides = array<i32>} : memref<1024xi32, #tpu.memory_space<vmem>>, vector<16xi32>,
    %neg3A_1534 = arith.constant 0 : i32
    %neg3A_1535 = vector.broadcast %neg3A_1534 : i32 to vector<16xi32>
    %neg3A_1536 = arith.subi %neg3A_1535, %get3A_1533 : vector<16xi32>
    %or3A_1537 = arith.ori %get3A_1533, %neg3A_1536 : vector<16xi32>
    %shift_right_logical3A_1538 = arith.constant 31 : i32
    %shift_right_logical3A_1539 = vector.broadcast %shift_right_logical3A_1538 : i32 to vector<16xi32>
    %shift_right_logical3A_1540 = arith.shrui %or3A_1537, %shift_right_logical3A_1539 : vector<16xi32>
    %broadcast_in_dim3A_1541 = arith.constant true
    %broadcast_in_dim3A_1542 = vector.broadcast %broadcast_in_dim3A_1541 : i1 to vector<16xi1>
    %masked_cumsum3A_1543 = tpu.scan <sum>, %shift_right_logical3A_1540 masked %broadcast_in_dim3A_1542 : vector<16xi32>, vector<16xi1> -> vector<16xi32>
    %add3A_1544 = vector.broadcast %squeeze3A_1531 : i32 to vector<16xi32>
    %add3A_1545 = arith.addi %masked_cumsum3A_1543, %add3A_1544 : vector<16xi32>
    %mul3A_1546 = arith.muli %add3A_1545, %shift_right_logical3A_1540 : vector<16xi32>
    %swap3A_1547 = arith.constant 848 : index
    %swap3A_1548 = tpu.vector_load %arg7[%swap3A_1547] {strides = array<i32>} : memref<1024xi32, #tpu.memory_space<vmem>>, vector<16xi32>,
    tpu.vector_store %arg7[%swap3A_1547], %mul3A_1546 {strides = array<i32>} : memref<1024xi32, #tpu.memory_space<vmem>>, vector<16xi32>,
    %slice3A_1549 = vector.extract_strided_slice %add3A_1545 {offsets = [15], sizes = [1], strides = [1]} : vector<16xi32> to vector<1xi32>
    %squeeze3A_1550 = vector.extract %slice3A_1549[0] : i32 from vector<1xi32>
    %dma_wait3A_1551 = arith.constant 0 : i32
    %dma_wait3A_1552 = tpu.memref_slice %arg4[%add3A_1450, %dma_wait3A_1551] : memref<32768x1024xf32, #tpu.memory_space<hbm>> -> memref<32x1024xf32, #tpu.memory_space<hbm>>
    %dma_wait3A_1553 = arith.constant 0 : i32
    %dma_wait3A_1554 = tpu.memref_slice %arg4[%add3A_1450, %dma_wait3A_1553] : memref<32768x1024xf32, #tpu.memory_space<hbm>> -> memref<32x1024xf32, #tpu.memory_space<hbm>>
    tpu.wait_dma2 semaphore(%arg16 : memref<!tpu.dma_semaphore, #tpu.memory_space<semaphore_mem>>) src(%arg10 : memref<32x1024xf32, #tpu.memory_space<vmem>>) dst(%dma_wait3A_1554 : memref<32x1024xf32, #tpu.memory_space<hbm>>)
    %dma_start3A_1555 = arith.constant 832 : i32
    %dma_start3A_1556 = tpu.memref_slice %arg7[%dma_start3A_1555] : memref<1024xi32, #tpu.memory_space<vmem>> -> memref<32xi32, #tpu.memory_space<vmem>>
    %dma_start3A_1557 = arith.constant 0 : i32
    %dma_start3A_1558 = arith.constant 0 : i32
    %dma_start3A_1559 = tpu.memref_slice %arg3[%dma_start3A_1557, %dma_start3A_1558] : memref<8194x1024xf32, #tpu.memory_space<hbm>> -> memref<8194x1024xf32, #tpu.memory_space<hbm>>
    tpu.enqueue_indirect_dma source(%dma_start3A_1559 : memref<8194x1024xf32, #tpu.memory_space<hbm>>) target(%arg10 : memref<32x1024xf32, #tpu.memory_space<vmem>>) offsets(%dma_start3A_1556 : memref<32xi32, #tpu.memory_space<vmem>>) semaphore(%arg13 : memref<!tpu.dma_semaphore, #tpu.memory_space<semaphore_mem>>)
    %dma_wait3A_1560 = arith.constant 800 : i32
    %dma_wait3A_1561 = tpu.memref_slice %arg7[%dma_wait3A_1560] : memref<1024xi32, #tpu.memory_space<vmem>> -> memref<32xi32, #tpu.memory_space<vmem>>
    %dma_wait3A_1562 = arith.constant 0 : i32
    %dma_wait3A_1563 = arith.constant 0 : i32
    %dma_wait3A_1564 = tpu.memref_slice %arg3[%dma_wait3A_1562, %dma_wait3A_1563] : memref<8194x1024xf32, #tpu.memory_space<hbm>> -> memref<8194x1024xf32, #tpu.memory_space<hbm>>
    tpu.wait_indirect_dma semaphore(%arg12 : memref<!tpu.dma_semaphore, #tpu.memory_space<semaphore_mem>>) src(%dma_wait3A_1564 : memref<8194x1024xf32, #tpu.memory_space<hbm>>) dst(%arg9 : memref<32x1024xf32, #tpu.memory_space<vmem>>)
    %add3A_1565 = arith.constant 800 : i32
    %add3A_1566 = arith.addi %mul3A_2, %add3A_1565 : i32
    %dma_start3A_1567 = arith.constant 0 : i32
    %dma_start3A_1568 = tpu.memref_slice %arg4[%add3A_1566, %dma_start3A_1567] : memref<32768x1024xf32, #tpu.memory_space<hbm>> -> memref<32x1024xf32, #tpu.memory_space<hbm>>
    %dma_start3A_1569 = arith.constant 0 : i32
    %dma_start3A_1570 = tpu.memref_slice %arg4[%add3A_1566, %dma_start3A_1569] : memref<32768x1024xf32, #tpu.memory_space<hbm>> -> memref<32x1024xf32, #tpu.memory_space<hbm>>
    tpu.enqueue_dma source(%arg9 : memref<32x1024xf32, #tpu.memory_space<vmem>>) target(%dma_start3A_1570 : memref<32x1024xf32, #tpu.memory_space<hbm>>) target_semaphore(%arg15 : memref<!tpu.dma_semaphore, #tpu.memory_space<semaphore_mem>>)
    %get3A_1571 = arith.constant 864 : index
    %get3A_1572 = tpu.vector_load %arg5[%get3A_1571] {strides = array<i32>} : memref<1024xi32, #tpu.memory_space<vmem>>, vector<16xi32>,
    %neg3A_1573 = arith.constant 0 : i32
    %neg3A_1574 = vector.broadcast %neg3A_1573 : i32 to vector<16xi32>
    %neg3A_1575 = arith.subi %neg3A_1574, %get3A_1572 : vector<16xi32>
    %or3A_1576 = arith.ori %get3A_1572, %neg3A_1575 : vector<16xi32>
    %shift_right_logical3A_1577 = arith.constant 31 : i32
    %shift_right_logical3A_1578 = vector.broadcast %shift_right_logical3A_1577 : i32 to vector<16xi32>
    %shift_right_logical3A_1579 = arith.shrui %or3A_1576, %shift_right_logical3A_1578 : vector<16xi32>
    %broadcast_in_dim3A_1580 = arith.constant true
    %broadcast_in_dim3A_1581 = vector.broadcast %broadcast_in_dim3A_1580 : i1 to vector<16xi1>
    %masked_cumsum3A_1582 = tpu.scan <sum>, %shift_right_logical3A_1579 masked %broadcast_in_dim3A_1581 : vector<16xi32>, vector<16xi1> -> vector<16xi32>
    %add3A_1583 = vector.broadcast %squeeze3A_1550 : i32 to vector<16xi32>
    %add3A_1584 = arith.addi %masked_cumsum3A_1582, %add3A_1583 : vector<16xi32>
    %mul3A_1585 = arith.muli %add3A_1584, %shift_right_logical3A_1579 : vector<16xi32>
    %swap3A_1586 = arith.constant 864 : index
    %swap3A_1587 = tpu.vector_load %arg7[%swap3A_1586] {strides = array<i32>} : memref<1024xi32, #tpu.memory_space<vmem>>, vector<16xi32>,
    tpu.vector_store %arg7[%swap3A_1586], %mul3A_1585 {strides = array<i32>} : memref<1024xi32, #tpu.memory_space<vmem>>, vector<16xi32>,
    %slice3A_1588 = vector.extract_strided_slice %add3A_1584 {offsets = [15], sizes = [1], strides = [1]} : vector<16xi32> to vector<1xi32>
    %squeeze3A_1589 = vector.extract %slice3A_1588[0] : i32 from vector<1xi32>
    %get3A_1590 = arith.constant 880 : index
    %get3A_1591 = tpu.vector_load %arg5[%get3A_1590] {strides = array<i32>} : memref<1024xi32, #tpu.memory_space<vmem>>, vector<16xi32>,
    %neg3A_1592 = arith.constant 0 : i32
    %neg3A_1593 = vector.broadcast %neg3A_1592 : i32 to vector<16xi32>
    %neg3A_1594 = arith.subi %neg3A_1593, %get3A_1591 : vector<16xi32>
    %or3A_1595 = arith.ori %get3A_1591, %neg3A_1594 : vector<16xi32>
    %shift_right_logical3A_1596 = arith.constant 31 : i32
    %shift_right_logical3A_1597 = vector.broadcast %shift_right_logical3A_1596 : i32 to vector<16xi32>
    %shift_right_logical3A_1598 = arith.shrui %or3A_1595, %shift_right_logical3A_1597 : vector<16xi32>
    %broadcast_in_dim3A_1599 = arith.constant true
    %broadcast_in_dim3A_1600 = vector.broadcast %broadcast_in_dim3A_1599 : i1 to vector<16xi1>
    %masked_cumsum3A_1601 = tpu.scan <sum>, %shift_right_logical3A_1598 masked %broadcast_in_dim3A_1600 : vector<16xi32>, vector<16xi1> -> vector<16xi32>
    %add3A_1602 = vector.broadcast %squeeze3A_1589 : i32 to vector<16xi32>
    %add3A_1603 = arith.addi %masked_cumsum3A_1601, %add3A_1602 : vector<16xi32>
    %mul3A_1604 = arith.muli %add3A_1603, %shift_right_logical3A_1598 : vector<16xi32>
    %swap3A_1605 = arith.constant 880 : index
    %swap3A_1606 = tpu.vector_load %arg7[%swap3A_1605] {strides = array<i32>} : memref<1024xi32, #tpu.memory_space<vmem>>, vector<16xi32>,
    tpu.vector_store %arg7[%swap3A_1605], %mul3A_1604 {strides = array<i32>} : memref<1024xi32, #tpu.memory_space<vmem>>, vector<16xi32>,
    %slice3A_1607 = vector.extract_strided_slice %add3A_1603 {offsets = [15], sizes = [1], strides = [1]} : vector<16xi32> to vector<1xi32>
    %squeeze3A_1608 = vector.extract %slice3A_1607[0] : i32 from vector<1xi32>
    %dma_wait3A_1609 = arith.constant 0 : i32
    %dma_wait3A_1610 = tpu.memref_slice %arg4[%add3A_1508, %dma_wait3A_1609] : memref<32768x1024xf32, #tpu.memory_space<hbm>> -> memref<32x1024xf32, #tpu.memory_space<hbm>>
    %dma_wait3A_1611 = arith.constant 0 : i32
    %dma_wait3A_1612 = tpu.memref_slice %arg4[%add3A_1508, %dma_wait3A_1611] : memref<32768x1024xf32, #tpu.memory_space<hbm>> -> memref<32x1024xf32, #tpu.memory_space<hbm>>
    tpu.wait_dma2 semaphore(%arg14 : memref<!tpu.dma_semaphore, #tpu.memory_space<semaphore_mem>>) src(%arg8 : memref<32x1024xf32, #tpu.memory_space<vmem>>) dst(%dma_wait3A_1612 : memref<32x1024xf32, #tpu.memory_space<hbm>>)
    %dma_start3A_1613 = arith.constant 864 : i32
    %dma_start3A_1614 = tpu.memref_slice %arg7[%dma_start3A_1613] : memref<1024xi32, #tpu.memory_space<vmem>> -> memref<32xi32, #tpu.memory_space<vmem>>
    %dma_start3A_1615 = arith.constant 0 : i32
    %dma_start3A_1616 = arith.constant 0 : i32
    %dma_start3A_1617 = tpu.memref_slice %arg3[%dma_start3A_1615, %dma_start3A_1616] : memref<8194x1024xf32, #tpu.memory_space<hbm>> -> memref<8194x1024xf32, #tpu.memory_space<hbm>>
    tpu.enqueue_indirect_dma source(%dma_start3A_1617 : memref<8194x1024xf32, #tpu.memory_space<hbm>>) target(%arg8 : memref<32x1024xf32, #tpu.memory_space<vmem>>) offsets(%dma_start3A_1614 : memref<32xi32, #tpu.memory_space<vmem>>) semaphore(%arg11 : memref<!tpu.dma_semaphore, #tpu.memory_space<semaphore_mem>>)
    %dma_wait3A_1618 = arith.constant 832 : i32
    %dma_wait3A_1619 = tpu.memref_slice %arg7[%dma_wait3A_1618] : memref<1024xi32, #tpu.memory_space<vmem>> -> memref<32xi32, #tpu.memory_space<vmem>>
    %dma_wait3A_1620 = arith.constant 0 : i32
    %dma_wait3A_1621 = arith.constant 0 : i32
    %dma_wait3A_1622 = tpu.memref_slice %arg3[%dma_wait3A_1620, %dma_wait3A_1621] : memref<8194x1024xf32, #tpu.memory_space<hbm>> -> memref<8194x1024xf32, #tpu.memory_space<hbm>>
    tpu.wait_indirect_dma semaphore(%arg13 : memref<!tpu.dma_semaphore, #tpu.memory_space<semaphore_mem>>) src(%dma_wait3A_1622 : memref<8194x1024xf32, #tpu.memory_space<hbm>>) dst(%arg10 : memref<32x1024xf32, #tpu.memory_space<vmem>>)
    %add3A_1623 = arith.constant 832 : i32
    %add3A_1624 = arith.addi %mul3A_2, %add3A_1623 : i32
    %dma_start3A_1625 = arith.constant 0 : i32
    %dma_start3A_1626 = tpu.memref_slice %arg4[%add3A_1624, %dma_start3A_1625] : memref<32768x1024xf32, #tpu.memory_space<hbm>> -> memref<32x1024xf32, #tpu.memory_space<hbm>>
    %dma_start3A_1627 = arith.constant 0 : i32
    %dma_start3A_1628 = tpu.memref_slice %arg4[%add3A_1624, %dma_start3A_1627] : memref<32768x1024xf32, #tpu.memory_space<hbm>> -> memref<32x1024xf32, #tpu.memory_space<hbm>>
    tpu.enqueue_dma source(%arg10 : memref<32x1024xf32, #tpu.memory_space<vmem>>) target(%dma_start3A_1628 : memref<32x1024xf32, #tpu.memory_space<hbm>>) target_semaphore(%arg16 : memref<!tpu.dma_semaphore, #tpu.memory_space<semaphore_mem>>)
    %get3A_1629 = arith.constant 896 : index
    %get3A_1630 = tpu.vector_load %arg5[%get3A_1629] {strides = array<i32>} : memref<1024xi32, #tpu.memory_space<vmem>>, vector<16xi32>,
    %neg3A_1631 = arith.constant 0 : i32
    %neg3A_1632 = vector.broadcast %neg3A_1631 : i32 to vector<16xi32>
    %neg3A_1633 = arith.subi %neg3A_1632, %get3A_1630 : vector<16xi32>
    %or3A_1634 = arith.ori %get3A_1630, %neg3A_1633 : vector<16xi32>
    %shift_right_logical3A_1635 = arith.constant 31 : i32
    %shift_right_logical3A_1636 = vector.broadcast %shift_right_logical3A_1635 : i32 to vector<16xi32>
    %shift_right_logical3A_1637 = arith.shrui %or3A_1634, %shift_right_logical3A_1636 : vector<16xi32>
    %broadcast_in_dim3A_1638 = arith.constant true
    %broadcast_in_dim3A_1639 = vector.broadcast %broadcast_in_dim3A_1638 : i1 to vector<16xi1>
    %masked_cumsum3A_1640 = tpu.scan <sum>, %shift_right_logical3A_1637 masked %broadcast_in_dim3A_1639 : vector<16xi32>, vector<16xi1> -> vector<16xi32>
    %add3A_1641 = vector.broadcast %squeeze3A_1608 : i32 to vector<16xi32>
    %add3A_1642 = arith.addi %masked_cumsum3A_1640, %add3A_1641 : vector<16xi32>
    %mul3A_1643 = arith.muli %add3A_1642, %shift_right_logical3A_1637 : vector<16xi32>
    %swap3A_1644 = arith.constant 896 : index
    %swap3A_1645 = tpu.vector_load %arg7[%swap3A_1644] {strides = array<i32>} : memref<1024xi32, #tpu.memory_space<vmem>>, vector<16xi32>,
    tpu.vector_store %arg7[%swap3A_1644], %mul3A_1643 {strides = array<i32>} : memref<1024xi32, #tpu.memory_space<vmem>>, vector<16xi32>,
    %slice3A_1646 = vector.extract_strided_slice %add3A_1642 {offsets = [15], sizes = [1], strides = [1]} : vector<16xi32> to vector<1xi32>
    %squeeze3A_1647 = vector.extract %slice3A_1646[0] : i32 from vector<1xi32>
    %get3A_1648 = arith.constant 912 : index
    %get3A_1649 = tpu.vector_load %arg5[%get3A_1648] {strides = array<i32>} : memref<1024xi32, #tpu.memory_space<vmem>>, vector<16xi32>,
    %neg3A_1650 = arith.constant 0 : i32
    %neg3A_1651 = vector.broadcast %neg3A_1650 : i32 to vector<16xi32>
    %neg3A_1652 = arith.subi %neg3A_1651, %get3A_1649 : vector<16xi32>
    %or3A_1653 = arith.ori %get3A_1649, %neg3A_1652 : vector<16xi32>
    %shift_right_logical3A_1654 = arith.constant 31 : i32
    %shift_right_logical3A_1655 = vector.broadcast %shift_right_logical3A_1654 : i32 to vector<16xi32>
    %shift_right_logical3A_1656 = arith.shrui %or3A_1653, %shift_right_logical3A_1655 : vector<16xi32>
    %broadcast_in_dim3A_1657 = arith.constant true
    %broadcast_in_dim3A_1658 = vector.broadcast %broadcast_in_dim3A_1657 : i1 to vector<16xi1>
    %masked_cumsum3A_1659 = tpu.scan <sum>, %shift_right_logical3A_1656 masked %broadcast_in_dim3A_1658 : vector<16xi32>, vector<16xi1> -> vector<16xi32>
    %add3A_1660 = vector.broadcast %squeeze3A_1647 : i32 to vector<16xi32>
    %add3A_1661 = arith.addi %masked_cumsum3A_1659, %add3A_1660 : vector<16xi32>
    %mul3A_1662 = arith.muli %add3A_1661, %shift_right_logical3A_1656 : vector<16xi32>
    %swap3A_1663 = arith.constant 912 : index
    %swap3A_1664 = tpu.vector_load %arg7[%swap3A_1663] {strides = array<i32>} : memref<1024xi32, #tpu.memory_space<vmem>>, vector<16xi32>,
    tpu.vector_store %arg7[%swap3A_1663], %mul3A_1662 {strides = array<i32>} : memref<1024xi32, #tpu.memory_space<vmem>>, vector<16xi32>,
    %slice3A_1665 = vector.extract_strided_slice %add3A_1661 {offsets = [15], sizes = [1], strides = [1]} : vector<16xi32> to vector<1xi32>
    %squeeze3A_1666 = vector.extract %slice3A_1665[0] : i32 from vector<1xi32>
    %dma_wait3A_1667 = arith.constant 0 : i32
    %dma_wait3A_1668 = tpu.memref_slice %arg4[%add3A_1566, %dma_wait3A_1667] : memref<32768x1024xf32, #tpu.memory_space<hbm>> -> memref<32x1024xf32, #tpu.memory_space<hbm>>
    %dma_wait3A_1669 = arith.constant 0 : i32
    %dma_wait3A_1670 = tpu.memref_slice %arg4[%add3A_1566, %dma_wait3A_1669] : memref<32768x1024xf32, #tpu.memory_space<hbm>> -> memref<32x1024xf32, #tpu.memory_space<hbm>>
    tpu.wait_dma2 semaphore(%arg15 : memref<!tpu.dma_semaphore, #tpu.memory_space<semaphore_mem>>) src(%arg9 : memref<32x1024xf32, #tpu.memory_space<vmem>>) dst(%dma_wait3A_1670 : memref<32x1024xf32, #tpu.memory_space<hbm>>)
    %dma_start3A_1671 = arith.constant 896 : i32
    %dma_start3A_1672 = tpu.memref_slice %arg7[%dma_start3A_1671] : memref<1024xi32, #tpu.memory_space<vmem>> -> memref<32xi32, #tpu.memory_space<vmem>>
    %dma_start3A_1673 = arith.constant 0 : i32
    %dma_start3A_1674 = arith.constant 0 : i32
    %dma_start3A_1675 = tpu.memref_slice %arg3[%dma_start3A_1673, %dma_start3A_1674] : memref<8194x1024xf32, #tpu.memory_space<hbm>> -> memref<8194x1024xf32, #tpu.memory_space<hbm>>
    tpu.enqueue_indirect_dma source(%dma_start3A_1675 : memref<8194x1024xf32, #tpu.memory_space<hbm>>) target(%arg9 : memref<32x1024xf32, #tpu.memory_space<vmem>>) offsets(%dma_start3A_1672 : memref<32xi32, #tpu.memory_space<vmem>>) semaphore(%arg12 : memref<!tpu.dma_semaphore, #tpu.memory_space<semaphore_mem>>)
    %dma_wait3A_1676 = arith.constant 864 : i32
    %dma_wait3A_1677 = tpu.memref_slice %arg7[%dma_wait3A_1676] : memref<1024xi32, #tpu.memory_space<vmem>> -> memref<32xi32, #tpu.memory_space<vmem>>
    %dma_wait3A_1678 = arith.constant 0 : i32
    %dma_wait3A_1679 = arith.constant 0 : i32
    %dma_wait3A_1680 = tpu.memref_slice %arg3[%dma_wait3A_1678, %dma_wait3A_1679] : memref<8194x1024xf32, #tpu.memory_space<hbm>> -> memref<8194x1024xf32, #tpu.memory_space<hbm>>
    tpu.wait_indirect_dma semaphore(%arg11 : memref<!tpu.dma_semaphore, #tpu.memory_space<semaphore_mem>>) src(%dma_wait3A_1680 : memref<8194x1024xf32, #tpu.memory_space<hbm>>) dst(%arg8 : memref<32x1024xf32, #tpu.memory_space<vmem>>)
    %add3A_1681 = arith.constant 864 : i32
    %add3A_1682 = arith.addi %mul3A_2, %add3A_1681 : i32
    %dma_start3A_1683 = arith.constant 0 : i32
    %dma_start3A_1684 = tpu.memref_slice %arg4[%add3A_1682, %dma_start3A_1683] : memref<32768x1024xf32, #tpu.memory_space<hbm>> -> memref<32x1024xf32, #tpu.memory_space<hbm>>
    %dma_start3A_1685 = arith.constant 0 : i32
    %dma_start3A_1686 = tpu.memref_slice %arg4[%add3A_1682, %dma_start3A_1685] : memref<32768x1024xf32, #tpu.memory_space<hbm>> -> memref<32x1024xf32, #tpu.memory_space<hbm>>
    tpu.enqueue_dma source(%arg8 : memref<32x1024xf32, #tpu.memory_space<vmem>>) target(%dma_start3A_1686 : memref<32x1024xf32, #tpu.memory_space<hbm>>) target_semaphore(%arg14 : memref<!tpu.dma_semaphore, #tpu.memory_space<semaphore_mem>>)
    %get3A_1687 = arith.constant 928 : index
    %get3A_1688 = tpu.vector_load %arg5[%get3A_1687] {strides = array<i32>} : memref<1024xi32, #tpu.memory_space<vmem>>, vector<16xi32>,
    %neg3A_1689 = arith.constant 0 : i32
    %neg3A_1690 = vector.broadcast %neg3A_1689 : i32 to vector<16xi32>
    %neg3A_1691 = arith.subi %neg3A_1690, %get3A_1688 : vector<16xi32>
    %or3A_1692 = arith.ori %get3A_1688, %neg3A_1691 : vector<16xi32>
    %shift_right_logical3A_1693 = arith.constant 31 : i32
    %shift_right_logical3A_1694 = vector.broadcast %shift_right_logical3A_1693 : i32 to vector<16xi32>
    %shift_right_logical3A_1695 = arith.shrui %or3A_1692, %shift_right_logical3A_1694 : vector<16xi32>
    %broadcast_in_dim3A_1696 = arith.constant true
    %broadcast_in_dim3A_1697 = vector.broadcast %broadcast_in_dim3A_1696 : i1 to vector<16xi1>
    %masked_cumsum3A_1698 = tpu.scan <sum>, %shift_right_logical3A_1695 masked %broadcast_in_dim3A_1697 : vector<16xi32>, vector<16xi1> -> vector<16xi32>
    %add3A_1699 = vector.broadcast %squeeze3A_1666 : i32 to vector<16xi32>
    %add3A_1700 = arith.addi %masked_cumsum3A_1698, %add3A_1699 : vector<16xi32>
    %mul3A_1701 = arith.muli %add3A_1700, %shift_right_logical3A_1695 : vector<16xi32>
    %swap3A_1702 = arith.constant 928 : index
    %swap3A_1703 = tpu.vector_load %arg7[%swap3A_1702] {strides = array<i32>} : memref<1024xi32, #tpu.memory_space<vmem>>, vector<16xi32>,
    tpu.vector_store %arg7[%swap3A_1702], %mul3A_1701 {strides = array<i32>} : memref<1024xi32, #tpu.memory_space<vmem>>, vector<16xi32>,
    %slice3A_1704 = vector.extract_strided_slice %add3A_1700 {offsets = [15], sizes = [1], strides = [1]} : vector<16xi32> to vector<1xi32>
    %squeeze3A_1705 = vector.extract %slice3A_1704[0] : i32 from vector<1xi32>
    %get3A_1706 = arith.constant 944 : index
    %get3A_1707 = tpu.vector_load %arg5[%get3A_1706] {strides = array<i32>} : memref<1024xi32, #tpu.memory_space<vmem>>, vector<16xi32>,
    %neg3A_1708 = arith.constant 0 : i32
    %neg3A_1709 = vector.broadcast %neg3A_1708 : i32 to vector<16xi32>
    %neg3A_1710 = arith.subi %neg3A_1709, %get3A_1707 : vector<16xi32>
    %or3A_1711 = arith.ori %get3A_1707, %neg3A_1710 : vector<16xi32>
    %shift_right_logical3A_1712 = arith.constant 31 : i32
    %shift_right_logical3A_1713 = vector.broadcast %shift_right_logical3A_1712 : i32 to vector<16xi32>
    %shift_right_logical3A_1714 = arith.shrui %or3A_1711, %shift_right_logical3A_1713 : vector<16xi32>
    %broadcast_in_dim3A_1715 = arith.constant true
    %broadcast_in_dim3A_1716 = vector.broadcast %broadcast_in_dim3A_1715 : i1 to vector<16xi1>
    %masked_cumsum3A_1717 = tpu.scan <sum>, %shift_right_logical3A_1714 masked %broadcast_in_dim3A_1716 : vector<16xi32>, vector<16xi1> -> vector<16xi32>
    %add3A_1718 = vector.broadcast %squeeze3A_1705 : i32 to vector<16xi32>
    %add3A_1719 = arith.addi %masked_cumsum3A_1717, %add3A_1718 : vector<16xi32>
    %mul3A_1720 = arith.muli %add3A_1719, %shift_right_logical3A_1714 : vector<16xi32>
    %swap3A_1721 = arith.constant 944 : index
    %swap3A_1722 = tpu.vector_load %arg7[%swap3A_1721] {strides = array<i32>} : memref<1024xi32, #tpu.memory_space<vmem>>, vector<16xi32>,
    tpu.vector_store %arg7[%swap3A_1721], %mul3A_1720 {strides = array<i32>} : memref<1024xi32, #tpu.memory_space<vmem>>, vector<16xi32>,
    %slice3A_1723 = vector.extract_strided_slice %add3A_1719 {offsets = [15], sizes = [1], strides = [1]} : vector<16xi32> to vector<1xi32>
    %squeeze3A_1724 = vector.extract %slice3A_1723[0] : i32 from vector<1xi32>
    %dma_wait3A_1725 = arith.constant 0 : i32
    %dma_wait3A_1726 = tpu.memref_slice %arg4[%add3A_1624, %dma_wait3A_1725] : memref<32768x1024xf32, #tpu.memory_space<hbm>> -> memref<32x1024xf32, #tpu.memory_space<hbm>>
    %dma_wait3A_1727 = arith.constant 0 : i32
    %dma_wait3A_1728 = tpu.memref_slice %arg4[%add3A_1624, %dma_wait3A_1727] : memref<32768x1024xf32, #tpu.memory_space<hbm>> -> memref<32x1024xf32, #tpu.memory_space<hbm>>
    tpu.wait_dma2 semaphore(%arg16 : memref<!tpu.dma_semaphore, #tpu.memory_space<semaphore_mem>>) src(%arg10 : memref<32x1024xf32, #tpu.memory_space<vmem>>) dst(%dma_wait3A_1728 : memref<32x1024xf32, #tpu.memory_space<hbm>>)
    %dma_start3A_1729 = arith.constant 928 : i32
    %dma_start3A_1730 = tpu.memref_slice %arg7[%dma_start3A_1729] : memref<1024xi32, #tpu.memory_space<vmem>> -> memref<32xi32, #tpu.memory_space<vmem>>
    %dma_start3A_1731 = arith.constant 0 : i32
    %dma_start3A_1732 = arith.constant 0 : i32
    %dma_start3A_1733 = tpu.memref_slice %arg3[%dma_start3A_1731, %dma_start3A_1732] : memref<8194x1024xf32, #tpu.memory_space<hbm>> -> memref<8194x1024xf32, #tpu.memory_space<hbm>>
    tpu.enqueue_indirect_dma source(%dma_start3A_1733 : memref<8194x1024xf32, #tpu.memory_space<hbm>>) target(%arg10 : memref<32x1024xf32, #tpu.memory_space<vmem>>) offsets(%dma_start3A_1730 : memref<32xi32, #tpu.memory_space<vmem>>) semaphore(%arg13 : memref<!tpu.dma_semaphore, #tpu.memory_space<semaphore_mem>>)
    %dma_wait3A_1734 = arith.constant 896 : i32
    %dma_wait3A_1735 = tpu.memref_slice %arg7[%dma_wait3A_1734] : memref<1024xi32, #tpu.memory_space<vmem>> -> memref<32xi32, #tpu.memory_space<vmem>>
    %dma_wait3A_1736 = arith.constant 0 : i32
    %dma_wait3A_1737 = arith.constant 0 : i32
    %dma_wait3A_1738 = tpu.memref_slice %arg3[%dma_wait3A_1736, %dma_wait3A_1737] : memref<8194x1024xf32, #tpu.memory_space<hbm>> -> memref<8194x1024xf32, #tpu.memory_space<hbm>>
    tpu.wait_indirect_dma semaphore(%arg12 : memref<!tpu.dma_semaphore, #tpu.memory_space<semaphore_mem>>) src(%dma_wait3A_1738 : memref<8194x1024xf32, #tpu.memory_space<hbm>>) dst(%arg9 : memref<32x1024xf32, #tpu.memory_space<vmem>>)
    %add3A_1739 = arith.constant 896 : i32
    %add3A_1740 = arith.addi %mul3A_2, %add3A_1739 : i32
    %dma_start3A_1741 = arith.constant 0 : i32
    %dma_start3A_1742 = tpu.memref_slice %arg4[%add3A_1740, %dma_start3A_1741] : memref<32768x1024xf32, #tpu.memory_space<hbm>> -> memref<32x1024xf32, #tpu.memory_space<hbm>>
    %dma_start3A_1743 = arith.constant 0 : i32
    %dma_start3A_1744 = tpu.memref_slice %arg4[%add3A_1740, %dma_start3A_1743] : memref<32768x1024xf32, #tpu.memory_space<hbm>> -> memref<32x1024xf32, #tpu.memory_space<hbm>>
    tpu.enqueue_dma source(%arg9 : memref<32x1024xf32, #tpu.memory_space<vmem>>) target(%dma_start3A_1744 : memref<32x1024xf32, #tpu.memory_space<hbm>>) target_semaphore(%arg15 : memref<!tpu.dma_semaphore, #tpu.memory_space<semaphore_mem>>)
    %get3A_1745 = arith.constant 960 : index
    %get3A_1746 = tpu.vector_load %arg5[%get3A_1745] {strides = array<i32>} : memref<1024xi32, #tpu.memory_space<vmem>>, vector<16xi32>,
    %neg3A_1747 = arith.constant 0 : i32
    %neg3A_1748 = vector.broadcast %neg3A_1747 : i32 to vector<16xi32>
    %neg3A_1749 = arith.subi %neg3A_1748, %get3A_1746 : vector<16xi32>
    %or3A_1750 = arith.ori %get3A_1746, %neg3A_1749 : vector<16xi32>
    %shift_right_logical3A_1751 = arith.constant 31 : i32
    %shift_right_logical3A_1752 = vector.broadcast %shift_right_logical3A_1751 : i32 to vector<16xi32>
    %shift_right_logical3A_1753 = arith.shrui %or3A_1750, %shift_right_logical3A_1752 : vector<16xi32>
    %broadcast_in_dim3A_1754 = arith.constant true
    %broadcast_in_dim3A_1755 = vector.broadcast %broadcast_in_dim3A_1754 : i1 to vector<16xi1>
    %masked_cumsum3A_1756 = tpu.scan <sum>, %shift_right_logical3A_1753 masked %broadcast_in_dim3A_1755 : vector<16xi32>, vector<16xi1> -> vector<16xi32>
    %add3A_1757 = vector.broadcast %squeeze3A_1724 : i32 to vector<16xi32>
    %add3A_1758 = arith.addi %masked_cumsum3A_1756, %add3A_1757 : vector<16xi32>
    %mul3A_1759 = arith.muli %add3A_1758, %shift_right_logical3A_1753 : vector<16xi32>
    %swap3A_1760 = arith.constant 960 : index
    %swap3A_1761 = tpu.vector_load %arg7[%swap3A_1760] {strides = array<i32>} : memref<1024xi32, #tpu.memory_space<vmem>>, vector<16xi32>,
    tpu.vector_store %arg7[%swap3A_1760], %mul3A_1759 {strides = array<i32>} : memref<1024xi32, #tpu.memory_space<vmem>>, vector<16xi32>,
    %slice3A_1762 = vector.extract_strided_slice %add3A_1758 {offsets = [15], sizes = [1], strides = [1]} : vector<16xi32> to vector<1xi32>
    %squeeze3A_1763 = vector.extract %slice3A_1762[0] : i32 from vector<1xi32>
    %get3A_1764 = arith.constant 976 : index
    %get3A_1765 = tpu.vector_load %arg5[%get3A_1764] {strides = array<i32>} : memref<1024xi32, #tpu.memory_space<vmem>>, vector<16xi32>,
    %neg3A_1766 = arith.constant 0 : i32
    %neg3A_1767 = vector.broadcast %neg3A_1766 : i32 to vector<16xi32>
    %neg3A_1768 = arith.subi %neg3A_1767, %get3A_1765 : vector<16xi32>
    %or3A_1769 = arith.ori %get3A_1765, %neg3A_1768 : vector<16xi32>
    %shift_right_logical3A_1770 = arith.constant 31 : i32
    %shift_right_logical3A_1771 = vector.broadcast %shift_right_logical3A_1770 : i32 to vector<16xi32>
    %shift_right_logical3A_1772 = arith.shrui %or3A_1769, %shift_right_logical3A_1771 : vector<16xi32>
    %broadcast_in_dim3A_1773 = arith.constant true
    %broadcast_in_dim3A_1774 = vector.broadcast %broadcast_in_dim3A_1773 : i1 to vector<16xi1>
    %masked_cumsum3A_1775 = tpu.scan <sum>, %shift_right_logical3A_1772 masked %broadcast_in_dim3A_1774 : vector<16xi32>, vector<16xi1> -> vector<16xi32>
    %add3A_1776 = vector.broadcast %squeeze3A_1763 : i32 to vector<16xi32>
    %add3A_1777 = arith.addi %masked_cumsum3A_1775, %add3A_1776 : vector<16xi32>
    %mul3A_1778 = arith.muli %add3A_1777, %shift_right_logical3A_1772 : vector<16xi32>
    %swap3A_1779 = arith.constant 976 : index
    %swap3A_1780 = tpu.vector_load %arg7[%swap3A_1779] {strides = array<i32>} : memref<1024xi32, #tpu.memory_space<vmem>>, vector<16xi32>,
    tpu.vector_store %arg7[%swap3A_1779], %mul3A_1778 {strides = array<i32>} : memref<1024xi32, #tpu.memory_space<vmem>>, vector<16xi32>,
    %slice3A_1781 = vector.extract_strided_slice %add3A_1777 {offsets = [15], sizes = [1], strides = [1]} : vector<16xi32> to vector<1xi32>
    %squeeze3A_1782 = vector.extract %slice3A_1781[0] : i32 from vector<1xi32>
    %dma_wait3A_1783 = arith.constant 0 : i32
    %dma_wait3A_1784 = tpu.memref_slice %arg4[%add3A_1682, %dma_wait3A_1783] : memref<32768x1024xf32, #tpu.memory_space<hbm>> -> memref<32x1024xf32, #tpu.memory_space<hbm>>
    %dma_wait3A_1785 = arith.constant 0 : i32
    %dma_wait3A_1786 = tpu.memref_slice %arg4[%add3A_1682, %dma_wait3A_1785] : memref<32768x1024xf32, #tpu.memory_space<hbm>> -> memref<32x1024xf32, #tpu.memory_space<hbm>>
    tpu.wait_dma2 semaphore(%arg14 : memref<!tpu.dma_semaphore, #tpu.memory_space<semaphore_mem>>) src(%arg8 : memref<32x1024xf32, #tpu.memory_space<vmem>>) dst(%dma_wait3A_1786 : memref<32x1024xf32, #tpu.memory_space<hbm>>)
    %dma_start3A_1787 = arith.constant 960 : i32
    %dma_start3A_1788 = tpu.memref_slice %arg7[%dma_start3A_1787] : memref<1024xi32, #tpu.memory_space<vmem>> -> memref<32xi32, #tpu.memory_space<vmem>>
    %dma_start3A_1789 = arith.constant 0 : i32
    %dma_start3A_1790 = arith.constant 0 : i32
    %dma_start3A_1791 = tpu.memref_slice %arg3[%dma_start3A_1789, %dma_start3A_1790] : memref<8194x1024xf32, #tpu.memory_space<hbm>> -> memref<8194x1024xf32, #tpu.memory_space<hbm>>
    tpu.enqueue_indirect_dma source(%dma_start3A_1791 : memref<8194x1024xf32, #tpu.memory_space<hbm>>) target(%arg8 : memref<32x1024xf32, #tpu.memory_space<vmem>>) offsets(%dma_start3A_1788 : memref<32xi32, #tpu.memory_space<vmem>>) semaphore(%arg11 : memref<!tpu.dma_semaphore, #tpu.memory_space<semaphore_mem>>)
    %dma_wait3A_1792 = arith.constant 928 : i32
    %dma_wait3A_1793 = tpu.memref_slice %arg7[%dma_wait3A_1792] : memref<1024xi32, #tpu.memory_space<vmem>> -> memref<32xi32, #tpu.memory_space<vmem>>
    %dma_wait3A_1794 = arith.constant 0 : i32
    %dma_wait3A_1795 = arith.constant 0 : i32
    %dma_wait3A_1796 = tpu.memref_slice %arg3[%dma_wait3A_1794, %dma_wait3A_1795] : memref<8194x1024xf32, #tpu.memory_space<hbm>> -> memref<8194x1024xf32, #tpu.memory_space<hbm>>
    tpu.wait_indirect_dma semaphore(%arg13 : memref<!tpu.dma_semaphore, #tpu.memory_space<semaphore_mem>>) src(%dma_wait3A_1796 : memref<8194x1024xf32, #tpu.memory_space<hbm>>) dst(%arg10 : memref<32x1024xf32, #tpu.memory_space<vmem>>)
    %add3A_1797 = arith.constant 928 : i32
    %add3A_1798 = arith.addi %mul3A_2, %add3A_1797 : i32
    %dma_start3A_1799 = arith.constant 0 : i32
    %dma_start3A_1800 = tpu.memref_slice %arg4[%add3A_1798, %dma_start3A_1799] : memref<32768x1024xf32, #tpu.memory_space<hbm>> -> memref<32x1024xf32, #tpu.memory_space<hbm>>
    %dma_start3A_1801 = arith.constant 0 : i32
    %dma_start3A_1802 = tpu.memref_slice %arg4[%add3A_1798, %dma_start3A_1801] : memref<32768x1024xf32, #tpu.memory_space<hbm>> -> memref<32x1024xf32, #tpu.memory_space<hbm>>
    tpu.enqueue_dma source(%arg10 : memref<32x1024xf32, #tpu.memory_space<vmem>>) target(%dma_start3A_1802 : memref<32x1024xf32, #tpu.memory_space<hbm>>) target_semaphore(%arg16 : memref<!tpu.dma_semaphore, #tpu.memory_space<semaphore_mem>>)
    %get3A_1803 = arith.constant 992 : index
    %get3A_1804 = tpu.vector_load %arg5[%get3A_1803] {strides = array<i32>} : memref<1024xi32, #tpu.memory_space<vmem>>, vector<16xi32>,
    %neg3A_1805 = arith.constant 0 : i32
    %neg3A_1806 = vector.broadcast %neg3A_1805 : i32 to vector<16xi32>
    %neg3A_1807 = arith.subi %neg3A_1806, %get3A_1804 : vector<16xi32>
    %or3A_1808 = arith.ori %get3A_1804, %neg3A_1807 : vector<16xi32>
    %shift_right_logical3A_1809 = arith.constant 31 : i32
    %shift_right_logical3A_1810 = vector.broadcast %shift_right_logical3A_1809 : i32 to vector<16xi32>
    %shift_right_logical3A_1811 = arith.shrui %or3A_1808, %shift_right_logical3A_1810 : vector<16xi32>
    %broadcast_in_dim3A_1812 = arith.constant true
    %broadcast_in_dim3A_1813 = vector.broadcast %broadcast_in_dim3A_1812 : i1 to vector<16xi1>
    %masked_cumsum3A_1814 = tpu.scan <sum>, %shift_right_logical3A_1811 masked %broadcast_in_dim3A_1813 : vector<16xi32>, vector<16xi1> -> vector<16xi32>
    %add3A_1815 = vector.broadcast %squeeze3A_1782 : i32 to vector<16xi32>
    %add3A_1816 = arith.addi %masked_cumsum3A_1814, %add3A_1815 : vector<16xi32>
    %mul3A_1817 = arith.muli %add3A_1816, %shift_right_logical3A_1811 : vector<16xi32>
    %swap3A_1818 = arith.constant 992 : index
    %swap3A_1819 = tpu.vector_load %arg7[%swap3A_1818] {strides = array<i32>} : memref<1024xi32, #tpu.memory_space<vmem>>, vector<16xi32>,
    tpu.vector_store %arg7[%swap3A_1818], %mul3A_1817 {strides = array<i32>} : memref<1024xi32, #tpu.memory_space<vmem>>, vector<16xi32>,
    %slice3A_1820 = vector.extract_strided_slice %add3A_1816 {offsets = [15], sizes = [1], strides = [1]} : vector<16xi32> to vector<1xi32>
    %squeeze3A_1821 = vector.extract %slice3A_1820[0] : i32 from vector<1xi32>
    %get3A_1822 = arith.constant 1008 : index
    %get3A_1823 = tpu.vector_load %arg5[%get3A_1822] {strides = array<i32>} : memref<1024xi32, #tpu.memory_space<vmem>>, vector<16xi32>,
    %neg3A_1824 = arith.constant 0 : i32
    %neg3A_1825 = vector.broadcast %neg3A_1824 : i32 to vector<16xi32>
    %neg3A_1826 = arith.subi %neg3A_1825, %get3A_1823 : vector<16xi32>
    %or3A_1827 = arith.ori %get3A_1823, %neg3A_1826 : vector<16xi32>
    %shift_right_logical3A_1828 = arith.constant 31 : i32
    %shift_right_logical3A_1829 = vector.broadcast %shift_right_logical3A_1828 : i32 to vector<16xi32>
    %shift_right_logical3A_1830 = arith.shrui %or3A_1827, %shift_right_logical3A_1829 : vector<16xi32>
    %broadcast_in_dim3A_1831 = arith.constant true
    %broadcast_in_dim3A_1832 = vector.broadcast %broadcast_in_dim3A_1831 : i1 to vector<16xi1>
    %masked_cumsum3A_1833 = tpu.scan <sum>, %shift_right_logical3A_1830 masked %broadcast_in_dim3A_1832 : vector<16xi32>, vector<16xi1> -> vector<16xi32>
    %add3A_1834 = vector.broadcast %squeeze3A_1821 : i32 to vector<16xi32>
    %add3A_1835 = arith.addi %masked_cumsum3A_1833, %add3A_1834 : vector<16xi32>
    %mul3A_1836 = arith.muli %add3A_1835, %shift_right_logical3A_1830 : vector<16xi32>
    %swap3A_1837 = arith.constant 1008 : index
    %swap3A_1838 = tpu.vector_load %arg7[%swap3A_1837] {strides = array<i32>} : memref<1024xi32, #tpu.memory_space<vmem>>, vector<16xi32>,
    tpu.vector_store %arg7[%swap3A_1837], %mul3A_1836 {strides = array<i32>} : memref<1024xi32, #tpu.memory_space<vmem>>, vector<16xi32>,
    %slice3A_1839 = vector.extract_strided_slice %add3A_1835 {offsets = [15], sizes = [1], strides = [1]} : vector<16xi32> to vector<1xi32>
    %squeeze3A_1840 = vector.extract %slice3A_1839[0] : i32 from vector<1xi32>
    %dma_wait3A_1841 = arith.constant 0 : i32
    %dma_wait3A_1842 = tpu.memref_slice %arg4[%add3A_1740, %dma_wait3A_1841] : memref<32768x1024xf32, #tpu.memory_space<hbm>> -> memref<32x1024xf32, #tpu.memory_space<hbm>>
    %dma_wait3A_1843 = arith.constant 0 : i32
    %dma_wait3A_1844 = tpu.memref_slice %arg4[%add3A_1740, %dma_wait3A_1843] : memref<32768x1024xf32, #tpu.memory_space<hbm>> -> memref<32x1024xf32, #tpu.memory_space<hbm>>
    tpu.wait_dma2 semaphore(%arg15 : memref<!tpu.dma_semaphore, #tpu.memory_space<semaphore_mem>>) src(%arg9 : memref<32x1024xf32, #tpu.memory_space<vmem>>) dst(%dma_wait3A_1844 : memref<32x1024xf32, #tpu.memory_space<hbm>>)
    %dma_start3A_1845 = arith.constant 992 : i32
    %dma_start3A_1846 = tpu.memref_slice %arg7[%dma_start3A_1845] : memref<1024xi32, #tpu.memory_space<vmem>> -> memref<32xi32, #tpu.memory_space<vmem>>
    %dma_start3A_1847 = arith.constant 0 : i32
    %dma_start3A_1848 = arith.constant 0 : i32
    %dma_start3A_1849 = tpu.memref_slice %arg3[%dma_start3A_1847, %dma_start3A_1848] : memref<8194x1024xf32, #tpu.memory_space<hbm>> -> memref<8194x1024xf32, #tpu.memory_space<hbm>>
    tpu.enqueue_indirect_dma source(%dma_start3A_1849 : memref<8194x1024xf32, #tpu.memory_space<hbm>>) target(%arg9 : memref<32x1024xf32, #tpu.memory_space<vmem>>) offsets(%dma_start3A_1846 : memref<32xi32, #tpu.memory_space<vmem>>) semaphore(%arg12 : memref<!tpu.dma_semaphore, #tpu.memory_space<semaphore_mem>>)
    %dma_wait3A_1850 = arith.constant 960 : i32
    %dma_wait3A_1851 = tpu.memref_slice %arg7[%dma_wait3A_1850] : memref<1024xi32, #tpu.memory_space<vmem>> -> memref<32xi32, #tpu.memory_space<vmem>>
    %dma_wait3A_1852 = arith.constant 0 : i32
    %dma_wait3A_1853 = arith.constant 0 : i32
    %dma_wait3A_1854 = tpu.memref_slice %arg3[%dma_wait3A_1852, %dma_wait3A_1853] : memref<8194x1024xf32, #tpu.memory_space<hbm>> -> memref<8194x1024xf32, #tpu.memory_space<hbm>>
    tpu.wait_indirect_dma semaphore(%arg11 : memref<!tpu.dma_semaphore, #tpu.memory_space<semaphore_mem>>) src(%dma_wait3A_1854 : memref<8194x1024xf32, #tpu.memory_space<hbm>>) dst(%arg8 : memref<32x1024xf32, #tpu.memory_space<vmem>>)
    %add3A_1855 = arith.constant 960 : i32
    %add3A_1856 = arith.addi %mul3A_2, %add3A_1855 : i32
    %dma_start3A_1857 = arith.constant 0 : i32
    %dma_start3A_1858 = tpu.memref_slice %arg4[%add3A_1856, %dma_start3A_1857] : memref<32768x1024xf32, #tpu.memory_space<hbm>> -> memref<32x1024xf32, #tpu.memory_space<hbm>>
    %dma_start3A_1859 = arith.constant 0 : i32
    %dma_start3A_1860 = tpu.memref_slice %arg4[%add3A_1856, %dma_start3A_1859] : memref<32768x1024xf32, #tpu.memory_space<hbm>> -> memref<32x1024xf32, #tpu.memory_space<hbm>>
    tpu.enqueue_dma source(%arg8 : memref<32x1024xf32, #tpu.memory_space<vmem>>) target(%dma_start3A_1860 : memref<32x1024xf32, #tpu.memory_space<hbm>>) target_semaphore(%arg14 : memref<!tpu.dma_semaphore, #tpu.memory_space<semaphore_mem>>)
    %dma_wait3A_1861 = arith.constant 992 : i32
    %dma_wait3A_1862 = tpu.memref_slice %arg7[%dma_wait3A_1861] : memref<1024xi32, #tpu.memory_space<vmem>> -> memref<32xi32, #tpu.memory_space<vmem>>
    %dma_wait3A_1863 = arith.constant 0 : i32
    %dma_wait3A_1864 = arith.constant 0 : i32
    %dma_wait3A_1865 = tpu.memref_slice %arg3[%dma_wait3A_1863, %dma_wait3A_1864] : memref<8194x1024xf32, #tpu.memory_space<hbm>> -> memref<8194x1024xf32, #tpu.memory_space<hbm>>
    tpu.wait_indirect_dma semaphore(%arg12 : memref<!tpu.dma_semaphore, #tpu.memory_space<semaphore_mem>>) src(%dma_wait3A_1865 : memref<8194x1024xf32, #tpu.memory_space<hbm>>) dst(%arg9 : memref<32x1024xf32, #tpu.memory_space<vmem>>)
    %add3A_1866 = arith.constant 992 : i32
    %add3A_1867 = arith.addi %mul3A_2, %add3A_1866 : i32
    %dma_start3A_1868 = arith.constant 0 : i32
    %dma_start3A_1869 = tpu.memref_slice %arg4[%add3A_1867, %dma_start3A_1868] : memref<32768x1024xf32, #tpu.memory_space<hbm>> -> memref<32x1024xf32, #tpu.memory_space<hbm>>
    %dma_start3A_1870 = arith.constant 0 : i32
    %dma_start3A_1871 = tpu.memref_slice %arg4[%add3A_1867, %dma_start3A_1870] : memref<32768x1024xf32, #tpu.memory_space<hbm>> -> memref<32x1024xf32, #tpu.memory_space<hbm>>
    tpu.enqueue_dma source(%arg9 : memref<32x1024xf32, #tpu.memory_space<vmem>>) target(%dma_start3A_1871 : memref<32x1024xf32, #tpu.memory_space<hbm>>) target_semaphore(%arg15 : memref<!tpu.dma_semaphore, #tpu.memory_space<semaphore_mem>>)
    %dma_wait3A_1872 = arith.constant 0 : i32
    %dma_wait3A_1873 = tpu.memref_slice %arg4[%add3A_1856, %dma_wait3A_1872] : memref<32768x1024xf32, #tpu.memory_space<hbm>> -> memref<32x1024xf32, #tpu.memory_space<hbm>>
    %dma_wait3A_1874 = arith.constant 0 : i32
    %dma_wait3A_1875 = tpu.memref_slice %arg4[%add3A_1856, %dma_wait3A_1874] : memref<32768x1024xf32, #tpu.memory_space<hbm>> -> memref<32x1024xf32, #tpu.memory_space<hbm>>
    tpu.wait_dma2 semaphore(%arg14 : memref<!tpu.dma_semaphore, #tpu.memory_space<semaphore_mem>>) src(%arg8 : memref<32x1024xf32, #tpu.memory_space<vmem>>) dst(%dma_wait3A_1875 : memref<32x1024xf32, #tpu.memory_space<hbm>>)
    %dma_wait3A_1876 = arith.constant 0 : i32
    %dma_wait3A_1877 = tpu.memref_slice %arg4[%add3A_1867, %dma_wait3A_1876] : memref<32768x1024xf32, #tpu.memory_space<hbm>> -> memref<32x1024xf32, #tpu.memory_space<hbm>>
    %dma_wait3A_1878 = arith.constant 0 : i32
    %dma_wait3A_1879 = tpu.memref_slice %arg4[%add3A_1867, %dma_wait3A_1878] : memref<32768x1024xf32, #tpu.memory_space<hbm>> -> memref<32x1024xf32, #tpu.memory_space<hbm>>
    tpu.wait_dma2 semaphore(%arg15 : memref<!tpu.dma_semaphore, #tpu.memory_space<semaphore_mem>>) src(%arg9 : memref<32x1024xf32, #tpu.memory_space<vmem>>) dst(%dma_wait3A_1879 : memref<32x1024xf32, #tpu.memory_space<hbm>>)
    %dma_wait3A_1880 = arith.constant 0 : i32
    %dma_wait3A_1881 = tpu.memref_slice %arg4[%add3A_1798, %dma_wait3A_1880] : memref<32768x1024xf32, #tpu.memory_space<hbm>> -> memref<32x1024xf32, #tpu.memory_space<hbm>>
    %dma_wait3A_1882 = arith.constant 0 : i32
    %dma_wait3A_1883 = tpu.memref_slice %arg4[%add3A_1798, %dma_wait3A_1882] : memref<32768x1024xf32, #tpu.memory_space<hbm>> -> memref<32x1024xf32, #tpu.memory_space<hbm>>
    tpu.wait_dma2 semaphore(%arg16 : memref<!tpu.dma_semaphore, #tpu.memory_space<semaphore_mem>>) src(%arg10 : memref<32x1024xf32, #tpu.memory_space<vmem>>) dst(%dma_wait3A_1883 : memref<32x1024xf32, #tpu.memory_space<hbm>>)
    return
  }
}

</mosaic_0001>

<sc_bundles>
// kernel: kernel.3.cloned.1.call-start
scs
__scs_entry_jumppad:
0x0: {  	(pc) =	sbr.rel $0x88, $3  }
0x1: {  	(tag) =	ssettag $0x0;
	lr =	simm.s32 $0x1  }
0x2: {  	[smem:$0x3F9F] =	sst lr;
	_ =	strace $0xD0000000  }
0x3: {  	_ = 	snop  }
0x4: {  	_ = 	snop  }
0x5: {  	_ = 	snop  }
0x6: {  	_ = 	snop  }
0x7: {  	_ = 	snop  }
__scs_overlays_trampoline_lowered:
0x8: {  	[smem:$0x3FAE] =	sst s0  }
0x9: {  	[smem:$0x3FAF] =	sst s1  }
0xa: {  	[smem:$0x3FB0] =	sst s2  }
0xb: {  	[smem:$0x3FB1] =	sst s3  }
0xc: {  	[smem:$0x3FB2] =	sst s4  }
0xd: {  	[smem:$0x3FB3] =	sst s5  }
0xe: {  	[smem:$0x3FB4] =	sst s6  }
0xf: {  	[smem:$0x3FB5] =	sst s7  }
0x10: {  	[smem:$0x3FB6] =	sst s8  }
0x11: {  	[smem:$0x3FB7] =	sst s9;
	s0 =	simm.s32 @!p0 $0x0  }
0x12: {  	s1 =	sld [smem:$0x3F9D];
	s0 =	simm.s32 @p0 $0x1  }
0x13: {  	[smem:$0x3FB8] =	sst s0;
	s0 =	simm.s32 @!p1 $0x0  }
0x14: {  	s2 =	sld [smem:$0x3F9C];
	s0 =	simm.s32 @p1 $0x1  }
0x15: {  	[smem:$0x3FB9] =	sst s0;
	s0 =	simm.s32 @!p2 $0x0  }
0x16: {  	s3 =	sld [smem:$0x3FDB];
	s0 =	simm.s32 @p2 $0x1  }
0x17: {  	s4 =	simm.s32 $0x1BF5;
	[smem:$0x3FBB] =	sst s0  }
0x18: {  	s0 =	sld [smem:$0x3F9E];
	_ =	swait.ge [sflag:s4], $0x0  }
0x19: {  	s7 =	sld [smem:$0x3F9F]  }
0x1a: {  	s8 =	sadd.s32 $0xFFFFE003, lr  }
0x1b: {  	s9 =	sadd.s32 $0xFFFFFEF7, lr;
	s5 =	simm.s32 $0xFFFFFFFF;
	p2 =	slt.u32 s8, $0xFFFFF086  }
0x1c: {  	p1 =	slt.u32 s9, $0xF7A;
	s5 =	simm.s32 @!p2 $0x0  }
0x1d: {  	s5 =	simm.s32 @p1 $0x1;
	p0 =	seq.s32 s7, s2  }
0x1e: {  	s7 =	smul.u32 @!p0 $0xF7A, s2;
	p2 =	seq.s32 @!p0 s5, $0x0  }
0x1f: {  	s9 =	smul.u32 $0xF7A, s1;
	s8 =	simm.s32 @!p0 $0x1BF5;
	p2 =	por !p2, p0  }
0x20: {  	[sflag:s8] =	ssyncset.s32 @!p0 $0xFFFFF086;
	s6 =	sadd.s32 @!p0 s3, s7;
	s7 =	simm.s32 @!p0 $0x108  }
0x21: {  	s3 =	sadd.s32 s3, s9;
	s6 =	sadd.s32 @!p0 $0x88, s6;
	s7 =	simm.s32 @p2 $0x1082  }
0x22: {  	[simem:s7], [sflag:s8] =	dma.local @!p0 [hbm:s6], $0xF7A  }
0x23: {  	s9 =	sor.u32 $0xD0000000, s2;
	s6 =	simm.s32 $0x108;
	_ =	swait.ge @!p0 [sflag:s8], $0x0  }
0x24: {  	s3 =	sadd.s32 $0x88, s3;
	s6 =	simm.s32 @!p1 $0x1082;
	[sflag:s4] =	ssyncset.s32 $0xFFFFF086  }
0x25: {  	[simem:s6], [sflag:s4] =	dma.local [hbm:s3], $0xF7A  }
0x26: {  	[smem:$0x3F9F] =	sst s1;
	(tag) =	ssettag s2;
	_ =	strace s9  }
0x27: {  	s1 =	sld [smem:$0x3FAF]  }
0x28: {  	s2 =	sld [smem:$0x3FB0]  }
0x29: {  	s4 =	sld [smem:$0x3FB2]  }
0x2a: {  	p0 =	seq.s32 s5, $0x0;
	s5 =	sld [smem:$0x3FB3]  }
0x2b: {  	s6 =	sld [smem:$0x3FB4]  }
0x2c: {  	s7 =	sld [smem:$0x3FB5]  }
0x2d: {  	s3 =	simm.s32 $0x108;
	s8 =	sld [smem:$0x3FB6]  }
0x2e: {  	s3 =	simm.s32 @!p0 $0x1082;
	s9 =	sld [smem:$0x3FB7]  }
0x2f: {  	lr =	sadd.s32 s0, s3;
	s0 =	sld [smem:$0x3FAE]  }
0x30: {  	s3 =	sld [smem:$0x3FB1]  }
0x31: {  	[smem:$0x3FBA] =	sst s10  }
0x32: {  	s10 =	sld [smem:$0x3FB8];
	_ =	sdelay $0x3  }
0x33: {  	p0 =	seq.s32 s10, $0x1;
	s10 =	sld [smem:$0x3FBA];
	_ =	sdelay $0x3  }
0x34: {  	[smem:$0x3FBA] =	sst s10  }
0x35: {  	s10 =	sld [smem:$0x3FB9];
	_ =	sdelay $0x3  }
0x36: {  	p1 =	seq.s32 s10, $0x1;
	s10 =	sld [smem:$0x3FBA];
	_ =	sdelay $0x3  }
0x37: {  	[smem:$0x3FBA] =	sst s10  }
0x38: {  	s10 =	sld [smem:$0x3FBB]  }
0x39: {  	_ = 	snop;
	(pc) =	sbr.ind lr, $3  }
0x3a: {  	_ = 	snop  }
0x3b: {  	_ = 	snop  }
0x3c: {  	p2 =	seq.s32 s10, $0x1;
	s10 =	sld [smem:$0x3FBA]  }
0x3d: {  	_ =	shalt  }
0x3e: {  	_ =	shalt  }
0x3f: {  	_ =	shalt  }
0x40: {  	_ =	shalt  }
0x41: {  	_ =	shalt  }
0x42: {  	_ =	shalt  }
0x43: {  	_ =	shalt  }
0x44: {  	_ =	shalt  }
0x45: {  	_ =	shalt  }
0x46: {  	_ =	shalt  }
0x47: {  	_ =	shalt  }
0x48: {  	_ =	shalt  }
0x49: {  	_ =	shalt  }
0x4a: {  	_ =	shalt  }
0x4b: {  	_ =	shalt  }
0x4c: {  	_ =	shalt  }
0x4d: {  	_ =	shalt  }
0x4e: {  	_ =	shalt  }
0x4f: {  	_ =	shalt  }
0x50: {  	_ =	shalt  }
0x51: {  	_ =	shalt  }
0x52: {  	_ =	shalt  }
0x53: {  	_ =	shalt  }
0x54: {  	_ =	shalt  }
0x55: {  	_ =	shalt  }
0x56: {  	_ =	shalt  }
0x57: {  	_ =	shalt  }
0x58: {  	_ =	shalt  }
0x59: {  	_ =	shalt  }
0x5a: {  	_ =	shalt  }
0x5b: {  	_ =	shalt  }
0x5c: {  	_ =	shalt  }
0x5d: {  	_ =	shalt  }
0x5e: {  	_ =	shalt  }
0x5f: {  	_ =	shalt  }
0x60: {  	_ =	shalt  }
0x61: {  	_ =	shalt  }
0x62: {  	_ =	shalt  }
0x63: {  	_ =	shalt  }
0x64: {  	_ =	shalt  }
0x65: {  	_ =	shalt  }
0x66: {  	_ =	shalt  }
0x67: {  	_ =	shalt  }
0x68: {  	_ =	shalt  }
0x69: {  	_ =	shalt  }
0x6a: {  	_ =	shalt  }
0x6b: {  	_ =	shalt  }
0x6c: {  	_ =	shalt  }
0x6d: {  	_ =	shalt  }
0x6e: {  	_ =	shalt  }
0x6f: {  	_ =	shalt  }
0x70: {  	_ =	shalt  }
0x71: {  	_ =	shalt  }
0x72: {  	_ =	shalt  }
0x73: {  	_ =	shalt  }
0x74: {  	_ =	shalt  }
0x75: {  	_ =	shalt  }
0x76: {  	_ =	shalt  }
0x77: {  	_ =	shalt  }
0x78: {  	_ =	shalt  }
0x79: {  	_ =	shalt  }
0x7a: {  	_ =	shalt  }
0x7b: {  	_ =	shalt  }
0x7c: {  	_ =	shalt  }
0x7d: {  	_ =	shalt  }
0x7e: {  	_ =	shalt  }
0x7f: {  	_ =	shalt  }
0x80: {  	_ =	shalt  }
0x81: {  	_ =	shalt  }
0x82: {  	_ =	shalt  }
0x83: {  	_ =	shalt  }
0x84: {  	_ =	shalt  }
0x85: {  	_ =	shalt  }
0x86: {  	_ =	shalt  }
0x87: {  	_ =	shalt  }
.Lfunc_end0:
.L_simem_size_0:
called_computation_lowered:
.L_overlay_start_0:
0x88: {  	s2 =	sld [smem:$0x3FD9]  }
0x89: {  	s3 =	sld [smem:$0x3FFE];
	_ =	sdelay $0x1  }
0x8a: {  	s1 =	srdreg.scid  }
0x8b: {  	s0 =	sand.u32 $0x1, s1  }
0x8c: {  	s17 =	sshll.u32 s0, $0xA;
	s2 =	sadd.s32 s3, s2  }
0x8d: {  	s2 =	sadd.s32 s2, s17  }
0x8e: {  	[smem:$0x3FC6] =	sst s2  }
0x8f: {  	_ = 	snop  }
0x90: {  	s2 =	sld [smem:$0x3FC8]  }
0x91: {  	s18 =	sld [smem:$0x3FD0];
	(tm) =	ssettm $0x1  }
0x92: {  	s4 =	sld [smem:$0x3FFB];
	_ =	sdelay $0x3  }
0x93: {  	_ =	strace s4  }
0x94: {  	s4 =	sld [smem:$0x3FFC];
	_ =	sdelay $0x3  }
0x95: {  	_ =	strace s4  }
0x96: {  	s4 =	sld [smem:$0x3FFD];
	_ =	sdelay $0x3  }
0x97: {  	_ =	strace s4  }
0x98: {  	_ =	strace $0x8FFFFFFF  }
0x99: {  	s19 =	sld [smem:$0x3FDB];
	_ =	sdelay $0x1  }
0x9a: {  	s5 =	simm.s32 $_scs_section_size  }
0x9b: {  	s6 =	simm.s32 $_size__tile_overlayer_lowered;
	s7 =	simm.s32 $_tile_overlayer_lowered  }
0x9c: {  	s22 =	simm.s32 $0x1BFF;
	s21 =	sshll.u32 s7, $0x1;
	s4 =	sadd.s32 s5, s19  }
0x9d: {  	s8 =	simm.s32 $0x0;
	s20 =	sshll.u32 s6, $0x1;
	s6 =	sadd.s32 s21, s4  }
0x9e: {  	[timem:s8], [sflag:s22] =	dma.local [hbm:s6], s20  }
0x9f: {  	_ =	swait.ge [sflag:s22], s20  }
0xa0: {  	s5 =	ssub.s32 $0x0, s20;
	[sflag:s22] =	ssyncset.done $0x0  }
0xa1: {  	[sflag:s22] =	ssyncadd.s32 s5;
	_ =	sdelay $0x1  }
0xa2: {  	s23 =	simm.s32 $0x1B8B  }
0xa3: {  	_ =	swait.ge [sflag:s23], $0x1  }
0xa4: {  	[sflag:s23] =	ssyncset.done $0x0  }
0xa5: {  	s25 =	simm.s32 $0x1B8E;
	s24 =	sld [smem:$0x3FFE];
	[sflag:s23] =	ssyncadd.s32 $0xFFFFFFFF  }
0xa6: {  	s26 =	simm.s32 $execute0_lowered;
	[smem:$0x3FD2] =	sst s25  }
0xa7: {  	s6 =	sshll.u32 s26, $0x1;
	_ =	strace $0x80000046;
	[dreg:$0x1] =	wrdreg $0xFFFFFFFF  }
0xa8: {  	s28 =	simm.s32 $_size_execute0_lowered;
	s4 =	sadd.s32 s4, s6;
	[dreg:$0x0] =	wrdreg $0x0  }
0xa9: {  	s6 =	sshll.u32 s28, $0x1;
	[dreg:$0x2] =	wrdreg s4  }
0xaa: {  	[dreg:$0x3] =	wrdreg s6  }
0xab: {  	[dreg:$0x4] =	wrdreg $0xC0  }
0xac: {  	_ =	task [dreg:s8], $0x5FFFF  }
0xad: {  	[dreg:$0x1] =	wrdreg $0xFFFFFFFF  }
0xae: {  	[dreg:$0x0] =	wrdreg $0x60  }
0xaf: {  	[dreg:$0x2] =	wrdreg s24  }
0xb0: {  	[dreg:$0x3] =	wrdreg s2  }
0xb1: {  	[dreg:$0x4] =	wrdreg s18  }
0xb2: {  	[dreg:$0x5] =	wrdreg $0x9  }
0xb3: {  	_ =	task.clear_ibuf [dreg:s8], $0x6FFFF;
	_ =	strace $0x90000046  }
0xb4: {  	s29 =	simm.s32 $0x9;
	_ =	strace $0x80000048  }
0xb5: {  	_ =	swait.ge [sflag:s29], $0x1  }
0xb6: {  	[sflag:s29] =	ssyncadd.s32 $0xFFFFFFFF  }
0xb7: {  	_ =	strace $0x90000048  }
0xb8: {  	_ =	sfence  }
0xb9: {  	s30 =	sld [smem:$0x0];
	_ =	sdelay $0x2  }
0xba: {  	s31 =	sshll.u32 s1, $0xD;
	s1 =	sshrl.u32 s1, $0x2  }
0xbb: {  	s3 =	sand.u32 $0x4000, s31;
	s1 =	sadd.s32 s1, s30  }
0xbc: {  	s0 =	sor.u32 s3, s0;
	s1 =	sshll.u32 s1, $0x11  }
0xbd: {  	s0 =	sor.u32 s1, s0  }
0xbe: {  	s0 =	sadd.s32 $0x8F2B, s0  }
0xbf: {  	[sflag:s0] =	ssyncadd.remote.s32 $0x1  }
0xc0: {  	_ =	sfence.sel $0xFFFF  }
0xc1: {  	[dreg:$0x0] =	wrdreg $0xFFFFFFFF;
	(pc) =	sbr.abs _section_cstart, $3  }
0xc2: {  	[dreg:$0x1] =	wrdreg $0xFFFFFFFF  }
0xc3: {  	_ =	task.clear_ibuf [dreg:s8], $0x2FFFF;
	_ =	strace $0x9FFFFFFF  }
0xc4: {  	(tm) =	ssettm $0x7FFFFFFF  }
0xc5: {  	_ =	shalt  }
tec
execute0_lowered:
.L_overlay_start_1:
0x0: {  	(tag) =	ssettag $0x1  }
0x1: {  	s0 =	rddreg [dreg:$0x0]  }
0x2: {  	s1 =	rddreg [dreg:$0x1]  }
0x3: {  	s3 =	rddreg [dreg:$0x2];
	s2 =	simm.s32 $0x0;
	s4 =	srdreg.scid  }
0x4: {  	s7 =	stileid.u32;
	[smem:$0x7FF] =	sst s2;
	s0 =	sadd.s32 $0x400, s0  }
0x5: {  	s4 =	sand.u32 $0x1, s4;
	s6 =	sshll.u32 s7, $0xA;
	s9 =	sand.u32 $0x7, s7  }
0x6: {  	_ =	strace $0x80000047;
	s5 =	sshll.u32 s4, $0xE;
	s4 =	ssub.s32 $0x2, s4  }
0x7: {  	s18 =	sshll.u32 s9, $0xA;
	s21 =	sshll.u32 s9, $0x4;
	s5 =	sor.u32 s6, s5  }
0x8: {  	s19 =	sshrl.u32 s4, $0x1;
	[dreg:$0x6] =	wrdreg s21;
	s8 =	sshrl.u32 s5, $0x3  }
0x9: {  	s6 =	ssub.s32 s5, s18;
	s4 =	ssub.s32 s4, s19;
	s20 =	sadd.s32 s0, s8  }
0xa: {  	s6 =	sshrl.u32 s6, $0x3;
	s14 =	smax.u32 s4, $0x1;
	[dreg:$0x4] =	wrdreg s20  }
0xb: {  	s22 =	sshll.u32 s5, $0x7;
	s0 =	sadd.s32 s0, s6;
	[dreg:$0x16] =	wrdreg s14  }
0xc: {  	[dreg:$0x5] =	wrdreg s0;
	s0 =	sadd.s32 s3, s22  }
0xd: {  	s3 =	sadd.s32 $0x1000, s0;
	[dreg:$0x7] =	wrdreg s0  }
0xe: {  	s23 =	sadd.s32 $0x2000, s0;
	[dreg:$0x8] =	wrdreg s3  }
0xf: {  	s24 =	sadd.s32 $0x3000, s0;
	[dreg:$0x9] =	wrdreg s23  }
0x10: {  	s25 =	sadd.s32 $0x4000, s0;
	[dreg:$0xa] =	wrdreg s24  }
0x11: {  	s26 =	sadd.s32 $0x5000, s0;
	[dreg:$0xb] =	wrdreg s25  }
0x12: {  	s28 =	sadd.s32 $0x6000, s0;
	[dreg:$0xc] =	wrdreg s26  }
0x13: {  	s29 =	sadd.s32 $0x7000, s0;
	[dreg:$0xd] =	wrdreg s28  }
0x14: {  	s30 =	sadd.s32 $0x8000, s0;
	[dreg:$0xe] =	wrdreg s29  }
0x15: {  	s31 =	sadd.s32 $0x9000, s0;
	[dreg:$0xf] =	wrdreg s30  }
0x16: {  	s5 =	sadd.s32 $0xA000, s0;
	[dreg:$0x10] =	wrdreg s31  }
0x17: {  	s6 =	sadd.s32 $0xB000, s0;
	[dreg:$0x11] =	wrdreg s5  }
0x18: {  	s11 =	sadd.s32 $0xC000, s0;
	[dreg:$0x12] =	wrdreg s6  }
0x19: {  	s12 =	sadd.s32 $0xD000, s0;
	[dreg:$0x13] =	wrdreg s11  }
0x1a: {  	s13 =	sadd.s32 $0xE000, s0;
	[dreg:$0x14] =	wrdreg s12  }
0x1b: {  	s15 =	sadd.s32 $0xF000, s0;
	[dreg:$0x15] =	wrdreg s13  }
0x1c: {  	s16 =	sadd.s32 $0x10000, s0;
	[dreg:$0x17] =	wrdreg s15  }
0x1d: {  	s17 =	sadd.s32 $0x11000, s0;
	[dreg:$0x18] =	wrdreg s16  }
0x1e: {  	s18 =	sadd.s32 $0x12000, s0;
	[dreg:$0x19] =	wrdreg s17  }
0x1f: {  	s19 =	sadd.s32 $0x13000, s0;
	[dreg:$0x1a] =	wrdreg s18  }
0x20: {  	s20 =	sadd.s32 $0x14000, s0;
	[dreg:$0x1b] =	wrdreg s19  }
0x21: {  	s21 =	sadd.s32 $0x15000, s0;
	[dreg:$0x1c] =	wrdreg s20  }
0x22: {  	s7 =	sadd.s32 $0x100, s1;
	s22 =	sadd.s32 $0x16000, s0;
	[dreg:$0x1d] =	wrdreg s21  }
0x23: {  	s10 =	sadd.s32 $0x300, s1;
	[dreg:$0x1e] =	wrdreg s22;
	s23 =	sadd.s32 $0x17000, s0  }
0x24: {  	p0 =	seq.s32 s9, $0x0;
	s24 =	sadd.s32 $0x18000, s0;
	[dreg:$0x1f] =	wrdreg s23  }
0x25: {  	s8 =	sadd.s32 $0x200, s1;
	s25 =	sadd.s32 $0x19000, s0;
	[smem:$0x7F6] =	sst s24  }
0x26: {  	s4 =	simm.s32 $0x5;
	s26 =	sadd.s32 $0x1A000, s0;
	[smem:$0x7F7] =	sst s25  }
0x27: {  	s28 =	sadd.s32 $0x1B000, s0;
	s29 =	sadd.s32 $0x1C000, s0;
	[smem:$0x7F8] =	sst s26  }
.Ltmp0:
0x28: {  	s30 =	sadd.s32 $0x1D000, s0;
	[smem:$0x7F9] =	sst s28;
	(pc) =	sbr.rel .LBB2_1-.Ltmp0, $4  }
0x29: {  	s31 =	sadd.s32 $0x1E000, s0;
	s0 =	sadd.s32 $0x1F000, s0;
	[smem:$0x7FA] =	sst s29  }
0x2a: {  	v3 =	vlaneseq.u32;
	s19 =	simm.s32 $0x4;
	s20 =	simm.s32 $0x1;
	[smem:$0x7FB] =	sst s30  }
0x2b: {  	vm0 =	vmmov $0xffff;
	v0 =	vimm.s32 $0x0;
	v2 =	vshrl.u32 v3, $0x3;
	s17 =	simm.s32 $0x3;
	s5 =	simm.s32 $0x6;
	[smem:$0x7FC] =	sst s31  }
0x2c: {  	v1 =	vand.u32 $0x7, v3;
	v3 =	vor.u32 $0x8, v3;
	v2 =	vmul.u32 $0x8, v2;
	s6 =	simm.s32 $0x0;
	[smem:$0x7FD] =	sst s0;
	s0 =	simm.s32 $0x2  }
.LBB2_4:
0x2d: {  	v8 =	vsel vm1, $0x1, v0;
	vm1 =	vne.s32 v6, $0x0  }
0x2e: {  	v6 =	vadd.s32 v8, v7;
	v7 =	vsel vm1, $0x1, v0;
	vm1 =	vne.s32 v5, $0x0  }
0x2f: {  	v5 =	vadd.s32 v7, v6;
	v6 =	vsel vm1, $0x1, v0;
	vm1 =	vne.s32 v4, $0x0  }
0x30: {  	v4 =	vadd.s32 v6, v5;
	v5 =	vsel vm1, $0x1, v0  }
0x31: {  	v4 =	vadd.s32 v5, v4  }
.LBB2_5:
0x32: {  	v5 =	vld [tilespmem:$0x0];
	_ =	sdelay $0x4  }
0x33: {  	(xrf0) =	vadd.scan.msk.s32 $0xffff, v4;
	vm1 =	vne.s32 v5, $0x0  }
0x34: {  	v4 =	vsel vm1, $0x1, v0  }
0x35: {  	(xrf0) =	vadd.scan.msk.s32 $0xffff, v4;
	_ =	sdelay $0x1  }
0x36: {  	v4 =	vld [tilespmem:$0x10];
	_ =	sdelay $0x1  }
0x37: {  	v5, _, _ =	vpop (xrf0)  }
0x38: {  	v5 =	vbroadcast v5, $0xF  }
0x39: {  	v6, _, _ =	vpop (xrf0)  }
0x3a: {  	vm2 =	vne.s32 v4, $0x0;
	v5 =	vadd.s32 v5, v6  }
0x3b: {  	v36 =	vsel vm2, $0x1, v0;
	v4 =	vnsel vm1, $0x0, v5  }
0x3c: {  	(xrf0) =	vadd.scan.msk.s32 $0xffff, v36;
	v37 =	vshll.u32 v4, $0x3  }
0x3d: {  	v7 =	vand.u32 $0x7, v4;
	v6 =	vand.u32 $0xFFFFFFC0, v37  }
0x3e: {  	v6 =	vor.u32 v7, v6  }
0x3f: {  	v7 =	vperm.xlane v6, v1;
	_ =	sdelay $0x1  }
0x40: {  	v5 =	vbroadcast v5, $0xF;
	v7 =	vadd.s32 v2, v7  }
0x41: {  	v8, _, _ =	vpop (xrf0)  }
0x42: {  	v5 =	vadd.s32 v5, v8  }
0x43: {  	[tilespmem:$0x2000] =	vst v4;
	v4 =	vnsel vm2, $0x0, v5  }
0x44: {  	s14 =	simm.s32 $0x2400;
	[tilespmem:$0x2010] =	vst v4  }
0x45: {  	[tilespmem:s14], [sflag:$0x1] =	stream.indirect_vreg.gather [hbm4b:s1+s2], $0x80, v7, vm0, $0xb8;
	[tilespmem:$0x1A400] =	vst v63  }
0x46: {  	s15 =	simm.s32 $0x2C00;
	v4 =	vperm.xlane v6, v3  }
0x47: {  	[tilespmem:s15], [sflag:$0x1] =	stream.indirect_vreg.gather [hbm4b:s7+s2], $0x80, v7, vm0, $0xb8;
	[tilespmem:$0x1A400] =	vst v63  }
0x48: {  	s16 =	simm.s32 $0x3400;
	v4 =	vadd.s32 v2, v4  }
0x49: {  	[tilespmem:s16], [sflag:$0x1] =	stream.indirect_vreg.gather [hbm4b:s8+s2], $0x80, v7, vm0, $0xb8;
	[tilespmem:$0x1A400] =	vst v63  }
0x4a: {  	s18 =	simm.s32 $0x3C00  }
0x4b: {  	[tilespmem:s18], [sflag:$0x1] =	stream.indirect_vreg.gather [hbm4b:s10+s2], $0x80, v7, vm0, $0xb8;
	[tilespmem:$0x1A400] =	vst v63  }
0x4c: {  	s22 =	simm.s32 $0x4400  }
0x4d: {  	[tilespmem:s22], [sflag:$0x1] =	stream.indirect_vreg.gather [hbm4b:s1+s2], $0x80, v4, vm0, $0xb8;
	[tilespmem:$0x1A400] =	vst v63  }
0x4e: {  	s23 =	simm.s32 $0x4C00  }
0x4f: {  	[tilespmem:s23], [sflag:$0x1] =	stream.indirect_vreg.gather [hbm4b:s7+s2], $0x80, v4, vm0, $0xb8;
	[tilespmem:$0x1A400] =	vst v63  }
0x50: {  	s24 =	simm.s32 $0x5400  }
0x51: {  	[tilespmem:s24], [sflag:$0x1] =	stream.indirect_vreg.gather [hbm4b:s8+s2], $0x80, v4, vm0, $0xb8;
	[tilespmem:$0x1A400] =	vst v63  }
0x52: {  	s25 =	simm.s32 $0x5C00  }
0x53: {  	[tilespmem:s25], [sflag:$0x1] =	stream.indirect_vreg.gather [hbm4b:s10+s2], $0x80, v4, vm0, $0xb8;
	[tilespmem:$0x1A400] =	vst v63  }
0x54: {  	v4 =	vld [tilespmem:$0x2010];
	_ =	sdelay $0x4  }
0x55: {  	v38 =	vshll.u32 v4, $0x3  }
0x56: {  	v4 =	vand.u32 $0x7, v4;
	v6 =	vand.u32 $0xFFFFFFC0, v38  }
0x57: {  	v4 =	vor.u32 v4, v6  }
0x58: {  	v6 =	vperm.xlane v4, v1;
	_ =	sdelay $0x1  }
0x59: {  	v6 =	vadd.s32 v2, v6;
	_ =	sdelay $0x3  }
0x5a: {  	s26 =	simm.s32 $0x6400  }
0x5b: {  	[tilespmem:s26], [sflag:$0x1] =	stream.indirect_vreg.gather [hbm4b:s1+s2], $0x80, v6, vm0, $0xb8;
	[tilespmem:$0x1A400] =	vst v63  }
0x5c: {  	s28 =	simm.s32 $0x6C00;
	v4 =	vperm.xlane v4, v3  }
0x5d: {  	[tilespmem:s28], [sflag:$0x1] =	stream.indirect_vreg.gather [hbm4b:s7+s2], $0x80, v6, vm0, $0xb8;
	[tilespmem:$0x1A400] =	vst v63  }
0x5e: {  	s29 =	simm.s32 $0x7400;
	v4 =	vadd.s32 v2, v4  }
0x5f: {  	[tilespmem:s29], [sflag:$0x1] =	stream.indirect_vreg.gather [hbm4b:s8+s2], $0x80, v6, vm0, $0xb8;
	[tilespmem:$0x1A400] =	vst v63  }
0x60: {  	s30 =	simm.s32 $0x7C00  }
0x61: {  	[tilespmem:s30], [sflag:$0x1] =	stream.indirect_vreg.gather [hbm4b:s10+s2], $0x80, v6, vm0, $0xb8;
	[tilespmem:$0x1A400] =	vst v63  }
0x62: {  	s31 =	simm.s32 $0x8400  }
0x63: {  	[tilespmem:s31], [sflag:$0x1] =	stream.indirect_vreg.gather [hbm4b:s1+s2], $0x80, v4, vm0, $0xb8;
	[tilespmem:$0x1A400] =	vst v63  }
0x64: {  	s12 =	simm.s32 $0x8C00  }
0x65: {  	[tilespmem:s12], [sflag:$0x1] =	stream.indirect_vreg.gather [hbm4b:s7+s2], $0x80, v4, vm0, $0xb8;
	[tilespmem:$0x1A400] =	vst v63  }
0x66: {  	s13 =	simm.s32 $0x9400  }
0x67: {  	[tilespmem:s13], [sflag:$0x1] =	stream.indirect_vreg.gather [hbm4b:s8+s2], $0x80, v4, vm0, $0xb8;
	[tilespmem:$0x1A400] =	vst v63  }
0x68: {  	s22 =	simm.s32 $0x9C00  }
0x69: {  	[tilespmem:s22], [sflag:$0x1] =	stream.indirect_vreg.gather [hbm4b:s10+s2], $0x80, v4, vm0, $0xb8;
	[tilespmem:$0x1A400] =	vst v63  }
0x6a: {  	v4 =	vld [tilespmem:$0x20];
	_ =	sdelay $0x4  }
0x6b: {  	vm1 =	vne.s32 v4, $0x0  }
0x6c: {  	v4 =	vsel vm1, $0x1, v0  }
0x6d: {  	(xrf0) =	vadd.scan.msk.s32 $0xffff, v4;
	_ =	sdelay $0x1  }
0x6e: {  	v4 =	vld [tilespmem:$0x30];
	_ =	sdelay $0x2  }
0x6f: {  	v5 =	vbroadcast v5, $0xF  }
0x70: {  	v39, _, _ =	vpop (xrf0)  }
0x71: {  	vm2 =	vne.s32 v4, $0x0;
	v5 =	vadd.s32 v5, v39  }
0x72: {  	v40 =	vsel vm2, $0x1, v0;
	v4 =	vnsel vm1, $0x0, v5  }
0x73: {  	(xrf0) =	vadd.scan.msk.s32 $0xffff, v40;
	v41 =	vshll.u32 v4, $0x3  }
0x74: {  	v42 =	vand.u32 $0x7, v4;
	v6 =	vand.u32 $0xFFFFFFC0, v41  }
0x75: {  	v6 =	vor.u32 v42, v6  }
0x76: {  	v7 =	vperm.xlane v6, v1;
	_ =	sdelay $0x1  }
0x77: {  	v5 =	vbroadcast v5, $0xF;
	v7 =	vadd.s32 v2, v7  }
0x78: {  	v43, _, _ =	vpop (xrf0)  }
0x79: {  	v5 =	vadd.s32 v5, v43  }
0x7a: {  	[tilespmem:$0x2020] =	vst v4;
	v4 =	vnsel vm2, $0x0, v5  }
0x7b: {  	s25 =	simm.s32 $0xA400;
	[tilespmem:$0x2030] =	vst v4  }
0x7c: {  	[tilespmem:s25], [sflag:$0x2] =	stream.indirect_vreg.gather [hbm4b:s1+s2], $0x80, v7, vm0, $0xb8;
	[tilespmem:$0x1A400] =	vst v63  }
0x7d: {  	s26 =	simm.s32 $0xAC00;
	v4 =	vperm.xlane v6, v3  }
0x7e: {  	[tilespmem:s26], [sflag:$0x2] =	stream.indirect_vreg.gather [hbm4b:s7+s2], $0x80, v7, vm0, $0xb8;
	[tilespmem:$0x1A400] =	vst v63  }
0x7f: {  	s28 =	simm.s32 $0xB400;
	v4 =	vadd.s32 v2, v4  }
0x80: {  	[tilespmem:s28], [sflag:$0x2] =	stream.indirect_vreg.gather [hbm4b:s8+s2], $0x80, v7, vm0, $0xb8;
	[tilespmem:$0x1A400] =	vst v63  }
0x81: {  	s30 =	simm.s32 $0xBC00  }
0x82: {  	[tilespmem:s30], [sflag:$0x2] =	stream.indirect_vreg.gather [hbm4b:s10+s2], $0x80, v7, vm0, $0xb8;
	[tilespmem:$0x1A400] =	vst v63  }
0x83: {  	s31 =	simm.s32 $0xC400  }
0x84: {  	[tilespmem:s31], [sflag:$0x2] =	stream.indirect_vreg.gather [hbm4b:s1+s2], $0x80, v4, vm0, $0xb8;
	[tilespmem:$0x1A400] =	vst v63  }
0x85: {  	s12 =	simm.s32 $0xCC00  }
0x86: {  	[tilespmem:s12], [sflag:$0x2] =	stream.indirect_vreg.gather [hbm4b:s7+s2], $0x80, v4, vm0, $0xb8;
	[tilespmem:$0x1A400] =	vst v63  }
0x87: {  	s13 =	simm.s32 $0xD400  }
0x88: {  	[tilespmem:s13], [sflag:$0x2] =	stream.indirect_vreg.gather [hbm4b:s8+s2], $0x80, v4, vm0, $0xb8;
	[tilespmem:$0x1A400] =	vst v63  }
0x89: {  	s22 =	simm.s32 $0xDC00  }
0x8a: {  	[tilespmem:s22], [sflag:$0x2] =	stream.indirect_vreg.gather [hbm4b:s10+s2], $0x80, v4, vm0, $0xb8;
	[tilespmem:$0x1A400] =	vst v63  }
0x8b: {  	v4 =	vld [tilespmem:$0x2030];
	_ =	sdelay $0x4  }
0x8c: {  	v44 =	vshll.u32 v4, $0x3  }
0x8d: {  	v4 =	vand.u32 $0x7, v4;
	v6 =	vand.u32 $0xFFFFFFC0, v44  }
0x8e: {  	v4 =	vor.u32 v4, v6  }
0x8f: {  	v6 =	vperm.xlane v4, v1;
	_ =	sdelay $0x1  }
0x90: {  	v6 =	vadd.s32 v2, v6;
	_ =	sdelay $0x3  }
0x91: {  	s25 =	simm.s32 $0xE400  }
0x92: {  	[tilespmem:s25], [sflag:$0x2] =	stream.indirect_vreg.gather [hbm4b:s1+s2], $0x80, v6, vm0, $0xb8;
	[tilespmem:$0x1A400] =	vst v63  }
0x93: {  	s26 =	simm.s32 $0xEC00;
	v4 =	vperm.xlane v4, v3  }
0x94: {  	[tilespmem:s26], [sflag:$0x2] =	stream.indirect_vreg.gather [hbm4b:s7+s2], $0x80, v6, vm0, $0xb8;
	[tilespmem:$0x1A400] =	vst v63  }
0x95: {  	s28 =	simm.s32 $0xF400;
	v4 =	vadd.s32 v2, v4  }
0x96: {  	[tilespmem:s28], [sflag:$0x2] =	stream.indirect_vreg.gather [hbm4b:s8+s2], $0x80, v6, vm0, $0xb8;
	[tilespmem:$0x1A400] =	vst v63  }
0x97: {  	s30 =	simm.s32 $0xFC00  }
0x98: {  	[tilespmem:s30], [sflag:$0x2] =	stream.indirect_vreg.gather [hbm4b:s10+s2], $0x80, v6, vm0, $0xb8;
	[tilespmem:$0x1A400] =	vst v63  }
0x99: {  	s31 =	simm.s32 $0x10400  }
0x9a: {  	[tilespmem:s31], [sflag:$0x2] =	stream.indirect_vreg.gather [hbm4b:s1+s2], $0x80, v4, vm0, $0xb8;
	[tilespmem:$0x1A400] =	vst v63  }
0x9b: {  	s12 =	simm.s32 $0x10C00  }
0x9c: {  	[tilespmem:s12], [sflag:$0x2] =	stream.indirect_vreg.gather [hbm4b:s7+s2], $0x80, v4, vm0, $0xb8;
	[tilespmem:$0x1A400] =	vst v63  }
0x9d: {  	s13 =	simm.s32 $0x11400  }
0x9e: {  	[tilespmem:s13], [sflag:$0x2] =	stream.indirect_vreg.gather [hbm4b:s8+s2], $0x80, v4, vm0, $0xb8;
	[tilespmem:$0x1A400] =	vst v63  }
0x9f: {  	[smem:$0x7F5] =	sst s6;
	s25 =	simm.s32 $0x11C00  }
0xa0: {  	[tilespmem:s25], [sflag:$0x2] =	stream.indirect_vreg.gather [hbm4b:s10+s2], $0x80, v4, vm0, $0xb8;
	[tilespmem:$0x1A400] =	vst v63  }
0xa1: {  	_ =	swait.ge [sflag:s20], $0x8000  }
0xa2: {  	[sflag:s20] =	ssyncset.done $0x0  }
0xa3: {  	s21 =	simm.s32 $0x2400;
	s12 =	rddreg [dreg:$0x7];
	[sflag:s20] =	ssyncadd.s32 $0xFFFF8000  }
0xa4: {  	[hbm4b:s12+s2] =	stream.linear.scatter [tilespmem:s21], [sflag:$0x4], $0x8000, $0x38;
	[tilespmem:$0x1A400] =	vst v63  }
0xa5: {  	v4 =	vld [tilespmem:$0x40];
	_ =	sdelay $0x4  }
0xa6: {  	vm1 =	vne.s32 v4, $0x0  }
0xa7: {  	v4 =	vsel vm1, $0x1, v0  }
0xa8: {  	(xrf0) =	vadd.scan.msk.s32 $0xffff, v4;
	_ =	sdelay $0x1  }
0xa9: {  	v4 =	vld [tilespmem:$0x50];
	_ =	sdelay $0x2  }
0xaa: {  	v5 =	vbroadcast v5, $0xF  }
0xab: {  	v45, _, _ =	vpop (xrf0)  }
0xac: {  	vm2 =	vne.s32 v4, $0x0;
	v5 =	vadd.s32 v5, v45  }
0xad: {  	v46 =	vsel vm2, $0x1, v0;
	v4 =	vnsel vm1, $0x0, v5  }
0xae: {  	(xrf0) =	vadd.scan.msk.s32 $0xffff, v46;
	v47 =	vshll.u32 v4, $0x3  }
0xaf: {  	v48 =	vand.u32 $0x7, v4;
	v6 =	vand.u32 $0xFFFFFFC0, v47  }
0xb0: {  	v6 =	vor.u32 v48, v6  }
0xb1: {  	v7 =	vperm.xlane v6, v1;
	_ =	sdelay $0x1  }
0xb2: {  	v5 =	vbroadcast v5, $0xF;
	v7 =	vadd.s32 v2, v7  }
0xb3: {  	v49, _, _ =	vpop (xrf0)  }
0xb4: {  	v5 =	vadd.s32 v5, v49  }
0xb5: {  	[tilespmem:$0x2040] =	vst v4;
	v4 =	vnsel vm2, $0x0, v5  }
0xb6: {  	s26 =	simm.s32 $0x12400;
	[tilespmem:$0x2050] =	vst v4  }
0xb7: {  	[tilespmem:s26], [sflag:$0x3] =	stream.indirect_vreg.gather [hbm4b:s1+s2], $0x80, v7, vm0, $0xb8;
	[tilespmem:$0x1A400] =	vst v63  }
0xb8: {  	s28 =	simm.s32 $0x12C00;
	v4 =	vperm.xlane v6, v3  }
0xb9: {  	[tilespmem:s28], [sflag:$0x3] =	stream.indirect_vreg.gather [hbm4b:s7+s2], $0x80, v7, vm0, $0xb8;
	[tilespmem:$0x1A400] =	vst v63  }
0xba: {  	s30 =	simm.s32 $0x13400;
	v4 =	vadd.s32 v2, v4  }
0xbb: {  	[tilespmem:s30], [sflag:$0x3] =	stream.indirect_vreg.gather [hbm4b:s8+s2], $0x80, v7, vm0, $0xb8;
	[tilespmem:$0x1A400] =	vst v63  }
0xbc: {  	s31 =	simm.s32 $0x13C00  }
0xbd: {  	[tilespmem:s31], [sflag:$0x3] =	stream.indirect_vreg.gather [hbm4b:s10+s2], $0x80, v7, vm0, $0xb8;
	[tilespmem:$0x1A400] =	vst v63  }
0xbe: {  	s12 =	simm.s32 $0x14400  }
0xbf: {  	[tilespmem:s12], [sflag:$0x3] =	stream.indirect_vreg.gather [hbm4b:s1+s2], $0x80, v4, vm0, $0xb8;
	[tilespmem:$0x1A400] =	vst v63  }
0xc0: {  	s21 =	simm.s32 $0x14C00  }
0xc1: {  	[tilespmem:s21], [sflag:$0x3] =	stream.indirect_vreg.gather [hbm4b:s7+s2], $0x80, v4, vm0, $0xb8;
	[tilespmem:$0x1A400] =	vst v63  }
0xc2: {  	s26 =	simm.s32 $0x15400  }
0xc3: {  	[tilespmem:s26], [sflag:$0x3] =	stream.indirect_vreg.gather [hbm4b:s8+s2], $0x80, v4, vm0, $0xb8;
	[tilespmem:$0x1A400] =	vst v63  }
0xc4: {  	s28 =	simm.s32 $0x15C00  }
0xc5: {  	[tilespmem:s28], [sflag:$0x3] =	stream.indirect_vreg.gather [hbm4b:s10+s2], $0x80, v4, vm0, $0xb8;
	[tilespmem:$0x1A400] =	vst v63  }
0xc6: {  	v4 =	vld [tilespmem:$0x2050];
	_ =	sdelay $0x4  }
0xc7: {  	v50 =	vshll.u32 v4, $0x3  }
0xc8: {  	v4 =	vand.u32 $0x7, v4;
	v6 =	vand.u32 $0xFFFFFFC0, v50  }
0xc9: {  	v4 =	vor.u32 v4, v6  }
0xca: {  	v6 =	vperm.xlane v4, v1;
	_ =	sdelay $0x1  }
0xcb: {  	v6 =	vadd.s32 v2, v6;
	_ =	sdelay $0x3  }
0xcc: {  	s30 =	simm.s32 $0x16400  }
0xcd: {  	[tilespmem:s30], [sflag:$0x3] =	stream.indirect_vreg.gather [hbm4b:s1+s2], $0x80, v6, vm0, $0xb8;
	[tilespmem:$0x1A400] =	vst v63  }
0xce: {  	s31 =	simm.s32 $0x16C00;
	v4 =	vperm.xlane v4, v3  }
0xcf: {  	[tilespmem:s31], [sflag:$0x3] =	stream.indirect_vreg.gather [hbm4b:s7+s2], $0x80, v6, vm0, $0xb8;
	[tilespmem:$0x1A400] =	vst v63  }
0xd0: {  	s12 =	simm.s32 $0x17400;
	v4 =	vadd.s32 v2, v4  }
0xd1: {  	[tilespmem:s12], [sflag:$0x3] =	stream.indirect_vreg.gather [hbm4b:s8+s2], $0x80, v6, vm0, $0xb8;
	[tilespmem:$0x1A400] =	vst v63  }
0xd2: {  	s21 =	simm.s32 $0x17C00  }
0xd3: {  	[tilespmem:s21], [sflag:$0x3] =	stream.indirect_vreg.gather [hbm4b:s10+s2], $0x80, v6, vm0, $0xb8;
	[tilespmem:$0x1A400] =	vst v63  }
0xd4: {  	s26 =	simm.s32 $0x18400  }
0xd5: {  	[tilespmem:s26], [sflag:$0x3] =	stream.indirect_vreg.gather [hbm4b:s1+s2], $0x80, v4, vm0, $0xb8;
	[tilespmem:$0x1A400] =	vst v63  }
0xd6: {  	s28 =	simm.s32 $0x18C00  }
0xd7: {  	[tilespmem:s28], [sflag:$0x3] =	stream.indirect_vreg.gather [hbm4b:s7+s2], $0x80, v4, vm0, $0xb8;
	[tilespmem:$0x1A400] =	vst v63  }
0xd8: {  	s30 =	simm.s32 $0x19400  }
0xd9: {  	[tilespmem:s30], [sflag:$0x3] =	stream.indirect_vreg.gather [hbm4b:s8+s2], $0x80, v4, vm0, $0xb8;
	[tilespmem:$0x1A400] =	vst v63  }
0xda: {  	s31 =	simm.s32 $0x19C00  }
0xdb: {  	[tilespmem:s31], [sflag:$0x3] =	stream.indirect_vreg.gather [hbm4b:s10+s2], $0x80, v4, vm0, $0xb8;
	[tilespmem:$0x1A400] =	vst v63  }
0xdc: {  	_ =	swait.ge [sflag:s0], $0x8000  }
0xdd: {  	[sflag:s0] =	ssyncset.done $0x0  }
0xde: {  	s21 =	simm.s32 $0xA400;
	s6 =	rddreg [dreg:$0x8];
	[sflag:s0] =	ssyncadd.s32 $0xFFFF8000  }
0xdf: {  	[hbm4b:s6+s2] =	stream.linear.scatter [tilespmem:s21], [sflag:$0x5], $0x8000, $0x38;
	[tilespmem:$0x1A400] =	vst v63  }
0xe0: {  	v4 =	vld [tilespmem:$0x60];
	_ =	sdelay $0x4  }
0xe1: {  	vm1 =	vne.s32 v4, $0x0  }
0xe2: {  	v51 =	vld [tilespmem:$0x70];
	v4 =	vsel vm1, $0x1, v0  }
0xe3: {  	(xrf0) =	vadd.scan.msk.s32 $0xffff, v4;
	_ =	sdelay $0x3  }
0xe4: {  	vm2 =	vne.s32 v51, $0x0  }
0xe5: {  	v4 =	vbroadcast v5, $0xF;
	v5 =	vsel vm2, $0x1, v0  }
0xe6: {  	v52, _, _ =	vpop (xrf0);
	(xrf0) =	vadd.scan.msk.s32 $0xffff, v5  }
0xe7: {  	v4 =	vadd.s32 v4, v52  }
0xe8: {  	v5 =	vnsel vm1, $0x0, v4  }
0xe9: {  	v53 =	vshll.u32 v5, $0x3  }
0xea: {  	v54 =	vand.u32 $0x7, v5;
	v6 =	vand.u32 $0xFFFFFFC0, v53  }
0xeb: {  	v4 =	vbroadcast v4, $0xF;
	v6 =	vor.u32 v54, v6  }
0xec: {  	v55, _, _ =	vpop (xrf0);
	v56 =	vperm.xlane v6, v1  }
0xed: {  	v4 =	vadd.s32 v4, v55  }
0xee: {  	[tilespmem:$0x2060] =	vst v5;
	v5 =	vnsel vm2, $0x0, v4;
	v57 =	vadd.s32 v2, v56  }
0xef: {  	[tilespmem:$0x2070] =	vst v5  }
0xf0: {  	_ =	swait.ge [sflag:s19], $0x8000  }
0xf1: {  	[sflag:s19] =	ssyncset.done $0x0  }
0xf2: {  	s25 =	simm.s32 $0x2400;
	[sflag:s19] =	ssyncadd.s32 $0xFFFF8000  }
0xf3: {  	[tilespmem:s25], [sflag:$0x1] =	stream.indirect_vreg.gather [hbm4b:s1+s2], $0x80, v57, vm0, $0xb8;
	[tilespmem:$0x1A400] =	vst v63  }
0xf4: {  	s31 =	simm.s32 $0x2C00;
	v5 =	vperm.xlane v6, v3  }
0xf5: {  	[tilespmem:s31], [sflag:$0x1] =	stream.indirect_vreg.gather [hbm4b:s7+s2], $0x80, v57, vm0, $0xb8;
	[tilespmem:$0x1A400] =	vst v63  }
0xf6: {  	s9 =	simm.s32 $0x3400;
	v5 =	vadd.s32 v2, v5  }
0xf7: {  	[tilespmem:s9], [sflag:$0x1] =	stream.indirect_vreg.gather [hbm4b:s8+s2], $0x80, v57, vm0, $0xb8;
	[tilespmem:$0x1A400] =	vst v63  }
0xf8: {  	s11 =	simm.s32 $0x3C00  }
0xf9: {  	[tilespmem:s11], [sflag:$0x1] =	stream.indirect_vreg.gather [hbm4b:s10+s2], $0x80, v57, vm0, $0xb8;
	[tilespmem:$0x1A400] =	vst v63  }
0xfa: {  	s15 =	simm.s32 $0x4400  }
0xfb: {  	[tilespmem:s15], [sflag:$0x1] =	stream.indirect_vreg.gather [hbm4b:s1+s2], $0x80, v5, vm0, $0xb8;
	[tilespmem:$0x1A400] =	vst v63  }
0xfc: {  	s23 =	simm.s32 $0x4C00  }
0xfd: {  	[tilespmem:s23], [sflag:$0x1] =	stream.indirect_vreg.gather [hbm4b:s7+s2], $0x80, v5, vm0, $0xb8;
	[tilespmem:$0x1A400] =	vst v63  }
0xfe: {  	s24 =	simm.s32 $0x5400  }
0xff: {  	[tilespmem:s24], [sflag:$0x1] =	stream.indirect_vreg.gather [hbm4b:s8+s2], $0x80, v5, vm0, $0xb8;
	[tilespmem:$0x1A400] =	vst v63  }
0x100: {  	s25 =	simm.s32 $0x5C00  }
0x101: {  	[tilespmem:s25], [sflag:$0x1] =	stream.indirect_vreg.gather [hbm4b:s10+s2], $0x80, v5, vm0, $0xb8;
	[tilespmem:$0x1A400] =	vst v63  }
0x102: {  	v5 =	vld [tilespmem:$0x2070];
	_ =	sdelay $0x4  }
0x103: {  	v58 =	vshll.u32 v5, $0x3  }
0x104: {  	v5 =	vand.u32 $0x7, v5;
	v6 =	vand.u32 $0xFFFFFFC0, v58  }
0x105: {  	v5 =	vor.u32 v5, v6  }
0x106: {  	v6 =	vperm.xlane v5, v1;
	_ =	sdelay $0x1  }
0x107: {  	v6 =	vadd.s32 v2, v6;
	_ =	sdelay $0x3  }
0x108: {  	s26 =	simm.s32 $0x6400  }
0x109: {  	[tilespmem:s26], [sflag:$0x1] =	stream.indirect_vreg.gather [hbm4b:s1+s2], $0x80, v6, vm0, $0xb8;
	[tilespmem:$0x1A400] =	vst v63  }
0x10a: {  	s28 =	simm.s32 $0x6C00;
	v5 =	vperm.xlane v5, v3  }
0x10b: {  	[tilespmem:s28], [sflag:$0x1] =	stream.indirect_vreg.gather [hbm4b:s7+s2], $0x80, v6, vm0, $0xb8;
	[tilespmem:$0x1A400] =	vst v63  }
0x10c: {  	s3 =	simm.s32 $0x7400;
	v5 =	vadd.s32 v2, v5  }
0x10d: {  	[tilespmem:s3], [sflag:$0x1] =	stream.indirect_vreg.gather [hbm4b:s8+s2], $0x80, v6, vm0, $0xb8;
	[tilespmem:$0x1A400] =	vst v63  }
0x10e: {  	s14 =	simm.s32 $0x7C00  }
0x10f: {  	[tilespmem:s14], [sflag:$0x1] =	stream.indirect_vreg.gather [hbm4b:s10+s2], $0x80, v6, vm0, $0xb8;
	[tilespmem:$0x1A400] =	vst v63  }
0x110: {  	s16 =	simm.s32 $0x8400  }
0x111: {  	[tilespmem:s16], [sflag:$0x1] =	stream.indirect_vreg.gather [hbm4b:s1+s2], $0x80, v5, vm0, $0xb8;
	[tilespmem:$0x1A400] =	vst v63  }
0x112: {  	s18 =	simm.s32 $0x8C00  }
0x113: {  	[tilespmem:s18], [sflag:$0x1] =	stream.indirect_vreg.gather [hbm4b:s7+s2], $0x80, v5, vm0, $0xb8;
	[tilespmem:$0x1A400] =	vst v63  }
0x114: {  	s29 =	simm.s32 $0x9400  }
0x115: {  	[tilespmem:s29], [sflag:$0x1] =	stream.indirect_vreg.gather [hbm4b:s8+s2], $0x80, v5, vm0, $0xb8;
	[tilespmem:$0x1A400] =	vst v63  }
0x116: {  	s14 =	simm.s32 $0x9C00  }
0x117: {  	[tilespmem:s14], [sflag:$0x1] =	stream.indirect_vreg.gather [hbm4b:s10+s2], $0x80, v5, vm0, $0xb8;
	[tilespmem:$0x1A400] =	vst v63  }
0x118: {  	_ =	swait.ge [sflag:s17], $0x8000  }
0x119: {  	[sflag:s17] =	ssyncset.done $0x0  }
0x11a: {  	s13 =	simm.s32 $0x12400;
	s9 =	rddreg [dreg:$0x9];
	[sflag:s17] =	ssyncadd.s32 $0xFFFF8000  }
0x11b: {  	[hbm4b:s9+s2] =	stream.linear.scatter [tilespmem:s13], [sflag:$0x6], $0x8000, $0x38;
	[tilespmem:$0x1A400] =	vst v63  }
0x11c: {  	v5 =	vld [tilespmem:$0x80];
	_ =	sdelay $0x4  }
0x11d: {  	vm1 =	vne.s32 v5, $0x0  }
0x11e: {  	v59 =	vld [tilespmem:$0x90];
	v5 =	vsel vm1, $0x1, v0  }
0x11f: {  	(xrf0) =	vadd.scan.msk.s32 $0xffff, v5;
	_ =	sdelay $0x3  }
0x120: {  	vm2 =	vne.s32 v59, $0x0  }
0x121: {  	v4 =	vbroadcast v4, $0xF;
	v5 =	vsel vm2, $0x1, v0  }
0x122: {  	v60, _, _ =	vpop (xrf0);
	(xrf0) =	vadd.scan.msk.s32 $0xffff, v5  }
0x123: {  	v4 =	vadd.s32 v4, v60  }
0x124: {  	v5 =	vnsel vm1, $0x0, v4  }
0x125: {  	v61 =	vshll.u32 v5, $0x3  }
0x126: {  	v62 =	vand.u32 $0x7, v5;
	v6 =	vand.u32 $0xFFFFFFC0, v61  }
0x127: {  	v4 =	vbroadcast v4, $0xF;
	v6 =	vor.u32 v62, v6  }
0x128: {  	v63, _, _ =	vpop (xrf0);
	v12 =	vperm.xlane v6, v1  }
0x129: {  	v4 =	vadd.s32 v4, v63  }
0x12a: {  	[tilespmem:$0x2080] =	vst v5;
	v5 =	vnsel vm2, $0x0, v4;
	v13 =	vadd.s32 v2, v12  }
0x12b: {  	[tilespmem:$0x2090] =	vst v5  }
0x12c: {  	_ =	swait.ge [sflag:s4], $0x8000  }
0x12d: {  	[sflag:s4] =	ssyncset.done $0x0  }
0x12e: {  	[sflag:s4] =	ssyncadd.s32 $0xFFFF8000  }
0x12f: {  	[tilespmem:s21], [sflag:$0x2] =	stream.indirect_vreg.gather [hbm4b:s1+s2], $0x80, v13, vm0, $0xb8;
	[tilespmem:$0x1A400] =	vst v63  }
0x130: {  	s11 =	simm.s32 $0xAC00;
	v5 =	vperm.xlane v6, v3  }
0x131: {  	[tilespmem:s11], [sflag:$0x2] =	stream.indirect_vreg.gather [hbm4b:s7+s2], $0x80, v13, vm0, $0xb8;
	[tilespmem:$0x1A400] =	vst v63  }
0x132: {  	s6 =	simm.s32 $0xB400;
	v5 =	vadd.s32 v2, v5  }
0x133: {  	[tilespmem:s6], [sflag:$0x2] =	stream.indirect_vreg.gather [hbm4b:s8+s2], $0x80, v13, vm0, $0xb8;
	[tilespmem:$0x1A400] =	vst v63  }
0x134: {  	s21 =	simm.s32 $0xBC00  }
0x135: {  	[tilespmem:s21], [sflag:$0x2] =	stream.indirect_vreg.gather [hbm4b:s10+s2], $0x80, v13, vm0, $0xb8;
	[tilespmem:$0x1A400] =	vst v63  }
0x136: {  	s12 =	simm.s32 $0xC400  }
0x137: {  	[tilespmem:s12], [sflag:$0x2] =	stream.indirect_vreg.gather [hbm4b:s1+s2], $0x80, v5, vm0, $0xb8;
	[tilespmem:$0x1A400] =	vst v63  }
0x138: {  	s15 =	simm.s32 $0xCC00  }
0x139: {  	[tilespmem:s15], [sflag:$0x2] =	stream.indirect_vreg.gather [hbm4b:s7+s2], $0x80, v5, vm0, $0xb8;
	[tilespmem:$0x1A400] =	vst v63  }
0x13a: {  	s16 =	simm.s32 $0xD400  }
0x13b: {  	[tilespmem:s16], [sflag:$0x2] =	stream.indirect_vreg.gather [hbm4b:s8+s2], $0x80, v5, vm0, $0xb8;
	[tilespmem:$0x1A400] =	vst v63  }
0x13c: {  	s18 =	simm.s32 $0xDC00  }
0x13d: {  	[tilespmem:s18], [sflag:$0x2] =	stream.indirect_vreg.gather [hbm4b:s10+s2], $0x80, v5, vm0, $0xb8;
	[tilespmem:$0x1A400] =	vst v63  }
0x13e: {  	v5 =	vld [tilespmem:$0x2090];
	_ =	sdelay $0x4  }
0x13f: {  	v14 =	vshll.u32 v5, $0x3  }
0x140: {  	v5 =	vand.u32 $0x7, v5;
	v6 =	vand.u32 $0xFFFFFFC0, v14  }
0x141: {  	v5 =	vor.u32 v5, v6  }
0x142: {  	v6 =	vperm.xlane v5, v1;
	_ =	sdelay $0x1  }
0x143: {  	v6 =	vadd.s32 v2, v6;
	_ =	sdelay $0x3  }
0x144: {  	s23 =	simm.s32 $0xE400  }
0x145: {  	[tilespmem:s23], [sflag:$0x2] =	stream.indirect_vreg.gather [hbm4b:s1+s2], $0x80, v6, vm0, $0xb8;
	[tilespmem:$0x1A400] =	vst v63  }
0x146: {  	s22 =	simm.s32 $0xEC00;
	v5 =	vperm.xlane v5, v3  }
0x147: {  	[tilespmem:s22], [sflag:$0x2] =	stream.indirect_vreg.gather [hbm4b:s7+s2], $0x80, v6, vm0, $0xb8;
	[tilespmem:$0x1A400] =	vst v63  }
0x148: {  	s24 =	simm.s32 $0xF400;
	v5 =	vadd.s32 v2, v5  }
0x149: {  	[tilespmem:s24], [sflag:$0x2] =	stream.indirect_vreg.gather [hbm4b:s8+s2], $0x80, v6, vm0, $0xb8;
	[tilespmem:$0x1A400] =	vst v63  }
0x14a: {  	s18 =	simm.s32 $0xFC00  }
0x14b: {  	[tilespmem:s18], [sflag:$0x2] =	stream.indirect_vreg.gather [hbm4b:s10+s2], $0x80, v6, vm0, $0xb8;
	[tilespmem:$0x1A400] =	vst v63  }
0x14c: {  	s22 =	simm.s32 $0x10400  }
0x14d: {  	[tilespmem:s22], [sflag:$0x2] =	stream.indirect_vreg.gather [hbm4b:s1+s2], $0x80, v5, vm0, $0xb8;
	[tilespmem:$0x1A400] =	vst v63  }
0x14e: {  	s23 =	simm.s32 $0x10C00  }
0x14f: {  	[tilespmem:s23], [sflag:$0x2] =	stream.indirect_vreg.gather [hbm4b:s7+s2], $0x80, v5, vm0, $0xb8;
	[tilespmem:$0x1A400] =	vst v63  }
0x150: {  	s24 =	simm.s32 $0x11400  }
0x151: {  	[tilespmem:s24], [sflag:$0x2] =	stream.indirect_vreg.gather [hbm4b:s8+s2], $0x80, v5, vm0, $0xb8;
	[tilespmem:$0x1A400] =	vst v63  }
0x152: {  	s29 =	simm.s32 $0x11C00  }
0x153: {  	[tilespmem:s29], [sflag:$0x2] =	stream.indirect_vreg.gather [hbm4b:s10+s2], $0x80, v5, vm0, $0xb8;
	[tilespmem:$0x1A400] =	vst v63  }
0x154: {  	_ =	swait.ge [sflag:s20], $0x8000  }
0x155: {  	[sflag:s20] =	ssyncset.done $0x0  }
0x156: {  	s30 =	simm.s32 $0x2400;
	s11 =	rddreg [dreg:$0xa];
	[sflag:s20] =	ssyncadd.s32 $0xFFFF8000  }
0x157: {  	[hbm4b:s11+s2] =	stream.linear.scatter [tilespmem:s30], [sflag:$0x4], $0x8000, $0x38;
	[tilespmem:$0x1A400] =	vst v63  }
0x158: {  	v5 =	vld [tilespmem:$0xA0];
	_ =	sdelay $0x4  }
0x159: {  	vm1 =	vne.s32 v5, $0x0  }
0x15a: {  	v15 =	vld [tilespmem:$0xB0];
	v5 =	vsel vm1, $0x1, v0  }
0x15b: {  	(xrf0) =	vadd.scan.msk.s32 $0xffff, v5;
	_ =	sdelay $0x3  }
0x15c: {  	vm2 =	vne.s32 v15, $0x0  }
0x15d: {  	v4 =	vbroadcast v4, $0xF;
	v5 =	vsel vm2, $0x1, v0  }
0x15e: {  	v16, _, _ =	vpop (xrf0);
	(xrf0) =	vadd.scan.msk.s32 $0xffff, v5  }
0x15f: {  	v4 =	vadd.s32 v4, v16  }
0x160: {  	v5 =	vnsel vm1, $0x0, v4  }
0x161: {  	v17 =	vshll.u32 v5, $0x3  }
0x162: {  	v18 =	vand.u32 $0x7, v5;
	v6 =	vand.u32 $0xFFFFFFC0, v17  }
0x163: {  	v4 =	vbroadcast v4, $0xF;
	v6 =	vor.u32 v18, v6  }
0x164: {  	v19, _, _ =	vpop (xrf0);
	v20 =	vperm.xlane v6, v1  }
0x165: {  	v4 =	vadd.s32 v4, v19  }
0x166: {  	[tilespmem:$0x20A0] =	vst v5;
	v5 =	vnsel vm2, $0x0, v4;
	v21 =	vadd.s32 v2, v20  }
0x167: {  	[tilespmem:$0x20B0] =	vst v5  }
0x168: {  	_ =	swait.ge [sflag:s5], $0x8000  }
0x169: {  	[sflag:s5] =	ssyncset.done $0x0  }
0x16a: {  	s13 =	simm.s32 $0x12400;
	[sflag:s5] =	ssyncadd.s32 $0xFFFF8000  }
0x16b: {  	[tilespmem:s13], [sflag:$0x3] =	stream.indirect_vreg.gather [hbm4b:s1+s2], $0x80, v21, vm0, $0xb8;
	[tilespmem:$0x1A400] =	vst v63  }
0x16c: {  	v5 =	vperm.xlane v6, v3;
	s13 =	simm.s32 $0x12C00  }
0x16d: {  	[tilespmem:s13], [sflag:$0x3] =	stream.indirect_vreg.gather [hbm4b:s7+s2], $0x80, v21, vm0, $0xb8;
	[tilespmem:$0x1A400] =	vst v63  }
0x16e: {  	s29 =	simm.s32 $0x13400;
	v5 =	vadd.s32 v2, v5  }
0x16f: {  	[tilespmem:s29], [sflag:$0x3] =	stream.indirect_vreg.gather [hbm4b:s8+s2], $0x80, v21, vm0, $0xb8;
	[tilespmem:$0x1A400] =	vst v63  }
0x170: {  	s30 =	simm.s32 $0x13C00  }
0x171: {  	[tilespmem:s30], [sflag:$0x3] =	stream.indirect_vreg.gather [hbm4b:s10+s2], $0x80, v21, vm0, $0xb8;
	[tilespmem:$0x1A400] =	vst v63  }
0x172: {  	s13 =	simm.s32 $0x14400  }
0x173: {  	[tilespmem:s13], [sflag:$0x3] =	stream.indirect_vreg.gather [hbm4b:s1+s2], $0x80, v5, vm0, $0xb8;
	[tilespmem:$0x1A400] =	vst v63  }
0x174: {  	s15 =	simm.s32 $0x14C00  }
0x175: {  	[tilespmem:s15], [sflag:$0x3] =	stream.indirect_vreg.gather [hbm4b:s7+s2], $0x80, v5, vm0, $0xb8;
	[tilespmem:$0x1A400] =	vst v63  }
0x176: {  	s12 =	simm.s32 $0x15400  }
0x177: {  	[tilespmem:s12], [sflag:$0x3] =	stream.indirect_vreg.gather [hbm4b:s8+s2], $0x80, v5, vm0, $0xb8;
	[tilespmem:$0x1A400] =	vst v63  }
0x178: {  	s15 =	simm.s32 $0x15C00  }
0x179: {  	[tilespmem:s15], [sflag:$0x3] =	stream.indirect_vreg.gather [hbm4b:s10+s2], $0x80, v5, vm0, $0xb8;
	[tilespmem:$0x1A400] =	vst v63  }
0x17a: {  	v5 =	vld [tilespmem:$0x20B0];
	_ =	sdelay $0x4  }
0x17b: {  	v22 =	vshll.u32 v5, $0x3  }
0x17c: {  	v5 =	vand.u32 $0x7, v5;
	v6 =	vand.u32 $0xFFFFFFC0, v22  }
0x17d: {  	v5 =	vor.u32 v5, v6  }
0x17e: {  	v6 =	vperm.xlane v5, v1;
	_ =	sdelay $0x1  }
0x17f: {  	v6 =	vadd.s32 v2, v6;
	_ =	sdelay $0x3  }
0x180: {  	s12 =	simm.s32 $0x16400  }
0x181: {  	[tilespmem:s12], [sflag:$0x3] =	stream.indirect_vreg.gather [hbm4b:s1+s2], $0x80, v6, vm0, $0xb8;
	[tilespmem:$0x1A400] =	vst v63  }
0x182: {  	s15 =	simm.s32 $0x16C00;
	v5 =	vperm.xlane v5, v3  }
0x183: {  	[tilespmem:s15], [sflag:$0x3] =	stream.indirect_vreg.gather [hbm4b:s7+s2], $0x80, v6, vm0, $0xb8;
	[tilespmem:$0x1A400] =	vst v63  }
0x184: {  	v5 =	vadd.s32 v2, v5;
	s12 =	simm.s32 $0x17400  }
0x185: {  	[tilespmem:s12], [sflag:$0x3] =	stream.indirect_vreg.gather [hbm4b:s8+s2], $0x80, v6, vm0, $0xb8;
	[tilespmem:$0x1A400] =	vst v63  }
0x186: {  	s15 =	simm.s32 $0x17C00  }
0x187: {  	[tilespmem:s15], [sflag:$0x3] =	stream.indirect_vreg.gather [hbm4b:s10+s2], $0x80, v6, vm0, $0xb8;
	[tilespmem:$0x1A400] =	vst v63  }
0x188: {  	s12 =	simm.s32 $0x18400  }
0x189: {  	[tilespmem:s12], [sflag:$0x3] =	stream.indirect_vreg.gather [hbm4b:s1+s2], $0x80, v5, vm0, $0xb8;
	[tilespmem:$0x1A400] =	vst v63  }
0x18a: {  	s15 =	simm.s32 $0x18C00  }
0x18b: {  	[tilespmem:s15], [sflag:$0x3] =	stream.indirect_vreg.gather [hbm4b:s7+s2], $0x80, v5, vm0, $0xb8;
	[tilespmem:$0x1A400] =	vst v63  }
0x18c: {  	s12 =	simm.s32 $0x19400  }
0x18d: {  	[tilespmem:s12], [sflag:$0x3] =	stream.indirect_vreg.gather [hbm4b:s8+s2], $0x80, v5, vm0, $0xb8;
	[tilespmem:$0x1A400] =	vst v63  }
0x18e: {  	s15 =	simm.s32 $0x19C00  }
0x18f: {  	[tilespmem:s15], [sflag:$0x3] =	stream.indirect_vreg.gather [hbm4b:s10+s2], $0x80, v5, vm0, $0xb8;
	[tilespmem:$0x1A400] =	vst v63  }
0x190: {  	_ =	swait.ge [sflag:s0], $0x8000  }
0x191: {  	[sflag:s0] =	ssyncset.done $0x0  }
0x192: {  	s3 =	simm.s32 $0xA400;
	s11 =	rddreg [dreg:$0xb];
	[sflag:s0] =	ssyncadd.s32 $0xFFFF8000  }
0x193: {  	[hbm4b:s11+s2] =	stream.linear.scatter [tilespmem:s3], [sflag:$0x5], $0x8000, $0x38;
	[tilespmem:$0x1A400] =	vst v63  }
0x194: {  	v5 =	vld [tilespmem:$0xC0];
	_ =	sdelay $0x4  }
0x195: {  	vm1 =	vne.s32 v5, $0x0  }
0x196: {  	v23 =	vld [tilespmem:$0xD0];
	v5 =	vsel vm1, $0x1, v0  }
0x197: {  	(xrf0) =	vadd.scan.msk.s32 $0xffff, v5;
	_ =	sdelay $0x3  }
0x198: {  	vm2 =	vne.s32 v23, $0x0  }
0x199: {  	v4 =	vbroadcast v4, $0xF;
	v5 =	vsel vm2, $0x1, v0  }
0x19a: {  	v24, _, _ =	vpop (xrf0);
	(xrf0) =	vadd.scan.msk.s32 $0xffff, v5  }
0x19b: {  	v4 =	vadd.s32 v4, v24  }
0x19c: {  	v5 =	vnsel vm1, $0x0, v4  }
0x19d: {  	v25 =	vshll.u32 v5, $0x3  }
0x19e: {  	v26 =	vand.u32 $0x7, v5;
	v6 =	vand.u32 $0xFFFFFFC0, v25  }
0x19f: {  	v4 =	vbroadcast v4, $0xF;
	v6 =	vor.u32 v26, v6  }
0x1a0: {  	v27, _, _ =	vpop (xrf0);
	v28 =	vperm.xlane v6, v1  }
0x1a1: {  	v4 =	vadd.s32 v4, v27  }
0x1a2: {  	[tilespmem:$0x20C0] =	vst v5;
	v5 =	vnsel vm2, $0x0, v4;
	v29 =	vadd.s32 v2, v28  }
0x1a3: {  	[tilespmem:$0x20D0] =	vst v5  }
0x1a4: {  	_ =	swait.ge [sflag:s19], $0x8000  }
0x1a5: {  	[sflag:s19] =	ssyncset.done $0x0  }
0x1a6: {  	s9 =	simm.s32 $0x2400;
	[sflag:s19] =	ssyncadd.s32 $0xFFFF8000  }
0x1a7: {  	[tilespmem:s9], [sflag:$0x1] =	stream.indirect_vreg.gather [hbm4b:s1+s2], $0x80, v29, vm0, $0xb8;
	[tilespmem:$0x1A400] =	vst v63  }
0x1a8: {  	v5 =	vperm.xlane v6, v3  }
0x1a9: {  	[tilespmem:s31], [sflag:$0x1] =	stream.indirect_vreg.gather [hbm4b:s7+s2], $0x80, v29, vm0, $0xb8;
	[tilespmem:$0x1A400] =	vst v63  }
0x1aa: {  	s3 =	simm.s32 $0x3400;
	v5 =	vadd.s32 v2, v5  }
0x1ab: {  	[tilespmem:s3], [sflag:$0x1] =	stream.indirect_vreg.gather [hbm4b:s8+s2], $0x80, v29, vm0, $0xb8;
	[tilespmem:$0x1A400] =	vst v63  }
0x1ac: {  	s31 =	simm.s32 $0x3C00  }
0x1ad: {  	[tilespmem:s31], [sflag:$0x1] =	stream.indirect_vreg.gather [hbm4b:s10+s2], $0x80, v29, vm0, $0xb8;
	[tilespmem:$0x1A400] =	vst v63  }
0x1ae: {  	s12 =	simm.s32 $0x4400  }
0x1af: {  	[tilespmem:s12], [sflag:$0x1] =	stream.indirect_vreg.gather [hbm4b:s1+s2], $0x80, v5, vm0, $0xb8;
	[tilespmem:$0x1A400] =	vst v63  }
0x1b0: {  	s12 =	simm.s32 $0x4C00  }
0x1b1: {  	[tilespmem:s12], [sflag:$0x1] =	stream.indirect_vreg.gather [hbm4b:s7+s2], $0x80, v5, vm0, $0xb8;
	[tilespmem:$0x1A400] =	vst v63  }
0x1b2: {  	s12 =	simm.s32 $0x5400  }
0x1b3: {  	[tilespmem:s12], [sflag:$0x1] =	stream.indirect_vreg.gather [hbm4b:s8+s2], $0x80, v5, vm0, $0xb8;
	[tilespmem:$0x1A400] =	vst v63  }
0x1b4: {  	_ = 	snop  }
0x1b5: {  	[tilespmem:s25], [sflag:$0x1] =	stream.indirect_vreg.gather [hbm4b:s10+s2], $0x80, v5, vm0, $0xb8;
	[tilespmem:$0x1A400] =	vst v63  }
0x1b6: {  	v5 =	vld [tilespmem:$0x20D0];
	_ =	sdelay $0x4  }
0x1b7: {  	v30 =	vshll.u32 v5, $0x3  }
0x1b8: {  	v5 =	vand.u32 $0x7, v5;
	v6 =	vand.u32 $0xFFFFFFC0, v30  }
0x1b9: {  	v5 =	vor.u32 v5, v6  }
0x1ba: {  	v6 =	vperm.xlane v5, v1;
	_ =	sdelay $0x1  }
0x1bb: {  	v6 =	vadd.s32 v2, v6;
	_ =	sdelay $0x4  }
0x1bc: {  	[tilespmem:s26], [sflag:$0x1] =	stream.indirect_vreg.gather [hbm4b:s1+s2], $0x80, v6, vm0, $0xb8;
	[tilespmem:$0x1A400] =	vst v63  }
0x1bd: {  	v5 =	vperm.xlane v5, v3  }
0x1be: {  	[tilespmem:s28], [sflag:$0x1] =	stream.indirect_vreg.gather [hbm4b:s7+s2], $0x80, v6, vm0, $0xb8;
	[tilespmem:$0x1A400] =	vst v63  }
0x1bf: {  	v5 =	vadd.s32 v2, v5;
	s26 =	simm.s32 $0x7400  }
0x1c0: {  	[tilespmem:s26], [sflag:$0x1] =	stream.indirect_vreg.gather [hbm4b:s8+s2], $0x80, v6, vm0, $0xb8;
	[tilespmem:$0x1A400] =	vst v63  }
0x1c1: {  	s28 =	simm.s32 $0x7C00  }
0x1c2: {  	[tilespmem:s28], [sflag:$0x1] =	stream.indirect_vreg.gather [hbm4b:s10+s2], $0x80, v6, vm0, $0xb8;
	[tilespmem:$0x1A400] =	vst v63  }
0x1c3: {  	s25 =	simm.s32 $0x8400  }
0x1c4: {  	[tilespmem:s25], [sflag:$0x1] =	stream.indirect_vreg.gather [hbm4b:s1+s2], $0x80, v5, vm0, $0xb8;
	[tilespmem:$0x1A400] =	vst v63  }
0x1c5: {  	s12 =	simm.s32 $0x8C00  }
0x1c6: {  	[tilespmem:s12], [sflag:$0x1] =	stream.indirect_vreg.gather [hbm4b:s7+s2], $0x80, v5, vm0, $0xb8;
	[tilespmem:$0x1A400] =	vst v63  }
0x1c7: {  	s12 =	simm.s32 $0x9400  }
0x1c8: {  	[tilespmem:s12], [sflag:$0x1] =	stream.indirect_vreg.gather [hbm4b:s8+s2], $0x80, v5, vm0, $0xb8;
	[tilespmem:$0x1A400] =	vst v63  }
0x1c9: {  	_ = 	snop  }
0x1ca: {  	[tilespmem:s14], [sflag:$0x1] =	stream.indirect_vreg.gather [hbm4b:s10+s2], $0x80, v5, vm0, $0xb8;
	[tilespmem:$0x1A400] =	vst v63  }
0x1cb: {  	_ =	swait.ge [sflag:s17], $0x8000  }
0x1cc: {  	[sflag:s17] =	ssyncset.done $0x0  }
0x1cd: {  	s16 =	simm.s32 $0x12400;
	s14 =	rddreg [dreg:$0xc];
	[sflag:s17] =	ssyncadd.s32 $0xFFFF8000  }
0x1ce: {  	[hbm4b:s14+s2] =	stream.linear.scatter [tilespmem:s16], [sflag:$0x6], $0x8000, $0x38;
	[tilespmem:$0x1A400] =	vst v63  }
0x1cf: {  	v5 =	vld [tilespmem:$0xE0];
	_ =	sdelay $0x4  }
0x1d0: {  	vm1 =	vne.s32 v5, $0x0  }
0x1d1: {  	v31 =	vld [tilespmem:$0xF0];
	v5 =	vsel vm1, $0x1, v0  }
0x1d2: {  	(xrf0) =	vadd.scan.msk.s32 $0xffff, v5;
	_ =	sdelay $0x3  }
0x1d3: {  	vm2 =	vne.s32 v31, $0x0  }
0x1d4: {  	v4 =	vbroadcast v4, $0xF;
	v5 =	vsel vm2, $0x1, v0  }
0x1d5: {  	v32, _, _ =	vpop (xrf0);
	(xrf0) =	vadd.scan.msk.s32 $0xffff, v5  }
0x1d6: {  	v4 =	vadd.s32 v4, v32  }
0x1d7: {  	v5 =	vnsel vm1, $0x0, v4  }
0x1d8: {  	v33 =	vshll.u32 v5, $0x3  }
0x1d9: {  	v34 =	vand.u32 $0x7, v5;
	v6 =	vand.u32 $0xFFFFFFC0, v33  }
0x1da: {  	v4 =	vbroadcast v4, $0xF;
	v6 =	vor.u32 v34, v6  }
0x1db: {  	v35, _, _ =	vpop (xrf0);
	v36 =	vperm.xlane v6, v1  }
0x1dc: {  	v4 =	vadd.s32 v4, v35  }
0x1dd: {  	[tilespmem:$0x20E0] =	vst v5;
	v5 =	vnsel vm2, $0x0, v4;
	v37 =	vadd.s32 v2, v36  }
0x1de: {  	[tilespmem:$0x20F0] =	vst v5  }
0x1df: {  	_ =	swait.ge [sflag:s4], $0x8000  }
0x1e0: {  	[sflag:s4] =	ssyncset.done $0x0  }
0x1e1: {  	s11 =	simm.s32 $0xA400;
	[sflag:s4] =	ssyncadd.s32 $0xFFFF8000  }
0x1e2: {  	[tilespmem:s11], [sflag:$0x2] =	stream.indirect_vreg.gather [hbm4b:s1+s2], $0x80, v37, vm0, $0xb8;
	[tilespmem:$0x1A400] =	vst v63  }
0x1e3: {  	s16 =	simm.s32 $0xAC00;
	v5 =	vperm.xlane v6, v3  }
0x1e4: {  	[tilespmem:s16], [sflag:$0x2] =	stream.indirect_vreg.gather [hbm4b:s7+s2], $0x80, v37, vm0, $0xb8;
	[tilespmem:$0x1A400] =	vst v63  }
0x1e5: {  	v5 =	vadd.s32 v2, v5  }
0x1e6: {  	[tilespmem:s6], [sflag:$0x2] =	stream.indirect_vreg.gather [hbm4b:s8+s2], $0x80, v37, vm0, $0xb8;
	[tilespmem:$0x1A400] =	vst v63  }
0x1e7: {  	_ = 	snop  }
0x1e8: {  	[tilespmem:s21], [sflag:$0x2] =	stream.indirect_vreg.gather [hbm4b:s10+s2], $0x80, v37, vm0, $0xb8;
	[tilespmem:$0x1A400] =	vst v63  }
0x1e9: {  	s21 =	simm.s32 $0xC400  }
0x1ea: {  	[tilespmem:s21], [sflag:$0x2] =	stream.indirect_vreg.gather [hbm4b:s1+s2], $0x80, v5, vm0, $0xb8;
	[tilespmem:$0x1A400] =	vst v63  }
0x1eb: {  	s12 =	simm.s32 $0xCC00  }
0x1ec: {  	[tilespmem:s12], [sflag:$0x2] =	stream.indirect_vreg.gather [hbm4b:s7+s2], $0x80, v5, vm0, $0xb8;
	[tilespmem:$0x1A400] =	vst v63  }
0x1ed: {  	s12 =	simm.s32 $0xD400  }
0x1ee: {  	[tilespmem:s12], [sflag:$0x2] =	stream.indirect_vreg.gather [hbm4b:s8+s2], $0x80, v5, vm0, $0xb8;
	[tilespmem:$0x1A400] =	vst v63  }
0x1ef: {  	s12 =	simm.s32 $0xDC00  }
0x1f0: {  	[tilespmem:s12], [sflag:$0x2] =	stream.indirect_vreg.gather [hbm4b:s10+s2], $0x80, v5, vm0, $0xb8;
	[tilespmem:$0x1A400] =	vst v63  }
0x1f1: {  	v5 =	vld [tilespmem:$0x20F0];
	_ =	sdelay $0x4  }
0x1f2: {  	v38 =	vshll.u32 v5, $0x3  }
0x1f3: {  	v5 =	vand.u32 $0x7, v5;
	v6 =	vand.u32 $0xFFFFFFC0, v38  }
0x1f4: {  	v5 =	vor.u32 v5, v6  }
0x1f5: {  	v6 =	vperm.xlane v5, v1;
	_ =	sdelay $0x1  }
0x1f6: {  	v6 =	vadd.s32 v2, v6;
	_ =	sdelay $0x3  }
0x1f7: {  	s12 =	simm.s32 $0xE400  }
0x1f8: {  	[tilespmem:s12], [sflag:$0x2] =	stream.indirect_vreg.gather [hbm4b:s1+s2], $0x80, v6, vm0, $0xb8;
	[tilespmem:$0x1A400] =	vst v63  }
0x1f9: {  	v5 =	vperm.xlane v5, v3;
	s12 =	simm.s32 $0xEC00  }
0x1fa: {  	[tilespmem:s12], [sflag:$0x2] =	stream.indirect_vreg.gather [hbm4b:s7+s2], $0x80, v6, vm0, $0xb8;
	[tilespmem:$0x1A400] =	vst v63  }
0x1fb: {  	v5 =	vadd.s32 v2, v5;
	s12 =	simm.s32 $0xF400  }
0x1fc: {  	[tilespmem:s12], [sflag:$0x2] =	stream.indirect_vreg.gather [hbm4b:s8+s2], $0x80, v6, vm0, $0xb8;
	[tilespmem:$0x1A400] =	vst v63  }
0x1fd: {  	_ = 	snop  }
0x1fe: {  	[tilespmem:s18], [sflag:$0x2] =	stream.indirect_vreg.gather [hbm4b:s10+s2], $0x80, v6, vm0, $0xb8;
	[tilespmem:$0x1A400] =	vst v63  }
0x1ff: {  	_ = 	snop  }
0x200: {  	[tilespmem:s22], [sflag:$0x2] =	stream.indirect_vreg.gather [hbm4b:s1+s2], $0x80, v5, vm0, $0xb8;
	[tilespmem:$0x1A400] =	vst v63  }
0x201: {  	_ = 	snop  }
0x202: {  	[tilespmem:s23], [sflag:$0x2] =	stream.indirect_vreg.gather [hbm4b:s7+s2], $0x80, v5, vm0, $0xb8;
	[tilespmem:$0x1A400] =	vst v63  }
0x203: {  	_ = 	snop  }
0x204: {  	[tilespmem:s24], [sflag:$0x2] =	stream.indirect_vreg.gather [hbm4b:s8+s2], $0x80, v5, vm0, $0xb8;
	[tilespmem:$0x1A400] =	vst v63  }
0x205: {  	s12 =	simm.s32 $0x11C00  }
0x206: {  	[tilespmem:s12], [sflag:$0x2] =	stream.indirect_vreg.gather [hbm4b:s10+s2], $0x80, v5, vm0, $0xb8;
	[tilespmem:$0x1A400] =	vst v63  }
0x207: {  	_ =	swait.ge [sflag:s20], $0x8000  }
0x208: {  	[sflag:s20] =	ssyncset.done $0x0  }
0x209: {  	s15 =	simm.s32 $0x2400;
	s6 =	rddreg [dreg:$0xd];
	[sflag:s20] =	ssyncadd.s32 $0xFFFF8000  }
0x20a: {  	[hbm4b:s6+s2] =	stream.linear.scatter [tilespmem:s15], [sflag:$0x4], $0x8000, $0x38;
	[tilespmem:$0x1A400] =	vst v63  }
0x20b: {  	v5 =	vld [tilespmem:$0x100];
	_ =	sdelay $0x4  }
0x20c: {  	vm1 =	vne.s32 v5, $0x0  }
0x20d: {  	v39 =	vld [tilespmem:$0x110];
	v5 =	vsel vm1, $0x1, v0  }
0x20e: {  	(xrf0) =	vadd.scan.msk.s32 $0xffff, v5;
	_ =	sdelay $0x3  }
0x20f: {  	vm2 =	vne.s32 v39, $0x0  }
0x210: {  	v4 =	vbroadcast v4, $0xF;
	v5 =	vsel vm2, $0x1, v0  }
0x211: {  	v40, _, _ =	vpop (xrf0);
	(xrf0) =	vadd.scan.msk.s32 $0xffff, v5  }
0x212: {  	v4 =	vadd.s32 v4, v40  }
0x213: {  	v5 =	vnsel vm1, $0x0, v4  }
0x214: {  	v41 =	vshll.u32 v5, $0x3  }
0x215: {  	v42 =	vand.u32 $0x7, v5;
	v6 =	vand.u32 $0xFFFFFFC0, v41  }
0x216: {  	v4 =	vbroadcast v4, $0xF;
	v6 =	vor.u32 v42, v6  }
0x217: {  	v43, _, _ =	vpop (xrf0);
	v44 =	vperm.xlane v6, v1  }
0x218: {  	v4 =	vadd.s32 v4, v43  }
0x219: {  	[tilespmem:$0x2100] =	vst v5;
	v5 =	vnsel vm2, $0x0, v4;
	v45 =	vadd.s32 v2, v44  }
0x21a: {  	[tilespmem:$0x2110] =	vst v5  }
0x21b: {  	_ =	swait.ge [sflag:s5], $0x8000  }
0x21c: {  	[sflag:s5] =	ssyncset.done $0x0  }
0x21d: {  	s14 =	simm.s32 $0x12400;
	[sflag:s5] =	ssyncadd.s32 $0xFFFF8000  }
0x21e: {  	[tilespmem:s14], [sflag:$0x3] =	stream.indirect_vreg.gather [hbm4b:s1+s2], $0x80, v45, vm0, $0xb8;
	[tilespmem:$0x1A400] =	vst v63  }
0x21f: {  	s15 =	simm.s32 $0x12C00;
	v5 =	vperm.xlane v6, v3  }
0x220: {  	[tilespmem:s15], [sflag:$0x3] =	stream.indirect_vreg.gather [hbm4b:s7+s2], $0x80, v45, vm0, $0xb8;
	[tilespmem:$0x1A400] =	vst v63  }
0x221: {  	v5 =	vadd.s32 v2, v5  }
0x222: {  	[tilespmem:s29], [sflag:$0x3] =	stream.indirect_vreg.gather [hbm4b:s8+s2], $0x80, v45, vm0, $0xb8;
	[tilespmem:$0x1A400] =	vst v63  }
0x223: {  	_ = 	snop  }
0x224: {  	[tilespmem:s30], [sflag:$0x3] =	stream.indirect_vreg.gather [hbm4b:s10+s2], $0x80, v45, vm0, $0xb8;
	[tilespmem:$0x1A400] =	vst v63  }
0x225: {  	_ = 	snop  }
0x226: {  	[tilespmem:s13], [sflag:$0x3] =	stream.indirect_vreg.gather [hbm4b:s1+s2], $0x80, v5, vm0, $0xb8;
	[tilespmem:$0x1A400] =	vst v63  }
0x227: {  	s30 =	simm.s32 $0x14C00  }
0x228: {  	[tilespmem:s30], [sflag:$0x3] =	stream.indirect_vreg.gather [hbm4b:s7+s2], $0x80, v5, vm0, $0xb8;
	[tilespmem:$0x1A400] =	vst v63  }
0x229: {  	s12 =	simm.s32 $0x15400  }
0x22a: {  	[tilespmem:s12], [sflag:$0x3] =	stream.indirect_vreg.gather [hbm4b:s8+s2], $0x80, v5, vm0, $0xb8;
	[tilespmem:$0x1A400] =	vst v63  }
0x22b: {  	s12 =	simm.s32 $0x15C00  }
0x22c: {  	[tilespmem:s12], [sflag:$0x3] =	stream.indirect_vreg.gather [hbm4b:s10+s2], $0x80, v5, vm0, $0xb8;
	[tilespmem:$0x1A400] =	vst v63  }
0x22d: {  	v5 =	vld [tilespmem:$0x2110];
	_ =	sdelay $0x4  }
0x22e: {  	v46 =	vshll.u32 v5, $0x3  }
0x22f: {  	v5 =	vand.u32 $0x7, v5;
	v6 =	vand.u32 $0xFFFFFFC0, v46  }
0x230: {  	v5 =	vor.u32 v5, v6  }
0x231: {  	v6 =	vperm.xlane v5, v1;
	_ =	sdelay $0x1  }
0x232: {  	v6 =	vadd.s32 v2, v6;
	_ =	sdelay $0x3  }
0x233: {  	s12 =	simm.s32 $0x16400  }
0x234: {  	[tilespmem:s12], [sflag:$0x3] =	stream.indirect_vreg.gather [hbm4b:s1+s2], $0x80, v6, vm0, $0xb8;
	[tilespmem:$0x1A400] =	vst v63  }
0x235: {  	v5 =	vperm.xlane v5, v3;
	s12 =	simm.s32 $0x16C00  }
0x236: {  	[tilespmem:s12], [sflag:$0x3] =	stream.indirect_vreg.gather [hbm4b:s7+s2], $0x80, v6, vm0, $0xb8;
	[tilespmem:$0x1A400] =	vst v63  }
0x237: {  	v5 =	vadd.s32 v2, v5;
	s12 =	simm.s32 $0x17400  }
0x238: {  	[tilespmem:s12], [sflag:$0x3] =	stream.indirect_vreg.gather [hbm4b:s8+s2], $0x80, v6, vm0, $0xb8;
	[tilespmem:$0x1A400] =	vst v63  }
0x239: {  	s12 =	simm.s32 $0x17C00  }
0x23a: {  	[tilespmem:s12], [sflag:$0x3] =	stream.indirect_vreg.gather [hbm4b:s10+s2], $0x80, v6, vm0, $0xb8;
	[tilespmem:$0x1A400] =	vst v63  }
0x23b: {  	s12 =	simm.s32 $0x18400  }
0x23c: {  	[tilespmem:s12], [sflag:$0x3] =	stream.indirect_vreg.gather [hbm4b:s1+s2], $0x80, v5, vm0, $0xb8;
	[tilespmem:$0x1A400] =	vst v63  }
0x23d: {  	s12 =	simm.s32 $0x18C00  }
0x23e: {  	[tilespmem:s12], [sflag:$0x3] =	stream.indirect_vreg.gather [hbm4b:s7+s2], $0x80, v5, vm0, $0xb8;
	[tilespmem:$0x1A400] =	vst v63  }
0x23f: {  	s12 =	simm.s32 $0x19400  }
0x240: {  	[tilespmem:s12], [sflag:$0x3] =	stream.indirect_vreg.gather [hbm4b:s8+s2], $0x80, v5, vm0, $0xb8;
	[tilespmem:$0x1A400] =	vst v63  }
0x241: {  	s12 =	simm.s32 $0x19C00  }
0x242: {  	[tilespmem:s12], [sflag:$0x3] =	stream.indirect_vreg.gather [hbm4b:s10+s2], $0x80, v5, vm0, $0xb8;
	[tilespmem:$0x1A400] =	vst v63  }
0x243: {  	_ =	swait.ge [sflag:s0], $0x8000  }
0x244: {  	[sflag:s0] =	ssyncset.done $0x0  }
0x245: {  	s9 =	simm.s32 $0xA400;
	s12 =	rddreg [dreg:$0xe];
	[sflag:s0] =	ssyncadd.s32 $0xFFFF8000  }
0x246: {  	[hbm4b:s12+s2] =	stream.linear.scatter [tilespmem:s9], [sflag:$0x5], $0x8000, $0x38;
	[tilespmem:$0x1A400] =	vst v63  }
0x247: {  	v5 =	vld [tilespmem:$0x120];
	_ =	sdelay $0x4  }
0x248: {  	vm1 =	vne.s32 v5, $0x0  }
0x249: {  	v47 =	vld [tilespmem:$0x130];
	v5 =	vsel vm1, $0x1, v0  }
0x24a: {  	(xrf0) =	vadd.scan.msk.s32 $0xffff, v5;
	_ =	sdelay $0x3  }
0x24b: {  	vm2 =	vne.s32 v47, $0x0  }
0x24c: {  	v4 =	vbroadcast v4, $0xF;
	v5 =	vsel vm2, $0x1, v0  }
0x24d: {  	v48, _, _ =	vpop (xrf0);
	(xrf0) =	vadd.scan.msk.s32 $0xffff, v5  }
0x24e: {  	v4 =	vadd.s32 v4, v48  }
0x24f: {  	v5 =	vnsel vm1, $0x0, v4  }
0x250: {  	v49 =	vshll.u32 v5, $0x3  }
0x251: {  	v50 =	vand.u32 $0x7, v5;
	v6 =	vand.u32 $0xFFFFFFC0, v49  }
0x252: {  	v4 =	vbroadcast v4, $0xF;
	v6 =	vor.u32 v50, v6  }
0x253: {  	v51, _, _ =	vpop (xrf0);
	v52 =	vperm.xlane v6, v1  }
0x254: {  	v4 =	vadd.s32 v4, v51  }
0x255: {  	[tilespmem:$0x2120] =	vst v5;
	v5 =	vnsel vm2, $0x0, v4;
	v53 =	vadd.s32 v2, v52  }
0x256: {  	[tilespmem:$0x2130] =	vst v5  }
0x257: {  	_ =	swait.ge [sflag:s19], $0x8000  }
0x258: {  	[sflag:s19] =	ssyncset.done $0x0  }
0x259: {  	s6 =	simm.s32 $0x2400;
	[sflag:s19] =	ssyncadd.s32 $0xFFFF8000  }
0x25a: {  	[tilespmem:s6], [sflag:$0x1] =	stream.indirect_vreg.gather [hbm4b:s1+s2], $0x80, v53, vm0, $0xb8;
	[tilespmem:$0x1A400] =	vst v63  }
0x25b: {  	s12 =	simm.s32 $0x2C00;
	v5 =	vperm.xlane v6, v3  }
0x25c: {  	[tilespmem:s12], [sflag:$0x1] =	stream.indirect_vreg.gather [hbm4b:s7+s2], $0x80, v53, vm0, $0xb8;
	[tilespmem:$0x1A400] =	vst v63  }
0x25d: {  	v5 =	vadd.s32 v2, v5  }
0x25e: {  	[tilespmem:s3], [sflag:$0x1] =	stream.indirect_vreg.gather [hbm4b:s8+s2], $0x80, v53, vm0, $0xb8;
	[tilespmem:$0x1A400] =	vst v63  }
0x25f: {  	_ = 	snop  }
0x260: {  	[tilespmem:s31], [sflag:$0x1] =	stream.indirect_vreg.gather [hbm4b:s10+s2], $0x80, v53, vm0, $0xb8;
	[tilespmem:$0x1A400] =	vst v63  }
0x261: {  	s12 =	simm.s32 $0x4400  }
0x262: {  	[tilespmem:s12], [sflag:$0x1] =	stream.indirect_vreg.gather [hbm4b:s1+s2], $0x80, v5, vm0, $0xb8;
	[tilespmem:$0x1A400] =	vst v63  }
0x263: {  	s12 =	simm.s32 $0x4C00  }
0x264: {  	[tilespmem:s12], [sflag:$0x1] =	stream.indirect_vreg.gather [hbm4b:s7+s2], $0x80, v5, vm0, $0xb8;
	[tilespmem:$0x1A400] =	vst v63  }
0x265: {  	s12 =	simm.s32 $0x5400  }
0x266: {  	[tilespmem:s12], [sflag:$0x1] =	stream.indirect_vreg.gather [hbm4b:s8+s2], $0x80, v5, vm0, $0xb8;
	[tilespmem:$0x1A400] =	vst v63  }
0x267: {  	s12 =	simm.s32 $0x5C00  }
0x268: {  	[tilespmem:s12], [sflag:$0x1] =	stream.indirect_vreg.gather [hbm4b:s10+s2], $0x80, v5, vm0, $0xb8;
	[tilespmem:$0x1A400] =	vst v63  }
0x269: {  	v5 =	vld [tilespmem:$0x2130];
	_ =	sdelay $0x4  }
0x26a: {  	v54 =	vshll.u32 v5, $0x3  }
0x26b: {  	v5 =	vand.u32 $0x7, v5;
	v6 =	vand.u32 $0xFFFFFFC0, v54  }
0x26c: {  	v5 =	vor.u32 v5, v6  }
0x26d: {  	v6 =	vperm.xlane v5, v1;
	_ =	sdelay $0x1  }
0x26e: {  	v6 =	vadd.s32 v2, v6;
	_ =	sdelay $0x3  }
0x26f: {  	s12 =	simm.s32 $0x6400  }
0x270: {  	[tilespmem:s12], [sflag:$0x1] =	stream.indirect_vreg.gather [hbm4b:s1+s2], $0x80, v6, vm0, $0xb8;
	[tilespmem:$0x1A400] =	vst v63  }
0x271: {  	v5 =	vperm.xlane v5, v3;
	s12 =	simm.s32 $0x6C00  }
0x272: {  	[tilespmem:s12], [sflag:$0x1] =	stream.indirect_vreg.gather [hbm4b:s7+s2], $0x80, v6, vm0, $0xb8;
	[tilespmem:$0x1A400] =	vst v63  }
0x273: {  	v5 =	vadd.s32 v2, v5  }
0x274: {  	[tilespmem:s26], [sflag:$0x1] =	stream.indirect_vreg.gather [hbm4b:s8+s2], $0x80, v6, vm0, $0xb8;
	[tilespmem:$0x1A400] =	vst v63  }
0x275: {  	_ = 	snop  }
0x276: {  	[tilespmem:s28], [sflag:$0x1] =	stream.indirect_vreg.gather [hbm4b:s10+s2], $0x80, v6, vm0, $0xb8;
	[tilespmem:$0x1A400] =	vst v63  }
0x277: {  	_ = 	snop  }
0x278: {  	[tilespmem:s25], [sflag:$0x1] =	stream.indirect_vreg.gather [hbm4b:s1+s2], $0x80, v5, vm0, $0xb8;
	[tilespmem:$0x1A400] =	vst v63  }
0x279: {  	s12 =	simm.s32 $0x8C00  }
0x27a: {  	[tilespmem:s12], [sflag:$0x1] =	stream.indirect_vreg.gather [hbm4b:s7+s2], $0x80, v5, vm0, $0xb8;
	[tilespmem:$0x1A400] =	vst v63  }
0x27b: {  	s12 =	simm.s32 $0x9400  }
0x27c: {  	[tilespmem:s12], [sflag:$0x1] =	stream.indirect_vreg.gather [hbm4b:s8+s2], $0x80, v5, vm0, $0xb8;
	[tilespmem:$0x1A400] =	vst v63  }
0x27d: {  	s12 =	simm.s32 $0x9C00  }
0x27e: {  	[tilespmem:s12], [sflag:$0x1] =	stream.indirect_vreg.gather [hbm4b:s10+s2], $0x80, v5, vm0, $0xb8;
	[tilespmem:$0x1A400] =	vst v63  }
0x27f: {  	_ =	swait.ge [sflag:s17], $0x8000  }
0x280: {  	[sflag:s17] =	ssyncset.done $0x0  }
0x281: {  	s12 =	rddreg [dreg:$0xf];
	[sflag:s17] =	ssyncadd.s32 $0xFFFF8000  }
0x282: {  	[hbm4b:s12+s2] =	stream.linear.scatter [tilespmem:s14], [sflag:$0x6], $0x8000, $0x38;
	[tilespmem:$0x1A400] =	vst v63  }
0x283: {  	v5 =	vld [tilespmem:$0x140];
	_ =	sdelay $0x4  }
0x284: {  	vm1 =	vne.s32 v5, $0x0  }
0x285: {  	v55 =	vld [tilespmem:$0x150];
	v5 =	vsel vm1, $0x1, v0  }
0x286: {  	(xrf0) =	vadd.scan.msk.s32 $0xffff, v5;
	_ =	sdelay $0x3  }
0x287: {  	vm2 =	vne.s32 v55, $0x0  }
0x288: {  	v4 =	vbroadcast v4, $0xF;
	v5 =	vsel vm2, $0x1, v0  }
0x289: {  	v56, _, _ =	vpop (xrf0);
	(xrf0) =	vadd.scan.msk.s32 $0xffff, v5  }
0x28a: {  	v4 =	vadd.s32 v4, v56  }
0x28b: {  	v5 =	vnsel vm1, $0x0, v4  }
0x28c: {  	v57 =	vshll.u32 v5, $0x3  }
0x28d: {  	v58 =	vand.u32 $0x7, v5;
	v6 =	vand.u32 $0xFFFFFFC0, v57  }
0x28e: {  	v4 =	vbroadcast v4, $0xF;
	v6 =	vor.u32 v58, v6  }
0x28f: {  	v59, _, _ =	vpop (xrf0);
	v60 =	vperm.xlane v6, v1  }
0x290: {  	v4 =	vadd.s32 v4, v59  }
0x291: {  	[tilespmem:$0x2140] =	vst v5;
	v5 =	vnsel vm2, $0x0, v4;
	v61 =	vadd.s32 v2, v60  }
0x292: {  	[tilespmem:$0x2150] =	vst v5  }
0x293: {  	_ =	swait.ge [sflag:s4], $0x8000  }
0x294: {  	[sflag:s4] =	ssyncset.done $0x0  }
0x295: {  	[sflag:s4] =	ssyncadd.s32 $0xFFFF8000  }
0x296: {  	[tilespmem:s9], [sflag:$0x2] =	stream.indirect_vreg.gather [hbm4b:s1+s2], $0x80, v61, vm0, $0xb8;
	[tilespmem:$0x1A400] =	vst v63  }
0x297: {  	s12 =	simm.s32 $0xAC00;
	v5 =	vperm.xlane v6, v3  }
0x298: {  	[tilespmem:s12], [sflag:$0x2] =	stream.indirect_vreg.gather [hbm4b:s7+s2], $0x80, v61, vm0, $0xb8;
	[tilespmem:$0x1A400] =	vst v63  }
0x299: {  	s11 =	simm.s32 $0xB400;
	v5 =	vadd.s32 v2, v5  }
0x29a: {  	[tilespmem:s11], [sflag:$0x2] =	stream.indirect_vreg.gather [hbm4b:s8+s2], $0x80, v61, vm0, $0xb8;
	[tilespmem:$0x1A400] =	vst v63  }
0x29b: {  	s16 =	simm.s32 $0xBC00  }
0x29c: {  	[tilespmem:s16], [sflag:$0x2] =	stream.indirect_vreg.gather [hbm4b:s10+s2], $0x80, v61, vm0, $0xb8;
	[tilespmem:$0x1A400] =	vst v63  }
0x29d: {  	s21 =	simm.s32 $0xC400  }
0x29e: {  	[tilespmem:s21], [sflag:$0x2] =	stream.indirect_vreg.gather [hbm4b:s1+s2], $0x80, v5, vm0, $0xb8;
	[tilespmem:$0x1A400] =	vst v63  }
0x29f: {  	s12 =	simm.s32 $0xCC00  }
0x2a0: {  	[tilespmem:s12], [sflag:$0x2] =	stream.indirect_vreg.gather [hbm4b:s7+s2], $0x80, v5, vm0, $0xb8;
	[tilespmem:$0x1A400] =	vst v63  }
0x2a1: {  	s12 =	simm.s32 $0xD400  }
0x2a2: {  	[tilespmem:s12], [sflag:$0x2] =	stream.indirect_vreg.gather [hbm4b:s8+s2], $0x80, v5, vm0, $0xb8;
	[tilespmem:$0x1A400] =	vst v63  }
0x2a3: {  	s12 =	simm.s32 $0xDC00  }
0x2a4: {  	[tilespmem:s12], [sflag:$0x2] =	stream.indirect_vreg.gather [hbm4b:s10+s2], $0x80, v5, vm0, $0xb8;
	[tilespmem:$0x1A400] =	vst v63  }
0x2a5: {  	v5 =	vld [tilespmem:$0x2150];
	_ =	sdelay $0x4  }
0x2a6: {  	v62 =	vshll.u32 v5, $0x3  }
0x2a7: {  	v5 =	vand.u32 $0x7, v5;
	v6 =	vand.u32 $0xFFFFFFC0, v62  }
0x2a8: {  	v5 =	vor.u32 v5, v6  }
0x2a9: {  	v6 =	vperm.xlane v5, v1;
	_ =	sdelay $0x1  }
0x2aa: {  	v6 =	vadd.s32 v2, v6;
	_ =	sdelay $0x3  }
0x2ab: {  	s12 =	simm.s32 $0xE400  }
0x2ac: {  	[tilespmem:s12], [sflag:$0x2] =	stream.indirect_vreg.gather [hbm4b:s1+s2], $0x80, v6, vm0, $0xb8;
	[tilespmem:$0x1A400] =	vst v63  }
0x2ad: {  	v5 =	vperm.xlane v5, v3;
	s12 =	simm.s32 $0xEC00  }
0x2ae: {  	[tilespmem:s12], [sflag:$0x2] =	stream.indirect_vreg.gather [hbm4b:s7+s2], $0x80, v6, vm0, $0xb8;
	[tilespmem:$0x1A400] =	vst v63  }
0x2af: {  	v5 =	vadd.s32 v2, v5;
	s12 =	simm.s32 $0xF400  }
0x2b0: {  	[tilespmem:s12], [sflag:$0x2] =	stream.indirect_vreg.gather [hbm4b:s8+s2], $0x80, v6, vm0, $0xb8;
	[tilespmem:$0x1A400] =	vst v63  }
0x2b1: {  	s18 =	simm.s32 $0xFC00  }
0x2b2: {  	[tilespmem:s18], [sflag:$0x2] =	stream.indirect_vreg.gather [hbm4b:s10+s2], $0x80, v6, vm0, $0xb8;
	[tilespmem:$0x1A400] =	vst v63  }
0x2b3: {  	s22 =	simm.s32 $0x10400  }
0x2b4: {  	[tilespmem:s22], [sflag:$0x2] =	stream.indirect_vreg.gather [hbm4b:s1+s2], $0x80, v5, vm0, $0xb8;
	[tilespmem:$0x1A400] =	vst v63  }
0x2b5: {  	s23 =	simm.s32 $0x10C00  }
0x2b6: {  	[tilespmem:s23], [sflag:$0x2] =	stream.indirect_vreg.gather [hbm4b:s7+s2], $0x80, v5, vm0, $0xb8;
	[tilespmem:$0x1A400] =	vst v63  }
0x2b7: {  	s24 =	simm.s32 $0x11400  }
0x2b8: {  	[tilespmem:s24], [sflag:$0x2] =	stream.indirect_vreg.gather [hbm4b:s8+s2], $0x80, v5, vm0, $0xb8;
	[tilespmem:$0x1A400] =	vst v63  }
0x2b9: {  	s12 =	simm.s32 $0x11C00  }
0x2ba: {  	[tilespmem:s12], [sflag:$0x2] =	stream.indirect_vreg.gather [hbm4b:s10+s2], $0x80, v5, vm0, $0xb8;
	[tilespmem:$0x1A400] =	vst v63  }
0x2bb: {  	_ =	swait.ge [sflag:s20], $0x8000  }
0x2bc: {  	[sflag:s20] =	ssyncset.done $0x0  }
0x2bd: {  	s12 =	rddreg [dreg:$0x10];
	[sflag:s20] =	ssyncadd.s32 $0xFFFF8000  }
0x2be: {  	[hbm4b:s12+s2] =	stream.linear.scatter [tilespmem:s6], [sflag:$0x4], $0x8000, $0x38;
	[tilespmem:$0x1A400] =	vst v63  }
0x2bf: {  	v5 =	vld [tilespmem:$0x160];
	_ =	sdelay $0x4  }
0x2c0: {  	vm1 =	vne.s32 v5, $0x0  }
0x2c1: {  	v63 =	vld [tilespmem:$0x170];
	v5 =	vsel vm1, $0x1, v0  }
0x2c2: {  	(xrf0) =	vadd.scan.msk.s32 $0xffff, v5;
	_ =	sdelay $0x3  }
0x2c3: {  	vm2 =	vne.s32 v63, $0x0  }
0x2c4: {  	v4 =	vbroadcast v4, $0xF;
	v5 =	vsel vm2, $0x1, v0  }
0x2c5: {  	v9, _, _ =	vpop (xrf0);
	(xrf0) =	vadd.scan.msk.s32 $0xffff, v5  }
0x2c6: {  	v4 =	vadd.s32 v4, v9  }
0x2c7: {  	v5 =	vnsel vm1, $0x0, v4  }
0x2c8: {  	v10 =	vshll.u32 v5, $0x3  }
0x2c9: {  	v11 =	vand.u32 $0x7, v5;
	v6 =	vand.u32 $0xFFFFFFC0, v10  }
0x2ca: {  	v4 =	vbroadcast v4, $0xF;
	v6 =	vor.u32 v11, v6  }
0x2cb: {  	v12, _, _ =	vpop (xrf0);
	v13 =	vperm.xlane v6, v1  }
0x2cc: {  	v4 =	vadd.s32 v4, v12  }
0x2cd: {  	[tilespmem:$0x2160] =	vst v5;
	v5 =	vnsel vm2, $0x0, v4;
	v14 =	vadd.s32 v2, v13  }
0x2ce: {  	[tilespmem:$0x2170] =	vst v5  }
0x2cf: {  	_ =	swait.ge [sflag:s5], $0x8000  }
0x2d0: {  	[sflag:s5] =	ssyncset.done $0x0  }
0x2d1: {  	[sflag:s5] =	ssyncadd.s32 $0xFFFF8000  }
0x2d2: {  	[tilespmem:s14], [sflag:$0x3] =	stream.indirect_vreg.gather [hbm4b:s1+s2], $0x80, v14, vm0, $0xb8;
	[tilespmem:$0x1A400] =	vst v63  }
0x2d3: {  	s12 =	simm.s32 $0x12C00;
	v5 =	vperm.xlane v6, v3  }
0x2d4: {  	[tilespmem:s12], [sflag:$0x3] =	stream.indirect_vreg.gather [hbm4b:s7+s2], $0x80, v14, vm0, $0xb8;
	[tilespmem:$0x1A400] =	vst v63  }
0x2d5: {  	s15 =	simm.s32 $0x13400;
	v5 =	vadd.s32 v2, v5  }
0x2d6: {  	[tilespmem:s15], [sflag:$0x3] =	stream.indirect_vreg.gather [hbm4b:s8+s2], $0x80, v14, vm0, $0xb8;
	[tilespmem:$0x1A400] =	vst v63  }
0x2d7: {  	s29 =	simm.s32 $0x13C00  }
0x2d8: {  	[tilespmem:s29], [sflag:$0x3] =	stream.indirect_vreg.gather [hbm4b:s10+s2], $0x80, v14, vm0, $0xb8;
	[tilespmem:$0x1A400] =	vst v63  }
0x2d9: {  	s13 =	simm.s32 $0x14400  }
0x2da: {  	[tilespmem:s13], [sflag:$0x3] =	stream.indirect_vreg.gather [hbm4b:s1+s2], $0x80, v5, vm0, $0xb8;
	[tilespmem:$0x1A400] =	vst v63  }
0x2db: {  	s30 =	simm.s32 $0x14C00  }
0x2dc: {  	[tilespmem:s30], [sflag:$0x3] =	stream.indirect_vreg.gather [hbm4b:s7+s2], $0x80, v5, vm0, $0xb8;
	[tilespmem:$0x1A400] =	vst v63  }
0x2dd: {  	s12 =	simm.s32 $0x15400  }
0x2de: {  	[tilespmem:s12], [sflag:$0x3] =	stream.indirect_vreg.gather [hbm4b:s8+s2], $0x80, v5, vm0, $0xb8;
	[tilespmem:$0x1A400] =	vst v63  }
0x2df: {  	s12 =	simm.s32 $0x15C00  }
0x2e0: {  	[tilespmem:s12], [sflag:$0x3] =	stream.indirect_vreg.gather [hbm4b:s10+s2], $0x80, v5, vm0, $0xb8;
	[tilespmem:$0x1A400] =	vst v63  }
0x2e1: {  	v5 =	vld [tilespmem:$0x2170];
	_ =	sdelay $0x4  }
0x2e2: {  	v15 =	vshll.u32 v5, $0x3  }
0x2e3: {  	v5 =	vand.u32 $0x7, v5;
	v6 =	vand.u32 $0xFFFFFFC0, v15  }
0x2e4: {  	v5 =	vor.u32 v5, v6  }
0x2e5: {  	v6 =	vperm.xlane v5, v1;
	_ =	sdelay $0x1  }
0x2e6: {  	v6 =	vadd.s32 v2, v6;
	_ =	sdelay $0x3  }
0x2e7: {  	s12 =	simm.s32 $0x16400  }
0x2e8: {  	[tilespmem:s12], [sflag:$0x3] =	stream.indirect_vreg.gather [hbm4b:s1+s2], $0x80, v6, vm0, $0xb8;
	[tilespmem:$0x1A400] =	vst v63  }
0x2e9: {  	v5 =	vperm.xlane v5, v3;
	s12 =	simm.s32 $0x16C00  }
0x2ea: {  	[tilespmem:s12], [sflag:$0x3] =	stream.indirect_vreg.gather [hbm4b:s7+s2], $0x80, v6, vm0, $0xb8;
	[tilespmem:$0x1A400] =	vst v63  }
0x2eb: {  	v5 =	vadd.s32 v2, v5;
	s12 =	simm.s32 $0x17400  }
0x2ec: {  	[tilespmem:s12], [sflag:$0x3] =	stream.indirect_vreg.gather [hbm4b:s8+s2], $0x80, v6, vm0, $0xb8;
	[tilespmem:$0x1A400] =	vst v63  }
0x2ed: {  	s12 =	simm.s32 $0x17C00  }
0x2ee: {  	[tilespmem:s12], [sflag:$0x3] =	stream.indirect_vreg.gather [hbm4b:s10+s2], $0x80, v6, vm0, $0xb8;
	[tilespmem:$0x1A400] =	vst v63  }
0x2ef: {  	s12 =	simm.s32 $0x18400  }
0x2f0: {  	[tilespmem:s12], [sflag:$0x3] =	stream.indirect_vreg.gather [hbm4b:s1+s2], $0x80, v5, vm0, $0xb8;
	[tilespmem:$0x1A400] =	vst v63  }
0x2f1: {  	s12 =	simm.s32 $0x18C00  }
0x2f2: {  	[tilespmem:s12], [sflag:$0x3] =	stream.indirect_vreg.gather [hbm4b:s7+s2], $0x80, v5, vm0, $0xb8;
	[tilespmem:$0x1A400] =	vst v63  }
0x2f3: {  	s12 =	simm.s32 $0x19400  }
0x2f4: {  	[tilespmem:s12], [sflag:$0x3] =	stream.indirect_vreg.gather [hbm4b:s8+s2], $0x80, v5, vm0, $0xb8;
	[tilespmem:$0x1A400] =	vst v63  }
0x2f5: {  	s12 =	simm.s32 $0x19C00  }
0x2f6: {  	[tilespmem:s12], [sflag:$0x3] =	stream.indirect_vreg.gather [hbm4b:s10+s2], $0x80, v5, vm0, $0xb8;
	[tilespmem:$0x1A400] =	vst v63  }
0x2f7: {  	_ =	swait.ge [sflag:s0], $0x8000  }
0x2f8: {  	[sflag:s0] =	ssyncset.done $0x0  }
0x2f9: {  	s12 =	rddreg [dreg:$0x11];
	[sflag:s0] =	ssyncadd.s32 $0xFFFF8000  }
0x2fa: {  	[hbm4b:s12+s2] =	stream.linear.scatter [tilespmem:s9], [sflag:$0x5], $0x8000, $0x38;
	[tilespmem:$0x1A400] =	vst v63  }
0x2fb: {  	v5 =	vld [tilespmem:$0x180];
	_ =	sdelay $0x4  }
0x2fc: {  	vm1 =	vne.s32 v5, $0x0  }
0x2fd: {  	v16 =	vld [tilespmem:$0x190];
	v5 =	vsel vm1, $0x1, v0  }
0x2fe: {  	(xrf0) =	vadd.scan.msk.s32 $0xffff, v5;
	_ =	sdelay $0x3  }
0x2ff: {  	vm2 =	vne.s32 v16, $0x0  }
0x300: {  	v4 =	vbroadcast v4, $0xF;
	v5 =	vsel vm2, $0x1, v0  }
0x301: {  	v17, _, _ =	vpop (xrf0);
	(xrf0) =	vadd.scan.msk.s32 $0xffff, v5  }
0x302: {  	v4 =	vadd.s32 v4, v17  }
0x303: {  	v5 =	vnsel vm1, $0x0, v4  }
0x304: {  	v18 =	vshll.u32 v5, $0x3  }
0x305: {  	v19 =	vand.u32 $0x7, v5;
	v6 =	vand.u32 $0xFFFFFFC0, v18  }
0x306: {  	v4 =	vbroadcast v4, $0xF;
	v6 =	vor.u32 v19, v6  }
0x307: {  	v20, _, _ =	vpop (xrf0);
	v21 =	vperm.xlane v6, v1  }
0x308: {  	v4 =	vadd.s32 v4, v20  }
0x309: {  	[tilespmem:$0x2180] =	vst v5;
	v5 =	vnsel vm2, $0x0, v4;
	v22 =	vadd.s32 v2, v21  }
0x30a: {  	[tilespmem:$0x2190] =	vst v5  }
0x30b: {  	_ =	swait.ge [sflag:s19], $0x8000  }
0x30c: {  	[sflag:s19] =	ssyncset.done $0x0  }
0x30d: {  	[sflag:s19] =	ssyncadd.s32 $0xFFFF8000  }
0x30e: {  	[tilespmem:s6], [sflag:$0x1] =	stream.indirect_vreg.gather [hbm4b:s1+s2], $0x80, v22, vm0, $0xb8;
	[tilespmem:$0x1A400] =	vst v63  }
0x30f: {  	s12 =	simm.s32 $0x2C00;
	v5 =	vperm.xlane v6, v3  }
0x310: {  	[tilespmem:s12], [sflag:$0x1] =	stream.indirect_vreg.gather [hbm4b:s7+s2], $0x80, v22, vm0, $0xb8;
	[tilespmem:$0x1A400] =	vst v63  }
0x311: {  	s3 =	simm.s32 $0x3400;
	v5 =	vadd.s32 v2, v5  }
0x312: {  	[tilespmem:s3], [sflag:$0x1] =	stream.indirect_vreg.gather [hbm4b:s8+s2], $0x80, v22, vm0, $0xb8;
	[tilespmem:$0x1A400] =	vst v63  }
0x313: {  	s31 =	simm.s32 $0x3C00  }
0x314: {  	[tilespmem:s31], [sflag:$0x1] =	stream.indirect_vreg.gather [hbm4b:s10+s2], $0x80, v22, vm0, $0xb8;
	[tilespmem:$0x1A400] =	vst v63  }
0x315: {  	s12 =	simm.s32 $0x4400  }
0x316: {  	[tilespmem:s12], [sflag:$0x1] =	stream.indirect_vreg.gather [hbm4b:s1+s2], $0x80, v5, vm0, $0xb8;
	[tilespmem:$0x1A400] =	vst v63  }
0x317: {  	s12 =	simm.s32 $0x4C00  }
0x318: {  	[tilespmem:s12], [sflag:$0x1] =	stream.indirect_vreg.gather [hbm4b:s7+s2], $0x80, v5, vm0, $0xb8;
	[tilespmem:$0x1A400] =	vst v63  }
0x319: {  	s12 =	simm.s32 $0x5400  }
0x31a: {  	[tilespmem:s12], [sflag:$0x1] =	stream.indirect_vreg.gather [hbm4b:s8+s2], $0x80, v5, vm0, $0xb8;
	[tilespmem:$0x1A400] =	vst v63  }
0x31b: {  	s12 =	simm.s32 $0x5C00  }
0x31c: {  	[tilespmem:s12], [sflag:$0x1] =	stream.indirect_vreg.gather [hbm4b:s10+s2], $0x80, v5, vm0, $0xb8;
	[tilespmem:$0x1A400] =	vst v63  }
0x31d: {  	v5 =	vld [tilespmem:$0x2190];
	_ =	sdelay $0x4  }
0x31e: {  	v23 =	vshll.u32 v5, $0x3  }
0x31f: {  	v5 =	vand.u32 $0x7, v5;
	v6 =	vand.u32 $0xFFFFFFC0, v23  }
0x320: {  	v5 =	vor.u32 v5, v6  }
0x321: {  	v6 =	vperm.xlane v5, v1;
	_ =	sdelay $0x1  }
0x322: {  	v6 =	vadd.s32 v2, v6;
	_ =	sdelay $0x3  }
0x323: {  	s12 =	simm.s32 $0x6400  }
0x324: {  	[tilespmem:s12], [sflag:$0x1] =	stream.indirect_vreg.gather [hbm4b:s1+s2], $0x80, v6, vm0, $0xb8;
	[tilespmem:$0x1A400] =	vst v63  }
0x325: {  	v5 =	vperm.xlane v5, v3;
	s12 =	simm.s32 $0x6C00  }
0x326: {  	[tilespmem:s12], [sflag:$0x1] =	stream.indirect_vreg.gather [hbm4b:s7+s2], $0x80, v6, vm0, $0xb8;
	[tilespmem:$0x1A400] =	vst v63  }
0x327: {  	s26 =	simm.s32 $0x7400;
	v5 =	vadd.s32 v2, v5  }
0x328: {  	[tilespmem:s26], [sflag:$0x1] =	stream.indirect_vreg.gather [hbm4b:s8+s2], $0x80, v6, vm0, $0xb8;
	[tilespmem:$0x1A400] =	vst v63  }
0x329: {  	s28 =	simm.s32 $0x7C00  }
0x32a: {  	[tilespmem:s28], [sflag:$0x1] =	stream.indirect_vreg.gather [hbm4b:s10+s2], $0x80, v6, vm0, $0xb8;
	[tilespmem:$0x1A400] =	vst v63  }
0x32b: {  	s25 =	simm.s32 $0x8400  }
0x32c: {  	[tilespmem:s25], [sflag:$0x1] =	stream.indirect_vreg.gather [hbm4b:s1+s2], $0x80, v5, vm0, $0xb8;
	[tilespmem:$0x1A400] =	vst v63  }
0x32d: {  	s12 =	simm.s32 $0x8C00  }
0x32e: {  	[tilespmem:s12], [sflag:$0x1] =	stream.indirect_vreg.gather [hbm4b:s7+s2], $0x80, v5, vm0, $0xb8;
	[tilespmem:$0x1A400] =	vst v63  }
0x32f: {  	s12 =	simm.s32 $0x9400  }
0x330: {  	[tilespmem:s12], [sflag:$0x1] =	stream.indirect_vreg.gather [hbm4b:s8+s2], $0x80, v5, vm0, $0xb8;
	[tilespmem:$0x1A400] =	vst v63  }
0x331: {  	s12 =	simm.s32 $0x9C00  }
0x332: {  	[tilespmem:s12], [sflag:$0x1] =	stream.indirect_vreg.gather [hbm4b:s10+s2], $0x80, v5, vm0, $0xb8;
	[tilespmem:$0x1A400] =	vst v63  }
0x333: {  	_ =	swait.ge [sflag:s17], $0x8000  }
0x334: {  	[sflag:s17] =	ssyncset.done $0x0  }
0x335: {  	s12 =	rddreg [dreg:$0x12];
	[sflag:s17] =	ssyncadd.s32 $0xFFFF8000  }
0x336: {  	[hbm4b:s12+s2] =	stream.linear.scatter [tilespmem:s14], [sflag:$0x6], $0x8000, $0x38;
	[tilespmem:$0x1A400] =	vst v63  }
0x337: {  	v5 =	vld [tilespmem:$0x1A0];
	_ =	sdelay $0x4  }
0x338: {  	vm1 =	vne.s32 v5, $0x0  }
0x339: {  	v24 =	vld [tilespmem:$0x1B0];
	v5 =	vsel vm1, $0x1, v0  }
0x33a: {  	(xrf0) =	vadd.scan.msk.s32 $0xffff, v5;
	_ =	sdelay $0x3  }
0x33b: {  	vm2 =	vne.s32 v24, $0x0  }
0x33c: {  	v4 =	vbroadcast v4, $0xF;
	v5 =	vsel vm2, $0x1, v0  }
0x33d: {  	v25, _, _ =	vpop (xrf0);
	(xrf0) =	vadd.scan.msk.s32 $0xffff, v5  }
0x33e: {  	v4 =	vadd.s32 v4, v25  }
0x33f: {  	v5 =	vnsel vm1, $0x0, v4  }
0x340: {  	v26 =	vshll.u32 v5, $0x3  }
0x341: {  	v27 =	vand.u32 $0x7, v5;
	v6 =	vand.u32 $0xFFFFFFC0, v26  }
0x342: {  	v4 =	vbroadcast v4, $0xF;
	v6 =	vor.u32 v27, v6  }
0x343: {  	v28, _, _ =	vpop (xrf0);
	v29 =	vperm.xlane v6, v1  }
0x344: {  	v4 =	vadd.s32 v4, v28  }
0x345: {  	[tilespmem:$0x21A0] =	vst v5;
	v5 =	vnsel vm2, $0x0, v4;
	v30 =	vadd.s32 v2, v29  }
0x346: {  	[tilespmem:$0x21B0] =	vst v5  }
0x347: {  	_ =	swait.ge [sflag:s4], $0x8000  }
0x348: {  	[sflag:s4] =	ssyncset.done $0x0  }
0x349: {  	[sflag:s4] =	ssyncadd.s32 $0xFFFF8000  }
0x34a: {  	[tilespmem:s9], [sflag:$0x2] =	stream.indirect_vreg.gather [hbm4b:s1+s2], $0x80, v30, vm0, $0xb8;
	[tilespmem:$0x1A400] =	vst v63  }
0x34b: {  	s12 =	simm.s32 $0xAC00;
	v5 =	vperm.xlane v6, v3  }
0x34c: {  	[tilespmem:s12], [sflag:$0x2] =	stream.indirect_vreg.gather [hbm4b:s7+s2], $0x80, v30, vm0, $0xb8;
	[tilespmem:$0x1A400] =	vst v63  }
0x34d: {  	s11 =	simm.s32 $0xB400;
	v5 =	vadd.s32 v2, v5  }
0x34e: {  	[tilespmem:s11], [sflag:$0x2] =	stream.indirect_vreg.gather [hbm4b:s8+s2], $0x80, v30, vm0, $0xb8;
	[tilespmem:$0x1A400] =	vst v63  }
0x34f: {  	s16 =	simm.s32 $0xBC00  }
0x350: {  	[tilespmem:s16], [sflag:$0x2] =	stream.indirect_vreg.gather [hbm4b:s10+s2], $0x80, v30, vm0, $0xb8;
	[tilespmem:$0x1A400] =	vst v63  }
0x351: {  	s21 =	simm.s32 $0xC400  }
0x352: {  	[tilespmem:s21], [sflag:$0x2] =	stream.indirect_vreg.gather [hbm4b:s1+s2], $0x80, v5, vm0, $0xb8;
	[tilespmem:$0x1A400] =	vst v63  }
0x353: {  	s12 =	simm.s32 $0xCC00  }
0x354: {  	[tilespmem:s12], [sflag:$0x2] =	stream.indirect_vreg.gather [hbm4b:s7+s2], $0x80, v5, vm0, $0xb8;
	[tilespmem:$0x1A400] =	vst v63  }
0x355: {  	s12 =	simm.s32 $0xD400  }
0x356: {  	[tilespmem:s12], [sflag:$0x2] =	stream.indirect_vreg.gather [hbm4b:s8+s2], $0x80, v5, vm0, $0xb8;
	[tilespmem:$0x1A400] =	vst v63  }
0x357: {  	s12 =	simm.s32 $0xDC00  }
0x358: {  	[tilespmem:s12], [sflag:$0x2] =	stream.indirect_vreg.gather [hbm4b:s10+s2], $0x80, v5, vm0, $0xb8;
	[tilespmem:$0x1A400] =	vst v63  }
0x359: {  	v5 =	vld [tilespmem:$0x21B0];
	_ =	sdelay $0x4  }
0x35a: {  	v31 =	vshll.u32 v5, $0x3  }
0x35b: {  	v5 =	vand.u32 $0x7, v5;
	v6 =	vand.u32 $0xFFFFFFC0, v31  }
0x35c: {  	v5 =	vor.u32 v5, v6  }
0x35d: {  	v6 =	vperm.xlane v5, v1;
	_ =	sdelay $0x1  }
0x35e: {  	v6 =	vadd.s32 v2, v6;
	_ =	sdelay $0x3  }
0x35f: {  	s12 =	simm.s32 $0xE400  }
0x360: {  	[tilespmem:s12], [sflag:$0x2] =	stream.indirect_vreg.gather [hbm4b:s1+s2], $0x80, v6, vm0, $0xb8;
	[tilespmem:$0x1A400] =	vst v63  }
0x361: {  	v5 =	vperm.xlane v5, v3;
	s12 =	simm.s32 $0xEC00  }
0x362: {  	[tilespmem:s12], [sflag:$0x2] =	stream.indirect_vreg.gather [hbm4b:s7+s2], $0x80, v6, vm0, $0xb8;
	[tilespmem:$0x1A400] =	vst v63  }
0x363: {  	v5 =	vadd.s32 v2, v5;
	s12 =	simm.s32 $0xF400  }
0x364: {  	[tilespmem:s12], [sflag:$0x2] =	stream.indirect_vreg.gather [hbm4b:s8+s2], $0x80, v6, vm0, $0xb8;
	[tilespmem:$0x1A400] =	vst v63  }
0x365: {  	s18 =	simm.s32 $0xFC00  }
0x366: {  	[tilespmem:s18], [sflag:$0x2] =	stream.indirect_vreg.gather [hbm4b:s10+s2], $0x80, v6, vm0, $0xb8;
	[tilespmem:$0x1A400] =	vst v63  }
0x367: {  	s22 =	simm.s32 $0x10400  }
0x368: {  	[tilespmem:s22], [sflag:$0x2] =	stream.indirect_vreg.gather [hbm4b:s1+s2], $0x80, v5, vm0, $0xb8;
	[tilespmem:$0x1A400] =	vst v63  }
0x369: {  	s23 =	simm.s32 $0x10C00  }
0x36a: {  	[tilespmem:s23], [sflag:$0x2] =	stream.indirect_vreg.gather [hbm4b:s7+s2], $0x80, v5, vm0, $0xb8;
	[tilespmem:$0x1A400] =	vst v63  }
0x36b: {  	s24 =	simm.s32 $0x11400  }
0x36c: {  	[tilespmem:s24], [sflag:$0x2] =	stream.indirect_vreg.gather [hbm4b:s8+s2], $0x80, v5, vm0, $0xb8;
	[tilespmem:$0x1A400] =	vst v63  }
0x36d: {  	s12 =	simm.s32 $0x11C00  }
0x36e: {  	[tilespmem:s12], [sflag:$0x2] =	stream.indirect_vreg.gather [hbm4b:s10+s2], $0x80, v5, vm0, $0xb8;
	[tilespmem:$0x1A400] =	vst v63  }
0x36f: {  	_ =	swait.ge [sflag:s20], $0x8000  }
0x370: {  	[sflag:s20] =	ssyncset.done $0x0  }
0x371: {  	s12 =	rddreg [dreg:$0x13];
	[sflag:s20] =	ssyncadd.s32 $0xFFFF8000  }
0x372: {  	[hbm4b:s12+s2] =	stream.linear.scatter [tilespmem:s6], [sflag:$0x4], $0x8000, $0x38;
	[tilespmem:$0x1A400] =	vst v63  }
0x373: {  	v5 =	vld [tilespmem:$0x1C0];
	_ =	sdelay $0x4  }
0x374: {  	vm1 =	vne.s32 v5, $0x0  }
0x375: {  	v32 =	vld [tilespmem:$0x1D0];
	v5 =	vsel vm1, $0x1, v0  }
0x376: {  	(xrf0) =	vadd.scan.msk.s32 $0xffff, v5;
	_ =	sdelay $0x3  }
0x377: {  	vm2 =	vne.s32 v32, $0x0  }
0x378: {  	v4 =	vbroadcast v4, $0xF;
	v5 =	vsel vm2, $0x1, v0  }
0x379: {  	v33, _, _ =	vpop (xrf0);
	(xrf0) =	vadd.scan.msk.s32 $0xffff, v5  }
0x37a: {  	v4 =	vadd.s32 v4, v33  }
0x37b: {  	v5 =	vnsel vm1, $0x0, v4  }
0x37c: {  	v34 =	vshll.u32 v5, $0x3  }
0x37d: {  	v35 =	vand.u32 $0x7, v5;
	v6 =	vand.u32 $0xFFFFFFC0, v34  }
0x37e: {  	v4 =	vbroadcast v4, $0xF;
	v6 =	vor.u32 v35, v6  }
0x37f: {  	v36, _, _ =	vpop (xrf0);
	v37 =	vperm.xlane v6, v1  }
0x380: {  	v4 =	vadd.s32 v4, v36  }
0x381: {  	[tilespmem:$0x21C0] =	vst v5;
	v5 =	vnsel vm2, $0x0, v4;
	v38 =	vadd.s32 v2, v37  }
0x382: {  	[tilespmem:$0x21D0] =	vst v5  }
0x383: {  	_ =	swait.ge [sflag:s5], $0x8000  }
0x384: {  	[sflag:s5] =	ssyncset.done $0x0  }
0x385: {  	[sflag:s5] =	ssyncadd.s32 $0xFFFF8000  }
0x386: {  	[tilespmem:s14], [sflag:$0x3] =	stream.indirect_vreg.gather [hbm4b:s1+s2], $0x80, v38, vm0, $0xb8;
	[tilespmem:$0x1A400] =	vst v63  }
0x387: {  	s12 =	simm.s32 $0x12C00;
	v5 =	vperm.xlane v6, v3  }
0x388: {  	[tilespmem:s12], [sflag:$0x3] =	stream.indirect_vreg.gather [hbm4b:s7+s2], $0x80, v38, vm0, $0xb8;
	[tilespmem:$0x1A400] =	vst v63  }
0x389: {  	s15 =	simm.s32 $0x13400;
	v5 =	vadd.s32 v2, v5  }
0x38a: {  	[tilespmem:s15], [sflag:$0x3] =	stream.indirect_vreg.gather [hbm4b:s8+s2], $0x80, v38, vm0, $0xb8;
	[tilespmem:$0x1A400] =	vst v63  }
0x38b: {  	s29 =	simm.s32 $0x13C00  }
0x38c: {  	[tilespmem:s29], [sflag:$0x3] =	stream.indirect_vreg.gather [hbm4b:s10+s2], $0x80, v38, vm0, $0xb8;
	[tilespmem:$0x1A400] =	vst v63  }
0x38d: {  	s13 =	simm.s32 $0x14400  }
0x38e: {  	[tilespmem:s13], [sflag:$0x3] =	stream.indirect_vreg.gather [hbm4b:s1+s2], $0x80, v5, vm0, $0xb8;
	[tilespmem:$0x1A400] =	vst v63  }
0x38f: {  	s30 =	simm.s32 $0x14C00  }
0x390: {  	[tilespmem:s30], [sflag:$0x3] =	stream.indirect_vreg.gather [hbm4b:s7+s2], $0x80, v5, vm0, $0xb8;
	[tilespmem:$0x1A400] =	vst v63  }
0x391: {  	s12 =	simm.s32 $0x15400  }
0x392: {  	[tilespmem:s12], [sflag:$0x3] =	stream.indirect_vreg.gather [hbm4b:s8+s2], $0x80, v5, vm0, $0xb8;
	[tilespmem:$0x1A400] =	vst v63  }
0x393: {  	s12 =	simm.s32 $0x15C00  }
0x394: {  	[tilespmem:s12], [sflag:$0x3] =	stream.indirect_vreg.gather [hbm4b:s10+s2], $0x80, v5, vm0, $0xb8;
	[tilespmem:$0x1A400] =	vst v63  }
0x395: {  	v5 =	vld [tilespmem:$0x21D0];
	_ =	sdelay $0x4  }
0x396: {  	v39 =	vshll.u32 v5, $0x3  }
0x397: {  	v5 =	vand.u32 $0x7, v5;
	v6 =	vand.u32 $0xFFFFFFC0, v39  }
0x398: {  	v5 =	vor.u32 v5, v6  }
0x399: {  	v6 =	vperm.xlane v5, v1;
	_ =	sdelay $0x1  }
0x39a: {  	v6 =	vadd.s32 v2, v6;
	_ =	sdelay $0x3  }
0x39b: {  	s12 =	simm.s32 $0x16400  }
0x39c: {  	[tilespmem:s12], [sflag:$0x3] =	stream.indirect_vreg.gather [hbm4b:s1+s2], $0x80, v6, vm0, $0xb8;
	[tilespmem:$0x1A400] =	vst v63  }
0x39d: {  	v5 =	vperm.xlane v5, v3;
	s12 =	simm.s32 $0x16C00  }
0x39e: {  	[tilespmem:s12], [sflag:$0x3] =	stream.indirect_vreg.gather [hbm4b:s7+s2], $0x80, v6, vm0, $0xb8;
	[tilespmem:$0x1A400] =	vst v63  }
0x39f: {  	v5 =	vadd.s32 v2, v5;
	s12 =	simm.s32 $0x17400  }
0x3a0: {  	[tilespmem:s12], [sflag:$0x3] =	stream.indirect_vreg.gather [hbm4b:s8+s2], $0x80, v6, vm0, $0xb8;
	[tilespmem:$0x1A400] =	vst v63  }
0x3a1: {  	s12 =	simm.s32 $0x17C00  }
0x3a2: {  	[tilespmem:s12], [sflag:$0x3] =	stream.indirect_vreg.gather [hbm4b:s10+s2], $0x80, v6, vm0, $0xb8;
	[tilespmem:$0x1A400] =	vst v63  }
0x3a3: {  	s12 =	simm.s32 $0x18400  }
0x3a4: {  	[tilespmem:s12], [sflag:$0x3] =	stream.indirect_vreg.gather [hbm4b:s1+s2], $0x80, v5, vm0, $0xb8;
	[tilespmem:$0x1A400] =	vst v63  }
0x3a5: {  	s12 =	simm.s32 $0x18C00  }
0x3a6: {  	[tilespmem:s12], [sflag:$0x3] =	stream.indirect_vreg.gather [hbm4b:s7+s2], $0x80, v5, vm0, $0xb8;
	[tilespmem:$0x1A400] =	vst v63  }
0x3a7: {  	s12 =	simm.s32 $0x19400  }
0x3a8: {  	[tilespmem:s12], [sflag:$0x3] =	stream.indirect_vreg.gather [hbm4b:s8+s2], $0x80, v5, vm0, $0xb8;
	[tilespmem:$0x1A400] =	vst v63  }
0x3a9: {  	s12 =	simm.s32 $0x19C00  }
0x3aa: {  	[tilespmem:s12], [sflag:$0x3] =	stream.indirect_vreg.gather [hbm4b:s10+s2], $0x80, v5, vm0, $0xb8;
	[tilespmem:$0x1A400] =	vst v63  }
0x3ab: {  	_ =	swait.ge [sflag:s0], $0x8000  }
0x3ac: {  	[sflag:s0] =	ssyncset.done $0x0  }
0x3ad: {  	s12 =	rddreg [dreg:$0x14];
	[sflag:s0] =	ssyncadd.s32 $0xFFFF8000  }
0x3ae: {  	[hbm4b:s12+s2] =	stream.linear.scatter [tilespmem:s9], [sflag:$0x5], $0x8000, $0x38;
	[tilespmem:$0x1A400] =	vst v63  }
0x3af: {  	v5 =	vld [tilespmem:$0x1E0];
	_ =	sdelay $0x4  }
0x3b0: {  	vm1 =	vne.s32 v5, $0x0  }
0x3b1: {  	v40 =	vld [tilespmem:$0x1F0];
	v5 =	vsel vm1, $0x1, v0  }
0x3b2: {  	(xrf0) =	vadd.scan.msk.s32 $0xffff, v5;
	_ =	sdelay $0x3  }
0x3b3: {  	vm2 =	vne.s32 v40, $0x0  }
0x3b4: {  	v4 =	vbroadcast v4, $0xF;
	v5 =	vsel vm2, $0x1, v0  }
0x3b5: {  	v41, _, _ =	vpop (xrf0);
	(xrf0) =	vadd.scan.msk.s32 $0xffff, v5  }
0x3b6: {  	v4 =	vadd.s32 v4, v41  }
0x3b7: {  	v5 =	vnsel vm1, $0x0, v4  }
0x3b8: {  	v42 =	vshll.u32 v5, $0x3  }
0x3b9: {  	v43 =	vand.u32 $0x7, v5;
	v6 =	vand.u32 $0xFFFFFFC0, v42  }
0x3ba: {  	v4 =	vbroadcast v4, $0xF;
	v6 =	vor.u32 v43, v6  }
0x3bb: {  	v44, _, _ =	vpop (xrf0);
	v45 =	vperm.xlane v6, v1  }
0x3bc: {  	v4 =	vadd.s32 v4, v44  }
0x3bd: {  	[tilespmem:$0x21E0] =	vst v5;
	v5 =	vnsel vm2, $0x0, v4;
	v46 =	vadd.s32 v2, v45  }
0x3be: {  	[tilespmem:$0x21F0] =	vst v5  }
0x3bf: {  	_ =	swait.ge [sflag:s19], $0x8000  }
0x3c0: {  	[sflag:s19] =	ssyncset.done $0x0  }
0x3c1: {  	[sflag:s19] =	ssyncadd.s32 $0xFFFF8000  }
0x3c2: {  	[tilespmem:s6], [sflag:$0x1] =	stream.indirect_vreg.gather [hbm4b:s1+s2], $0x80, v46, vm0, $0xb8;
	[tilespmem:$0x1A400] =	vst v63  }
0x3c3: {  	s12 =	simm.s32 $0x2C00;
	v5 =	vperm.xlane v6, v3  }
0x3c4: {  	[tilespmem:s12], [sflag:$0x1] =	stream.indirect_vreg.gather [hbm4b:s7+s2], $0x80, v46, vm0, $0xb8;
	[tilespmem:$0x1A400] =	vst v63  }
0x3c5: {  	s3 =	simm.s32 $0x3400;
	v5 =	vadd.s32 v2, v5  }
0x3c6: {  	[tilespmem:s3], [sflag:$0x1] =	stream.indirect_vreg.gather [hbm4b:s8+s2], $0x80, v46, vm0, $0xb8;
	[tilespmem:$0x1A400] =	vst v63  }
0x3c7: {  	s31 =	simm.s32 $0x3C00  }
0x3c8: {  	[tilespmem:s31], [sflag:$0x1] =	stream.indirect_vreg.gather [hbm4b:s10+s2], $0x80, v46, vm0, $0xb8;
	[tilespmem:$0x1A400] =	vst v63  }
0x3c9: {  	s12 =	simm.s32 $0x4400  }
0x3ca: {  	[tilespmem:s12], [sflag:$0x1] =	stream.indirect_vreg.gather [hbm4b:s1+s2], $0x80, v5, vm0, $0xb8;
	[tilespmem:$0x1A400] =	vst v63  }
0x3cb: {  	s12 =	simm.s32 $0x4C00  }
0x3cc: {  	[tilespmem:s12], [sflag:$0x1] =	stream.indirect_vreg.gather [hbm4b:s7+s2], $0x80, v5, vm0, $0xb8;
	[tilespmem:$0x1A400] =	vst v63  }
0x3cd: {  	s12 =	simm.s32 $0x5400  }
0x3ce: {  	[tilespmem:s12], [sflag:$0x1] =	stream.indirect_vreg.gather [hbm4b:s8+s2], $0x80, v5, vm0, $0xb8;
	[tilespmem:$0x1A400] =	vst v63  }
0x3cf: {  	s12 =	simm.s32 $0x5C00  }
0x3d0: {  	[tilespmem:s12], [sflag:$0x1] =	stream.indirect_vreg.gather [hbm4b:s10+s2], $0x80, v5, vm0, $0xb8;
	[tilespmem:$0x1A400] =	vst v63  }
0x3d1: {  	v5 =	vld [tilespmem:$0x21F0];
	_ =	sdelay $0x4  }
0x3d2: {  	v47 =	vshll.u32 v5, $0x3  }
0x3d3: {  	v5 =	vand.u32 $0x7, v5;
	v6 =	vand.u32 $0xFFFFFFC0, v47  }
0x3d4: {  	v5 =	vor.u32 v5, v6  }
0x3d5: {  	v6 =	vperm.xlane v5, v1;
	_ =	sdelay $0x1  }
0x3d6: {  	v6 =	vadd.s32 v2, v6;
	_ =	sdelay $0x3  }
0x3d7: {  	s12 =	simm.s32 $0x6400  }
0x3d8: {  	[tilespmem:s12], [sflag:$0x1] =	stream.indirect_vreg.gather [hbm4b:s1+s2], $0x80, v6, vm0, $0xb8;
	[tilespmem:$0x1A400] =	vst v63  }
0x3d9: {  	v5 =	vperm.xlane v5, v3;
	s12 =	simm.s32 $0x6C00  }
0x3da: {  	[tilespmem:s12], [sflag:$0x1] =	stream.indirect_vreg.gather [hbm4b:s7+s2], $0x80, v6, vm0, $0xb8;
	[tilespmem:$0x1A400] =	vst v63  }
0x3db: {  	s26 =	simm.s32 $0x7400;
	v5 =	vadd.s32 v2, v5  }
0x3dc: {  	[tilespmem:s26], [sflag:$0x1] =	stream.indirect_vreg.gather [hbm4b:s8+s2], $0x80, v6, vm0, $0xb8;
	[tilespmem:$0x1A400] =	vst v63  }
0x3dd: {  	s28 =	simm.s32 $0x7C00  }
0x3de: {  	[tilespmem:s28], [sflag:$0x1] =	stream.indirect_vreg.gather [hbm4b:s10+s2], $0x80, v6, vm0, $0xb8;
	[tilespmem:$0x1A400] =	vst v63  }
0x3df: {  	s25 =	simm.s32 $0x8400  }
0x3e0: {  	[tilespmem:s25], [sflag:$0x1] =	stream.indirect_vreg.gather [hbm4b:s1+s2], $0x80, v5, vm0, $0xb8;
	[tilespmem:$0x1A400] =	vst v63  }
0x3e1: {  	s12 =	simm.s32 $0x8C00  }
0x3e2: {  	[tilespmem:s12], [sflag:$0x1] =	stream.indirect_vreg.gather [hbm4b:s7+s2], $0x80, v5, vm0, $0xb8;
	[tilespmem:$0x1A400] =	vst v63  }
0x3e3: {  	s12 =	simm.s32 $0x9400  }
0x3e4: {  	[tilespmem:s12], [sflag:$0x1] =	stream.indirect_vreg.gather [hbm4b:s8+s2], $0x80, v5, vm0, $0xb8;
	[tilespmem:$0x1A400] =	vst v63  }
0x3e5: {  	s12 =	simm.s32 $0x9C00  }
0x3e6: {  	[tilespmem:s12], [sflag:$0x1] =	stream.indirect_vreg.gather [hbm4b:s10+s2], $0x80, v5, vm0, $0xb8;
	[tilespmem:$0x1A400] =	vst v63  }
0x3e7: {  	_ =	swait.ge [sflag:s17], $0x8000  }
0x3e8: {  	[sflag:s17] =	ssyncset.done $0x0  }
0x3e9: {  	s3 =	rddreg [dreg:$0x15];
	[sflag:s17] =	ssyncadd.s32 $0xFFFF8000  }
0x3ea: {  	[hbm4b:s3+s2] =	stream.linear.scatter [tilespmem:s14], [sflag:$0x6], $0x8000, $0x38;
	[tilespmem:$0x1A400] =	vst v63  }
0x3eb: {  	v5 =	vld [tilespmem:$0x200];
	_ =	sdelay $0x4  }
0x3ec: {  	vm1 =	vne.s32 v5, $0x0  }
0x3ed: {  	v48 =	vld [tilespmem:$0x210];
	v5 =	vsel vm1, $0x1, v0  }
0x3ee: {  	(xrf0) =	vadd.scan.msk.s32 $0xffff, v5;
	_ =	sdelay $0x3  }
0x3ef: {  	vm2 =	vne.s32 v48, $0x0  }
0x3f0: {  	v4 =	vbroadcast v4, $0xF;
	v5 =	vsel vm2, $0x1, v0  }
0x3f1: {  	v49, _, _ =	vpop (xrf0);
	(xrf0) =	vadd.scan.msk.s32 $0xffff, v5  }
0x3f2: {  	v4 =	vadd.s32 v4, v49  }
0x3f3: {  	v5 =	vnsel vm1, $0x0, v4  }
0x3f4: {  	v50 =	vshll.u32 v5, $0x3  }
0x3f5: {  	v51 =	vand.u32 $0x7, v5;
	v6 =	vand.u32 $0xFFFFFFC0, v50  }
0x3f6: {  	v4 =	vbroadcast v4, $0xF;
	v6 =	vor.u32 v51, v6  }
0x3f7: {  	v52, _, _ =	vpop (xrf0);
	v53 =	vperm.xlane v6, v1  }
0x3f8: {  	v4 =	vadd.s32 v4, v52  }
0x3f9: {  	[tilespmem:$0x2200] =	vst v5;
	v5 =	vnsel vm2, $0x0, v4;
	v54 =	vadd.s32 v2, v53  }
0x3fa: {  	[tilespmem:$0x2210] =	vst v5  }
0x3fb: {  	_ =	swait.ge [sflag:s4], $0x8000  }
0x3fc: {  	[sflag:s4] =	ssyncset.done $0x0  }
0x3fd: {  	[sflag:s4] =	ssyncadd.s32 $0xFFFF8000  }
0x3fe: {  	[tilespmem:s9], [sflag:$0x2] =	stream.indirect_vreg.gather [hbm4b:s1+s2], $0x80, v54, vm0, $0xb8;
	[tilespmem:$0x1A400] =	vst v63  }
0x3ff: {  	s12 =	simm.s32 $0xAC00;
	v5 =	vperm.xlane v6, v3  }
0x400: {  	[tilespmem:s12], [sflag:$0x2] =	stream.indirect_vreg.gather [hbm4b:s7+s2], $0x80, v54, vm0, $0xb8;
	[tilespmem:$0x1A400] =	vst v63  }
0x401: {  	s11 =	simm.s32 $0xB400;
	v5 =	vadd.s32 v2, v5  }
0x402: {  	[tilespmem:s11], [sflag:$0x2] =	stream.indirect_vreg.gather [hbm4b:s8+s2], $0x80, v54, vm0, $0xb8;
	[tilespmem:$0x1A400] =	vst v63  }
0x403: {  	s16 =	simm.s32 $0xBC00  }
0x404: {  	[tilespmem:s16], [sflag:$0x2] =	stream.indirect_vreg.gather [hbm4b:s10+s2], $0x80, v54, vm0, $0xb8;
	[tilespmem:$0x1A400] =	vst v63  }
0x405: {  	s21 =	simm.s32 $0xC400  }
0x406: {  	[tilespmem:s21], [sflag:$0x2] =	stream.indirect_vreg.gather [hbm4b:s1+s2], $0x80, v5, vm0, $0xb8;
	[tilespmem:$0x1A400] =	vst v63  }
0x407: {  	s12 =	simm.s32 $0xCC00  }
0x408: {  	[tilespmem:s12], [sflag:$0x2] =	stream.indirect_vreg.gather [hbm4b:s7+s2], $0x80, v5, vm0, $0xb8;
	[tilespmem:$0x1A400] =	vst v63  }
0x409: {  	s12 =	simm.s32 $0xD400  }
0x40a: {  	[tilespmem:s12], [sflag:$0x2] =	stream.indirect_vreg.gather [hbm4b:s8+s2], $0x80, v5, vm0, $0xb8;
	[tilespmem:$0x1A400] =	vst v63  }
0x40b: {  	s12 =	simm.s32 $0xDC00  }
0x40c: {  	[tilespmem:s12], [sflag:$0x2] =	stream.indirect_vreg.gather [hbm4b:s10+s2], $0x80, v5, vm0, $0xb8;
	[tilespmem:$0x1A400] =	vst v63  }
0x40d: {  	v5 =	vld [tilespmem:$0x2210];
	_ =	sdelay $0x4  }
0x40e: {  	v55 =	vshll.u32 v5, $0x3  }
0x40f: {  	v5 =	vand.u32 $0x7, v5;
	v6 =	vand.u32 $0xFFFFFFC0, v55  }
0x410: {  	v5 =	vor.u32 v5, v6  }
0x411: {  	v6 =	vperm.xlane v5, v1;
	_ =	sdelay $0x1  }
0x412: {  	v6 =	vadd.s32 v2, v6;
	_ =	sdelay $0x3  }
0x413: {  	s12 =	simm.s32 $0xE400  }
0x414: {  	[tilespmem:s12], [sflag:$0x2] =	stream.indirect_vreg.gather [hbm4b:s1+s2], $0x80, v6, vm0, $0xb8;
	[tilespmem:$0x1A400] =	vst v63  }
0x415: {  	v5 =	vperm.xlane v5, v3;
	s12 =	simm.s32 $0xEC00  }
0x416: {  	[tilespmem:s12], [sflag:$0x2] =	stream.indirect_vreg.gather [hbm4b:s7+s2], $0x80, v6, vm0, $0xb8;
	[tilespmem:$0x1A400] =	vst v63  }
0x417: {  	v5 =	vadd.s32 v2, v5;
	s12 =	simm.s32 $0xF400  }
0x418: {  	[tilespmem:s12], [sflag:$0x2] =	stream.indirect_vreg.gather [hbm4b:s8+s2], $0x80, v6, vm0, $0xb8;
	[tilespmem:$0x1A400] =	vst v63  }
0x419: {  	s18 =	simm.s32 $0xFC00  }
0x41a: {  	[tilespmem:s18], [sflag:$0x2] =	stream.indirect_vreg.gather [hbm4b:s10+s2], $0x80, v6, vm0, $0xb8;
	[tilespmem:$0x1A400] =	vst v63  }
0x41b: {  	s22 =	simm.s32 $0x10400  }
0x41c: {  	[tilespmem:s22], [sflag:$0x2] =	stream.indirect_vreg.gather [hbm4b:s1+s2], $0x80, v5, vm0, $0xb8;
	[tilespmem:$0x1A400] =	vst v63  }
0x41d: {  	s23 =	simm.s32 $0x10C00  }
0x41e: {  	[tilespmem:s23], [sflag:$0x2] =	stream.indirect_vreg.gather [hbm4b:s7+s2], $0x80, v5, vm0, $0xb8;
	[tilespmem:$0x1A400] =	vst v63  }
0x41f: {  	s24 =	simm.s32 $0x11400  }
0x420: {  	[tilespmem:s24], [sflag:$0x2] =	stream.indirect_vreg.gather [hbm4b:s8+s2], $0x80, v5, vm0, $0xb8;
	[tilespmem:$0x1A400] =	vst v63  }
0x421: {  	s12 =	simm.s32 $0x11C00  }
0x422: {  	[tilespmem:s12], [sflag:$0x2] =	stream.indirect_vreg.gather [hbm4b:s10+s2], $0x80, v5, vm0, $0xb8;
	[tilespmem:$0x1A400] =	vst v63  }
0x423: {  	_ =	swait.ge [sflag:s20], $0x8000  }
0x424: {  	[sflag:s20] =	ssyncset.done $0x0  }
0x425: {  	s12 =	rddreg [dreg:$0x17];
	[sflag:s20] =	ssyncadd.s32 $0xFFFF8000  }
0x426: {  	[hbm4b:s12+s2] =	stream.linear.scatter [tilespmem:s6], [sflag:$0x4], $0x8000, $0x38;
	[tilespmem:$0x1A400] =	vst v63  }
0x427: {  	v5 =	vld [tilespmem:$0x220];
	_ =	sdelay $0x4  }
0x428: {  	vm1 =	vne.s32 v5, $0x0  }
0x429: {  	v56 =	vld [tilespmem:$0x230];
	v5 =	vsel vm1, $0x1, v0  }
0x42a: {  	(xrf0) =	vadd.scan.msk.s32 $0xffff, v5;
	_ =	sdelay $0x3  }
0x42b: {  	vm2 =	vne.s32 v56, $0x0  }
0x42c: {  	v4 =	vbroadcast v4, $0xF;
	v5 =	vsel vm2, $0x1, v0  }
0x42d: {  	v57, _, _ =	vpop (xrf0);
	(xrf0) =	vadd.scan.msk.s32 $0xffff, v5  }
0x42e: {  	v4 =	vadd.s32 v4, v57  }
0x42f: {  	v5 =	vnsel vm1, $0x0, v4  }
0x430: {  	v58 =	vshll.u32 v5, $0x3  }
0x431: {  	v59 =	vand.u32 $0x7, v5;
	v6 =	vand.u32 $0xFFFFFFC0, v58  }
0x432: {  	v4 =	vbroadcast v4, $0xF;
	v6 =	vor.u32 v59, v6  }
0x433: {  	v60, _, _ =	vpop (xrf0);
	v61 =	vperm.xlane v6, v1  }
0x434: {  	v4 =	vadd.s32 v4, v60  }
0x435: {  	[tilespmem:$0x2220] =	vst v5;
	v5 =	vnsel vm2, $0x0, v4;
	v62 =	vadd.s32 v2, v61  }
0x436: {  	[tilespmem:$0x2230] =	vst v5  }
0x437: {  	_ =	swait.ge [sflag:s5], $0x8000  }
0x438: {  	[sflag:s5] =	ssyncset.done $0x0  }
0x439: {  	[sflag:s5] =	ssyncadd.s32 $0xFFFF8000  }
0x43a: {  	[tilespmem:s14], [sflag:$0x3] =	stream.indirect_vreg.gather [hbm4b:s1+s2], $0x80, v62, vm0, $0xb8;
	[tilespmem:$0x1A400] =	vst v63  }
0x43b: {  	s12 =	simm.s32 $0x12C00;
	v5 =	vperm.xlane v6, v3  }
0x43c: {  	[tilespmem:s12], [sflag:$0x3] =	stream.indirect_vreg.gather [hbm4b:s7+s2], $0x80, v62, vm0, $0xb8;
	[tilespmem:$0x1A400] =	vst v63  }
0x43d: {  	s15 =	simm.s32 $0x13400;
	v5 =	vadd.s32 v2, v5  }
0x43e: {  	[tilespmem:s15], [sflag:$0x3] =	stream.indirect_vreg.gather [hbm4b:s8+s2], $0x80, v62, vm0, $0xb8;
	[tilespmem:$0x1A400] =	vst v63  }
0x43f: {  	s29 =	simm.s32 $0x13C00  }
0x440: {  	[tilespmem:s29], [sflag:$0x3] =	stream.indirect_vreg.gather [hbm4b:s10+s2], $0x80, v62, vm0, $0xb8;
	[tilespmem:$0x1A400] =	vst v63  }
0x441: {  	s13 =	simm.s32 $0x14400  }
0x442: {  	[tilespmem:s13], [sflag:$0x3] =	stream.indirect_vreg.gather [hbm4b:s1+s2], $0x80, v5, vm0, $0xb8;
	[tilespmem:$0x1A400] =	vst v63  }
0x443: {  	s30 =	simm.s32 $0x14C00  }
0x444: {  	[tilespmem:s30], [sflag:$0x3] =	stream.indirect_vreg.gather [hbm4b:s7+s2], $0x80, v5, vm0, $0xb8;
	[tilespmem:$0x1A400] =	vst v63  }
0x445: {  	s12 =	simm.s32 $0x15400  }
0x446: {  	[tilespmem:s12], [sflag:$0x3] =	stream.indirect_vreg.gather [hbm4b:s8+s2], $0x80, v5, vm0, $0xb8;
	[tilespmem:$0x1A400] =	vst v63  }
0x447: {  	s12 =	simm.s32 $0x15C00  }
0x448: {  	[tilespmem:s12], [sflag:$0x3] =	stream.indirect_vreg.gather [hbm4b:s10+s2], $0x80, v5, vm0, $0xb8;
	[tilespmem:$0x1A400] =	vst v63  }
0x449: {  	v5 =	vld [tilespmem:$0x2230];
	_ =	sdelay $0x4  }
0x44a: {  	v63 =	vshll.u32 v5, $0x3  }
0x44b: {  	v5 =	vand.u32 $0x7, v5;
	v6 =	vand.u32 $0xFFFFFFC0, v63  }
0x44c: {  	v5 =	vor.u32 v5, v6  }
0x44d: {  	v6 =	vperm.xlane v5, v1;
	_ =	sdelay $0x1  }
0x44e: {  	v6 =	vadd.s32 v2, v6;
	_ =	sdelay $0x3  }
0x44f: {  	s12 =	simm.s32 $0x16400  }
0x450: {  	[tilespmem:s12], [sflag:$0x3] =	stream.indirect_vreg.gather [hbm4b:s1+s2], $0x80, v6, vm0, $0xb8;
	[tilespmem:$0x1A400] =	vst v63  }
0x451: {  	v5 =	vperm.xlane v5, v3;
	s12 =	simm.s32 $0x16C00  }
0x452: {  	[tilespmem:s12], [sflag:$0x3] =	stream.indirect_vreg.gather [hbm4b:s7+s2], $0x80, v6, vm0, $0xb8;
	[tilespmem:$0x1A400] =	vst v63  }
0x453: {  	v5 =	vadd.s32 v2, v5;
	s12 =	simm.s32 $0x17400  }
0x454: {  	[tilespmem:s12], [sflag:$0x3] =	stream.indirect_vreg.gather [hbm4b:s8+s2], $0x80, v6, vm0, $0xb8;
	[tilespmem:$0x1A400] =	vst v63  }
0x455: {  	s12 =	simm.s32 $0x17C00  }
0x456: {  	[tilespmem:s12], [sflag:$0x3] =	stream.indirect_vreg.gather [hbm4b:s10+s2], $0x80, v6, vm0, $0xb8;
	[tilespmem:$0x1A400] =	vst v63  }
0x457: {  	s12 =	simm.s32 $0x18400  }
0x458: {  	[tilespmem:s12], [sflag:$0x3] =	stream.indirect_vreg.gather [hbm4b:s1+s2], $0x80, v5, vm0, $0xb8;
	[tilespmem:$0x1A400] =	vst v63  }
0x459: {  	s12 =	simm.s32 $0x18C00  }
0x45a: {  	[tilespmem:s12], [sflag:$0x3] =	stream.indirect_vreg.gather [hbm4b:s7+s2], $0x80, v5, vm0, $0xb8;
	[tilespmem:$0x1A400] =	vst v63  }
0x45b: {  	s12 =	simm.s32 $0x19400  }
0x45c: {  	[tilespmem:s12], [sflag:$0x3] =	stream.indirect_vreg.gather [hbm4b:s8+s2], $0x80, v5, vm0, $0xb8;
	[tilespmem:$0x1A400] =	vst v63  }
0x45d: {  	s12 =	simm.s32 $0x19C00  }
0x45e: {  	[tilespmem:s12], [sflag:$0x3] =	stream.indirect_vreg.gather [hbm4b:s10+s2], $0x80, v5, vm0, $0xb8;
	[tilespmem:$0x1A400] =	vst v63  }
0x45f: {  	_ =	swait.ge [sflag:s0], $0x8000  }
0x460: {  	[sflag:s0] =	ssyncset.done $0x0  }
0x461: {  	s12 =	rddreg [dreg:$0x18];
	[sflag:s0] =	ssyncadd.s32 $0xFFFF8000  }
0x462: {  	[hbm4b:s12+s2] =	stream.linear.scatter [tilespmem:s9], [sflag:$0x5], $0x8000, $0x38;
	[tilespmem:$0x1A400] =	vst v63  }
0x463: {  	v5 =	vld [tilespmem:$0x240];
	_ =	sdelay $0x4  }
0x464: {  	vm1 =	vne.s32 v5, $0x0  }
0x465: {  	v9 =	vld [tilespmem:$0x250];
	v5 =	vsel vm1, $0x1, v0  }
0x466: {  	(xrf0) =	vadd.scan.msk.s32 $0xffff, v5;
	_ =	sdelay $0x3  }
0x467: {  	vm2 =	vne.s32 v9, $0x0  }
0x468: {  	v4 =	vbroadcast v4, $0xF;
	v5 =	vsel vm2, $0x1, v0  }
0x469: {  	v10, _, _ =	vpop (xrf0);
	(xrf0) =	vadd.scan.msk.s32 $0xffff, v5  }
0x46a: {  	v4 =	vadd.s32 v4, v10  }
0x46b: {  	v5 =	vnsel vm1, $0x0, v4  }
0x46c: {  	v11 =	vshll.u32 v5, $0x3  }
0x46d: {  	v12 =	vand.u32 $0x7, v5;
	v6 =	vand.u32 $0xFFFFFFC0, v11  }
0x46e: {  	v4 =	vbroadcast v4, $0xF;
	v6 =	vor.u32 v12, v6  }
0x46f: {  	v13, _, _ =	vpop (xrf0);
	v14 =	vperm.xlane v6, v1  }
0x470: {  	v4 =	vadd.s32 v4, v13  }
0x471: {  	[tilespmem:$0x2240] =	vst v5;
	v5 =	vnsel vm2, $0x0, v4;
	v15 =	vadd.s32 v2, v14  }
0x472: {  	[tilespmem:$0x2250] =	vst v5  }
0x473: {  	_ =	swait.ge [sflag:s19], $0x8000  }
0x474: {  	[sflag:s19] =	ssyncset.done $0x0  }
0x475: {  	[sflag:s19] =	ssyncadd.s32 $0xFFFF8000  }
0x476: {  	[tilespmem:s6], [sflag:$0x1] =	stream.indirect_vreg.gather [hbm4b:s1+s2], $0x80, v15, vm0, $0xb8;
	[tilespmem:$0x1A400] =	vst v63  }
0x477: {  	s12 =	simm.s32 $0x2C00;
	v5 =	vperm.xlane v6, v3  }
0x478: {  	[tilespmem:s12], [sflag:$0x1] =	stream.indirect_vreg.gather [hbm4b:s7+s2], $0x80, v15, vm0, $0xb8;
	[tilespmem:$0x1A400] =	vst v63  }
0x479: {  	v5 =	vadd.s32 v2, v5;
	s12 =	simm.s32 $0x3400  }
0x47a: {  	[tilespmem:s12], [sflag:$0x1] =	stream.indirect_vreg.gather [hbm4b:s8+s2], $0x80, v15, vm0, $0xb8;
	[tilespmem:$0x1A400] =	vst v63  }
0x47b: {  	s31 =	simm.s32 $0x3C00  }
0x47c: {  	[tilespmem:s31], [sflag:$0x1] =	stream.indirect_vreg.gather [hbm4b:s10+s2], $0x80, v15, vm0, $0xb8;
	[tilespmem:$0x1A400] =	vst v63  }
0x47d: {  	s12 =	simm.s32 $0x4400  }
0x47e: {  	[tilespmem:s12], [sflag:$0x1] =	stream.indirect_vreg.gather [hbm4b:s1+s2], $0x80, v5, vm0, $0xb8;
	[tilespmem:$0x1A400] =	vst v63  }
0x47f: {  	s12 =	simm.s32 $0x4C00  }
0x480: {  	[tilespmem:s12], [sflag:$0x1] =	stream.indirect_vreg.gather [hbm4b:s7+s2], $0x80, v5, vm0, $0xb8;
	[tilespmem:$0x1A400] =	vst v63  }
0x481: {  	s12 =	simm.s32 $0x5400  }
0x482: {  	[tilespmem:s12], [sflag:$0x1] =	stream.indirect_vreg.gather [hbm4b:s8+s2], $0x80, v5, vm0, $0xb8;
	[tilespmem:$0x1A400] =	vst v63  }
0x483: {  	s12 =	simm.s32 $0x5C00  }
0x484: {  	[tilespmem:s12], [sflag:$0x1] =	stream.indirect_vreg.gather [hbm4b:s10+s2], $0x80, v5, vm0, $0xb8;
	[tilespmem:$0x1A400] =	vst v63  }
0x485: {  	v5 =	vld [tilespmem:$0x2250];
	_ =	sdelay $0x4  }
0x486: {  	v16 =	vshll.u32 v5, $0x3  }
0x487: {  	v5 =	vand.u32 $0x7, v5;
	v6 =	vand.u32 $0xFFFFFFC0, v16  }
0x488: {  	v5 =	vor.u32 v5, v6  }
0x489: {  	v6 =	vperm.xlane v5, v1;
	_ =	sdelay $0x1  }
0x48a: {  	v6 =	vadd.s32 v2, v6;
	_ =	sdelay $0x3  }
0x48b: {  	s12 =	simm.s32 $0x6400  }
0x48c: {  	[tilespmem:s12], [sflag:$0x1] =	stream.indirect_vreg.gather [hbm4b:s1+s2], $0x80, v6, vm0, $0xb8;
	[tilespmem:$0x1A400] =	vst v63  }
0x48d: {  	v5 =	vperm.xlane v5, v3;
	s12 =	simm.s32 $0x6C00  }
0x48e: {  	[tilespmem:s12], [sflag:$0x1] =	stream.indirect_vreg.gather [hbm4b:s7+s2], $0x80, v6, vm0, $0xb8;
	[tilespmem:$0x1A400] =	vst v63  }
0x48f: {  	s26 =	simm.s32 $0x7400;
	v5 =	vadd.s32 v2, v5  }
0x490: {  	[tilespmem:s26], [sflag:$0x1] =	stream.indirect_vreg.gather [hbm4b:s8+s2], $0x80, v6, vm0, $0xb8;
	[tilespmem:$0x1A400] =	vst v63  }
0x491: {  	s28 =	simm.s32 $0x7C00  }
0x492: {  	[tilespmem:s28], [sflag:$0x1] =	stream.indirect_vreg.gather [hbm4b:s10+s2], $0x80, v6, vm0, $0xb8;
	[tilespmem:$0x1A400] =	vst v63  }
0x493: {  	s25 =	simm.s32 $0x8400  }
0x494: {  	[tilespmem:s25], [sflag:$0x1] =	stream.indirect_vreg.gather [hbm4b:s1+s2], $0x80, v5, vm0, $0xb8;
	[tilespmem:$0x1A400] =	vst v63  }
0x495: {  	s12 =	simm.s32 $0x8C00  }
0x496: {  	[tilespmem:s12], [sflag:$0x1] =	stream.indirect_vreg.gather [hbm4b:s7+s2], $0x80, v5, vm0, $0xb8;
	[tilespmem:$0x1A400] =	vst v63  }
0x497: {  	s12 =	simm.s32 $0x9400  }
0x498: {  	[tilespmem:s12], [sflag:$0x1] =	stream.indirect_vreg.gather [hbm4b:s8+s2], $0x80, v5, vm0, $0xb8;
	[tilespmem:$0x1A400] =	vst v63  }
0x499: {  	s12 =	simm.s32 $0x9C00  }
0x49a: {  	[tilespmem:s12], [sflag:$0x1] =	stream.indirect_vreg.gather [hbm4b:s10+s2], $0x80, v5, vm0, $0xb8;
	[tilespmem:$0x1A400] =	vst v63  }
0x49b: {  	_ =	swait.ge [sflag:s17], $0x8000  }
0x49c: {  	[sflag:s17] =	ssyncset.done $0x0  }
0x49d: {  	s12 =	rddreg [dreg:$0x19];
	[sflag:s17] =	ssyncadd.s32 $0xFFFF8000  }
0x49e: {  	[hbm4b:s12+s2] =	stream.linear.scatter [tilespmem:s14], [sflag:$0x6], $0x8000, $0x38;
	[tilespmem:$0x1A400] =	vst v63  }
0x49f: {  	v5 =	vld [tilespmem:$0x260];
	_ =	sdelay $0x4  }
0x4a0: {  	vm1 =	vne.s32 v5, $0x0  }
0x4a1: {  	v17 =	vld [tilespmem:$0x270];
	v5 =	vsel vm1, $0x1, v0  }
0x4a2: {  	(xrf0) =	vadd.scan.msk.s32 $0xffff, v5;
	_ =	sdelay $0x3  }
0x4a3: {  	vm2 =	vne.s32 v17, $0x0  }
0x4a4: {  	v4 =	vbroadcast v4, $0xF;
	v5 =	vsel vm2, $0x1, v0  }
0x4a5: {  	v18, _, _ =	vpop (xrf0);
	(xrf0) =	vadd.scan.msk.s32 $0xffff, v5  }
0x4a6: {  	v4 =	vadd.s32 v4, v18  }
0x4a7: {  	v5 =	vnsel vm1, $0x0, v4  }
0x4a8: {  	v19 =	vshll.u32 v5, $0x3  }
0x4a9: {  	v20 =	vand.u32 $0x7, v5;
	v6 =	vand.u32 $0xFFFFFFC0, v19  }
0x4aa: {  	v4 =	vbroadcast v4, $0xF;
	v6 =	vor.u32 v20, v6  }
0x4ab: {  	v21, _, _ =	vpop (xrf0);
	v22 =	vperm.xlane v6, v1  }
0x4ac: {  	v4 =	vadd.s32 v4, v21  }
0x4ad: {  	[tilespmem:$0x2260] =	vst v5;
	v5 =	vnsel vm2, $0x0, v4;
	v23 =	vadd.s32 v2, v22  }
0x4ae: {  	[tilespmem:$0x2270] =	vst v5  }
0x4af: {  	_ =	swait.ge [sflag:s4], $0x8000  }
0x4b0: {  	[sflag:s4] =	ssyncset.done $0x0  }
0x4b1: {  	[sflag:s4] =	ssyncadd.s32 $0xFFFF8000  }
0x4b2: {  	[tilespmem:s9], [sflag:$0x2] =	stream.indirect_vreg.gather [hbm4b:s1+s2], $0x80, v23, vm0, $0xb8;
	[tilespmem:$0x1A400] =	vst v63  }
0x4b3: {  	s3 =	simm.s32 $0xAC00;
	v5 =	vperm.xlane v6, v3  }
0x4b4: {  	[tilespmem:s3], [sflag:$0x2] =	stream.indirect_vreg.gather [hbm4b:s7+s2], $0x80, v23, vm0, $0xb8;
	[tilespmem:$0x1A400] =	vst v63  }
0x4b5: {  	s11 =	simm.s32 $0xB400;
	v5 =	vadd.s32 v2, v5  }
0x4b6: {  	[tilespmem:s11], [sflag:$0x2] =	stream.indirect_vreg.gather [hbm4b:s8+s2], $0x80, v23, vm0, $0xb8;
	[tilespmem:$0x1A400] =	vst v63  }
0x4b7: {  	s16 =	simm.s32 $0xBC00  }
0x4b8: {  	[tilespmem:s16], [sflag:$0x2] =	stream.indirect_vreg.gather [hbm4b:s10+s2], $0x80, v23, vm0, $0xb8;
	[tilespmem:$0x1A400] =	vst v63  }
0x4b9: {  	s21 =	simm.s32 $0xC400  }
0x4ba: {  	[tilespmem:s21], [sflag:$0x2] =	stream.indirect_vreg.gather [hbm4b:s1+s2], $0x80, v5, vm0, $0xb8;
	[tilespmem:$0x1A400] =	vst v63  }
0x4bb: {  	s12 =	simm.s32 $0xCC00  }
0x4bc: {  	[tilespmem:s12], [sflag:$0x2] =	stream.indirect_vreg.gather [hbm4b:s7+s2], $0x80, v5, vm0, $0xb8;
	[tilespmem:$0x1A400] =	vst v63  }
0x4bd: {  	s12 =	simm.s32 $0xD400  }
0x4be: {  	[tilespmem:s12], [sflag:$0x2] =	stream.indirect_vreg.gather [hbm4b:s8+s2], $0x80, v5, vm0, $0xb8;
	[tilespmem:$0x1A400] =	vst v63  }
0x4bf: {  	s12 =	simm.s32 $0xDC00  }
0x4c0: {  	[tilespmem:s12], [sflag:$0x2] =	stream.indirect_vreg.gather [hbm4b:s10+s2], $0x80, v5, vm0, $0xb8;
	[tilespmem:$0x1A400] =	vst v63  }
0x4c1: {  	v5 =	vld [tilespmem:$0x2270];
	_ =	sdelay $0x4  }
0x4c2: {  	v24 =	vshll.u32 v5, $0x3  }
0x4c3: {  	v5 =	vand.u32 $0x7, v5;
	v6 =	vand.u32 $0xFFFFFFC0, v24  }
0x4c4: {  	v5 =	vor.u32 v5, v6  }
0x4c5: {  	v6 =	vperm.xlane v5, v1;
	_ =	sdelay $0x1  }
0x4c6: {  	v6 =	vadd.s32 v2, v6;
	_ =	sdelay $0x3  }
0x4c7: {  	s12 =	simm.s32 $0xE400  }
0x4c8: {  	[tilespmem:s12], [sflag:$0x2] =	stream.indirect_vreg.gather [hbm4b:s1+s2], $0x80, v6, vm0, $0xb8;
	[tilespmem:$0x1A400] =	vst v63  }
0x4c9: {  	v5 =	vperm.xlane v5, v3;
	s12 =	simm.s32 $0xEC00  }
0x4ca: {  	[tilespmem:s12], [sflag:$0x2] =	stream.indirect_vreg.gather [hbm4b:s7+s2], $0x80, v6, vm0, $0xb8;
	[tilespmem:$0x1A400] =	vst v63  }
0x4cb: {  	v5 =	vadd.s32 v2, v5;
	s12 =	simm.s32 $0xF400  }
0x4cc: {  	[tilespmem:s12], [sflag:$0x2] =	stream.indirect_vreg.gather [hbm4b:s8+s2], $0x80, v6, vm0, $0xb8;
	[tilespmem:$0x1A400] =	vst v63  }
0x4cd: {  	s18 =	simm.s32 $0xFC00  }
0x4ce: {  	[tilespmem:s18], [sflag:$0x2] =	stream.indirect_vreg.gather [hbm4b:s10+s2], $0x80, v6, vm0, $0xb8;
	[tilespmem:$0x1A400] =	vst v63  }
0x4cf: {  	s22 =	simm.s32 $0x10400  }
0x4d0: {  	[tilespmem:s22], [sflag:$0x2] =	stream.indirect_vreg.gather [hbm4b:s1+s2], $0x80, v5, vm0, $0xb8;
	[tilespmem:$0x1A400] =	vst v63  }
0x4d1: {  	s23 =	simm.s32 $0x10C00  }
0x4d2: {  	[tilespmem:s23], [sflag:$0x2] =	stream.indirect_vreg.gather [hbm4b:s7+s2], $0x80, v5, vm0, $0xb8;
	[tilespmem:$0x1A400] =	vst v63  }
0x4d3: {  	s24 =	simm.s32 $0x11400  }
0x4d4: {  	[tilespmem:s24], [sflag:$0x2] =	stream.indirect_vreg.gather [hbm4b:s8+s2], $0x80, v5, vm0, $0xb8;
	[tilespmem:$0x1A400] =	vst v63  }
0x4d5: {  	s12 =	simm.s32 $0x11C00  }
0x4d6: {  	[tilespmem:s12], [sflag:$0x2] =	stream.indirect_vreg.gather [hbm4b:s10+s2], $0x80, v5, vm0, $0xb8;
	[tilespmem:$0x1A400] =	vst v63  }
0x4d7: {  	_ =	swait.ge [sflag:s20], $0x8000  }
0x4d8: {  	[sflag:s20] =	ssyncset.done $0x0  }
0x4d9: {  	s12 =	rddreg [dreg:$0x1a];
	[sflag:s20] =	ssyncadd.s32 $0xFFFF8000  }
0x4da: {  	[hbm4b:s12+s2] =	stream.linear.scatter [tilespmem:s6], [sflag:$0x4], $0x8000, $0x38;
	[tilespmem:$0x1A400] =	vst v63  }
0x4db: {  	v5 =	vld [tilespmem:$0x280];
	_ =	sdelay $0x4  }
0x4dc: {  	vm1 =	vne.s32 v5, $0x0  }
0x4dd: {  	v25 =	vld [tilespmem:$0x290];
	v5 =	vsel vm1, $0x1, v0  }
0x4de: {  	(xrf0) =	vadd.scan.msk.s32 $0xffff, v5;
	_ =	sdelay $0x3  }
0x4df: {  	vm2 =	vne.s32 v25, $0x0  }
0x4e0: {  	v4 =	vbroadcast v4, $0xF;
	v5 =	vsel vm2, $0x1, v0  }
0x4e1: {  	v26, _, _ =	vpop (xrf0);
	(xrf0) =	vadd.scan.msk.s32 $0xffff, v5  }
0x4e2: {  	v4 =	vadd.s32 v4, v26  }
0x4e3: {  	v5 =	vnsel vm1, $0x0, v4  }
0x4e4: {  	v27 =	vshll.u32 v5, $0x3  }
0x4e5: {  	v28 =	vand.u32 $0x7, v5;
	v6 =	vand.u32 $0xFFFFFFC0, v27  }
0x4e6: {  	v4 =	vbroadcast v4, $0xF;
	v6 =	vor.u32 v28, v6  }
0x4e7: {  	v29, _, _ =	vpop (xrf0);
	v30 =	vperm.xlane v6, v1  }
0x4e8: {  	v4 =	vadd.s32 v4, v29  }
0x4e9: {  	[tilespmem:$0x2280] =	vst v5;
	v5 =	vnsel vm2, $0x0, v4;
	v31 =	vadd.s32 v2, v30  }
0x4ea: {  	[tilespmem:$0x2290] =	vst v5  }
0x4eb: {  	_ =	swait.ge [sflag:s5], $0x8000  }
0x4ec: {  	[sflag:s5] =	ssyncset.done $0x0  }
0x4ed: {  	[sflag:s5] =	ssyncadd.s32 $0xFFFF8000  }
0x4ee: {  	[tilespmem:s14], [sflag:$0x3] =	stream.indirect_vreg.gather [hbm4b:s1+s2], $0x80, v31, vm0, $0xb8;
	[tilespmem:$0x1A400] =	vst v63  }
0x4ef: {  	s12 =	simm.s32 $0x12C00;
	v5 =	vperm.xlane v6, v3  }
0x4f0: {  	[tilespmem:s12], [sflag:$0x3] =	stream.indirect_vreg.gather [hbm4b:s7+s2], $0x80, v31, vm0, $0xb8;
	[tilespmem:$0x1A400] =	vst v63  }
0x4f1: {  	s15 =	simm.s32 $0x13400;
	v5 =	vadd.s32 v2, v5  }
0x4f2: {  	[tilespmem:s15], [sflag:$0x3] =	stream.indirect_vreg.gather [hbm4b:s8+s2], $0x80, v31, vm0, $0xb8;
	[tilespmem:$0x1A400] =	vst v63  }
0x4f3: {  	s29 =	simm.s32 $0x13C00  }
0x4f4: {  	[tilespmem:s29], [sflag:$0x3] =	stream.indirect_vreg.gather [hbm4b:s10+s2], $0x80, v31, vm0, $0xb8;
	[tilespmem:$0x1A400] =	vst v63  }
0x4f5: {  	s13 =	simm.s32 $0x14400  }
0x4f6: {  	[tilespmem:s13], [sflag:$0x3] =	stream.indirect_vreg.gather [hbm4b:s1+s2], $0x80, v5, vm0, $0xb8;
	[tilespmem:$0x1A400] =	vst v63  }
0x4f7: {  	s30 =	simm.s32 $0x14C00  }
0x4f8: {  	[tilespmem:s30], [sflag:$0x3] =	stream.indirect_vreg.gather [hbm4b:s7+s2], $0x80, v5, vm0, $0xb8;
	[tilespmem:$0x1A400] =	vst v63  }
0x4f9: {  	s12 =	simm.s32 $0x15400  }
0x4fa: {  	[tilespmem:s12], [sflag:$0x3] =	stream.indirect_vreg.gather [hbm4b:s8+s2], $0x80, v5, vm0, $0xb8;
	[tilespmem:$0x1A400] =	vst v63  }
0x4fb: {  	s12 =	simm.s32 $0x15C00  }
0x4fc: {  	[tilespmem:s12], [sflag:$0x3] =	stream.indirect_vreg.gather [hbm4b:s10+s2], $0x80, v5, vm0, $0xb8;
	[tilespmem:$0x1A400] =	vst v63  }
0x4fd: {  	v5 =	vld [tilespmem:$0x2290];
	_ =	sdelay $0x4  }
0x4fe: {  	v32 =	vshll.u32 v5, $0x3  }
0x4ff: {  	v5 =	vand.u32 $0x7, v5;
	v6 =	vand.u32 $0xFFFFFFC0, v32  }
0x500: {  	v5 =	vor.u32 v5, v6  }
0x501: {  	v6 =	vperm.xlane v5, v1;
	_ =	sdelay $0x1  }
0x502: {  	v6 =	vadd.s32 v2, v6;
	_ =	sdelay $0x3  }
0x503: {  	s12 =	simm.s32 $0x16400  }
0x504: {  	[tilespmem:s12], [sflag:$0x3] =	stream.indirect_vreg.gather [hbm4b:s1+s2], $0x80, v6, vm0, $0xb8;
	[tilespmem:$0x1A400] =	vst v63  }
0x505: {  	v5 =	vperm.xlane v5, v3;
	s12 =	simm.s32 $0x16C00  }
0x506: {  	[tilespmem:s12], [sflag:$0x3] =	stream.indirect_vreg.gather [hbm4b:s7+s2], $0x80, v6, vm0, $0xb8;
	[tilespmem:$0x1A400] =	vst v63  }
0x507: {  	v5 =	vadd.s32 v2, v5;
	s12 =	simm.s32 $0x17400  }
0x508: {  	[tilespmem:s12], [sflag:$0x3] =	stream.indirect_vreg.gather [hbm4b:s8+s2], $0x80, v6, vm0, $0xb8;
	[tilespmem:$0x1A400] =	vst v63  }
0x509: {  	s12 =	simm.s32 $0x17C00  }
0x50a: {  	[tilespmem:s12], [sflag:$0x3] =	stream.indirect_vreg.gather [hbm4b:s10+s2], $0x80, v6, vm0, $0xb8;
	[tilespmem:$0x1A400] =	vst v63  }
0x50b: {  	s12 =	simm.s32 $0x18400  }
0x50c: {  	[tilespmem:s12], [sflag:$0x3] =	stream.indirect_vreg.gather [hbm4b:s1+s2], $0x80, v5, vm0, $0xb8;
	[tilespmem:$0x1A400] =	vst v63  }
0x50d: {  	s12 =	simm.s32 $0x18C00  }
0x50e: {  	[tilespmem:s12], [sflag:$0x3] =	stream.indirect_vreg.gather [hbm4b:s7+s2], $0x80, v5, vm0, $0xb8;
	[tilespmem:$0x1A400] =	vst v63  }
0x50f: {  	s12 =	simm.s32 $0x19400  }
0x510: {  	[tilespmem:s12], [sflag:$0x3] =	stream.indirect_vreg.gather [hbm4b:s8+s2], $0x80, v5, vm0, $0xb8;
	[tilespmem:$0x1A400] =	vst v63  }
0x511: {  	s12 =	simm.s32 $0x19C00  }
0x512: {  	[tilespmem:s12], [sflag:$0x3] =	stream.indirect_vreg.gather [hbm4b:s10+s2], $0x80, v5, vm0, $0xb8;
	[tilespmem:$0x1A400] =	vst v63  }
0x513: {  	_ =	swait.ge [sflag:s0], $0x8000  }
0x514: {  	[sflag:s0] =	ssyncset.done $0x0  }
0x515: {  	s12 =	rddreg [dreg:$0x1b];
	[sflag:s0] =	ssyncadd.s32 $0xFFFF8000  }
0x516: {  	[hbm4b:s12+s2] =	stream.linear.scatter [tilespmem:s9], [sflag:$0x5], $0x8000, $0x38;
	[tilespmem:$0x1A400] =	vst v63  }
0x517: {  	v5 =	vld [tilespmem:$0x2A0];
	_ =	sdelay $0x4  }
0x518: {  	vm1 =	vne.s32 v5, $0x0  }
0x519: {  	v33 =	vld [tilespmem:$0x2B0];
	v5 =	vsel vm1, $0x1, v0  }
0x51a: {  	(xrf0) =	vadd.scan.msk.s32 $0xffff, v5;
	_ =	sdelay $0x3  }
0x51b: {  	vm2 =	vne.s32 v33, $0x0  }
0x51c: {  	v4 =	vbroadcast v4, $0xF;
	v5 =	vsel vm2, $0x1, v0  }
0x51d: {  	v34, _, _ =	vpop (xrf0);
	(xrf0) =	vadd.scan.msk.s32 $0xffff, v5  }
0x51e: {  	v4 =	vadd.s32 v4, v34  }
0x51f: {  	v5 =	vnsel vm1, $0x0, v4  }
0x520: {  	v35 =	vshll.u32 v5, $0x3  }
0x521: {  	v36 =	vand.u32 $0x7, v5;
	v6 =	vand.u32 $0xFFFFFFC0, v35  }
0x522: {  	v4 =	vbroadcast v4, $0xF;
	v6 =	vor.u32 v36, v6  }
0x523: {  	v37, _, _ =	vpop (xrf0);
	v38 =	vperm.xlane v6, v1  }
0x524: {  	v4 =	vadd.s32 v4, v37  }
0x525: {  	[tilespmem:$0x22A0] =	vst v5;
	v5 =	vnsel vm2, $0x0, v4;
	v39 =	vadd.s32 v2, v38  }
0x526: {  	[tilespmem:$0x22B0] =	vst v5  }
0x527: {  	_ =	swait.ge [sflag:s19], $0x8000  }
0x528: {  	[sflag:s19] =	ssyncset.done $0x0  }
0x529: {  	[sflag:s19] =	ssyncadd.s32 $0xFFFF8000  }
0x52a: {  	[tilespmem:s6], [sflag:$0x1] =	stream.indirect_vreg.gather [hbm4b:s1+s2], $0x80, v39, vm0, $0xb8;
	[tilespmem:$0x1A400] =	vst v63  }
0x52b: {  	s12 =	simm.s32 $0x2C00;
	v5 =	vperm.xlane v6, v3  }
0x52c: {  	[tilespmem:s12], [sflag:$0x1] =	stream.indirect_vreg.gather [hbm4b:s7+s2], $0x80, v39, vm0, $0xb8;
	[tilespmem:$0x1A400] =	vst v63  }
0x52d: {  	v5 =	vadd.s32 v2, v5;
	s12 =	simm.s32 $0x3400  }
0x52e: {  	[tilespmem:s12], [sflag:$0x1] =	stream.indirect_vreg.gather [hbm4b:s8+s2], $0x80, v39, vm0, $0xb8;
	[tilespmem:$0x1A400] =	vst v63  }
0x52f: {  	s31 =	simm.s32 $0x3C00  }
0x530: {  	[tilespmem:s31], [sflag:$0x1] =	stream.indirect_vreg.gather [hbm4b:s10+s2], $0x80, v39, vm0, $0xb8;
	[tilespmem:$0x1A400] =	vst v63  }
0x531: {  	s12 =	simm.s32 $0x4400  }
0x532: {  	[tilespmem:s12], [sflag:$0x1] =	stream.indirect_vreg.gather [hbm4b:s1+s2], $0x80, v5, vm0, $0xb8;
	[tilespmem:$0x1A400] =	vst v63  }
0x533: {  	s12 =	simm.s32 $0x4C00  }
0x534: {  	[tilespmem:s12], [sflag:$0x1] =	stream.indirect_vreg.gather [hbm4b:s7+s2], $0x80, v5, vm0, $0xb8;
	[tilespmem:$0x1A400] =	vst v63  }
0x535: {  	s12 =	simm.s32 $0x5400  }
0x536: {  	[tilespmem:s12], [sflag:$0x1] =	stream.indirect_vreg.gather [hbm4b:s8+s2], $0x80, v5, vm0, $0xb8;
	[tilespmem:$0x1A400] =	vst v63  }
0x537: {  	s12 =	simm.s32 $0x5C00  }
0x538: {  	[tilespmem:s12], [sflag:$0x1] =	stream.indirect_vreg.gather [hbm4b:s10+s2], $0x80, v5, vm0, $0xb8;
	[tilespmem:$0x1A400] =	vst v63  }
0x539: {  	v5 =	vld [tilespmem:$0x22B0];
	_ =	sdelay $0x4  }
0x53a: {  	v40 =	vshll.u32 v5, $0x3  }
0x53b: {  	v5 =	vand.u32 $0x7, v5;
	v6 =	vand.u32 $0xFFFFFFC0, v40  }
0x53c: {  	v5 =	vor.u32 v5, v6  }
0x53d: {  	v6 =	vperm.xlane v5, v1;
	_ =	sdelay $0x1  }
0x53e: {  	v6 =	vadd.s32 v2, v6;
	_ =	sdelay $0x3  }
0x53f: {  	s12 =	simm.s32 $0x6400  }
0x540: {  	[tilespmem:s12], [sflag:$0x1] =	stream.indirect_vreg.gather [hbm4b:s1+s2], $0x80, v6, vm0, $0xb8;
	[tilespmem:$0x1A400] =	vst v63  }
0x541: {  	v5 =	vperm.xlane v5, v3;
	s12 =	simm.s32 $0x6C00  }
0x542: {  	[tilespmem:s12], [sflag:$0x1] =	stream.indirect_vreg.gather [hbm4b:s7+s2], $0x80, v6, vm0, $0xb8;
	[tilespmem:$0x1A400] =	vst v63  }
0x543: {  	s26 =	simm.s32 $0x7400;
	v5 =	vadd.s32 v2, v5  }
0x544: {  	[tilespmem:s26], [sflag:$0x1] =	stream.indirect_vreg.gather [hbm4b:s8+s2], $0x80, v6, vm0, $0xb8;
	[tilespmem:$0x1A400] =	vst v63  }
0x545: {  	s28 =	simm.s32 $0x7C00  }
0x546: {  	[tilespmem:s28], [sflag:$0x1] =	stream.indirect_vreg.gather [hbm4b:s10+s2], $0x80, v6, vm0, $0xb8;
	[tilespmem:$0x1A400] =	vst v63  }
0x547: {  	s25 =	simm.s32 $0x8400  }
0x548: {  	[tilespmem:s25], [sflag:$0x1] =	stream.indirect_vreg.gather [hbm4b:s1+s2], $0x80, v5, vm0, $0xb8;
	[tilespmem:$0x1A400] =	vst v63  }
0x549: {  	s12 =	simm.s32 $0x8C00  }
0x54a: {  	[tilespmem:s12], [sflag:$0x1] =	stream.indirect_vreg.gather [hbm4b:s7+s2], $0x80, v5, vm0, $0xb8;
	[tilespmem:$0x1A400] =	vst v63  }
0x54b: {  	s12 =	simm.s32 $0x9400  }
0x54c: {  	[tilespmem:s12], [sflag:$0x1] =	stream.indirect_vreg.gather [hbm4b:s8+s2], $0x80, v5, vm0, $0xb8;
	[tilespmem:$0x1A400] =	vst v63  }
0x54d: {  	s12 =	simm.s32 $0x9C00  }
0x54e: {  	[tilespmem:s12], [sflag:$0x1] =	stream.indirect_vreg.gather [hbm4b:s10+s2], $0x80, v5, vm0, $0xb8;
	[tilespmem:$0x1A400] =	vst v63  }
0x54f: {  	_ =	swait.ge [sflag:s17], $0x8000  }
0x550: {  	[sflag:s17] =	ssyncset.done $0x0  }
0x551: {  	s12 =	rddreg [dreg:$0x1c];
	[sflag:s17] =	ssyncadd.s32 $0xFFFF8000  }
0x552: {  	[hbm4b:s12+s2] =	stream.linear.scatter [tilespmem:s14], [sflag:$0x6], $0x8000, $0x38;
	[tilespmem:$0x1A400] =	vst v63  }
0x553: {  	v5 =	vld [tilespmem:$0x2C0];
	_ =	sdelay $0x4  }
0x554: {  	vm1 =	vne.s32 v5, $0x0  }
0x555: {  	v41 =	vld [tilespmem:$0x2D0];
	v5 =	vsel vm1, $0x1, v0  }
0x556: {  	(xrf0) =	vadd.scan.msk.s32 $0xffff, v5;
	_ =	sdelay $0x3  }
0x557: {  	vm2 =	vne.s32 v41, $0x0  }
0x558: {  	v4 =	vbroadcast v4, $0xF;
	v5 =	vsel vm2, $0x1, v0  }
0x559: {  	v42, _, _ =	vpop (xrf0);
	(xrf0) =	vadd.scan.msk.s32 $0xffff, v5  }
0x55a: {  	v4 =	vadd.s32 v4, v42  }
0x55b: {  	v5 =	vnsel vm1, $0x0, v4  }
0x55c: {  	v43 =	vshll.u32 v5, $0x3  }
0x55d: {  	v44 =	vand.u32 $0x7, v5;
	v6 =	vand.u32 $0xFFFFFFC0, v43  }
0x55e: {  	v4 =	vbroadcast v4, $0xF;
	v6 =	vor.u32 v44, v6  }
0x55f: {  	v45, _, _ =	vpop (xrf0);
	v46 =	vperm.xlane v6, v1  }
0x560: {  	v4 =	vadd.s32 v4, v45  }
0x561: {  	[tilespmem:$0x22C0] =	vst v5;
	v5 =	vnsel vm2, $0x0, v4;
	v47 =	vadd.s32 v2, v46  }
0x562: {  	[tilespmem:$0x22D0] =	vst v5  }
0x563: {  	_ =	swait.ge [sflag:s4], $0x8000  }
0x564: {  	[sflag:s4] =	ssyncset.done $0x0  }
0x565: {  	[sflag:s4] =	ssyncadd.s32 $0xFFFF8000  }
0x566: {  	[tilespmem:s9], [sflag:$0x2] =	stream.indirect_vreg.gather [hbm4b:s1+s2], $0x80, v47, vm0, $0xb8;
	[tilespmem:$0x1A400] =	vst v63  }
0x567: {  	s3 =	simm.s32 $0xAC00;
	v5 =	vperm.xlane v6, v3  }
0x568: {  	[tilespmem:s3], [sflag:$0x2] =	stream.indirect_vreg.gather [hbm4b:s7+s2], $0x80, v47, vm0, $0xb8;
	[tilespmem:$0x1A400] =	vst v63  }
0x569: {  	s11 =	simm.s32 $0xB400;
	v5 =	vadd.s32 v2, v5  }
0x56a: {  	[tilespmem:s11], [sflag:$0x2] =	stream.indirect_vreg.gather [hbm4b:s8+s2], $0x80, v47, vm0, $0xb8;
	[tilespmem:$0x1A400] =	vst v63  }
0x56b: {  	s16 =	simm.s32 $0xBC00  }
0x56c: {  	[tilespmem:s16], [sflag:$0x2] =	stream.indirect_vreg.gather [hbm4b:s10+s2], $0x80, v47, vm0, $0xb8;
	[tilespmem:$0x1A400] =	vst v63  }
0x56d: {  	s21 =	simm.s32 $0xC400  }
0x56e: {  	[tilespmem:s21], [sflag:$0x2] =	stream.indirect_vreg.gather [hbm4b:s1+s2], $0x80, v5, vm0, $0xb8;
	[tilespmem:$0x1A400] =	vst v63  }
0x56f: {  	s12 =	simm.s32 $0xCC00  }
0x570: {  	[tilespmem:s12], [sflag:$0x2] =	stream.indirect_vreg.gather [hbm4b:s7+s2], $0x80, v5, vm0, $0xb8;
	[tilespmem:$0x1A400] =	vst v63  }
0x571: {  	s12 =	simm.s32 $0xD400  }
0x572: {  	[tilespmem:s12], [sflag:$0x2] =	stream.indirect_vreg.gather [hbm4b:s8+s2], $0x80, v5, vm0, $0xb8;
	[tilespmem:$0x1A400] =	vst v63  }
0x573: {  	s12 =	simm.s32 $0xDC00  }
0x574: {  	[tilespmem:s12], [sflag:$0x2] =	stream.indirect_vreg.gather [hbm4b:s10+s2], $0x80, v5, vm0, $0xb8;
	[tilespmem:$0x1A400] =	vst v63  }
0x575: {  	v5 =	vld [tilespmem:$0x22D0];
	_ =	sdelay $0x4  }
0x576: {  	v48 =	vshll.u32 v5, $0x3  }
0x577: {  	v5 =	vand.u32 $0x7, v5;
	v6 =	vand.u32 $0xFFFFFFC0, v48  }
0x578: {  	v5 =	vor.u32 v5, v6  }
0x579: {  	v6 =	vperm.xlane v5, v1;
	_ =	sdelay $0x1  }
0x57a: {  	v6 =	vadd.s32 v2, v6;
	_ =	sdelay $0x3  }
0x57b: {  	s12 =	simm.s32 $0xE400  }
0x57c: {  	[tilespmem:s12], [sflag:$0x2] =	stream.indirect_vreg.gather [hbm4b:s1+s2], $0x80, v6, vm0, $0xb8;
	[tilespmem:$0x1A400] =	vst v63  }
0x57d: {  	v5 =	vperm.xlane v5, v3;
	s12 =	simm.s32 $0xEC00  }
0x57e: {  	[tilespmem:s12], [sflag:$0x2] =	stream.indirect_vreg.gather [hbm4b:s7+s2], $0x80, v6, vm0, $0xb8;
	[tilespmem:$0x1A400] =	vst v63  }
0x57f: {  	v5 =	vadd.s32 v2, v5;
	s12 =	simm.s32 $0xF400  }
0x580: {  	[tilespmem:s12], [sflag:$0x2] =	stream.indirect_vreg.gather [hbm4b:s8+s2], $0x80, v6, vm0, $0xb8;
	[tilespmem:$0x1A400] =	vst v63  }
0x581: {  	s18 =	simm.s32 $0xFC00  }
0x582: {  	[tilespmem:s18], [sflag:$0x2] =	stream.indirect_vreg.gather [hbm4b:s10+s2], $0x80, v6, vm0, $0xb8;
	[tilespmem:$0x1A400] =	vst v63  }
0x583: {  	s22 =	simm.s32 $0x10400  }
0x584: {  	[tilespmem:s22], [sflag:$0x2] =	stream.indirect_vreg.gather [hbm4b:s1+s2], $0x80, v5, vm0, $0xb8;
	[tilespmem:$0x1A400] =	vst v63  }
0x585: {  	s23 =	simm.s32 $0x10C00  }
0x586: {  	[tilespmem:s23], [sflag:$0x2] =	stream.indirect_vreg.gather [hbm4b:s7+s2], $0x80, v5, vm0, $0xb8;
	[tilespmem:$0x1A400] =	vst v63  }
0x587: {  	s24 =	simm.s32 $0x11400  }
0x588: {  	[tilespmem:s24], [sflag:$0x2] =	stream.indirect_vreg.gather [hbm4b:s8+s2], $0x80, v5, vm0, $0xb8;
	[tilespmem:$0x1A400] =	vst v63  }
0x589: {  	s12 =	simm.s32 $0x11C00  }
0x58a: {  	[tilespmem:s12], [sflag:$0x2] =	stream.indirect_vreg.gather [hbm4b:s10+s2], $0x80, v5, vm0, $0xb8;
	[tilespmem:$0x1A400] =	vst v63  }
0x58b: {  	_ =	swait.ge [sflag:s20], $0x8000  }
0x58c: {  	[sflag:s20] =	ssyncset.done $0x0  }
0x58d: {  	s12 =	rddreg [dreg:$0x1d];
	[sflag:s20] =	ssyncadd.s32 $0xFFFF8000  }
0x58e: {  	[hbm4b:s12+s2] =	stream.linear.scatter [tilespmem:s6], [sflag:$0x4], $0x8000, $0x38;
	[tilespmem:$0x1A400] =	vst v63  }
0x58f: {  	v5 =	vld [tilespmem:$0x2E0];
	_ =	sdelay $0x4  }
0x590: {  	vm1 =	vne.s32 v5, $0x0  }
0x591: {  	v49 =	vld [tilespmem:$0x2F0];
	v5 =	vsel vm1, $0x1, v0  }
0x592: {  	(xrf0) =	vadd.scan.msk.s32 $0xffff, v5;
	_ =	sdelay $0x3  }
0x593: {  	vm2 =	vne.s32 v49, $0x0  }
0x594: {  	v4 =	vbroadcast v4, $0xF;
	v5 =	vsel vm2, $0x1, v0  }
0x595: {  	v50, _, _ =	vpop (xrf0);
	(xrf0) =	vadd.scan.msk.s32 $0xffff, v5  }
0x596: {  	v4 =	vadd.s32 v4, v50  }
0x597: {  	v5 =	vnsel vm1, $0x0, v4  }
0x598: {  	v51 =	vshll.u32 v5, $0x3  }
0x599: {  	v52 =	vand.u32 $0x7, v5;
	v6 =	vand.u32 $0xFFFFFFC0, v51  }
0x59a: {  	v4 =	vbroadcast v4, $0xF;
	v6 =	vor.u32 v52, v6  }
0x59b: {  	v53, _, _ =	vpop (xrf0);
	v54 =	vperm.xlane v6, v1  }
0x59c: {  	v4 =	vadd.s32 v4, v53  }
0x59d: {  	[tilespmem:$0x22E0] =	vst v5;
	v5 =	vnsel vm2, $0x0, v4;
	v55 =	vadd.s32 v2, v54  }
0x59e: {  	[tilespmem:$0x22F0] =	vst v5  }
0x59f: {  	_ =	swait.ge [sflag:s5], $0x8000  }
0x5a0: {  	[sflag:s5] =	ssyncset.done $0x0  }
0x5a1: {  	[sflag:s5] =	ssyncadd.s32 $0xFFFF8000  }
0x5a2: {  	[tilespmem:s14], [sflag:$0x3] =	stream.indirect_vreg.gather [hbm4b:s1+s2], $0x80, v55, vm0, $0xb8;
	[tilespmem:$0x1A400] =	vst v63  }
0x5a3: {  	s12 =	simm.s32 $0x12C00;
	v5 =	vperm.xlane v6, v3  }
0x5a4: {  	[tilespmem:s12], [sflag:$0x3] =	stream.indirect_vreg.gather [hbm4b:s7+s2], $0x80, v55, vm0, $0xb8;
	[tilespmem:$0x1A400] =	vst v63  }
0x5a5: {  	s15 =	simm.s32 $0x13400;
	v5 =	vadd.s32 v2, v5  }
0x5a6: {  	[tilespmem:s15], [sflag:$0x3] =	stream.indirect_vreg.gather [hbm4b:s8+s2], $0x80, v55, vm0, $0xb8;
	[tilespmem:$0x1A400] =	vst v63  }
0x5a7: {  	s29 =	simm.s32 $0x13C00  }
0x5a8: {  	[tilespmem:s29], [sflag:$0x3] =	stream.indirect_vreg.gather [hbm4b:s10+s2], $0x80, v55, vm0, $0xb8;
	[tilespmem:$0x1A400] =	vst v63  }
0x5a9: {  	s13 =	simm.s32 $0x14400  }
0x5aa: {  	[tilespmem:s13], [sflag:$0x3] =	stream.indirect_vreg.gather [hbm4b:s1+s2], $0x80, v5, vm0, $0xb8;
	[tilespmem:$0x1A400] =	vst v63  }
0x5ab: {  	s30 =	simm.s32 $0x14C00  }
0x5ac: {  	[tilespmem:s30], [sflag:$0x3] =	stream.indirect_vreg.gather [hbm4b:s7+s2], $0x80, v5, vm0, $0xb8;
	[tilespmem:$0x1A400] =	vst v63  }
0x5ad: {  	s13 =	simm.s32 $0x15400  }
0x5ae: {  	[tilespmem:s13], [sflag:$0x3] =	stream.indirect_vreg.gather [hbm4b:s8+s2], $0x80, v5, vm0, $0xb8;
	[tilespmem:$0x1A400] =	vst v63  }
0x5af: {  	s13 =	simm.s32 $0x15C00  }
0x5b0: {  	[tilespmem:s13], [sflag:$0x3] =	stream.indirect_vreg.gather [hbm4b:s10+s2], $0x80, v5, vm0, $0xb8;
	[tilespmem:$0x1A400] =	vst v63  }
0x5b1: {  	v5 =	vld [tilespmem:$0x22F0];
	_ =	sdelay $0x4  }
0x5b2: {  	v56 =	vshll.u32 v5, $0x3  }
0x5b3: {  	v5 =	vand.u32 $0x7, v5;
	v6 =	vand.u32 $0xFFFFFFC0, v56  }
0x5b4: {  	v5 =	vor.u32 v5, v6  }
0x5b5: {  	v6 =	vperm.xlane v5, v1;
	_ =	sdelay $0x1  }
0x5b6: {  	v6 =	vadd.s32 v2, v6;
	_ =	sdelay $0x3  }
0x5b7: {  	s13 =	simm.s32 $0x16400  }
0x5b8: {  	[tilespmem:s13], [sflag:$0x3] =	stream.indirect_vreg.gather [hbm4b:s1+s2], $0x80, v6, vm0, $0xb8;
	[tilespmem:$0x1A400] =	vst v63  }
0x5b9: {  	v5 =	vperm.xlane v5, v3;
	s13 =	simm.s32 $0x16C00  }
0x5ba: {  	[tilespmem:s13], [sflag:$0x3] =	stream.indirect_vreg.gather [hbm4b:s7+s2], $0x80, v6, vm0, $0xb8;
	[tilespmem:$0x1A400] =	vst v63  }
0x5bb: {  	v5 =	vadd.s32 v2, v5;
	s13 =	simm.s32 $0x17400  }
0x5bc: {  	[tilespmem:s13], [sflag:$0x3] =	stream.indirect_vreg.gather [hbm4b:s8+s2], $0x80, v6, vm0, $0xb8;
	[tilespmem:$0x1A400] =	vst v63  }
0x5bd: {  	s13 =	simm.s32 $0x17C00  }
0x5be: {  	[tilespmem:s13], [sflag:$0x3] =	stream.indirect_vreg.gather [hbm4b:s10+s2], $0x80, v6, vm0, $0xb8;
	[tilespmem:$0x1A400] =	vst v63  }
0x5bf: {  	s13 =	simm.s32 $0x18400  }
0x5c0: {  	[tilespmem:s13], [sflag:$0x3] =	stream.indirect_vreg.gather [hbm4b:s1+s2], $0x80, v5, vm0, $0xb8;
	[tilespmem:$0x1A400] =	vst v63  }
0x5c1: {  	s13 =	simm.s32 $0x18C00  }
0x5c2: {  	[tilespmem:s13], [sflag:$0x3] =	stream.indirect_vreg.gather [hbm4b:s7+s2], $0x80, v5, vm0, $0xb8;
	[tilespmem:$0x1A400] =	vst v63  }
0x5c3: {  	s13 =	simm.s32 $0x19400  }
0x5c4: {  	[tilespmem:s13], [sflag:$0x3] =	stream.indirect_vreg.gather [hbm4b:s8+s2], $0x80, v5, vm0, $0xb8;
	[tilespmem:$0x1A400] =	vst v63  }
0x5c5: {  	s13 =	simm.s32 $0x19C00  }
0x5c6: {  	[tilespmem:s13], [sflag:$0x3] =	stream.indirect_vreg.gather [hbm4b:s10+s2], $0x80, v5, vm0, $0xb8;
	[tilespmem:$0x1A400] =	vst v63  }
0x5c7: {  	_ =	swait.ge [sflag:s0], $0x8000  }
0x5c8: {  	[sflag:s0] =	ssyncset.done $0x0  }
0x5c9: {  	s13 =	rddreg [dreg:$0x1e];
	[sflag:s0] =	ssyncadd.s32 $0xFFFF8000  }
0x5ca: {  	[hbm4b:s13+s2] =	stream.linear.scatter [tilespmem:s9], [sflag:$0x5], $0x8000, $0x38;
	[tilespmem:$0x1A400] =	vst v63  }
0x5cb: {  	v5 =	vld [tilespmem:$0x300];
	_ =	sdelay $0x4  }
0x5cc: {  	vm1 =	vne.s32 v5, $0x0  }
0x5cd: {  	v57 =	vld [tilespmem:$0x310];
	v5 =	vsel vm1, $0x1, v0  }
0x5ce: {  	(xrf0) =	vadd.scan.msk.s32 $0xffff, v5;
	_ =	sdelay $0x3  }
0x5cf: {  	vm2 =	vne.s32 v57, $0x0  }
0x5d0: {  	v4 =	vbroadcast v4, $0xF;
	v5 =	vsel vm2, $0x1, v0  }
0x5d1: {  	v58, _, _ =	vpop (xrf0);
	(xrf0) =	vadd.scan.msk.s32 $0xffff, v5  }
0x5d2: {  	v4 =	vadd.s32 v4, v58  }
0x5d3: {  	v5 =	vnsel vm1, $0x0, v4  }
0x5d4: {  	v59 =	vshll.u32 v5, $0x3  }
0x5d5: {  	v60 =	vand.u32 $0x7, v5;
	v6 =	vand.u32 $0xFFFFFFC0, v59  }
0x5d6: {  	v4 =	vbroadcast v4, $0xF;
	v6 =	vor.u32 v60, v6  }
0x5d7: {  	v61, _, _ =	vpop (xrf0);
	v62 =	vperm.xlane v6, v1  }
0x5d8: {  	v4 =	vadd.s32 v4, v61  }
0x5d9: {  	[tilespmem:$0x2300] =	vst v5;
	v5 =	vnsel vm2, $0x0, v4;
	v63 =	vadd.s32 v2, v62  }
0x5da: {  	[tilespmem:$0x2310] =	vst v5  }
0x5db: {  	_ =	swait.ge [sflag:s19], $0x8000  }
0x5dc: {  	[sflag:s19] =	ssyncset.done $0x0  }
0x5dd: {  	[sflag:s19] =	ssyncadd.s32 $0xFFFF8000  }
0x5de: {  	[tilespmem:s6], [sflag:$0x1] =	stream.indirect_vreg.gather [hbm4b:s1+s2], $0x80, v63, vm0, $0xb8;
	[tilespmem:$0x1A400] =	vst v63  }
0x5df: {  	s13 =	simm.s32 $0x2C00;
	v5 =	vperm.xlane v6, v3  }
0x5e0: {  	[tilespmem:s13], [sflag:$0x1] =	stream.indirect_vreg.gather [hbm4b:s7+s2], $0x80, v63, vm0, $0xb8;
	[tilespmem:$0x1A400] =	vst v63  }
0x5e1: {  	v5 =	vadd.s32 v2, v5;
	s13 =	simm.s32 $0x3400  }
0x5e2: {  	[tilespmem:s13], [sflag:$0x1] =	stream.indirect_vreg.gather [hbm4b:s8+s2], $0x80, v63, vm0, $0xb8;
	[tilespmem:$0x1A400] =	vst v63  }
0x5e3: {  	s31 =	simm.s32 $0x3C00  }
0x5e4: {  	[tilespmem:s31], [sflag:$0x1] =	stream.indirect_vreg.gather [hbm4b:s10+s2], $0x80, v63, vm0, $0xb8;
	[tilespmem:$0x1A400] =	vst v63  }
0x5e5: {  	s13 =	simm.s32 $0x4400  }
0x5e6: {  	[tilespmem:s13], [sflag:$0x1] =	stream.indirect_vreg.gather [hbm4b:s1+s2], $0x80, v5, vm0, $0xb8;
	[tilespmem:$0x1A400] =	vst v63  }
0x5e7: {  	s13 =	simm.s32 $0x4C00  }
0x5e8: {  	[tilespmem:s13], [sflag:$0x1] =	stream.indirect_vreg.gather [hbm4b:s7+s2], $0x80, v5, vm0, $0xb8;
	[tilespmem:$0x1A400] =	vst v63  }
0x5e9: {  	s13 =	simm.s32 $0x5400  }
0x5ea: {  	[tilespmem:s13], [sflag:$0x1] =	stream.indirect_vreg.gather [hbm4b:s8+s2], $0x80, v5, vm0, $0xb8;
	[tilespmem:$0x1A400] =	vst v63  }
0x5eb: {  	s13 =	simm.s32 $0x5C00  }
0x5ec: {  	[tilespmem:s13], [sflag:$0x1] =	stream.indirect_vreg.gather [hbm4b:s10+s2], $0x80, v5, vm0, $0xb8;
	[tilespmem:$0x1A400] =	vst v63  }
0x5ed: {  	v5 =	vld [tilespmem:$0x2310];
	_ =	sdelay $0x4  }
0x5ee: {  	v9 =	vshll.u32 v5, $0x3  }
0x5ef: {  	v5 =	vand.u32 $0x7, v5;
	v6 =	vand.u32 $0xFFFFFFC0, v9  }
0x5f0: {  	v5 =	vor.u32 v5, v6  }
0x5f1: {  	v6 =	vperm.xlane v5, v1;
	_ =	sdelay $0x1  }
0x5f2: {  	v6 =	vadd.s32 v2, v6;
	_ =	sdelay $0x3  }
0x5f3: {  	s13 =	simm.s32 $0x6400  }
0x5f4: {  	[tilespmem:s13], [sflag:$0x1] =	stream.indirect_vreg.gather [hbm4b:s1+s2], $0x80, v6, vm0, $0xb8;
	[tilespmem:$0x1A400] =	vst v63  }
0x5f5: {  	v5 =	vperm.xlane v5, v3;
	s13 =	simm.s32 $0x6C00  }
0x5f6: {  	[tilespmem:s13], [sflag:$0x1] =	stream.indirect_vreg.gather [hbm4b:s7+s2], $0x80, v6, vm0, $0xb8;
	[tilespmem:$0x1A400] =	vst v63  }
0x5f7: {  	s26 =	simm.s32 $0x7400;
	v5 =	vadd.s32 v2, v5  }
0x5f8: {  	[tilespmem:s26], [sflag:$0x1] =	stream.indirect_vreg.gather [hbm4b:s8+s2], $0x80, v6, vm0, $0xb8;
	[tilespmem:$0x1A400] =	vst v63  }
0x5f9: {  	s28 =	simm.s32 $0x7C00  }
0x5fa: {  	[tilespmem:s28], [sflag:$0x1] =	stream.indirect_vreg.gather [hbm4b:s10+s2], $0x80, v6, vm0, $0xb8;
	[tilespmem:$0x1A400] =	vst v63  }
0x5fb: {  	s25 =	simm.s32 $0x8400  }
0x5fc: {  	[tilespmem:s25], [sflag:$0x1] =	stream.indirect_vreg.gather [hbm4b:s1+s2], $0x80, v5, vm0, $0xb8;
	[tilespmem:$0x1A400] =	vst v63  }
0x5fd: {  	s26 =	simm.s32 $0x8C00  }
0x5fe: {  	[tilespmem:s26], [sflag:$0x1] =	stream.indirect_vreg.gather [hbm4b:s7+s2], $0x80, v5, vm0, $0xb8;
	[tilespmem:$0x1A400] =	vst v63  }
0x5ff: {  	s28 =	simm.s32 $0x9400  }
0x600: {  	[tilespmem:s28], [sflag:$0x1] =	stream.indirect_vreg.gather [hbm4b:s8+s2], $0x80, v5, vm0, $0xb8;
	[tilespmem:$0x1A400] =	vst v63  }
0x601: {  	s13 =	simm.s32 $0x9C00  }
0x602: {  	[tilespmem:s13], [sflag:$0x1] =	stream.indirect_vreg.gather [hbm4b:s10+s2], $0x80, v5, vm0, $0xb8;
	[tilespmem:$0x1A400] =	vst v63  }
0x603: {  	_ =	swait.ge [sflag:s17], $0x8000  }
0x604: {  	[sflag:s17] =	ssyncset.done $0x0  }
0x605: {  	s25 =	rddreg [dreg:$0x1f];
	[sflag:s17] =	ssyncadd.s32 $0xFFFF8000  }
0x606: {  	[hbm4b:s25+s2] =	stream.linear.scatter [tilespmem:s14], [sflag:$0x6], $0x8000, $0x38;
	[tilespmem:$0x1A400] =	vst v63  }
0x607: {  	v5 =	vld [tilespmem:$0x320];
	_ =	sdelay $0x4  }
0x608: {  	vm1 =	vne.s32 v5, $0x0  }
0x609: {  	v10 =	vld [tilespmem:$0x330];
	v5 =	vsel vm1, $0x1, v0  }
0x60a: {  	(xrf0) =	vadd.scan.msk.s32 $0xffff, v5;
	_ =	sdelay $0x3  }
0x60b: {  	vm2 =	vne.s32 v10, $0x0  }
0x60c: {  	v4 =	vbroadcast v4, $0xF;
	v5 =	vsel vm2, $0x1, v0  }
0x60d: {  	v11, _, _ =	vpop (xrf0);
	(xrf0) =	vadd.scan.msk.s32 $0xffff, v5  }
0x60e: {  	v4 =	vadd.s32 v4, v11  }
0x60f: {  	v5 =	vnsel vm1, $0x0, v4  }
0x610: {  	v12 =	vshll.u32 v5, $0x3  }
0x611: {  	v13 =	vand.u32 $0x7, v5;
	v6 =	vand.u32 $0xFFFFFFC0, v12  }
0x612: {  	v4 =	vbroadcast v4, $0xF;
	v6 =	vor.u32 v13, v6  }
0x613: {  	v14, _, _ =	vpop (xrf0);
	v15 =	vperm.xlane v6, v1  }
0x614: {  	v4 =	vadd.s32 v4, v14  }
0x615: {  	[tilespmem:$0x2320] =	vst v5;
	v5 =	vnsel vm2, $0x0, v4;
	v16 =	vadd.s32 v2, v15  }
0x616: {  	[tilespmem:$0x2330] =	vst v5  }
0x617: {  	_ =	swait.ge [sflag:s4], $0x8000  }
0x618: {  	[sflag:s4] =	ssyncset.done $0x0  }
0x619: {  	[sflag:s4] =	ssyncadd.s32 $0xFFFF8000  }
0x61a: {  	[tilespmem:s9], [sflag:$0x2] =	stream.indirect_vreg.gather [hbm4b:s1+s2], $0x80, v16, vm0, $0xb8;
	[tilespmem:$0x1A400] =	vst v63  }
0x61b: {  	s3 =	simm.s32 $0xAC00;
	v5 =	vperm.xlane v6, v3  }
0x61c: {  	[tilespmem:s3], [sflag:$0x2] =	stream.indirect_vreg.gather [hbm4b:s7+s2], $0x80, v16, vm0, $0xb8;
	[tilespmem:$0x1A400] =	vst v63  }
0x61d: {  	s11 =	simm.s32 $0xB400;
	v5 =	vadd.s32 v2, v5  }
0x61e: {  	[tilespmem:s11], [sflag:$0x2] =	stream.indirect_vreg.gather [hbm4b:s8+s2], $0x80, v16, vm0, $0xb8;
	[tilespmem:$0x1A400] =	vst v63  }
0x61f: {  	s16 =	simm.s32 $0xBC00  }
0x620: {  	[tilespmem:s16], [sflag:$0x2] =	stream.indirect_vreg.gather [hbm4b:s10+s2], $0x80, v16, vm0, $0xb8;
	[tilespmem:$0x1A400] =	vst v63  }
0x621: {  	s21 =	simm.s32 $0xC400  }
0x622: {  	[tilespmem:s21], [sflag:$0x2] =	stream.indirect_vreg.gather [hbm4b:s1+s2], $0x80, v5, vm0, $0xb8;
	[tilespmem:$0x1A400] =	vst v63  }
0x623: {  	s26 =	simm.s32 $0xCC00  }
0x624: {  	[tilespmem:s26], [sflag:$0x2] =	stream.indirect_vreg.gather [hbm4b:s7+s2], $0x80, v5, vm0, $0xb8;
	[tilespmem:$0x1A400] =	vst v63  }
0x625: {  	s28 =	simm.s32 $0xD400  }
0x626: {  	[tilespmem:s28], [sflag:$0x2] =	stream.indirect_vreg.gather [hbm4b:s8+s2], $0x80, v5, vm0, $0xb8;
	[tilespmem:$0x1A400] =	vst v63  }
0x627: {  	s11 =	simm.s32 $0xDC00  }
0x628: {  	[tilespmem:s11], [sflag:$0x2] =	stream.indirect_vreg.gather [hbm4b:s10+s2], $0x80, v5, vm0, $0xb8;
	[tilespmem:$0x1A400] =	vst v63  }
0x629: {  	v5 =	vld [tilespmem:$0x2330];
	_ =	sdelay $0x4  }
0x62a: {  	v17 =	vshll.u32 v5, $0x3  }
0x62b: {  	v5 =	vand.u32 $0x7, v5;
	v6 =	vand.u32 $0xFFFFFFC0, v17  }
0x62c: {  	v5 =	vor.u32 v5, v6  }
0x62d: {  	v6 =	vperm.xlane v5, v1;
	_ =	sdelay $0x1  }
0x62e: {  	v6 =	vadd.s32 v2, v6;
	_ =	sdelay $0x3  }
0x62f: {  	s12 =	simm.s32 $0xE400  }
0x630: {  	[tilespmem:s12], [sflag:$0x2] =	stream.indirect_vreg.gather [hbm4b:s1+s2], $0x80, v6, vm0, $0xb8;
	[tilespmem:$0x1A400] =	vst v63  }
0x631: {  	s16 =	simm.s32 $0xEC00;
	v5 =	vperm.xlane v5, v3  }
0x632: {  	[tilespmem:s16], [sflag:$0x2] =	stream.indirect_vreg.gather [hbm4b:s7+s2], $0x80, v6, vm0, $0xb8;
	[tilespmem:$0x1A400] =	vst v63  }
0x633: {  	s21 =	simm.s32 $0xF400;
	v5 =	vadd.s32 v2, v5  }
0x634: {  	[tilespmem:s21], [sflag:$0x2] =	stream.indirect_vreg.gather [hbm4b:s8+s2], $0x80, v6, vm0, $0xb8;
	[tilespmem:$0x1A400] =	vst v63  }
0x635: {  	s18 =	simm.s32 $0xFC00  }
0x636: {  	[tilespmem:s18], [sflag:$0x2] =	stream.indirect_vreg.gather [hbm4b:s10+s2], $0x80, v6, vm0, $0xb8;
	[tilespmem:$0x1A400] =	vst v63  }
0x637: {  	s22 =	simm.s32 $0x10400  }
0x638: {  	[tilespmem:s22], [sflag:$0x2] =	stream.indirect_vreg.gather [hbm4b:s1+s2], $0x80, v5, vm0, $0xb8;
	[tilespmem:$0x1A400] =	vst v63  }
0x639: {  	s23 =	simm.s32 $0x10C00  }
0x63a: {  	[tilespmem:s23], [sflag:$0x2] =	stream.indirect_vreg.gather [hbm4b:s7+s2], $0x80, v5, vm0, $0xb8;
	[tilespmem:$0x1A400] =	vst v63  }
0x63b: {  	s24 =	simm.s32 $0x11400  }
0x63c: {  	[tilespmem:s24], [sflag:$0x2] =	stream.indirect_vreg.gather [hbm4b:s8+s2], $0x80, v5, vm0, $0xb8;
	[tilespmem:$0x1A400] =	vst v63  }
0x63d: {  	s25 =	simm.s32 $0x11C00  }
0x63e: {  	[tilespmem:s25], [sflag:$0x2] =	stream.indirect_vreg.gather [hbm4b:s10+s2], $0x80, v5, vm0, $0xb8;
	[tilespmem:$0x1A400] =	vst v63  }
0x63f: {  	_ =	swait.ge [sflag:s20], $0x8000  }
0x640: {  	s26 =	sld [smem:$0x7F6]  }
0x641: {  	[sflag:s20] =	ssyncset.done $0x0  }
0x642: {  	[sflag:s20] =	ssyncadd.s32 $0xFFFF8000  }
0x643: {  	[hbm4b:s26+s2] =	stream.linear.scatter [tilespmem:s6], [sflag:$0x4], $0x8000, $0x38;
	[tilespmem:$0x1A400] =	vst v63  }
0x644: {  	v5 =	vld [tilespmem:$0x340];
	_ =	sdelay $0x4  }
0x645: {  	vm1 =	vne.s32 v5, $0x0  }
0x646: {  	v18 =	vld [tilespmem:$0x350];
	v5 =	vsel vm1, $0x1, v0  }
0x647: {  	(xrf0) =	vadd.scan.msk.s32 $0xffff, v5;
	_ =	sdelay $0x3  }
0x648: {  	vm2 =	vne.s32 v18, $0x0  }
0x649: {  	v4 =	vbroadcast v4, $0xF;
	v5 =	vsel vm2, $0x1, v0  }
0x64a: {  	v19, _, _ =	vpop (xrf0);
	(xrf0) =	vadd.scan.msk.s32 $0xffff, v5  }
0x64b: {  	v4 =	vadd.s32 v4, v19  }
0x64c: {  	v5 =	vnsel vm1, $0x0, v4  }
0x64d: {  	v20 =	vshll.u32 v5, $0x3  }
0x64e: {  	v21 =	vand.u32 $0x7, v5;
	v6 =	vand.u32 $0xFFFFFFC0, v20  }
0x64f: {  	v4 =	vbroadcast v4, $0xF;
	v6 =	vor.u32 v21, v6  }
0x650: {  	v22, _, _ =	vpop (xrf0);
	v23 =	vperm.xlane v6, v1  }
0x651: {  	v4 =	vadd.s32 v4, v22  }
0x652: {  	[tilespmem:$0x2340] =	vst v5;
	v5 =	vnsel vm2, $0x0, v4;
	v24 =	vadd.s32 v2, v23  }
0x653: {  	[tilespmem:$0x2350] =	vst v5  }
0x654: {  	_ =	swait.ge [sflag:s5], $0x8000  }
0x655: {  	[sflag:s5] =	ssyncset.done $0x0  }
0x656: {  	[sflag:s5] =	ssyncadd.s32 $0xFFFF8000  }
0x657: {  	[tilespmem:s14], [sflag:$0x3] =	stream.indirect_vreg.gather [hbm4b:s1+s2], $0x80, v24, vm0, $0xb8;
	[tilespmem:$0x1A400] =	vst v63  }
0x658: {  	s28 =	simm.s32 $0x12C00;
	v5 =	vperm.xlane v6, v3  }
0x659: {  	[tilespmem:s28], [sflag:$0x3] =	stream.indirect_vreg.gather [hbm4b:s7+s2], $0x80, v24, vm0, $0xb8;
	[tilespmem:$0x1A400] =	vst v63  }
0x65a: {  	s15 =	simm.s32 $0x13400;
	v5 =	vadd.s32 v2, v5  }
0x65b: {  	[tilespmem:s15], [sflag:$0x3] =	stream.indirect_vreg.gather [hbm4b:s8+s2], $0x80, v24, vm0, $0xb8;
	[tilespmem:$0x1A400] =	vst v63  }
0x65c: {  	s29 =	simm.s32 $0x13C00  }
0x65d: {  	[tilespmem:s29], [sflag:$0x3] =	stream.indirect_vreg.gather [hbm4b:s10+s2], $0x80, v24, vm0, $0xb8;
	[tilespmem:$0x1A400] =	vst v63  }
0x65e: {  	s29 =	simm.s32 $0x14400  }
0x65f: {  	[tilespmem:s29], [sflag:$0x3] =	stream.indirect_vreg.gather [hbm4b:s1+s2], $0x80, v5, vm0, $0xb8;
	[tilespmem:$0x1A400] =	vst v63  }
0x660: {  	s30 =	simm.s32 $0x14C00  }
0x661: {  	[tilespmem:s30], [sflag:$0x3] =	stream.indirect_vreg.gather [hbm4b:s7+s2], $0x80, v5, vm0, $0xb8;
	[tilespmem:$0x1A400] =	vst v63  }
0x662: {  	s15 =	simm.s32 $0x15400  }
0x663: {  	[tilespmem:s15], [sflag:$0x3] =	stream.indirect_vreg.gather [hbm4b:s8+s2], $0x80, v5, vm0, $0xb8;
	[tilespmem:$0x1A400] =	vst v63  }
0x664: {  	s18 =	simm.s32 $0x15C00  }
0x665: {  	[tilespmem:s18], [sflag:$0x3] =	stream.indirect_vreg.gather [hbm4b:s10+s2], $0x80, v5, vm0, $0xb8;
	[tilespmem:$0x1A400] =	vst v63  }
0x666: {  	v5 =	vld [tilespmem:$0x2350];
	_ =	sdelay $0x4  }
0x667: {  	v25 =	vshll.u32 v5, $0x3  }
0x668: {  	v5 =	vand.u32 $0x7, v5;
	v6 =	vand.u32 $0xFFFFFFC0, v25  }
0x669: {  	v5 =	vor.u32 v5, v6  }
0x66a: {  	v6 =	vperm.xlane v5, v1;
	_ =	sdelay $0x1  }
0x66b: {  	v6 =	vadd.s32 v2, v6;
	_ =	sdelay $0x3  }
0x66c: {  	s21 =	simm.s32 $0x16400  }
0x66d: {  	[tilespmem:s21], [sflag:$0x3] =	stream.indirect_vreg.gather [hbm4b:s1+s2], $0x80, v6, vm0, $0xb8;
	[tilespmem:$0x1A400] =	vst v63  }
0x66e: {  	s22 =	simm.s32 $0x16C00;
	v5 =	vperm.xlane v5, v3  }
0x66f: {  	[tilespmem:s22], [sflag:$0x3] =	stream.indirect_vreg.gather [hbm4b:s7+s2], $0x80, v6, vm0, $0xb8;
	[tilespmem:$0x1A400] =	vst v63  }
0x670: {  	s23 =	simm.s32 $0x17400;
	v5 =	vadd.s32 v2, v5  }
0x671: {  	[tilespmem:s23], [sflag:$0x3] =	stream.indirect_vreg.gather [hbm4b:s8+s2], $0x80, v6, vm0, $0xb8;
	[tilespmem:$0x1A400] =	vst v63  }
0x672: {  	s24 =	simm.s32 $0x17C00  }
0x673: {  	[tilespmem:s24], [sflag:$0x3] =	stream.indirect_vreg.gather [hbm4b:s10+s2], $0x80, v6, vm0, $0xb8;
	[tilespmem:$0x1A400] =	vst v63  }
0x674: {  	s25 =	simm.s32 $0x18400  }
0x675: {  	[tilespmem:s25], [sflag:$0x3] =	stream.indirect_vreg.gather [hbm4b:s1+s2], $0x80, v5, vm0, $0xb8;
	[tilespmem:$0x1A400] =	vst v63  }
0x676: {  	s26 =	simm.s32 $0x18C00  }
0x677: {  	[tilespmem:s26], [sflag:$0x3] =	stream.indirect_vreg.gather [hbm4b:s7+s2], $0x80, v5, vm0, $0xb8;
	[tilespmem:$0x1A400] =	vst v63  }
0x678: {  	s28 =	simm.s32 $0x19400  }
0x679: {  	[tilespmem:s28], [sflag:$0x3] =	stream.indirect_vreg.gather [hbm4b:s8+s2], $0x80, v5, vm0, $0xb8;
	[tilespmem:$0x1A400] =	vst v63  }
0x67a: {  	s15 =	simm.s32 $0x19C00  }
0x67b: {  	[tilespmem:s15], [sflag:$0x3] =	stream.indirect_vreg.gather [hbm4b:s10+s2], $0x80, v5, vm0, $0xb8;
	[tilespmem:$0x1A400] =	vst v63  }
0x67c: {  	_ =	swait.ge [sflag:s0], $0x8000  }
0x67d: {  	s25 =	sld [smem:$0x7F7]  }
0x67e: {  	[sflag:s0] =	ssyncset.done $0x0  }
0x67f: {  	[sflag:s0] =	ssyncadd.s32 $0xFFFF8000  }
0x680: {  	[hbm4b:s25+s2] =	stream.linear.scatter [tilespmem:s9], [sflag:$0x5], $0x8000, $0x38;
	[tilespmem:$0x1A400] =	vst v63  }
0x681: {  	v5 =	vld [tilespmem:$0x360];
	_ =	sdelay $0x4  }
0x682: {  	vm1 =	vne.s32 v5, $0x0  }
0x683: {  	v26 =	vld [tilespmem:$0x370];
	v5 =	vsel vm1, $0x1, v0  }
0x684: {  	(xrf0) =	vadd.scan.msk.s32 $0xffff, v5;
	_ =	sdelay $0x3  }
0x685: {  	vm2 =	vne.s32 v26, $0x0  }
0x686: {  	v4 =	vbroadcast v4, $0xF;
	v5 =	vsel vm2, $0x1, v0  }
0x687: {  	v27, _, _ =	vpop (xrf0);
	(xrf0) =	vadd.scan.msk.s32 $0xffff, v5  }
0x688: {  	v4 =	vadd.s32 v4, v27  }
0x689: {  	v5 =	vnsel vm1, $0x0, v4  }
0x68a: {  	v28 =	vshll.u32 v5, $0x3  }
0x68b: {  	v29 =	vand.u32 $0x7, v5;
	v6 =	vand.u32 $0xFFFFFFC0, v28  }
0x68c: {  	v4 =	vbroadcast v4, $0xF;
	v6 =	vor.u32 v29, v6  }
0x68d: {  	v30, _, _ =	vpop (xrf0);
	v31 =	vperm.xlane v6, v1  }
0x68e: {  	v4 =	vadd.s32 v4, v30  }
0x68f: {  	[tilespmem:$0x2360] =	vst v5;
	v5 =	vnsel vm2, $0x0, v4;
	v32 =	vadd.s32 v2, v31  }
0x690: {  	[tilespmem:$0x2370] =	vst v5  }
0x691: {  	_ =	swait.ge [sflag:s19], $0x8000  }
0x692: {  	[sflag:s19] =	ssyncset.done $0x0  }
0x693: {  	[sflag:s19] =	ssyncadd.s32 $0xFFFF8000  }
0x694: {  	[tilespmem:s6], [sflag:$0x1] =	stream.indirect_vreg.gather [hbm4b:s1+s2], $0x80, v32, vm0, $0xb8;
	[tilespmem:$0x1A400] =	vst v63  }
0x695: {  	s26 =	simm.s32 $0x2C00;
	v5 =	vperm.xlane v6, v3  }
0x696: {  	[tilespmem:s26], [sflag:$0x1] =	stream.indirect_vreg.gather [hbm4b:s7+s2], $0x80, v32, vm0, $0xb8;
	[tilespmem:$0x1A400] =	vst v63  }
0x697: {  	s28 =	simm.s32 $0x3400;
	v5 =	vadd.s32 v2, v5  }
0x698: {  	[tilespmem:s28], [sflag:$0x1] =	stream.indirect_vreg.gather [hbm4b:s8+s2], $0x80, v32, vm0, $0xb8;
	[tilespmem:$0x1A400] =	vst v63  }
0x699: {  	s31 =	simm.s32 $0x3C00  }
0x69a: {  	[tilespmem:s31], [sflag:$0x1] =	stream.indirect_vreg.gather [hbm4b:s10+s2], $0x80, v32, vm0, $0xb8;
	[tilespmem:$0x1A400] =	vst v63  }
0x69b: {  	s15 =	simm.s32 $0x4400  }
0x69c: {  	[tilespmem:s15], [sflag:$0x1] =	stream.indirect_vreg.gather [hbm4b:s1+s2], $0x80, v5, vm0, $0xb8;
	[tilespmem:$0x1A400] =	vst v63  }
0x69d: {  	s28 =	simm.s32 $0x4C00  }
0x69e: {  	[tilespmem:s28], [sflag:$0x1] =	stream.indirect_vreg.gather [hbm4b:s7+s2], $0x80, v5, vm0, $0xb8;
	[tilespmem:$0x1A400] =	vst v63  }
0x69f: {  	s15 =	simm.s32 $0x5400  }
0x6a0: {  	[tilespmem:s15], [sflag:$0x1] =	stream.indirect_vreg.gather [hbm4b:s8+s2], $0x80, v5, vm0, $0xb8;
	[tilespmem:$0x1A400] =	vst v63  }
0x6a1: {  	s15 =	simm.s32 $0x5C00  }
0x6a2: {  	[tilespmem:s15], [sflag:$0x1] =	stream.indirect_vreg.gather [hbm4b:s10+s2], $0x80, v5, vm0, $0xb8;
	[tilespmem:$0x1A400] =	vst v63  }
0x6a3: {  	v5 =	vld [tilespmem:$0x2370];
	_ =	sdelay $0x4  }
0x6a4: {  	v33 =	vshll.u32 v5, $0x3  }
0x6a5: {  	v5 =	vand.u32 $0x7, v5;
	v6 =	vand.u32 $0xFFFFFFC0, v33  }
0x6a6: {  	v5 =	vor.u32 v5, v6  }
0x6a7: {  	v6 =	vperm.xlane v5, v1;
	_ =	sdelay $0x1  }
0x6a8: {  	v6 =	vadd.s32 v2, v6;
	_ =	sdelay $0x3  }
0x6a9: {  	s15 =	simm.s32 $0x6400  }
0x6aa: {  	[tilespmem:s15], [sflag:$0x1] =	stream.indirect_vreg.gather [hbm4b:s1+s2], $0x80, v6, vm0, $0xb8;
	[tilespmem:$0x1A400] =	vst v63  }
0x6ab: {  	v5 =	vperm.xlane v5, v3;
	s15 =	simm.s32 $0x6C00  }
0x6ac: {  	[tilespmem:s15], [sflag:$0x1] =	stream.indirect_vreg.gather [hbm4b:s7+s2], $0x80, v6, vm0, $0xb8;
	[tilespmem:$0x1A400] =	vst v63  }
0x6ad: {  	v5 =	vadd.s32 v2, v5;
	s15 =	simm.s32 $0x7400  }
0x6ae: {  	[tilespmem:s15], [sflag:$0x1] =	stream.indirect_vreg.gather [hbm4b:s8+s2], $0x80, v6, vm0, $0xb8;
	[tilespmem:$0x1A400] =	vst v63  }
0x6af: {  	s15 =	simm.s32 $0x7C00  }
0x6b0: {  	[tilespmem:s15], [sflag:$0x1] =	stream.indirect_vreg.gather [hbm4b:s10+s2], $0x80, v6, vm0, $0xb8;
	[tilespmem:$0x1A400] =	vst v63  }
0x6b1: {  	s15 =	simm.s32 $0x8400  }
0x6b2: {  	[tilespmem:s15], [sflag:$0x1] =	stream.indirect_vreg.gather [hbm4b:s1+s2], $0x80, v5, vm0, $0xb8;
	[tilespmem:$0x1A400] =	vst v63  }
0x6b3: {  	s15 =	simm.s32 $0x8C00  }
0x6b4: {  	[tilespmem:s15], [sflag:$0x1] =	stream.indirect_vreg.gather [hbm4b:s7+s2], $0x80, v5, vm0, $0xb8;
	[tilespmem:$0x1A400] =	vst v63  }
0x6b5: {  	s15 =	simm.s32 $0x9400  }
0x6b6: {  	[tilespmem:s15], [sflag:$0x1] =	stream.indirect_vreg.gather [hbm4b:s8+s2], $0x80, v5, vm0, $0xb8;
	[tilespmem:$0x1A400] =	vst v63  }
0x6b7: {  	s15 =	simm.s32 $0x9C00  }
0x6b8: {  	[tilespmem:s15], [sflag:$0x1] =	stream.indirect_vreg.gather [hbm4b:s10+s2], $0x80, v5, vm0, $0xb8;
	[tilespmem:$0x1A400] =	vst v63  }
0x6b9: {  	_ =	swait.ge [sflag:s17], $0x8000  }
0x6ba: {  	s15 =	sld [smem:$0x7F8]  }
0x6bb: {  	[sflag:s17] =	ssyncset.done $0x0  }
0x6bc: {  	[sflag:s17] =	ssyncadd.s32 $0xFFFF8000  }
0x6bd: {  	[hbm4b:s15+s2] =	stream.linear.scatter [tilespmem:s14], [sflag:$0x6], $0x8000, $0x38;
	[tilespmem:$0x1A400] =	vst v63  }
0x6be: {  	v5 =	vld [tilespmem:$0x380];
	_ =	sdelay $0x4  }
0x6bf: {  	vm1 =	vne.s32 v5, $0x0  }
0x6c0: {  	v34 =	vld [tilespmem:$0x390];
	v5 =	vsel vm1, $0x1, v0  }
0x6c1: {  	(xrf0) =	vadd.scan.msk.s32 $0xffff, v5;
	_ =	sdelay $0x3  }
0x6c2: {  	vm2 =	vne.s32 v34, $0x0  }
0x6c3: {  	v4 =	vbroadcast v4, $0xF;
	v5 =	vsel vm2, $0x1, v0  }
0x6c4: {  	v35, _, _ =	vpop (xrf0);
	(xrf0) =	vadd.scan.msk.s32 $0xffff, v5  }
0x6c5: {  	v4 =	vadd.s32 v4, v35  }
0x6c6: {  	v5 =	vnsel vm1, $0x0, v4  }
0x6c7: {  	v36 =	vshll.u32 v5, $0x3  }
0x6c8: {  	v37 =	vand.u32 $0x7, v5;
	v6 =	vand.u32 $0xFFFFFFC0, v36  }
0x6c9: {  	v4 =	vbroadcast v4, $0xF;
	v6 =	vor.u32 v37, v6  }
0x6ca: {  	v38, _, _ =	vpop (xrf0);
	v39 =	vperm.xlane v6, v1  }
0x6cb: {  	v4 =	vadd.s32 v4, v38  }
0x6cc: {  	[tilespmem:$0x2380] =	vst v5;
	v5 =	vnsel vm2, $0x0, v4;
	v40 =	vadd.s32 v2, v39  }
0x6cd: {  	[tilespmem:$0x2390] =	vst v5  }
0x6ce: {  	_ =	swait.ge [sflag:s4], $0x8000  }
0x6cf: {  	[sflag:s4] =	ssyncset.done $0x0  }
0x6d0: {  	[sflag:s4] =	ssyncadd.s32 $0xFFFF8000  }
0x6d1: {  	[tilespmem:s9], [sflag:$0x2] =	stream.indirect_vreg.gather [hbm4b:s1+s2], $0x80, v40, vm0, $0xb8;
	[tilespmem:$0x1A400] =	vst v63  }
0x6d2: {  	s13 =	simm.s32 $0xAC00;
	v5 =	vperm.xlane v6, v3  }
0x6d3: {  	[tilespmem:s13], [sflag:$0x2] =	stream.indirect_vreg.gather [hbm4b:s7+s2], $0x80, v40, vm0, $0xb8;
	[tilespmem:$0x1A400] =	vst v63  }
0x6d4: {  	v5 =	vadd.s32 v2, v5;
	s13 =	simm.s32 $0xB400  }
0x6d5: {  	[tilespmem:s13], [sflag:$0x2] =	stream.indirect_vreg.gather [hbm4b:s8+s2], $0x80, v40, vm0, $0xb8;
	[tilespmem:$0x1A400] =	vst v63  }
0x6d6: {  	s12 =	simm.s32 $0xBC00  }
0x6d7: {  	[tilespmem:s12], [sflag:$0x2] =	stream.indirect_vreg.gather [hbm4b:s10+s2], $0x80, v40, vm0, $0xb8;
	[tilespmem:$0x1A400] =	vst v63  }
0x6d8: {  	s12 =	simm.s32 $0xC400  }
0x6d9: {  	[tilespmem:s12], [sflag:$0x2] =	stream.indirect_vreg.gather [hbm4b:s1+s2], $0x80, v5, vm0, $0xb8;
	[tilespmem:$0x1A400] =	vst v63  }
0x6da: {  	s12 =	simm.s32 $0xCC00  }
0x6db: {  	[tilespmem:s12], [sflag:$0x2] =	stream.indirect_vreg.gather [hbm4b:s7+s2], $0x80, v5, vm0, $0xb8;
	[tilespmem:$0x1A400] =	vst v63  }
0x6dc: {  	s12 =	simm.s32 $0xD400  }
0x6dd: {  	[tilespmem:s12], [sflag:$0x2] =	stream.indirect_vreg.gather [hbm4b:s8+s2], $0x80, v5, vm0, $0xb8;
	[tilespmem:$0x1A400] =	vst v63  }
0x6de: {  	s12 =	simm.s32 $0xDC00  }
0x6df: {  	[tilespmem:s12], [sflag:$0x2] =	stream.indirect_vreg.gather [hbm4b:s10+s2], $0x80, v5, vm0, $0xb8;
	[tilespmem:$0x1A400] =	vst v63  }
0x6e0: {  	v5 =	vld [tilespmem:$0x2390];
	_ =	sdelay $0x4  }
0x6e1: {  	v41 =	vshll.u32 v5, $0x3  }
0x6e2: {  	v5 =	vand.u32 $0x7, v5;
	v6 =	vand.u32 $0xFFFFFFC0, v41  }
0x6e3: {  	v5 =	vor.u32 v5, v6  }
0x6e4: {  	v6 =	vperm.xlane v5, v1;
	_ =	sdelay $0x1  }
0x6e5: {  	v6 =	vadd.s32 v2, v6;
	_ =	sdelay $0x3  }
0x6e6: {  	s12 =	simm.s32 $0xE400  }
0x6e7: {  	[tilespmem:s12], [sflag:$0x2] =	stream.indirect_vreg.gather [hbm4b:s1+s2], $0x80, v6, vm0, $0xb8;
	[tilespmem:$0x1A400] =	vst v63  }
0x6e8: {  	v5 =	vperm.xlane v5, v3;
	s12 =	simm.s32 $0xEC00  }
0x6e9: {  	[tilespmem:s12], [sflag:$0x2] =	stream.indirect_vreg.gather [hbm4b:s7+s2], $0x80, v6, vm0, $0xb8;
	[tilespmem:$0x1A400] =	vst v63  }
0x6ea: {  	v5 =	vadd.s32 v2, v5;
	s12 =	simm.s32 $0xF400  }
0x6eb: {  	[tilespmem:s12], [sflag:$0x2] =	stream.indirect_vreg.gather [hbm4b:s8+s2], $0x80, v6, vm0, $0xb8;
	[tilespmem:$0x1A400] =	vst v63  }
0x6ec: {  	s12 =	simm.s32 $0xFC00  }
0x6ed: {  	[tilespmem:s12], [sflag:$0x2] =	stream.indirect_vreg.gather [hbm4b:s10+s2], $0x80, v6, vm0, $0xb8;
	[tilespmem:$0x1A400] =	vst v63  }
0x6ee: {  	s12 =	simm.s32 $0x10400  }
0x6ef: {  	[tilespmem:s12], [sflag:$0x2] =	stream.indirect_vreg.gather [hbm4b:s1+s2], $0x80, v5, vm0, $0xb8;
	[tilespmem:$0x1A400] =	vst v63  }
0x6f0: {  	s12 =	simm.s32 $0x10C00  }
0x6f1: {  	[tilespmem:s12], [sflag:$0x2] =	stream.indirect_vreg.gather [hbm4b:s7+s2], $0x80, v5, vm0, $0xb8;
	[tilespmem:$0x1A400] =	vst v63  }
0x6f2: {  	s12 =	simm.s32 $0x11400  }
0x6f3: {  	[tilespmem:s12], [sflag:$0x2] =	stream.indirect_vreg.gather [hbm4b:s8+s2], $0x80, v5, vm0, $0xb8;
	[tilespmem:$0x1A400] =	vst v63  }
0x6f4: {  	s12 =	simm.s32 $0x11C00  }
0x6f5: {  	[tilespmem:s12], [sflag:$0x2] =	stream.indirect_vreg.gather [hbm4b:s10+s2], $0x80, v5, vm0, $0xb8;
	[tilespmem:$0x1A400] =	vst v63  }
0x6f6: {  	_ =	swait.ge [sflag:s20], $0x8000  }
0x6f7: {  	s12 =	sld [smem:$0x7F9]  }
0x6f8: {  	[sflag:s20] =	ssyncset.done $0x0  }
0x6f9: {  	[sflag:s20] =	ssyncadd.s32 $0xFFFF8000  }
0x6fa: {  	[hbm4b:s12+s2] =	stream.linear.scatter [tilespmem:s6], [sflag:$0x4], $0x8000, $0x38;
	[tilespmem:$0x1A400] =	vst v63  }
0x6fb: {  	v5 =	vld [tilespmem:$0x3A0];
	_ =	sdelay $0x4  }
0x6fc: {  	vm1 =	vne.s32 v5, $0x0  }
0x6fd: {  	v42 =	vld [tilespmem:$0x3B0];
	v5 =	vsel vm1, $0x1, v0  }
0x6fe: {  	(xrf0) =	vadd.scan.msk.s32 $0xffff, v5;
	_ =	sdelay $0x3  }
0x6ff: {  	vm2 =	vne.s32 v42, $0x0  }
0x700: {  	v4 =	vbroadcast v4, $0xF;
	v5 =	vsel vm2, $0x1, v0  }
0x701: {  	v43, _, _ =	vpop (xrf0);
	(xrf0) =	vadd.scan.msk.s32 $0xffff, v5  }
0x702: {  	v4 =	vadd.s32 v4, v43  }
0x703: {  	v5 =	vnsel vm1, $0x0, v4  }
0x704: {  	v44 =	vshll.u32 v5, $0x3  }
0x705: {  	v45 =	vand.u32 $0x7, v5;
	v6 =	vand.u32 $0xFFFFFFC0, v44  }
0x706: {  	v4 =	vbroadcast v4, $0xF;
	v6 =	vor.u32 v45, v6  }
0x707: {  	v46, _, _ =	vpop (xrf0);
	v47 =	vperm.xlane v6, v1  }
0x708: {  	v4 =	vadd.s32 v4, v46  }
0x709: {  	[tilespmem:$0x23A0] =	vst v5;
	v5 =	vnsel vm2, $0x0, v4;
	v48 =	vadd.s32 v2, v47  }
0x70a: {  	[tilespmem:$0x23B0] =	vst v5  }
0x70b: {  	_ =	swait.ge [sflag:s5], $0x8000  }
0x70c: {  	[sflag:s5] =	ssyncset.done $0x0  }
0x70d: {  	[sflag:s5] =	ssyncadd.s32 $0xFFFF8000  }
0x70e: {  	[tilespmem:s14], [sflag:$0x3] =	stream.indirect_vreg.gather [hbm4b:s1+s2], $0x80, v48, vm0, $0xb8;
	[tilespmem:$0x1A400] =	vst v63  }
0x70f: {  	s12 =	simm.s32 $0x12C00;
	v5 =	vperm.xlane v6, v3  }
0x710: {  	[tilespmem:s12], [sflag:$0x3] =	stream.indirect_vreg.gather [hbm4b:s7+s2], $0x80, v48, vm0, $0xb8;
	[tilespmem:$0x1A400] =	vst v63  }
0x711: {  	s3 =	simm.s32 $0x13400;
	v5 =	vadd.s32 v2, v5  }
0x712: {  	[tilespmem:s3], [sflag:$0x3] =	stream.indirect_vreg.gather [hbm4b:s8+s2], $0x80, v48, vm0, $0xb8;
	[tilespmem:$0x1A400] =	vst v63  }
0x713: {  	s11 =	simm.s32 $0x13C00  }
0x714: {  	[tilespmem:s11], [sflag:$0x3] =	stream.indirect_vreg.gather [hbm4b:s10+s2], $0x80, v48, vm0, $0xb8;
	[tilespmem:$0x1A400] =	vst v63  }
0x715: {  	s29 =	simm.s32 $0x14400  }
0x716: {  	[tilespmem:s29], [sflag:$0x3] =	stream.indirect_vreg.gather [hbm4b:s1+s2], $0x80, v5, vm0, $0xb8;
	[tilespmem:$0x1A400] =	vst v63  }
0x717: {  	s16 =	simm.s32 $0x14C00  }
0x718: {  	[tilespmem:s16], [sflag:$0x3] =	stream.indirect_vreg.gather [hbm4b:s7+s2], $0x80, v5, vm0, $0xb8;
	[tilespmem:$0x1A400] =	vst v63  }
0x719: {  	s30 =	simm.s32 $0x15400  }
0x71a: {  	[tilespmem:s30], [sflag:$0x3] =	stream.indirect_vreg.gather [hbm4b:s8+s2], $0x80, v5, vm0, $0xb8;
	[tilespmem:$0x1A400] =	vst v63  }
0x71b: {  	s29 =	simm.s32 $0x15C00  }
0x71c: {  	[tilespmem:s29], [sflag:$0x3] =	stream.indirect_vreg.gather [hbm4b:s10+s2], $0x80, v5, vm0, $0xb8;
	[tilespmem:$0x1A400] =	vst v63  }
0x71d: {  	v5 =	vld [tilespmem:$0x23B0];
	_ =	sdelay $0x4  }
0x71e: {  	v49 =	vshll.u32 v5, $0x3  }
0x71f: {  	v5 =	vand.u32 $0x7, v5;
	v6 =	vand.u32 $0xFFFFFFC0, v49  }
0x720: {  	v5 =	vor.u32 v5, v6  }
0x721: {  	v6 =	vperm.xlane v5, v1;
	_ =	sdelay $0x1  }
0x722: {  	v6 =	vadd.s32 v2, v6;
	_ =	sdelay $0x3  }
0x723: {  	s30 =	simm.s32 $0x16400  }
0x724: {  	[tilespmem:s30], [sflag:$0x3] =	stream.indirect_vreg.gather [hbm4b:s1+s2], $0x80, v6, vm0, $0xb8;
	[tilespmem:$0x1A400] =	vst v63  }
0x725: {  	s11 =	simm.s32 $0x16C00;
	v5 =	vperm.xlane v5, v3  }
0x726: {  	[tilespmem:s11], [sflag:$0x3] =	stream.indirect_vreg.gather [hbm4b:s7+s2], $0x80, v6, vm0, $0xb8;
	[tilespmem:$0x1A400] =	vst v63  }
0x727: {  	s18 =	simm.s32 $0x17400;
	v5 =	vadd.s32 v2, v5  }
0x728: {  	[tilespmem:s18], [sflag:$0x3] =	stream.indirect_vreg.gather [hbm4b:s8+s2], $0x80, v6, vm0, $0xb8;
	[tilespmem:$0x1A400] =	vst v63  }
0x729: {  	s21 =	simm.s32 $0x17C00  }
0x72a: {  	[tilespmem:s21], [sflag:$0x3] =	stream.indirect_vreg.gather [hbm4b:s10+s2], $0x80, v6, vm0, $0xb8;
	[tilespmem:$0x1A400] =	vst v63  }
0x72b: {  	s22 =	simm.s32 $0x18400  }
0x72c: {  	[tilespmem:s22], [sflag:$0x3] =	stream.indirect_vreg.gather [hbm4b:s1+s2], $0x80, v5, vm0, $0xb8;
	[tilespmem:$0x1A400] =	vst v63  }
0x72d: {  	s23 =	simm.s32 $0x18C00  }
0x72e: {  	[tilespmem:s23], [sflag:$0x3] =	stream.indirect_vreg.gather [hbm4b:s7+s2], $0x80, v5, vm0, $0xb8;
	[tilespmem:$0x1A400] =	vst v63  }
0x72f: {  	s24 =	simm.s32 $0x19400  }
0x730: {  	[tilespmem:s24], [sflag:$0x3] =	stream.indirect_vreg.gather [hbm4b:s8+s2], $0x80, v5, vm0, $0xb8;
	[tilespmem:$0x1A400] =	vst v63  }
0x731: {  	s12 =	simm.s32 $0x19C00  }
0x732: {  	[tilespmem:s12], [sflag:$0x3] =	stream.indirect_vreg.gather [hbm4b:s10+s2], $0x80, v5, vm0, $0xb8;
	[tilespmem:$0x1A400] =	vst v63  }
0x733: {  	_ =	swait.ge [sflag:s0], $0x8000  }
0x734: {  	s16 =	sld [smem:$0x7FA]  }
0x735: {  	[sflag:s0] =	ssyncset.done $0x0  }
0x736: {  	[sflag:s0] =	ssyncadd.s32 $0xFFFF8000  }
0x737: {  	[hbm4b:s16+s2] =	stream.linear.scatter [tilespmem:s9], [sflag:$0x5], $0x8000, $0x38;
	[tilespmem:$0x1A400] =	vst v63  }
0x738: {  	v5 =	vld [tilespmem:$0x3C0];
	_ =	sdelay $0x4  }
0x739: {  	vm1 =	vne.s32 v5, $0x0  }
0x73a: {  	v50 =	vld [tilespmem:$0x3D0];
	v5 =	vsel vm1, $0x1, v0  }
0x73b: {  	(xrf0) =	vadd.scan.msk.s32 $0xffff, v5;
	_ =	sdelay $0x3  }
0x73c: {  	vm2 =	vne.s32 v50, $0x0  }
0x73d: {  	v4 =	vbroadcast v4, $0xF;
	v5 =	vsel vm2, $0x1, v0  }
0x73e: {  	v51, _, _ =	vpop (xrf0);
	(xrf0) =	vadd.scan.msk.s32 $0xffff, v5  }
0x73f: {  	v4 =	vadd.s32 v4, v51  }
0x740: {  	v5 =	vnsel vm1, $0x0, v4  }
0x741: {  	v52 =	vshll.u32 v5, $0x3  }
0x742: {  	v53 =	vand.u32 $0x7, v5;
	v6 =	vand.u32 $0xFFFFFFC0, v52  }
0x743: {  	v4 =	vbroadcast v4, $0xF;
	v6 =	vor.u32 v53, v6  }
0x744: {  	v54, _, _ =	vpop (xrf0);
	v55 =	vperm.xlane v6, v1  }
0x745: {  	v4 =	vadd.s32 v4, v54  }
0x746: {  	[tilespmem:$0x23C0] =	vst v5;
	v5 =	vnsel vm2, $0x0, v4;
	v56 =	vadd.s32 v2, v55  }
0x747: {  	[tilespmem:$0x23D0] =	vst v5  }
0x748: {  	_ =	swait.ge [sflag:s19], $0x8000  }
0x749: {  	[sflag:s19] =	ssyncset.done $0x0  }
0x74a: {  	[sflag:s19] =	ssyncadd.s32 $0xFFFF8000  }
0x74b: {  	[tilespmem:s6], [sflag:$0x1] =	stream.indirect_vreg.gather [hbm4b:s1+s2], $0x80, v56, vm0, $0xb8;
	[tilespmem:$0x1A400] =	vst v63  }
0x74c: {  	s18 =	simm.s32 $0x2C00;
	v5 =	vperm.xlane v6, v3  }
0x74d: {  	[tilespmem:s18], [sflag:$0x1] =	stream.indirect_vreg.gather [hbm4b:s7+s2], $0x80, v56, vm0, $0xb8;
	[tilespmem:$0x1A400] =	vst v63  }
0x74e: {  	s25 =	simm.s32 $0x3400;
	v5 =	vadd.s32 v2, v5  }
0x74f: {  	[tilespmem:s25], [sflag:$0x1] =	stream.indirect_vreg.gather [hbm4b:s8+s2], $0x80, v56, vm0, $0xb8;
	[tilespmem:$0x1A400] =	vst v63  }
0x750: {  	s26 =	simm.s32 $0x3C00  }
0x751: {  	[tilespmem:s26], [sflag:$0x1] =	stream.indirect_vreg.gather [hbm4b:s10+s2], $0x80, v56, vm0, $0xb8;
	[tilespmem:$0x1A400] =	vst v63  }
0x752: {  	s31 =	simm.s32 $0x4400  }
0x753: {  	[tilespmem:s31], [sflag:$0x1] =	stream.indirect_vreg.gather [hbm4b:s1+s2], $0x80, v5, vm0, $0xb8;
	[tilespmem:$0x1A400] =	vst v63  }
0x754: {  	s28 =	simm.s32 $0x4C00  }
0x755: {  	[tilespmem:s28], [sflag:$0x1] =	stream.indirect_vreg.gather [hbm4b:s7+s2], $0x80, v5, vm0, $0xb8;
	[tilespmem:$0x1A400] =	vst v63  }
0x756: {  	s21 =	simm.s32 $0x5400  }
0x757: {  	[tilespmem:s21], [sflag:$0x1] =	stream.indirect_vreg.gather [hbm4b:s8+s2], $0x80, v5, vm0, $0xb8;
	[tilespmem:$0x1A400] =	vst v63  }
0x758: {  	s22 =	simm.s32 $0x5C00  }
0x759: {  	[tilespmem:s22], [sflag:$0x1] =	stream.indirect_vreg.gather [hbm4b:s10+s2], $0x80, v5, vm0, $0xb8;
	[tilespmem:$0x1A400] =	vst v63  }
0x75a: {  	v5 =	vld [tilespmem:$0x23D0];
	_ =	sdelay $0x4  }
0x75b: {  	v57 =	vshll.u32 v5, $0x3  }
0x75c: {  	v5 =	vand.u32 $0x7, v5;
	v6 =	vand.u32 $0xFFFFFFC0, v57  }
0x75d: {  	v5 =	vor.u32 v5, v6  }
0x75e: {  	v6 =	vperm.xlane v5, v1;
	_ =	sdelay $0x1  }
0x75f: {  	v6 =	vadd.s32 v2, v6;
	_ =	sdelay $0x3  }
0x760: {  	s23 =	simm.s32 $0x6400  }
0x761: {  	[tilespmem:s23], [sflag:$0x1] =	stream.indirect_vreg.gather [hbm4b:s1+s2], $0x80, v6, vm0, $0xb8;
	[tilespmem:$0x1A400] =	vst v63  }
0x762: {  	s24 =	simm.s32 $0x6C00;
	v5 =	vperm.xlane v5, v3  }
0x763: {  	[tilespmem:s24], [sflag:$0x1] =	stream.indirect_vreg.gather [hbm4b:s7+s2], $0x80, v6, vm0, $0xb8;
	[tilespmem:$0x1A400] =	vst v63  }
0x764: {  	s25 =	simm.s32 $0x7400;
	v5 =	vadd.s32 v2, v5  }
0x765: {  	[tilespmem:s25], [sflag:$0x1] =	stream.indirect_vreg.gather [hbm4b:s8+s2], $0x80, v6, vm0, $0xb8;
	[tilespmem:$0x1A400] =	vst v63  }
0x766: {  	s26 =	simm.s32 $0x7C00  }
0x767: {  	[tilespmem:s26], [sflag:$0x1] =	stream.indirect_vreg.gather [hbm4b:s10+s2], $0x80, v6, vm0, $0xb8;
	[tilespmem:$0x1A400] =	vst v63  }
0x768: {  	s28 =	simm.s32 $0x8400  }
0x769: {  	[tilespmem:s28], [sflag:$0x1] =	stream.indirect_vreg.gather [hbm4b:s1+s2], $0x80, v5, vm0, $0xb8;
	[tilespmem:$0x1A400] =	vst v63  }
0x76a: {  	s29 =	simm.s32 $0x8C00  }
0x76b: {  	[tilespmem:s29], [sflag:$0x1] =	stream.indirect_vreg.gather [hbm4b:s7+s2], $0x80, v5, vm0, $0xb8;
	[tilespmem:$0x1A400] =	vst v63  }
0x76c: {  	s30 =	simm.s32 $0x9400  }
0x76d: {  	[tilespmem:s30], [sflag:$0x1] =	stream.indirect_vreg.gather [hbm4b:s8+s2], $0x80, v5, vm0, $0xb8;
	[tilespmem:$0x1A400] =	vst v63  }
0x76e: {  	s31 =	simm.s32 $0x9C00  }
0x76f: {  	[tilespmem:s31], [sflag:$0x1] =	stream.indirect_vreg.gather [hbm4b:s10+s2], $0x80, v5, vm0, $0xb8;
	[tilespmem:$0x1A400] =	vst v63  }
0x770: {  	_ =	swait.ge [sflag:s17], $0x8000  }
0x771: {  	s3 =	sld [smem:$0x7FB]  }
0x772: {  	[sflag:s17] =	ssyncset.done $0x0  }
0x773: {  	[sflag:s17] =	ssyncadd.s32 $0xFFFF8000  }
0x774: {  	[hbm4b:s3+s2] =	stream.linear.scatter [tilespmem:s14], [sflag:$0x6], $0x8000, $0x38;
	[tilespmem:$0x1A400] =	vst v63  }
0x775: {  	v5 =	vld [tilespmem:$0x3E0];
	_ =	sdelay $0x4  }
0x776: {  	vm1 =	vne.s32 v5, $0x0  }
0x777: {  	v58 =	vld [tilespmem:$0x3F0];
	v5 =	vsel vm1, $0x1, v0  }
0x778: {  	(xrf0) =	vadd.scan.msk.s32 $0xffff, v5;
	_ =	sdelay $0x3  }
0x779: {  	vm2 =	vne.s32 v58, $0x0  }
0x77a: {  	v4 =	vbroadcast v4, $0xF;
	v5 =	vsel vm2, $0x1, v0  }
0x77b: {  	v59, _, _ =	vpop (xrf0);
	(xrf0) =	vadd.scan.msk.s32 $0xffff, v5  }
0x77c: {  	v4 =	vadd.s32 v4, v59  }
0x77d: {  	v5 =	vnsel vm1, $0x0, v4  }
0x77e: {  	v60 =	vshll.u32 v5, $0x3  }
0x77f: {  	v61 =	vand.u32 $0x7, v5;
	v6 =	vand.u32 $0xFFFFFFC0, v60  }
0x780: {  	v4 =	vbroadcast v4, $0xF;
	v6 =	vor.u32 v61, v6  }
0x781: {  	v62, _, _ =	vpop (xrf0);
	v63 =	vperm.xlane v6, v1  }
0x782: {  	v4 =	vadd.s32 v4, v62  }
0x783: {  	[tilespmem:$0x23E0] =	vst v5;
	v4 =	vnsel vm2, $0x0, v4;
	v5 =	vadd.s32 v2, v63  }
0x784: {  	[tilespmem:$0x23F0] =	vst v4  }
0x785: {  	_ =	swait.ge [sflag:s4], $0x8000  }
0x786: {  	[sflag:s4] =	ssyncset.done $0x0  }
0x787: {  	[sflag:s4] =	ssyncadd.s32 $0xFFFF8000  }
0x788: {  	[tilespmem:s9], [sflag:$0x2] =	stream.indirect_vreg.gather [hbm4b:s1+s2], $0x80, v5, vm0, $0xb8;
	[tilespmem:$0x1A400] =	vst v63  }
0x789: {  	s15 =	simm.s32 $0xAC00;
	v4 =	vperm.xlane v6, v3  }
0x78a: {  	[tilespmem:s15], [sflag:$0x2] =	stream.indirect_vreg.gather [hbm4b:s7+s2], $0x80, v5, vm0, $0xb8;
	[tilespmem:$0x1A400] =	vst v63  }
0x78b: {  	s13 =	simm.s32 $0xB400;
	v4 =	vadd.s32 v2, v4  }
0x78c: {  	[tilespmem:s13], [sflag:$0x2] =	stream.indirect_vreg.gather [hbm4b:s8+s2], $0x80, v5, vm0, $0xb8;
	[tilespmem:$0x1A400] =	vst v63  }
0x78d: {  	s11 =	simm.s32 $0xBC00  }
0x78e: {  	[tilespmem:s11], [sflag:$0x2] =	stream.indirect_vreg.gather [hbm4b:s10+s2], $0x80, v5, vm0, $0xb8;
	[tilespmem:$0x1A400] =	vst v63  }
0x78f: {  	s12 =	simm.s32 $0xC400  }
0x790: {  	[tilespmem:s12], [sflag:$0x2] =	stream.indirect_vreg.gather [hbm4b:s1+s2], $0x80, v4, vm0, $0xb8;
	[tilespmem:$0x1A400] =	vst v63  }
0x791: {  	s13 =	simm.s32 $0xCC00  }
0x792: {  	[tilespmem:s13], [sflag:$0x2] =	stream.indirect_vreg.gather [hbm4b:s7+s2], $0x80, v4, vm0, $0xb8;
	[tilespmem:$0x1A400] =	vst v63  }
0x793: {  	s14 =	simm.s32 $0xD400  }
0x794: {  	[tilespmem:s14], [sflag:$0x2] =	stream.indirect_vreg.gather [hbm4b:s8+s2], $0x80, v4, vm0, $0xb8;
	[tilespmem:$0x1A400] =	vst v63  }
0x795: {  	s15 =	simm.s32 $0xDC00  }
0x796: {  	[tilespmem:s15], [sflag:$0x2] =	stream.indirect_vreg.gather [hbm4b:s10+s2], $0x80, v4, vm0, $0xb8;
	[tilespmem:$0x1A400] =	vst v63  }
0x797: {  	v4 =	vld [tilespmem:$0x23F0];
	_ =	sdelay $0x4  }
0x798: {  	v5 =	vshll.u32 v4, $0x3  }
0x799: {  	v4 =	vand.u32 $0x7, v4;
	v5 =	vand.u32 $0xFFFFFFC0, v5  }
0x79a: {  	v4 =	vor.u32 v4, v5  }
0x79b: {  	v5 =	vperm.xlane v4, v1;
	_ =	sdelay $0x1  }
0x79c: {  	v5 =	vadd.s32 v2, v5;
	_ =	sdelay $0x3  }
0x79d: {  	s16 =	simm.s32 $0xE400  }
0x79e: {  	[tilespmem:s16], [sflag:$0x2] =	stream.indirect_vreg.gather [hbm4b:s1+s2], $0x80, v5, vm0, $0xb8;
	[tilespmem:$0x1A400] =	vst v63  }
0x79f: {  	s18 =	simm.s32 $0xEC00;
	v4 =	vperm.xlane v4, v3  }
0x7a0: {  	[tilespmem:s18], [sflag:$0x2] =	stream.indirect_vreg.gather [hbm4b:s7+s2], $0x80, v5, vm0, $0xb8;
	[tilespmem:$0x1A400] =	vst v63  }
0x7a1: {  	s21 =	simm.s32 $0xF400;
	v4 =	vadd.s32 v2, v4  }
0x7a2: {  	[tilespmem:s21], [sflag:$0x2] =	stream.indirect_vreg.gather [hbm4b:s8+s2], $0x80, v5, vm0, $0xb8;
	[tilespmem:$0x1A400] =	vst v63  }
0x7a3: {  	s22 =	simm.s32 $0xFC00  }
0x7a4: {  	[tilespmem:s22], [sflag:$0x2] =	stream.indirect_vreg.gather [hbm4b:s10+s2], $0x80, v5, vm0, $0xb8;
	[tilespmem:$0x1A400] =	vst v63  }
0x7a5: {  	s23 =	simm.s32 $0x10400  }
0x7a6: {  	[tilespmem:s23], [sflag:$0x2] =	stream.indirect_vreg.gather [hbm4b:s1+s2], $0x80, v4, vm0, $0xb8;
	[tilespmem:$0x1A400] =	vst v63  }
0x7a7: {  	s24 =	simm.s32 $0x10C00  }
0x7a8: {  	[tilespmem:s24], [sflag:$0x2] =	stream.indirect_vreg.gather [hbm4b:s7+s2], $0x80, v4, vm0, $0xb8;
	[tilespmem:$0x1A400] =	vst v63  }
0x7a9: {  	s25 =	simm.s32 $0x11400  }
0x7aa: {  	[tilespmem:s25], [sflag:$0x2] =	stream.indirect_vreg.gather [hbm4b:s8+s2], $0x80, v4, vm0, $0xb8;
	[tilespmem:$0x1A400] =	vst v63  }
0x7ab: {  	s26 =	simm.s32 $0x11C00  }
0x7ac: {  	[tilespmem:s26], [sflag:$0x2] =	stream.indirect_vreg.gather [hbm4b:s10+s2], $0x80, v4, vm0, $0xb8;
	[tilespmem:$0x1A400] =	vst v63  }
0x7ad: {  	_ =	swait.ge [sflag:s20], $0x8000  }
0x7ae: {  	s28 =	sld [smem:$0x7FC]  }
0x7af: {  	[sflag:s20] =	ssyncset.done $0x0  }
0x7b0: {  	[sflag:s20] =	ssyncadd.s32 $0xFFFF8000  }
0x7b1: {  	[hbm4b:s28+s2] =	stream.linear.scatter [tilespmem:s6], [sflag:$0x4], $0x8000, $0x38;
	[tilespmem:$0x1A400] =	vst v63  }
0x7b2: {  	_ =	swait.ge [sflag:s0], $0x8000  }
0x7b3: {  	s29 =	sld [smem:$0x7FD]  }
0x7b4: {  	[sflag:s0] =	ssyncset.done $0x0  }
0x7b5: {  	[sflag:s0] =	ssyncadd.s32 $0xFFFF8000  }
0x7b6: {  	[hbm4b:s29+s2] =	stream.linear.scatter [tilespmem:s9], [sflag:$0x5], $0x8000, $0x38;
	[tilespmem:$0x1A400] =	vst v63  }
0x7b7: {  	_ =	swait.ge [sflag:s19], $0x8000  }
0x7b8: {  	[sflag:s19] =	ssyncset.done $0x0  }
0x7b9: {  	[sflag:s19] =	ssyncadd.s32 $0xFFFF8000  }
0x7ba: {  	_ =	swait.ge [sflag:s4], $0x8000  }
0x7bb: {  	[sflag:s4] =	ssyncset.done $0x0  }
0x7bc: {  	[sflag:s4] =	ssyncadd.s32 $0xFFFF8000  }
0x7bd: {  	_ =	swait.ge [sflag:s5], $0x8000  }
0x7be: {  	s30 =	sld [smem:$0x7F5];
	_ =	sdelay $0x2  }
0x7bf: {  	s31 =	rddreg [dreg:$0x16];
	s6 =	sadd.s32 $0x1, s30  }
0x7c0: {  	p1 =	sne.s32 s6, s31  }
.Ltmp1:
0x7c1: {  	_ = 	snop;
	(pc) =	sbr.rel @!p1 .LBB2_6-.Ltmp1, $3  }
0x7c2: {  	_ =	sdelay $0x1  }
0x7c3: {  	[sflag:s5] =	ssyncset.done $0x0  }
0x7c4: {  	[sflag:s5] =	ssyncadd.s32 $0xFFFF8000  }
.LBB2_1:
0x7c5: {  	s12 =	rddreg [dreg:$0x4]  }
0x7c6: {  	[tilespmem:s2], [sflag:$0x1] =	stream.linear.gather [hbm4b:s12+s2], $0x400, $0x38;
	[tilespmem:$0x1A400] =	vst v63  }
0x7c7: {  	s31 =	rddreg [dreg:$0x5];
	s14 =	simm.s32 $0x400  }
0x7c8: {  	[tilespmem:s14], [sflag:$0x4] =	stream.linear.gather [hbm4b:s31+s2], $0x1C00, $0x38;
	[tilespmem:$0x1A400] =	vst v63  }
0x7c9: {  	_ =	swait.ge [sflag:s19], $0x1C00  }
.Ltmp2:
0x7ca: {  	[sflag:s19] =	ssyncset.done $0x0;
	(pc) =	sbr.rel @p0 .LBB2_5-.Ltmp2, $4  }
0x7cb: {  	[sflag:s19] =	ssyncadd.s32 $0xFFFFE400  }
0x7cc: {  	_ =	swait.ge [sflag:s20], $0x400  }
0x7cd: {  	[sflag:s20] =	ssyncset.done $0x0  }
0x7ce: {  	v4 =	vimm.s32 $0x0;
	s14 =	simm.s32 $0x420;
	[sflag:s20] =	ssyncadd.s32 $0xFFFFFC00  }
0x7cf: {  	s12 =	rddreg [dreg:$0x6]  }
0x7d0: {  	v7 =	vld [tilespmem:s14+$0xFFFFFFE0];
	p1 =	sne.s32 s12, $0x1  }
.Ltmp3:
0x7d1: {  	v6 =	vld [tilespmem:s14+$0xFFFFFFF0];
	(pc) =	sbr.rel @!p1 .LBB2_4-.Ltmp3, $3  }
0x7d2: {  	v5 =	vld [tilespmem:s14+$0x0]  }
0x7d3: {  	v4 =	vld [tilespmem:s14+$0x10];
	_ =	sdelay $0x1  }
0x7d4: {  	s14 =	sadd.s32 $0x40, s14;
	s12 =	sadd.s32 $0xFFFFFFFF, s12;
	vm1 =	vne.s32 v7, $0x0;
	v7 =	vimm.s32 $0x0  }
.LBB2_3:
0x7d5: {  	v8 =	vld [tilespmem:s14+$0xFFFFFFE0];
	p1 =	sne.s32 s12, $0x1;
	s12 =	sadd.s32 $0xFFFFFFFF, s12;
	v9 =	vsel vm1, $0x1, v0;
	vm1 =	vne.s32 v6, $0x0  }
.Ltmp4:
0x7d6: {  	v6 =	vld [tilespmem:s14+$0xFFFFFFF0];
	v7 =	vadd.s32 v9, v7;
	v9 =	vsel vm1, $0x1, v0;
	vm1 =	vne.s32 v5, $0x0;
	(pc) =	sbr.rel @p1 .LBB2_3-.Ltmp4, $4  }
0x7d7: {  	v5 =	vld [tilespmem:s14+$0x0];
	v7 =	vadd.s32 v9, v7;
	v9 =	vsel vm1, $0x1, v0;
	vm1 =	vne.s32 v4, $0x0  }
0x7d8: {  	v4 =	vld [tilespmem:s14+$0x10];
	v7 =	vadd.s32 v9, v7;
	v9 =	vsel vm1, $0x1, v0  }
0x7d9: {  	v7 =	vadd.s32 v9, v7  }
0x7da: {  	s14 =	sadd.s32 $0x40, s14;
	vm1 =	vne.s32 v8, $0x0  }
.Ltmp5:
0x7db: {  	_ = 	snop;
	(pc) =	sbr.rel .LBB2_4-.Ltmp5, $1  }
0x7dc: {  	_ =	sdelay $0x3  }
.LBB2_6:
0x7dd: {  	_ =	sfence.sel $0x180000  }
0x7de: {  	[bflag:$0x0] =	sbarrier.arrive $0xFFFF  }
0x7df: {  	_ =	strace $0x90000047  }
0x7e0: {  	s0 =	stileid.u32;
	[bflag:$0x2] =	sbarrier.arrive $0xFFFF  }
0x7e1: {  	p0 =	sne.s32 s0, $0x0;
	s0 =	rddreg [dreg:$0x3]  }
0x7e2: {  	s0 =	sadd.s32 @!p0 $0x100000, s0  }
0x7e3: {  	[sflag:s0] =	ssyncadd.tile.s32 @!p0 $0x1;
	_ =	shalt  }
.Lfunc_end2:
_tile_overlayer_lowered:
.L_overlay_start_2:
0x7e4: {  	(tag) =	ssettag $0x2  }
0x7e5: {  	s0 =	rddreg [dreg:$0x0];
	s2 =	stileid.u32  }
0x7e6: {  	s1 =	rddreg [dreg:$0x1];
	p0 =	sne.s32 s2, $0x0  }
0x7e7: {  	s3 =	rddreg [dreg:$0x2];
	[bflag:$0x3] =	sbarrier.arrive $0xFFFF;
	s2 =	simm.s32 @!p0 $0x1C07  }
0x7e8: {  	[timem:s3], [sflag:s2] =	dma.local @!p0 [hbm:s0], s1  }
0x7e9: {  	s0 =	simm.s32 @!p0 $0x7  }
0x7ea: {  	_ =	swait.ge @!p0 [sflag:s0], s1  }
0x7eb: {  	s1 =	ssub.s32 @!p0 $0x0, s1;
	[sflag:s0] =	ssyncset.done @!p0 $0x0  }
0x7ec: {  	[sflag:s0] =	ssyncadd.s32 @!p0 s1  }
0x7ed: {  	[bflag:$0x3] =	sbarrier.arrive $0xFFFF  }
0x7ee: {  	_ =	shalt  }

</sc_bundles>
